<compile_context>
chip_gen: v7x
topology: tpu7x:2x2x1
jax: 0.10.2.dev20260603
libtpu: 0.0.44.dev20260713+nightly
codegen_flags: <defaults>
</compile_context>

<pallas_src>
import jax
import jax.numpy as jnp
from jax import lax
from jax.experimental import pallas as pl
from jax.experimental.pallas import tpu as pltpu
from jax.experimental.pallas import tpu_sc as plsc

B = 16384
D = 64
K = 20
NC = 2
NS = 16
NW = NC * NS
EPW = B // NW
CH = 32
NCH = EPW // CH
DOTS = CH * (K + 1)
SCW = NCH * DOTS
TOT = NW * SCW
GQ = 6
GN = DOTS // GQ


def _sc_body(pos_u_hbm, v_idx_hbm, u_table_hbm, v_table_hbm, out_hbm,
             u_idx, v_idx, emb_u, rows, cumbuf, scores, sem):
    wid = lax.axis_index("s") * NC + lax.axis_index("c")
    pltpu.sync_copy(pos_u_hbm.at[pl.ds(wid * EPW, EPW)], u_idx)
    rowstart = lax.iota(jnp.int32, 16) * 16

    def issue(c, p):
        pltpu.sync_copy(v_idx_hbm.at[wid * NCH + c], v_idx.at[p])
        pltpu.async_copy(
            u_table_hbm.at[u_idx.at[pl.ds(c * CH, CH)]], emb_u.at[p],
            sem.at[p])
        for q in range(GQ):
            pltpu.async_copy(
                v_table_hbm.at[v_idx.at[p].at[pl.ds(q * GN, GN)]],
                rows.at[p].at[pl.ds(q * GN, GN)], sem.at[p])

    def await_chunk(c, p):
        pltpu.make_async_copy(
            u_table_hbm.at[u_idx.at[pl.ds(c * CH, CH)]], emb_u.at[p],
            sem.at[p]).wait()
        for q in range(GQ):
            pltpu.make_async_copy(
                v_table_hbm.at[v_idx.at[p].at[pl.ds(q * GN, GN)]],
                rows.at[p].at[pl.ds(q * GN, GN)], sem.at[p]).wait()

    issue(0, 0)

    def chunk_body(c, carry):
        p = c & 1

        @pl.when(c + 1 < NCH)
        def _():
            issue(c + 1, 1 - p)

        await_chunk(c, p)

        emb_c = emb_u.at[p]
        rows_c = rows.at[p]

        def pos_body(e, carry2):
            acc = emb_c[e, pl.ds(0, 16)] * rows_c[e, pl.ds(0, 16)]
            for q in range(1, 4):
                acc = acc + (emb_c[e, pl.ds(q * 16, 16)]
                             * rows_c[e, pl.ds(q * 16, 16)])
            cumbuf[pl.ds(e * 16, 16)] = acc
            return carry2

        lax.fori_loop(0, CH, pos_body, 0, unroll=4)

        def neg_body(e, carry2):
            u0 = emb_c[e, pl.ds(0, 16)]
            u1 = emb_c[e, pl.ds(16, 16)]
            u2 = emb_c[e, pl.ds(32, 16)]
            u3 = emb_c[e, pl.ds(48, 16)]
            rbase = CH + e * K
            for k in range(K):
                r = rbase + k
                acc = (u0 * rows_c[r, pl.ds(0, 16)]
                       + u1 * rows_c[r, pl.ds(16, 16)]
                       + u2 * rows_c[r, pl.ds(32, 16)]
                       + u3 * rows_c[r, pl.ds(48, 16)])
                cumbuf[pl.ds(r * 16, 16)] = acc
            return carry2

        lax.fori_loop(0, CH, neg_body, 0, unroll=2)

        sbase = c * DOTS

        def fin_body(g, carry2):
            base = g * 256
            cols = [plsc.load_gather(cumbuf, [base + rowstart + j])
                    for j in range(16)]
            while len(cols) > 1:
                cols = [cols[i] + cols[i + 1] for i in range(0, len(cols), 2)]
            scores[pl.ds(sbase + g * 16, 16)] = cols[0]
            return carry2

        lax.fori_loop(0, DOTS // 16, fin_body, 0, unroll=4)
        return carry

    lax.fori_loop(0, NCH, chunk_body, 0)
    pltpu.sync_copy(scores, out_hbm.at[pl.ds(wid * SCW, SCW)])


_sc_scores = pl.kernel(
    _sc_body,
    out_type=jax.ShapeDtypeStruct((TOT,), jnp.float32),
    mesh=plsc.VectorSubcoreMesh(
        core_axis_name="c", subcore_axis_name="s",
        num_cores=NC, num_subcores=NS),
    compiler_params=pltpu.CompilerParams(
        needs_layout_passes=False, use_tc_tiling_on_sc=False),
    scratch_types=[
        pltpu.VMEM((EPW,), jnp.int32),
        pltpu.VMEM((2, DOTS), jnp.int32),
        pltpu.VMEM((2, CH, D), jnp.float32),
        pltpu.VMEM((2, DOTS, D), jnp.float32),
        pltpu.VMEM((DOTS * 16,), jnp.float32),
        pltpu.VMEM((SCW,), jnp.float32),
        pltpu.SemaphoreType.DMA((2,)),
    ],
)

_TC_ROWS = TOT // 128


def _tc_body(x_ref, o_ref):
    x = x_ref[...]
    n = (lax.broadcasted_iota(jnp.int32, (_TC_ROWS, 128), 0) * 128
         + lax.broadcasted_iota(jnp.int32, (_TC_ROWS, 128), 1))
    r = n % DOTS
    is_pos = r < CH
    xc = jnp.clip(x, -10.0, 10.0)
    t = jnp.where(is_pos, -xc, xc)
    term = jnp.log1p(jnp.exp(t))
    pos_mean = jnp.sum(jnp.where(is_pos, term, 0.0)) * (1.0 / B)
    neg_mean = jnp.sum(jnp.where(is_pos, 0.0, term)) * (1.0 / (B * K))
    lane = lax.broadcasted_iota(jnp.int32, (1, 128), 1)
    o_ref[...] = jnp.where(lane == 0, pos_mean,
                           jnp.where(lane == 1, neg_mean, 0.0))


_tc_loss = pl.pallas_call(
    _tc_body,
    out_shape=jax.ShapeDtypeStruct((1, 128), jnp.float32),
)


def kernel(pos_u, pos_v, neg_v, u_table, v_table):
    v_idx = jnp.concatenate(
        [pos_v.reshape(B // CH, CH), neg_v.reshape(B // CH, CH * K)], axis=1)
    scores = _sc_scores(pos_u, v_idx, u_table, v_table)
    sums = _tc_loss(scores.reshape(_TC_ROWS, 128))
    a = sums[0, 0]
    b = sums[0, 1]
    return (a + b, a, b)

# --- scband reference (transcript-rebuilt; emitter-appended) ---
"""Pipeline reference for scband-skip-gram-model-62354335203887 (READ-ONLY COPY).

The authoritative reference and input builder live on the scoring server;
editing this copy changes nothing except your own understanding.
"""

import jax, jax.numpy as jnp
import numpy as np

EMB_SIZE = 1000000
EMB_DIM = 64
BATCH = 16384
NEG_K = 20


def setup_inputs(seed: int = 0) -> dict:
    key = jax.random.key(seed)
    k1, k2, k3, k4 = jax.random.split(key, 4)
    pos_u = jax.random.randint(k1, (BATCH,), 0, EMB_SIZE, dtype=jnp.int64 if jax.config.jax_enable_x64 else jnp.int32).astype(jnp.int32)
    pos_v = jax.random.randint(k2, (BATCH,), 0, EMB_SIZE).astype(jnp.int32)
    neg_v = jax.random.randint(k3, (BATCH, NEG_K), 0, EMB_SIZE).astype(jnp.int32)
    initrange = 1.0 / EMB_DIM
    u_table = jax.random.uniform(k4, (EMB_SIZE, EMB_DIM), dtype=jnp.float32, minval=-initrange, maxval=initrange)
    v_table = jnp.zeros((EMB_SIZE, EMB_DIM), dtype=jnp.float32)
    return {"pos_u": pos_u, "pos_v": pos_v, "neg_v": neg_v, "u_table": u_table, "v_table": v_table}


def reference(pos_u, pos_v, neg_v, u_table, v_table):
    emb_u = jnp.take(u_table, pos_u, axis=0)          # [B, D]
    emb_v = jnp.take(v_table, pos_v, axis=0)          # [B, D]
    emb_neg_v = jnp.take(v_table, neg_v, axis=0)      # [B, K, D]

    score = jnp.sum(emb_u * emb_v, axis=1)            # [B]
    score = jnp.clip(score, -10.0, 10.0)
    score = -jax.nn.log_sigmoid(score)

    # bmm: [B, K, D] x [B, D, 1] -> [B, K]
    neg_score = jnp.einsum('bkd,bd->bk', emb_neg_v, emb_u)
    neg_score = jnp.clip(neg_score, -10.0, 10.0)
    neg_score = -jnp.mean(jax.nn.log_sigmoid(-neg_score), axis=1)  # [B]

    return (jnp.mean(score + neg_score), jnp.mean(score), jnp.mean(neg_score))

if __name__ == "__main__":
    import jax
    _d = setup_inputs()
    print(jax.jit(kernel)(*tuple(_d.values())))

</pallas_src>

<mosaic_0001>
#map = affine_map<(d0, d1) -> (0)>
#map1 = affine_map<(d0, d1) -> (0, 0)>
module attributes {stable_mosaic.version = 14 : i64} {
  func.func @_sc_body(%arg0: i32, %arg1: i32, %arg2: memref<16384xi32, #tpu.memory_space<hbm>>, %arg3: memref<512x672xi32, #tpu.memory_space<hbm>>, %arg4: memref<1000000x64xf32, #tpu.memory_space<hbm>>, %arg5: memref<1000000x64xf32, #tpu.memory_space<hbm>>, %arg6: memref<344064xf32, #tpu.memory_space<hbm>>, %arg7: memref<512xi32, #tpu.memory_space<vmem>>, %arg8: memref<2x672xi32, #tpu.memory_space<vmem>>, %arg9: memref<2x32x64xf32, #tpu.memory_space<vmem>>, %arg10: memref<2x672x64xf32, #tpu.memory_space<vmem>>, %arg11: memref<10752xf32, #tpu.memory_space<vmem>>, %arg12: memref<10752xf32, #tpu.memory_space<vmem>>, %arg13: memref<2x!tpu.dma_semaphore, #tpu.memory_space<semaphore_mem>>) attributes {dimension_semantics = [#tpu.dimension_semantics<core_parallel>, #tpu.dimension_semantics<subcore_parallel>], iteration_bounds = array<i64: 2, 16>, scalar_prefetch = 0 : i64, scratch_operands = 7 : i64, tpu.core_type = #tpu.core_type<sc_vector_subcore>, window_params = [{transform_indices = #map}, {transform_indices = #map1}, {transform_indices = #map1}, {transform_indices = #map1}, {transform_indices = #map}]} {
    %mul3A = arith.constant 2 : i32
    %mul3A_0 = arith.muli %arg1, %mul3A : i32
    %add3A = arith.addi %mul3A_0, %arg0 : i32
    %mul3A_1 = arith.constant 512 : i32
    %mul3A_2 = arith.muli %add3A, %mul3A_1 : i32
    "tpu.region"() ({
      %run_scoped3A_149 = tpu.sem_alloc : memref<!tpu.dma_semaphore, #tpu.memory_space<semaphore_mem>>
      %dma_start3A_150 = tpu.memref_slice %arg2[%mul3A_2] : memref<16384xi32, #tpu.memory_space<hbm>> -> memref<512xi32, #tpu.memory_space<hbm>>
      %dma_start3A_151 = tpu.memref_slice %arg2[%mul3A_2] : memref<16384xi32, #tpu.memory_space<hbm>> -> memref<512xi32, #tpu.memory_space<hbm>>
      tpu.enqueue_dma source(%dma_start3A_151 : memref<512xi32, #tpu.memory_space<hbm>>) target(%arg7 : memref<512xi32, #tpu.memory_space<vmem>>) target_semaphore(%run_scoped3A_149 : memref<!tpu.dma_semaphore, #tpu.memory_space<semaphore_mem>>)
      %dma_wait3A = tpu.memref_slice %arg2[%mul3A_2] : memref<16384xi32, #tpu.memory_space<hbm>> -> memref<512xi32, #tpu.memory_space<hbm>>
      %dma_wait3A_152 = tpu.memref_slice %arg2[%mul3A_2] : memref<16384xi32, #tpu.memory_space<hbm>> -> memref<512xi32, #tpu.memory_space<hbm>>
      tpu.wait_dma2 semaphore(%run_scoped3A_149 : memref<!tpu.dma_semaphore, #tpu.memory_space<semaphore_mem>>) src(%dma_wait3A_152 : memref<512xi32, #tpu.memory_space<hbm>>) dst(%arg7 : memref<512xi32, #tpu.memory_space<vmem>>)
      tpu.yield
    }) : () -> ()
    %iota3A = tpu.iota {dimensions = array<i32: 0>} : vector<16xi32>
    %mul3A_3 = arith.constant 16 : i32
    %mul3A_4 = vector.broadcast %mul3A_3 : i32 to vector<16xi32>
    %mul3A_5 = arith.muli %iota3A, %mul3A_4 : vector<16xi32>
    %mul3A_6 = arith.constant 16 : i32
    %mul3A_7 = arith.muli %add3A, %mul3A_6 : i32
    %add3A_8 = arith.constant 0 : i32
    %add3A_9 = arith.addi %mul3A_7, %add3A_8 : i32
    %run_scoped3A = arith.constant 0 : i32
    "tpu.region"() ({
      %run_scoped3A_149 = tpu.sem_alloc : memref<!tpu.dma_semaphore, #tpu.memory_space<semaphore_mem>>
      %dma_start3A_150 = arith.constant 0 : i32
      %dma_start3A_151 = tpu.memref_slice %arg8[%run_scoped3A, %dma_start3A_150] : memref<2x672xi32, #tpu.memory_space<vmem>> -> memref<1x672xi32, #tpu.memory_space<vmem>>
      %dma_start3A_152 = tpu.memref_squeeze %dma_start3A_151 : memref<1x672xi32, #tpu.memory_space<vmem>> -> memref<672xi32, #tpu.memory_space<vmem>>
      %dma_start3A_153 = arith.constant 0 : i32
      %dma_start3A_154 = tpu.memref_slice %arg3[%add3A_9, %dma_start3A_153] : memref<512x672xi32, #tpu.memory_space<hbm>> -> memref<1x672xi32, #tpu.memory_space<hbm>>
      %dma_start3A_155 = tpu.memref_squeeze %dma_start3A_154 : memref<1x672xi32, #tpu.memory_space<hbm>> -> memref<672xi32, #tpu.memory_space<hbm>>
      %dma_start3A_156 = arith.constant 0 : i32
      %dma_start3A_157 = tpu.memref_slice %arg8[%run_scoped3A, %dma_start3A_156] : memref<2x672xi32, #tpu.memory_space<vmem>> -> memref<1x672xi32, #tpu.memory_space<vmem>>
      %dma_start3A_158 = tpu.memref_squeeze %dma_start3A_157 : memref<1x672xi32, #tpu.memory_space<vmem>> -> memref<672xi32, #tpu.memory_space<vmem>>
      %dma_start3A_159 = arith.constant 0 : i32
      %dma_start3A_160 = tpu.memref_slice %arg3[%add3A_9, %dma_start3A_159] : memref<512x672xi32, #tpu.memory_space<hbm>> -> memref<1x672xi32, #tpu.memory_space<hbm>>
      %dma_start3A_161 = tpu.memref_squeeze %dma_start3A_160 : memref<1x672xi32, #tpu.memory_space<hbm>> -> memref<672xi32, #tpu.memory_space<hbm>>
      tpu.enqueue_dma source(%dma_start3A_161 : memref<672xi32, #tpu.memory_space<hbm>>) target(%dma_start3A_158 : memref<672xi32, #tpu.memory_space<vmem>>) target_semaphore(%run_scoped3A_149 : memref<!tpu.dma_semaphore, #tpu.memory_space<semaphore_mem>>)
      %dma_wait3A = arith.constant 0 : i32
      %dma_wait3A_162 = tpu.memref_slice %arg8[%run_scoped3A, %dma_wait3A] : memref<2x672xi32, #tpu.memory_space<vmem>> -> memref<1x672xi32, #tpu.memory_space<vmem>>
      %dma_wait3A_163 = tpu.memref_squeeze %dma_wait3A_162 : memref<1x672xi32, #tpu.memory_space<vmem>> -> memref<672xi32, #tpu.memory_space<vmem>>
      %dma_wait3A_164 = arith.constant 0 : i32
      %dma_wait3A_165 = tpu.memref_slice %arg3[%add3A_9, %dma_wait3A_164] : memref<512x672xi32, #tpu.memory_space<hbm>> -> memref<1x672xi32, #tpu.memory_space<hbm>>
      %dma_wait3A_166 = tpu.memref_squeeze %dma_wait3A_165 : memref<1x672xi32, #tpu.memory_space<hbm>> -> memref<672xi32, #tpu.memory_space<hbm>>
      %dma_wait3A_167 = arith.constant 0 : i32
      %dma_wait3A_168 = tpu.memref_slice %arg8[%run_scoped3A, %dma_wait3A_167] : memref<2x672xi32, #tpu.memory_space<vmem>> -> memref<1x672xi32, #tpu.memory_space<vmem>>
      %dma_wait3A_169 = tpu.memref_squeeze %dma_wait3A_168 : memref<1x672xi32, #tpu.memory_space<vmem>> -> memref<672xi32, #tpu.memory_space<vmem>>
      %dma_wait3A_170 = arith.constant 0 : i32
      %dma_wait3A_171 = tpu.memref_slice %arg3[%add3A_9, %dma_wait3A_170] : memref<512x672xi32, #tpu.memory_space<hbm>> -> memref<1x672xi32, #tpu.memory_space<hbm>>
      %dma_wait3A_172 = tpu.memref_squeeze %dma_wait3A_171 : memref<1x672xi32, #tpu.memory_space<hbm>> -> memref<672xi32, #tpu.memory_space<hbm>>
      tpu.wait_dma2 semaphore(%run_scoped3A_149 : memref<!tpu.dma_semaphore, #tpu.memory_space<semaphore_mem>>) src(%dma_wait3A_172 : memref<672xi32, #tpu.memory_space<hbm>>) dst(%dma_wait3A_169 : memref<672xi32, #tpu.memory_space<vmem>>)
      tpu.yield
    }) : () -> ()
    %dma_start3A = arith.constant 0 : i32
    %dma_start3A_10 = arith.constant 0 : i32
    %dma_start3A_11 = arith.constant 0 : i32
    %dma_start3A_12 = arith.constant 0 : i32
    %dma_start3A_13 = tpu.memref_slice %arg9[%dma_start3A, %dma_start3A_11, %dma_start3A_12] : memref<2x32x64xf32, #tpu.memory_space<vmem>> -> memref<1x32x64xf32, #tpu.memory_space<vmem>>
    %dma_start3A_14 = tpu.memref_squeeze %dma_start3A_13 : memref<1x32x64xf32, #tpu.memory_space<vmem>> -> memref<32x64xf32, #tpu.memory_space<vmem>>
    %dma_start3A_15 = arith.constant 0 : i32
    %dma_start3A_16 = tpu.memref_slice %arg7[%dma_start3A_15] : memref<512xi32, #tpu.memory_space<vmem>> -> memref<32xi32, #tpu.memory_space<vmem>>
    %dma_start3A_17 = arith.constant 0 : i32
    %dma_start3A_18 = arith.constant 0 : i32
    %dma_start3A_19 = tpu.memref_slice %arg4[%dma_start3A_17, %dma_start3A_18] : memref<1000000x64xf32, #tpu.memory_space<hbm>> -> memref<1000000x64xf32, #tpu.memory_space<hbm>>
    %dma_start3A_20 = tpu.memref_slice %arg13[%dma_start3A_10] : memref<2x!tpu.dma_semaphore, #tpu.memory_space<semaphore_mem>> -> memref<1x!tpu.dma_semaphore, #tpu.memory_space<semaphore_mem>>
    %dma_start3A_21 = tpu.memref_squeeze %dma_start3A_20 : memref<1x!tpu.dma_semaphore, #tpu.memory_space<semaphore_mem>> -> memref<!tpu.dma_semaphore, #tpu.memory_space<semaphore_mem>>
    tpu.enqueue_indirect_dma source(%dma_start3A_19 : memref<1000000x64xf32, #tpu.memory_space<hbm>>) target(%dma_start3A_14 : memref<32x64xf32, #tpu.memory_space<vmem>>) offsets(%dma_start3A_16 : memref<32xi32, #tpu.memory_space<vmem>>) semaphore(%dma_start3A_21 : memref<!tpu.dma_semaphore, #tpu.memory_space<semaphore_mem>>)
    %dma_start3A_22 = arith.constant 0 : i32
    %dma_start3A_23 = arith.constant 0 : i32
    %dma_start3A_24 = arith.constant 0 : i32
    %dma_start3A_25 = arith.constant 0 : i32
    %dma_start3A_26 = arith.constant 0 : i32
    %dma_start3A_27 = tpu.memref_slice %arg10[%dma_start3A_23, %dma_start3A_25, %dma_start3A_26] : memref<2x672x64xf32, #tpu.memory_space<vmem>> -> memref<1x672x64xf32, #tpu.memory_space<vmem>>
    %dma_start3A_28 = tpu.memref_squeeze %dma_start3A_27 : memref<1x672x64xf32, #tpu.memory_space<vmem>> -> memref<672x64xf32, #tpu.memory_space<vmem>>
    %dma_start3A_29 = arith.constant 0 : i32
    %dma_start3A_30 = arith.constant 0 : i32
    %dma_start3A_31 = tpu.memref_slice %dma_start3A_28[%dma_start3A_29, %dma_start3A_30] : memref<672x64xf32, #tpu.memory_space<vmem>> -> memref<112x64xf32, #tpu.memory_space<vmem>>
    %dma_start3A_32 = arith.constant 0 : i32
    %dma_start3A_33 = tpu.memref_slice %arg8[%dma_start3A_22, %dma_start3A_32] : memref<2x672xi32, #tpu.memory_space<vmem>> -> memref<1x672xi32, #tpu.memory_space<vmem>>
    %dma_start3A_34 = tpu.memref_squeeze %dma_start3A_33 : memref<1x672xi32, #tpu.memory_space<vmem>> -> memref<672xi32, #tpu.memory_space<vmem>>
    %dma_start3A_35 = arith.constant 0 : i32
    %dma_start3A_36 = tpu.memref_slice %dma_start3A_34[%dma_start3A_35] : memref<672xi32, #tpu.memory_space<vmem>> -> memref<112xi32, #tpu.memory_space<vmem>>
    %dma_start3A_37 = arith.constant 0 : i32
    %dma_start3A_38 = arith.constant 0 : i32
    %dma_start3A_39 = tpu.memref_slice %arg5[%dma_start3A_37, %dma_start3A_38] : memref<1000000x64xf32, #tpu.memory_space<hbm>> -> memref<1000000x64xf32, #tpu.memory_space<hbm>>
    %dma_start3A_40 = tpu.memref_slice %arg13[%dma_start3A_24] : memref<2x!tpu.dma_semaphore, #tpu.memory_space<semaphore_mem>> -> memref<1x!tpu.dma_semaphore, #tpu.memory_space<semaphore_mem>>
    %dma_start3A_41 = tpu.memref_squeeze %dma_start3A_40 : memref<1x!tpu.dma_semaphore, #tpu.memory_space<semaphore_mem>> -> memref<!tpu.dma_semaphore, #tpu.memory_space<semaphore_mem>>
    tpu.enqueue_indirect_dma source(%dma_start3A_39 : memref<1000000x64xf32, #tpu.memory_space<hbm>>) target(%dma_start3A_31 : memref<112x64xf32, #tpu.memory_space<vmem>>) offsets(%dma_start3A_36 : memref<112xi32, #tpu.memory_space<vmem>>) semaphore(%dma_start3A_41 : memref<!tpu.dma_semaphore, #tpu.memory_space<semaphore_mem>>)
    %dma_start3A_42 = arith.constant 0 : i32
    %dma_start3A_43 = arith.constant 0 : i32
    %dma_start3A_44 = arith.constant 0 : i32
    %dma_start3A_45 = arith.constant 0 : i32
    %dma_start3A_46 = arith.constant 0 : i32
    %dma_start3A_47 = tpu.memref_slice %arg10[%dma_start3A_43, %dma_start3A_45, %dma_start3A_46] : memref<2x672x64xf32, #tpu.memory_space<vmem>> -> memref<1x672x64xf32, #tpu.memory_space<vmem>>
    %dma_start3A_48 = tpu.memref_squeeze %dma_start3A_47 : memref<1x672x64xf32, #tpu.memory_space<vmem>> -> memref<672x64xf32, #tpu.memory_space<vmem>>
    %dma_start3A_49 = arith.constant 112 : i32
    %dma_start3A_50 = arith.constant 0 : i32
    %dma_start3A_51 = tpu.memref_slice %dma_start3A_48[%dma_start3A_49, %dma_start3A_50] : memref<672x64xf32, #tpu.memory_space<vmem>> -> memref<112x64xf32, #tpu.memory_space<vmem>>
    %dma_start3A_52 = arith.constant 0 : i32
    %dma_start3A_53 = tpu.memref_slice %arg8[%dma_start3A_42, %dma_start3A_52] : memref<2x672xi32, #tpu.memory_space<vmem>> -> memref<1x672xi32, #tpu.memory_space<vmem>>
    %dma_start3A_54 = tpu.memref_squeeze %dma_start3A_53 : memref<1x672xi32, #tpu.memory_space<vmem>> -> memref<672xi32, #tpu.memory_space<vmem>>
    %dma_start3A_55 = arith.constant 112 : i32
    %dma_start3A_56 = tpu.memref_slice %dma_start3A_54[%dma_start3A_55] : memref<672xi32, #tpu.memory_space<vmem>> -> memref<112xi32, #tpu.memory_space<vmem>>
    %dma_start3A_57 = arith.constant 0 : i32
    %dma_start3A_58 = arith.constant 0 : i32
    %dma_start3A_59 = tpu.memref_slice %arg5[%dma_start3A_57, %dma_start3A_58] : memref<1000000x64xf32, #tpu.memory_space<hbm>> -> memref<1000000x64xf32, #tpu.memory_space<hbm>>
    %dma_start3A_60 = tpu.memref_slice %arg13[%dma_start3A_44] : memref<2x!tpu.dma_semaphore, #tpu.memory_space<semaphore_mem>> -> memref<1x!tpu.dma_semaphore, #tpu.memory_space<semaphore_mem>>
    %dma_start3A_61 = tpu.memref_squeeze %dma_start3A_60 : memref<1x!tpu.dma_semaphore, #tpu.memory_space<semaphore_mem>> -> memref<!tpu.dma_semaphore, #tpu.memory_space<semaphore_mem>>
    tpu.enqueue_indirect_dma source(%dma_start3A_59 : memref<1000000x64xf32, #tpu.memory_space<hbm>>) target(%dma_start3A_51 : memref<112x64xf32, #tpu.memory_space<vmem>>) offsets(%dma_start3A_56 : memref<112xi32, #tpu.memory_space<vmem>>) semaphore(%dma_start3A_61 : memref<!tpu.dma_semaphore, #tpu.memory_space<semaphore_mem>>)
    %dma_start3A_62 = arith.constant 0 : i32
    %dma_start3A_63 = arith.constant 0 : i32
    %dma_start3A_64 = arith.constant 0 : i32
    %dma_start3A_65 = arith.constant 0 : i32
    %dma_start3A_66 = arith.constant 0 : i32
    %dma_start3A_67 = tpu.memref_slice %arg10[%dma_start3A_63, %dma_start3A_65, %dma_start3A_66] : memref<2x672x64xf32, #tpu.memory_space<vmem>> -> memref<1x672x64xf32, #tpu.memory_space<vmem>>
    %dma_start3A_68 = tpu.memref_squeeze %dma_start3A_67 : memref<1x672x64xf32, #tpu.memory_space<vmem>> -> memref<672x64xf32, #tpu.memory_space<vmem>>
    %dma_start3A_69 = arith.constant 224 : i32
    %dma_start3A_70 = arith.constant 0 : i32
    %dma_start3A_71 = tpu.memref_slice %dma_start3A_68[%dma_start3A_69, %dma_start3A_70] : memref<672x64xf32, #tpu.memory_space<vmem>> -> memref<112x64xf32, #tpu.memory_space<vmem>>
    %dma_start3A_72 = arith.constant 0 : i32
    %dma_start3A_73 = tpu.memref_slice %arg8[%dma_start3A_62, %dma_start3A_72] : memref<2x672xi32, #tpu.memory_space<vmem>> -> memref<1x672xi32, #tpu.memory_space<vmem>>
    %dma_start3A_74 = tpu.memref_squeeze %dma_start3A_73 : memref<1x672xi32, #tpu.memory_space<vmem>> -> memref<672xi32, #tpu.memory_space<vmem>>
    %dma_start3A_75 = arith.constant 224 : i32
    %dma_start3A_76 = tpu.memref_slice %dma_start3A_74[%dma_start3A_75] : memref<672xi32, #tpu.memory_space<vmem>> -> memref<112xi32, #tpu.memory_space<vmem>>
    %dma_start3A_77 = arith.constant 0 : i32
    %dma_start3A_78 = arith.constant 0 : i32
    %dma_start3A_79 = tpu.memref_slice %arg5[%dma_start3A_77, %dma_start3A_78] : memref<1000000x64xf32, #tpu.memory_space<hbm>> -> memref<1000000x64xf32, #tpu.memory_space<hbm>>
    %dma_start3A_80 = tpu.memref_slice %arg13[%dma_start3A_64] : memref<2x!tpu.dma_semaphore, #tpu.memory_space<semaphore_mem>> -> memref<1x!tpu.dma_semaphore, #tpu.memory_space<semaphore_mem>>
    %dma_start3A_81 = tpu.memref_squeeze %dma_start3A_80 : memref<1x!tpu.dma_semaphore, #tpu.memory_space<semaphore_mem>> -> memref<!tpu.dma_semaphore, #tpu.memory_space<semaphore_mem>>
    tpu.enqueue_indirect_dma source(%dma_start3A_79 : memref<1000000x64xf32, #tpu.memory_space<hbm>>) target(%dma_start3A_71 : memref<112x64xf32, #tpu.memory_space<vmem>>) offsets(%dma_start3A_76 : memref<112xi32, #tpu.memory_space<vmem>>) semaphore(%dma_start3A_81 : memref<!tpu.dma_semaphore, #tpu.memory_space<semaphore_mem>>)
    %dma_start3A_82 = arith.constant 0 : i32
    %dma_start3A_83 = arith.constant 0 : i32
    %dma_start3A_84 = arith.constant 0 : i32
    %dma_start3A_85 = arith.constant 0 : i32
    %dma_start3A_86 = arith.constant 0 : i32
    %dma_start3A_87 = tpu.memref_slice %arg10[%dma_start3A_83, %dma_start3A_85, %dma_start3A_86] : memref<2x672x64xf32, #tpu.memory_space<vmem>> -> memref<1x672x64xf32, #tpu.memory_space<vmem>>
    %dma_start3A_88 = tpu.memref_squeeze %dma_start3A_87 : memref<1x672x64xf32, #tpu.memory_space<vmem>> -> memref<672x64xf32, #tpu.memory_space<vmem>>
    %dma_start3A_89 = arith.constant 336 : i32
    %dma_start3A_90 = arith.constant 0 : i32
    %dma_start3A_91 = tpu.memref_slice %dma_start3A_88[%dma_start3A_89, %dma_start3A_90] : memref<672x64xf32, #tpu.memory_space<vmem>> -> memref<112x64xf32, #tpu.memory_space<vmem>>
    %dma_start3A_92 = arith.constant 0 : i32
    %dma_start3A_93 = tpu.memref_slice %arg8[%dma_start3A_82, %dma_start3A_92] : memref<2x672xi32, #tpu.memory_space<vmem>> -> memref<1x672xi32, #tpu.memory_space<vmem>>
    %dma_start3A_94 = tpu.memref_squeeze %dma_start3A_93 : memref<1x672xi32, #tpu.memory_space<vmem>> -> memref<672xi32, #tpu.memory_space<vmem>>
    %dma_start3A_95 = arith.constant 336 : i32
    %dma_start3A_96 = tpu.memref_slice %dma_start3A_94[%dma_start3A_95] : memref<672xi32, #tpu.memory_space<vmem>> -> memref<112xi32, #tpu.memory_space<vmem>>
    %dma_start3A_97 = arith.constant 0 : i32
    %dma_start3A_98 = arith.constant 0 : i32
    %dma_start3A_99 = tpu.memref_slice %arg5[%dma_start3A_97, %dma_start3A_98] : memref<1000000x64xf32, #tpu.memory_space<hbm>> -> memref<1000000x64xf32, #tpu.memory_space<hbm>>
    %dma_start3A_100 = tpu.memref_slice %arg13[%dma_start3A_84] : memref<2x!tpu.dma_semaphore, #tpu.memory_space<semaphore_mem>> -> memref<1x!tpu.dma_semaphore, #tpu.memory_space<semaphore_mem>>
    %dma_start3A_101 = tpu.memref_squeeze %dma_start3A_100 : memref<1x!tpu.dma_semaphore, #tpu.memory_space<semaphore_mem>> -> memref<!tpu.dma_semaphore, #tpu.memory_space<semaphore_mem>>
    tpu.enqueue_indirect_dma source(%dma_start3A_99 : memref<1000000x64xf32, #tpu.memory_space<hbm>>) target(%dma_start3A_91 : memref<112x64xf32, #tpu.memory_space<vmem>>) offsets(%dma_start3A_96 : memref<112xi32, #tpu.memory_space<vmem>>) semaphore(%dma_start3A_101 : memref<!tpu.dma_semaphore, #tpu.memory_space<semaphore_mem>>)
    %dma_start3A_102 = arith.constant 0 : i32
    %dma_start3A_103 = arith.constant 0 : i32
    %dma_start3A_104 = arith.constant 0 : i32
    %dma_start3A_105 = arith.constant 0 : i32
    %dma_start3A_106 = arith.constant 0 : i32
    %dma_start3A_107 = tpu.memref_slice %arg10[%dma_start3A_103, %dma_start3A_105, %dma_start3A_106] : memref<2x672x64xf32, #tpu.memory_space<vmem>> -> memref<1x672x64xf32, #tpu.memory_space<vmem>>
    %dma_start3A_108 = tpu.memref_squeeze %dma_start3A_107 : memref<1x672x64xf32, #tpu.memory_space<vmem>> -> memref<672x64xf32, #tpu.memory_space<vmem>>
    %dma_start3A_109 = arith.constant 448 : i32
    %dma_start3A_110 = arith.constant 0 : i32
    %dma_start3A_111 = tpu.memref_slice %dma_start3A_108[%dma_start3A_109, %dma_start3A_110] : memref<672x64xf32, #tpu.memory_space<vmem>> -> memref<112x64xf32, #tpu.memory_space<vmem>>
    %dma_start3A_112 = arith.constant 0 : i32
    %dma_start3A_113 = tpu.memref_slice %arg8[%dma_start3A_102, %dma_start3A_112] : memref<2x672xi32, #tpu.memory_space<vmem>> -> memref<1x672xi32, #tpu.memory_space<vmem>>
    %dma_start3A_114 = tpu.memref_squeeze %dma_start3A_113 : memref<1x672xi32, #tpu.memory_space<vmem>> -> memref<672xi32, #tpu.memory_space<vmem>>
    %dma_start3A_115 = arith.constant 448 : i32
    %dma_start3A_116 = tpu.memref_slice %dma_start3A_114[%dma_start3A_115] : memref<672xi32, #tpu.memory_space<vmem>> -> memref<112xi32, #tpu.memory_space<vmem>>
    %dma_start3A_117 = arith.constant 0 : i32
    %dma_start3A_118 = arith.constant 0 : i32
    %dma_start3A_119 = tpu.memref_slice %arg5[%dma_start3A_117, %dma_start3A_118] : memref<1000000x64xf32, #tpu.memory_space<hbm>> -> memref<1000000x64xf32, #tpu.memory_space<hbm>>
    %dma_start3A_120 = tpu.memref_slice %arg13[%dma_start3A_104] : memref<2x!tpu.dma_semaphore, #tpu.memory_space<semaphore_mem>> -> memref<1x!tpu.dma_semaphore, #tpu.memory_space<semaphore_mem>>
    %dma_start3A_121 = tpu.memref_squeeze %dma_start3A_120 : memref<1x!tpu.dma_semaphore, #tpu.memory_space<semaphore_mem>> -> memref<!tpu.dma_semaphore, #tpu.memory_space<semaphore_mem>>
    tpu.enqueue_indirect_dma source(%dma_start3A_119 : memref<1000000x64xf32, #tpu.memory_space<hbm>>) target(%dma_start3A_111 : memref<112x64xf32, #tpu.memory_space<vmem>>) offsets(%dma_start3A_116 : memref<112xi32, #tpu.memory_space<vmem>>) semaphore(%dma_start3A_121 : memref<!tpu.dma_semaphore, #tpu.memory_space<semaphore_mem>>)
    %dma_start3A_122 = arith.constant 0 : i32
    %dma_start3A_123 = arith.constant 0 : i32
    %dma_start3A_124 = arith.constant 0 : i32
    %dma_start3A_125 = arith.constant 0 : i32
    %dma_start3A_126 = arith.constant 0 : i32
    %dma_start3A_127 = tpu.memref_slice %arg10[%dma_start3A_123, %dma_start3A_125, %dma_start3A_126] : memref<2x672x64xf32, #tpu.memory_space<vmem>> -> memref<1x672x64xf32, #tpu.memory_space<vmem>>
    %dma_start3A_128 = tpu.memref_squeeze %dma_start3A_127 : memref<1x672x64xf32, #tpu.memory_space<vmem>> -> memref<672x64xf32, #tpu.memory_space<vmem>>
    %dma_start3A_129 = arith.constant 560 : i32
    %dma_start3A_130 = arith.constant 0 : i32
    %dma_start3A_131 = tpu.memref_slice %dma_start3A_128[%dma_start3A_129, %dma_start3A_130] : memref<672x64xf32, #tpu.memory_space<vmem>> -> memref<112x64xf32, #tpu.memory_space<vmem>>
    %dma_start3A_132 = arith.constant 0 : i32
    %dma_start3A_133 = tpu.memref_slice %arg8[%dma_start3A_122, %dma_start3A_132] : memref<2x672xi32, #tpu.memory_space<vmem>> -> memref<1x672xi32, #tpu.memory_space<vmem>>
    %dma_start3A_134 = tpu.memref_squeeze %dma_start3A_133 : memref<1x672xi32, #tpu.memory_space<vmem>> -> memref<672xi32, #tpu.memory_space<vmem>>
    %dma_start3A_135 = arith.constant 560 : i32
    %dma_start3A_136 = tpu.memref_slice %dma_start3A_134[%dma_start3A_135] : memref<672xi32, #tpu.memory_space<vmem>> -> memref<112xi32, #tpu.memory_space<vmem>>
    %dma_start3A_137 = arith.constant 0 : i32
    %dma_start3A_138 = arith.constant 0 : i32
    %dma_start3A_139 = tpu.memref_slice %arg5[%dma_start3A_137, %dma_start3A_138] : memref<1000000x64xf32, #tpu.memory_space<hbm>> -> memref<1000000x64xf32, #tpu.memory_space<hbm>>
    %dma_start3A_140 = tpu.memref_slice %arg13[%dma_start3A_124] : memref<2x!tpu.dma_semaphore, #tpu.memory_space<semaphore_mem>> -> memref<1x!tpu.dma_semaphore, #tpu.memory_space<semaphore_mem>>
    %dma_start3A_141 = tpu.memref_squeeze %dma_start3A_140 : memref<1x!tpu.dma_semaphore, #tpu.memory_space<semaphore_mem>> -> memref<!tpu.dma_semaphore, #tpu.memory_space<semaphore_mem>>
    tpu.enqueue_indirect_dma source(%dma_start3A_139 : memref<1000000x64xf32, #tpu.memory_space<hbm>>) target(%dma_start3A_131 : memref<112x64xf32, #tpu.memory_space<vmem>>) offsets(%dma_start3A_136 : memref<112xi32, #tpu.memory_space<vmem>>) semaphore(%dma_start3A_141 : memref<!tpu.dma_semaphore, #tpu.memory_space<semaphore_mem>>)
    %scan3A = arith.constant 0 : i32
    %scan3A_142 = arith.constant 0 : i32
    %scan3A_143 = arith.constant 16 : i32
    %scan3A_144 = arith.addi %scan3A_142, %scan3A_143 : i32
    %scan3A_145 = arith.constant 1 : i32
    scf.for %scan3A_149 = %scan3A_142 to %scan3A_144 step %scan3A_145  : i32 {
      %and3A = arith.constant 1 : i32
      %and3A_150 = arith.andi %scan3A_149, %and3A : i32
      %add3A_151 = arith.constant 1 : i32
      %add3A_152 = arith.addi %scan3A_149, %add3A_151 : i32
      %lt3A = arith.constant 16 : i32
      %lt3A_153 = arith.cmpi slt, %add3A_152, %lt3A : i32
      %convert_element_type3A = arith.extui %lt3A_153 : i1 to i32
      %cond3A = arith.constant 0 : i32
      %cond3A_154 = arith.cmpi ne, %convert_element_type3A, %cond3A : i32
      scf.if %cond3A_154 {
        %add3A_526 = arith.constant 1 : i32
        %add3A_527 = arith.addi %scan3A_149, %add3A_526 : i32
        %sub3A = arith.constant 1 : i32
        %sub3A_528 = arith.subi %sub3A, %and3A_150 : i32
        %mul3A_529 = arith.constant 16 : i32
        %mul3A_530 = arith.muli %add3A, %mul3A_529 : i32
        %add3A_531 = arith.addi %mul3A_530, %add3A_527 : i32
        "tpu.region"() ({
          %run_scoped3A_646 = tpu.sem_alloc : memref<!tpu.dma_semaphore, #tpu.memory_space<semaphore_mem>>
          %dma_start3A_647 = arith.constant 0 : i32
          %dma_start3A_648 = tpu.memref_slice %arg8[%sub3A_528, %dma_start3A_647] : memref<2x672xi32, #tpu.memory_space<vmem>> -> memref<1x672xi32, #tpu.memory_space<vmem>>
          %dma_start3A_649 = tpu.memref_squeeze %dma_start3A_648 : memref<1x672xi32, #tpu.memory_space<vmem>> -> memref<672xi32, #tpu.memory_space<vmem>>
          %dma_start3A_650 = arith.constant 0 : i32
          %dma_start3A_651 = tpu.memref_slice %arg3[%add3A_531, %dma_start3A_650] : memref<512x672xi32, #tpu.memory_space<hbm>> -> memref<1x672xi32, #tpu.memory_space<hbm>>
          %dma_start3A_652 = tpu.memref_squeeze %dma_start3A_651 : memref<1x672xi32, #tpu.memory_space<hbm>> -> memref<672xi32, #tpu.memory_space<hbm>>
          %dma_start3A_653 = arith.constant 0 : i32
          %dma_start3A_654 = tpu.memref_slice %arg8[%sub3A_528, %dma_start3A_653] : memref<2x672xi32, #tpu.memory_space<vmem>> -> memref<1x672xi32, #tpu.memory_space<vmem>>
          %dma_start3A_655 = tpu.memref_squeeze %dma_start3A_654 : memref<1x672xi32, #tpu.memory_space<vmem>> -> memref<672xi32, #tpu.memory_space<vmem>>
          %dma_start3A_656 = arith.constant 0 : i32
          %dma_start3A_657 = tpu.memref_slice %arg3[%add3A_531, %dma_start3A_656] : memref<512x672xi32, #tpu.memory_space<hbm>> -> memref<1x672xi32, #tpu.memory_space<hbm>>
          %dma_start3A_658 = tpu.memref_squeeze %dma_start3A_657 : memref<1x672xi32, #tpu.memory_space<hbm>> -> memref<672xi32, #tpu.memory_space<hbm>>
          tpu.enqueue_dma source(%dma_start3A_658 : memref<672xi32, #tpu.memory_space<hbm>>) target(%dma_start3A_655 : memref<672xi32, #tpu.memory_space<vmem>>) target_semaphore(%run_scoped3A_646 : memref<!tpu.dma_semaphore, #tpu.memory_space<semaphore_mem>>)
          %dma_wait3A_659 = arith.constant 0 : i32
          %dma_wait3A_660 = tpu.memref_slice %arg8[%sub3A_528, %dma_wait3A_659] : memref<2x672xi32, #tpu.memory_space<vmem>> -> memref<1x672xi32, #tpu.memory_space<vmem>>
          %dma_wait3A_661 = tpu.memref_squeeze %dma_wait3A_660 : memref<1x672xi32, #tpu.memory_space<vmem>> -> memref<672xi32, #tpu.memory_space<vmem>>
          %dma_wait3A_662 = arith.constant 0 : i32
          %dma_wait3A_663 = tpu.memref_slice %arg3[%add3A_531, %dma_wait3A_662] : memref<512x672xi32, #tpu.memory_space<hbm>> -> memref<1x672xi32, #tpu.memory_space<hbm>>
          %dma_wait3A_664 = tpu.memref_squeeze %dma_wait3A_663 : memref<1x672xi32, #tpu.memory_space<hbm>> -> memref<672xi32, #tpu.memory_space<hbm>>
          %dma_wait3A_665 = arith.constant 0 : i32
          %dma_wait3A_666 = tpu.memref_slice %arg8[%sub3A_528, %dma_wait3A_665] : memref<2x672xi32, #tpu.memory_space<vmem>> -> memref<1x672xi32, #tpu.memory_space<vmem>>
          %dma_wait3A_667 = tpu.memref_squeeze %dma_wait3A_666 : memref<1x672xi32, #tpu.memory_space<vmem>> -> memref<672xi32, #tpu.memory_space<vmem>>
          %dma_wait3A_668 = arith.constant 0 : i32
          %dma_wait3A_669 = tpu.memref_slice %arg3[%add3A_531, %dma_wait3A_668] : memref<512x672xi32, #tpu.memory_space<hbm>> -> memref<1x672xi32, #tpu.memory_space<hbm>>
          %dma_wait3A_670 = tpu.memref_squeeze %dma_wait3A_669 : memref<1x672xi32, #tpu.memory_space<hbm>> -> memref<672xi32, #tpu.memory_space<hbm>>
          tpu.wait_dma2 semaphore(%run_scoped3A_646 : memref<!tpu.dma_semaphore, #tpu.memory_space<semaphore_mem>>) src(%dma_wait3A_670 : memref<672xi32, #tpu.memory_space<hbm>>) dst(%dma_wait3A_667 : memref<672xi32, #tpu.memory_space<vmem>>)
          tpu.yield
        }) : () -> ()
        %mul3A_532 = arith.constant 32 : i32
        %mul3A_533 = arith.muli %add3A_527, %mul3A_532 : i32
        %dma_start3A_534 = arith.constant 0 : i32
        %dma_start3A_535 = arith.constant 0 : i32
        %dma_start3A_536 = tpu.memref_slice %arg9[%sub3A_528, %dma_start3A_534, %dma_start3A_535] : memref<2x32x64xf32, #tpu.memory_space<vmem>> -> memref<1x32x64xf32, #tpu.memory_space<vmem>>
        %dma_start3A_537 = tpu.memref_squeeze %dma_start3A_536 : memref<1x32x64xf32, #tpu.memory_space<vmem>> -> memref<32x64xf32, #tpu.memory_space<vmem>>
        %dma_start3A_538 = tpu.memref_slice %arg7[%mul3A_533] : memref<512xi32, #tpu.memory_space<vmem>> -> memref<32xi32, #tpu.memory_space<vmem>>
        %dma_start3A_539 = arith.constant 0 : i32
        %dma_start3A_540 = arith.constant 0 : i32
        %dma_start3A_541 = tpu.memref_slice %arg4[%dma_start3A_539, %dma_start3A_540] : memref<1000000x64xf32, #tpu.memory_space<hbm>> -> memref<1000000x64xf32, #tpu.memory_space<hbm>>
        %dma_start3A_542 = tpu.memref_slice %arg13[%sub3A_528] : memref<2x!tpu.dma_semaphore, #tpu.memory_space<semaphore_mem>> -> memref<1x!tpu.dma_semaphore, #tpu.memory_space<semaphore_mem>>
        %dma_start3A_543 = tpu.memref_squeeze %dma_start3A_542 : memref<1x!tpu.dma_semaphore, #tpu.memory_space<semaphore_mem>> -> memref<!tpu.dma_semaphore, #tpu.memory_space<semaphore_mem>>
        tpu.enqueue_indirect_dma source(%dma_start3A_541 : memref<1000000x64xf32, #tpu.memory_space<hbm>>) target(%dma_start3A_537 : memref<32x64xf32, #tpu.memory_space<vmem>>) offsets(%dma_start3A_538 : memref<32xi32, #tpu.memory_space<vmem>>) semaphore(%dma_start3A_543 : memref<!tpu.dma_semaphore, #tpu.memory_space<semaphore_mem>>)
        %dma_start3A_544 = arith.constant 0 : i32
        %dma_start3A_545 = arith.constant 0 : i32
        %dma_start3A_546 = tpu.memref_slice %arg10[%sub3A_528, %dma_start3A_544, %dma_start3A_545] : memref<2x672x64xf32, #tpu.memory_space<vmem>> -> memref<1x672x64xf32, #tpu.memory_space<vmem>>
        %dma_start3A_547 = tpu.memref_squeeze %dma_start3A_546 : memref<1x672x64xf32, #tpu.memory_space<vmem>> -> memref<672x64xf32, #tpu.memory_space<vmem>>
        %dma_start3A_548 = arith.constant 0 : i32
        %dma_start3A_549 = arith.constant 0 : i32
        %dma_start3A_550 = tpu.memref_slice %dma_start3A_547[%dma_start3A_548, %dma_start3A_549] : memref<672x64xf32, #tpu.memory_space<vmem>> -> memref<112x64xf32, #tpu.memory_space<vmem>>
        %dma_start3A_551 = arith.constant 0 : i32
        %dma_start3A_552 = tpu.memref_slice %arg8[%sub3A_528, %dma_start3A_551] : memref<2x672xi32, #tpu.memory_space<vmem>> -> memref<1x672xi32, #tpu.memory_space<vmem>>
        %dma_start3A_553 = tpu.memref_squeeze %dma_start3A_552 : memref<1x672xi32, #tpu.memory_space<vmem>> -> memref<672xi32, #tpu.memory_space<vmem>>
        %dma_start3A_554 = arith.constant 0 : i32
        %dma_start3A_555 = tpu.memref_slice %dma_start3A_553[%dma_start3A_554] : memref<672xi32, #tpu.memory_space<vmem>> -> memref<112xi32, #tpu.memory_space<vmem>>
        %dma_start3A_556 = arith.constant 0 : i32
        %dma_start3A_557 = arith.constant 0 : i32
        %dma_start3A_558 = tpu.memref_slice %arg5[%dma_start3A_556, %dma_start3A_557] : memref<1000000x64xf32, #tpu.memory_space<hbm>> -> memref<1000000x64xf32, #tpu.memory_space<hbm>>
        %dma_start3A_559 = tpu.memref_slice %arg13[%sub3A_528] : memref<2x!tpu.dma_semaphore, #tpu.memory_space<semaphore_mem>> -> memref<1x!tpu.dma_semaphore, #tpu.memory_space<semaphore_mem>>
        %dma_start3A_560 = tpu.memref_squeeze %dma_start3A_559 : memref<1x!tpu.dma_semaphore, #tpu.memory_space<semaphore_mem>> -> memref<!tpu.dma_semaphore, #tpu.memory_space<semaphore_mem>>
        tpu.enqueue_indirect_dma source(%dma_start3A_558 : memref<1000000x64xf32, #tpu.memory_space<hbm>>) target(%dma_start3A_550 : memref<112x64xf32, #tpu.memory_space<vmem>>) offsets(%dma_start3A_555 : memref<112xi32, #tpu.memory_space<vmem>>) semaphore(%dma_start3A_560 : memref<!tpu.dma_semaphore, #tpu.memory_space<semaphore_mem>>)
        %dma_start3A_561 = arith.constant 0 : i32
        %dma_start3A_562 = arith.constant 0 : i32
        %dma_start3A_563 = tpu.memref_slice %arg10[%sub3A_528, %dma_start3A_561, %dma_start3A_562] : memref<2x672x64xf32, #tpu.memory_space<vmem>> -> memref<1x672x64xf32, #tpu.memory_space<vmem>>
        %dma_start3A_564 = tpu.memref_squeeze %dma_start3A_563 : memref<1x672x64xf32, #tpu.memory_space<vmem>> -> memref<672x64xf32, #tpu.memory_space<vmem>>
        %dma_start3A_565 = arith.constant 112 : i32
        %dma_start3A_566 = arith.constant 0 : i32
        %dma_start3A_567 = tpu.memref_slice %dma_start3A_564[%dma_start3A_565, %dma_start3A_566] : memref<672x64xf32, #tpu.memory_space<vmem>> -> memref<112x64xf32, #tpu.memory_space<vmem>>
        %dma_start3A_568 = arith.constant 0 : i32
        %dma_start3A_569 = tpu.memref_slice %arg8[%sub3A_528, %dma_start3A_568] : memref<2x672xi32, #tpu.memory_space<vmem>> -> memref<1x672xi32, #tpu.memory_space<vmem>>
        %dma_start3A_570 = tpu.memref_squeeze %dma_start3A_569 : memref<1x672xi32, #tpu.memory_space<vmem>> -> memref<672xi32, #tpu.memory_space<vmem>>
        %dma_start3A_571 = arith.constant 112 : i32
        %dma_start3A_572 = tpu.memref_slice %dma_start3A_570[%dma_start3A_571] : memref<672xi32, #tpu.memory_space<vmem>> -> memref<112xi32, #tpu.memory_space<vmem>>
        %dma_start3A_573 = arith.constant 0 : i32
        %dma_start3A_574 = arith.constant 0 : i32
        %dma_start3A_575 = tpu.memref_slice %arg5[%dma_start3A_573, %dma_start3A_574] : memref<1000000x64xf32, #tpu.memory_space<hbm>> -> memref<1000000x64xf32, #tpu.memory_space<hbm>>
        %dma_start3A_576 = tpu.memref_slice %arg13[%sub3A_528] : memref<2x!tpu.dma_semaphore, #tpu.memory_space<semaphore_mem>> -> memref<1x!tpu.dma_semaphore, #tpu.memory_space<semaphore_mem>>
        %dma_start3A_577 = tpu.memref_squeeze %dma_start3A_576 : memref<1x!tpu.dma_semaphore, #tpu.memory_space<semaphore_mem>> -> memref<!tpu.dma_semaphore, #tpu.memory_space<semaphore_mem>>
        tpu.enqueue_indirect_dma source(%dma_start3A_575 : memref<1000000x64xf32, #tpu.memory_space<hbm>>) target(%dma_start3A_567 : memref<112x64xf32, #tpu.memory_space<vmem>>) offsets(%dma_start3A_572 : memref<112xi32, #tpu.memory_space<vmem>>) semaphore(%dma_start3A_577 : memref<!tpu.dma_semaphore, #tpu.memory_space<semaphore_mem>>)
        %dma_start3A_578 = arith.constant 0 : i32
        %dma_start3A_579 = arith.constant 0 : i32
        %dma_start3A_580 = tpu.memref_slice %arg10[%sub3A_528, %dma_start3A_578, %dma_start3A_579] : memref<2x672x64xf32, #tpu.memory_space<vmem>> -> memref<1x672x64xf32, #tpu.memory_space<vmem>>
        %dma_start3A_581 = tpu.memref_squeeze %dma_start3A_580 : memref<1x672x64xf32, #tpu.memory_space<vmem>> -> memref<672x64xf32, #tpu.memory_space<vmem>>
        %dma_start3A_582 = arith.constant 224 : i32
        %dma_start3A_583 = arith.constant 0 : i32
        %dma_start3A_584 = tpu.memref_slice %dma_start3A_581[%dma_start3A_582, %dma_start3A_583] : memref<672x64xf32, #tpu.memory_space<vmem>> -> memref<112x64xf32, #tpu.memory_space<vmem>>
        %dma_start3A_585 = arith.constant 0 : i32
        %dma_start3A_586 = tpu.memref_slice %arg8[%sub3A_528, %dma_start3A_585] : memref<2x672xi32, #tpu.memory_space<vmem>> -> memref<1x672xi32, #tpu.memory_space<vmem>>
        %dma_start3A_587 = tpu.memref_squeeze %dma_start3A_586 : memref<1x672xi32, #tpu.memory_space<vmem>> -> memref<672xi32, #tpu.memory_space<vmem>>
        %dma_start3A_588 = arith.constant 224 : i32
        %dma_start3A_589 = tpu.memref_slice %dma_start3A_587[%dma_start3A_588] : memref<672xi32, #tpu.memory_space<vmem>> -> memref<112xi32, #tpu.memory_space<vmem>>
        %dma_start3A_590 = arith.constant 0 : i32
        %dma_start3A_591 = arith.constant 0 : i32
        %dma_start3A_592 = tpu.memref_slice %arg5[%dma_start3A_590, %dma_start3A_591] : memref<1000000x64xf32, #tpu.memory_space<hbm>> -> memref<1000000x64xf32, #tpu.memory_space<hbm>>
        %dma_start3A_593 = tpu.memref_slice %arg13[%sub3A_528] : memref<2x!tpu.dma_semaphore, #tpu.memory_space<semaphore_mem>> -> memref<1x!tpu.dma_semaphore, #tpu.memory_space<semaphore_mem>>
        %dma_start3A_594 = tpu.memref_squeeze %dma_start3A_593 : memref<1x!tpu.dma_semaphore, #tpu.memory_space<semaphore_mem>> -> memref<!tpu.dma_semaphore, #tpu.memory_space<semaphore_mem>>
        tpu.enqueue_indirect_dma source(%dma_start3A_592 : memref<1000000x64xf32, #tpu.memory_space<hbm>>) target(%dma_start3A_584 : memref<112x64xf32, #tpu.memory_space<vmem>>) offsets(%dma_start3A_589 : memref<112xi32, #tpu.memory_space<vmem>>) semaphore(%dma_start3A_594 : memref<!tpu.dma_semaphore, #tpu.memory_space<semaphore_mem>>)
        %dma_start3A_595 = arith.constant 0 : i32
        %dma_start3A_596 = arith.constant 0 : i32
        %dma_start3A_597 = tpu.memref_slice %arg10[%sub3A_528, %dma_start3A_595, %dma_start3A_596] : memref<2x672x64xf32, #tpu.memory_space<vmem>> -> memref<1x672x64xf32, #tpu.memory_space<vmem>>
        %dma_start3A_598 = tpu.memref_squeeze %dma_start3A_597 : memref<1x672x64xf32, #tpu.memory_space<vmem>> -> memref<672x64xf32, #tpu.memory_space<vmem>>
        %dma_start3A_599 = arith.constant 336 : i32
        %dma_start3A_600 = arith.constant 0 : i32
        %dma_start3A_601 = tpu.memref_slice %dma_start3A_598[%dma_start3A_599, %dma_start3A_600] : memref<672x64xf32, #tpu.memory_space<vmem>> -> memref<112x64xf32, #tpu.memory_space<vmem>>
        %dma_start3A_602 = arith.constant 0 : i32
        %dma_start3A_603 = tpu.memref_slice %arg8[%sub3A_528, %dma_start3A_602] : memref<2x672xi32, #tpu.memory_space<vmem>> -> memref<1x672xi32, #tpu.memory_space<vmem>>
        %dma_start3A_604 = tpu.memref_squeeze %dma_start3A_603 : memref<1x672xi32, #tpu.memory_space<vmem>> -> memref<672xi32, #tpu.memory_space<vmem>>
        %dma_start3A_605 = arith.constant 336 : i32
        %dma_start3A_606 = tpu.memref_slice %dma_start3A_604[%dma_start3A_605] : memref<672xi32, #tpu.memory_space<vmem>> -> memref<112xi32, #tpu.memory_space<vmem>>
        %dma_start3A_607 = arith.constant 0 : i32
        %dma_start3A_608 = arith.constant 0 : i32
        %dma_start3A_609 = tpu.memref_slice %arg5[%dma_start3A_607, %dma_start3A_608] : memref<1000000x64xf32, #tpu.memory_space<hbm>> -> memref<1000000x64xf32, #tpu.memory_space<hbm>>
        %dma_start3A_610 = tpu.memref_slice %arg13[%sub3A_528] : memref<2x!tpu.dma_semaphore, #tpu.memory_space<semaphore_mem>> -> memref<1x!tpu.dma_semaphore, #tpu.memory_space<semaphore_mem>>
        %dma_start3A_611 = tpu.memref_squeeze %dma_start3A_610 : memref<1x!tpu.dma_semaphore, #tpu.memory_space<semaphore_mem>> -> memref<!tpu.dma_semaphore, #tpu.memory_space<semaphore_mem>>
        tpu.enqueue_indirect_dma source(%dma_start3A_609 : memref<1000000x64xf32, #tpu.memory_space<hbm>>) target(%dma_start3A_601 : memref<112x64xf32, #tpu.memory_space<vmem>>) offsets(%dma_start3A_606 : memref<112xi32, #tpu.memory_space<vmem>>) semaphore(%dma_start3A_611 : memref<!tpu.dma_semaphore, #tpu.memory_space<semaphore_mem>>)
        %dma_start3A_612 = arith.constant 0 : i32
        %dma_start3A_613 = arith.constant 0 : i32
        %dma_start3A_614 = tpu.memref_slice %arg10[%sub3A_528, %dma_start3A_612, %dma_start3A_613] : memref<2x672x64xf32, #tpu.memory_space<vmem>> -> memref<1x672x64xf32, #tpu.memory_space<vmem>>
        %dma_start3A_615 = tpu.memref_squeeze %dma_start3A_614 : memref<1x672x64xf32, #tpu.memory_space<vmem>> -> memref<672x64xf32, #tpu.memory_space<vmem>>
        %dma_start3A_616 = arith.constant 448 : i32
        %dma_start3A_617 = arith.constant 0 : i32
        %dma_start3A_618 = tpu.memref_slice %dma_start3A_615[%dma_start3A_616, %dma_start3A_617] : memref<672x64xf32, #tpu.memory_space<vmem>> -> memref<112x64xf32, #tpu.memory_space<vmem>>
        %dma_start3A_619 = arith.constant 0 : i32
        %dma_start3A_620 = tpu.memref_slice %arg8[%sub3A_528, %dma_start3A_619] : memref<2x672xi32, #tpu.memory_space<vmem>> -> memref<1x672xi32, #tpu.memory_space<vmem>>
        %dma_start3A_621 = tpu.memref_squeeze %dma_start3A_620 : memref<1x672xi32, #tpu.memory_space<vmem>> -> memref<672xi32, #tpu.memory_space<vmem>>
        %dma_start3A_622 = arith.constant 448 : i32
        %dma_start3A_623 = tpu.memref_slice %dma_start3A_621[%dma_start3A_622] : memref<672xi32, #tpu.memory_space<vmem>> -> memref<112xi32, #tpu.memory_space<vmem>>
        %dma_start3A_624 = arith.constant 0 : i32
        %dma_start3A_625 = arith.constant 0 : i32
        %dma_start3A_626 = tpu.memref_slice %arg5[%dma_start3A_624, %dma_start3A_625] : memref<1000000x64xf32, #tpu.memory_space<hbm>> -> memref<1000000x64xf32, #tpu.memory_space<hbm>>
        %dma_start3A_627 = tpu.memref_slice %arg13[%sub3A_528] : memref<2x!tpu.dma_semaphore, #tpu.memory_space<semaphore_mem>> -> memref<1x!tpu.dma_semaphore, #tpu.memory_space<semaphore_mem>>
        %dma_start3A_628 = tpu.memref_squeeze %dma_start3A_627 : memref<1x!tpu.dma_semaphore, #tpu.memory_space<semaphore_mem>> -> memref<!tpu.dma_semaphore, #tpu.memory_space<semaphore_mem>>
        tpu.enqueue_indirect_dma source(%dma_start3A_626 : memref<1000000x64xf32, #tpu.memory_space<hbm>>) target(%dma_start3A_618 : memref<112x64xf32, #tpu.memory_space<vmem>>) offsets(%dma_start3A_623 : memref<112xi32, #tpu.memory_space<vmem>>) semaphore(%dma_start3A_628 : memref<!tpu.dma_semaphore, #tpu.memory_space<semaphore_mem>>)
        %dma_start3A_629 = arith.constant 0 : i32
        %dma_start3A_630 = arith.constant 0 : i32
        %dma_start3A_631 = tpu.memref_slice %arg10[%sub3A_528, %dma_start3A_629, %dma_start3A_630] : memref<2x672x64xf32, #tpu.memory_space<vmem>> -> memref<1x672x64xf32, #tpu.memory_space<vmem>>
        %dma_start3A_632 = tpu.memref_squeeze %dma_start3A_631 : memref<1x672x64xf32, #tpu.memory_space<vmem>> -> memref<672x64xf32, #tpu.memory_space<vmem>>
        %dma_start3A_633 = arith.constant 560 : i32
        %dma_start3A_634 = arith.constant 0 : i32
        %dma_start3A_635 = tpu.memref_slice %dma_start3A_632[%dma_start3A_633, %dma_start3A_634] : memref<672x64xf32, #tpu.memory_space<vmem>> -> memref<112x64xf32, #tpu.memory_space<vmem>>
        %dma_start3A_636 = arith.constant 0 : i32
        %dma_start3A_637 = tpu.memref_slice %arg8[%sub3A_528, %dma_start3A_636] : memref<2x672xi32, #tpu.memory_space<vmem>> -> memref<1x672xi32, #tpu.memory_space<vmem>>
        %dma_start3A_638 = tpu.memref_squeeze %dma_start3A_637 : memref<1x672xi32, #tpu.memory_space<vmem>> -> memref<672xi32, #tpu.memory_space<vmem>>
        %dma_start3A_639 = arith.constant 560 : i32
        %dma_start3A_640 = tpu.memref_slice %dma_start3A_638[%dma_start3A_639] : memref<672xi32, #tpu.memory_space<vmem>> -> memref<112xi32, #tpu.memory_space<vmem>>
        %dma_start3A_641 = arith.constant 0 : i32
        %dma_start3A_642 = arith.constant 0 : i32
        %dma_start3A_643 = tpu.memref_slice %arg5[%dma_start3A_641, %dma_start3A_642] : memref<1000000x64xf32, #tpu.memory_space<hbm>> -> memref<1000000x64xf32, #tpu.memory_space<hbm>>
        %dma_start3A_644 = tpu.memref_slice %arg13[%sub3A_528] : memref<2x!tpu.dma_semaphore, #tpu.memory_space<semaphore_mem>> -> memref<1x!tpu.dma_semaphore, #tpu.memory_space<semaphore_mem>>
        %dma_start3A_645 = tpu.memref_squeeze %dma_start3A_644 : memref<1x!tpu.dma_semaphore, #tpu.memory_space<semaphore_mem>> -> memref<!tpu.dma_semaphore, #tpu.memory_space<semaphore_mem>>
        tpu.enqueue_indirect_dma source(%dma_start3A_643 : memref<1000000x64xf32, #tpu.memory_space<hbm>>) target(%dma_start3A_635 : memref<112x64xf32, #tpu.memory_space<vmem>>) offsets(%dma_start3A_640 : memref<112xi32, #tpu.memory_space<vmem>>) semaphore(%dma_start3A_645 : memref<!tpu.dma_semaphore, #tpu.memory_space<semaphore_mem>>)
      } else {
      }
      %mul3A_155 = arith.constant 32 : i32
      %mul3A_156 = arith.muli %scan3A_149, %mul3A_155 : i32
      %dma_wait3A = arith.constant 0 : i32
      %dma_wait3A_157 = arith.constant 0 : i32
      %dma_wait3A_158 = tpu.memref_slice %arg9[%and3A_150, %dma_wait3A, %dma_wait3A_157] : memref<2x32x64xf32, #tpu.memory_space<vmem>> -> memref<1x32x64xf32, #tpu.memory_space<vmem>>
      %dma_wait3A_159 = tpu.memref_squeeze %dma_wait3A_158 : memref<1x32x64xf32, #tpu.memory_space<vmem>> -> memref<32x64xf32, #tpu.memory_space<vmem>>
      %dma_wait3A_160 = tpu.memref_slice %arg7[%mul3A_156] : memref<512xi32, #tpu.memory_space<vmem>> -> memref<32xi32, #tpu.memory_space<vmem>>
      %dma_wait3A_161 = arith.constant 0 : i32
      %dma_wait3A_162 = arith.constant 0 : i32
      %dma_wait3A_163 = tpu.memref_slice %arg4[%dma_wait3A_161, %dma_wait3A_162] : memref<1000000x64xf32, #tpu.memory_space<hbm>> -> memref<1000000x64xf32, #tpu.memory_space<hbm>>
      %dma_wait3A_164 = tpu.memref_slice %arg13[%and3A_150] : memref<2x!tpu.dma_semaphore, #tpu.memory_space<semaphore_mem>> -> memref<1x!tpu.dma_semaphore, #tpu.memory_space<semaphore_mem>>
      %dma_wait3A_165 = tpu.memref_squeeze %dma_wait3A_164 : memref<1x!tpu.dma_semaphore, #tpu.memory_space<semaphore_mem>> -> memref<!tpu.dma_semaphore, #tpu.memory_space<semaphore_mem>>
      tpu.wait_indirect_dma semaphore(%dma_wait3A_165 : memref<!tpu.dma_semaphore, #tpu.memory_space<semaphore_mem>>) src(%dma_wait3A_163 : memref<1000000x64xf32, #tpu.memory_space<hbm>>) dst(%dma_wait3A_159 : memref<32x64xf32, #tpu.memory_space<vmem>>)
      %dma_wait3A_166 = arith.constant 0 : i32
      %dma_wait3A_167 = arith.constant 0 : i32
      %dma_wait3A_168 = tpu.memref_slice %arg10[%and3A_150, %dma_wait3A_166, %dma_wait3A_167] : memref<2x672x64xf32, #tpu.memory_space<vmem>> -> memref<1x672x64xf32, #tpu.memory_space<vmem>>
      %dma_wait3A_169 = tpu.memref_squeeze %dma_wait3A_168 : memref<1x672x64xf32, #tpu.memory_space<vmem>> -> memref<672x64xf32, #tpu.memory_space<vmem>>
      %dma_wait3A_170 = arith.constant 0 : i32
      %dma_wait3A_171 = arith.constant 0 : i32
      %dma_wait3A_172 = tpu.memref_slice %dma_wait3A_169[%dma_wait3A_170, %dma_wait3A_171] : memref<672x64xf32, #tpu.memory_space<vmem>> -> memref<112x64xf32, #tpu.memory_space<vmem>>
      %dma_wait3A_173 = arith.constant 0 : i32
      %dma_wait3A_174 = tpu.memref_slice %arg8[%and3A_150, %dma_wait3A_173] : memref<2x672xi32, #tpu.memory_space<vmem>> -> memref<1x672xi32, #tpu.memory_space<vmem>>
      %dma_wait3A_175 = tpu.memref_squeeze %dma_wait3A_174 : memref<1x672xi32, #tpu.memory_space<vmem>> -> memref<672xi32, #tpu.memory_space<vmem>>
      %dma_wait3A_176 = arith.constant 0 : i32
      %dma_wait3A_177 = tpu.memref_slice %dma_wait3A_175[%dma_wait3A_176] : memref<672xi32, #tpu.memory_space<vmem>> -> memref<112xi32, #tpu.memory_space<vmem>>
      %dma_wait3A_178 = arith.constant 0 : i32
      %dma_wait3A_179 = arith.constant 0 : i32
      %dma_wait3A_180 = tpu.memref_slice %arg5[%dma_wait3A_178, %dma_wait3A_179] : memref<1000000x64xf32, #tpu.memory_space<hbm>> -> memref<1000000x64xf32, #tpu.memory_space<hbm>>
      %dma_wait3A_181 = tpu.memref_slice %arg13[%and3A_150] : memref<2x!tpu.dma_semaphore, #tpu.memory_space<semaphore_mem>> -> memref<1x!tpu.dma_semaphore, #tpu.memory_space<semaphore_mem>>
      %dma_wait3A_182 = tpu.memref_squeeze %dma_wait3A_181 : memref<1x!tpu.dma_semaphore, #tpu.memory_space<semaphore_mem>> -> memref<!tpu.dma_semaphore, #tpu.memory_space<semaphore_mem>>
      tpu.wait_indirect_dma semaphore(%dma_wait3A_182 : memref<!tpu.dma_semaphore, #tpu.memory_space<semaphore_mem>>) src(%dma_wait3A_180 : memref<1000000x64xf32, #tpu.memory_space<hbm>>) dst(%dma_wait3A_172 : memref<112x64xf32, #tpu.memory_space<vmem>>)
      %dma_wait3A_183 = arith.constant 0 : i32
      %dma_wait3A_184 = arith.constant 0 : i32
      %dma_wait3A_185 = tpu.memref_slice %arg10[%and3A_150, %dma_wait3A_183, %dma_wait3A_184] : memref<2x672x64xf32, #tpu.memory_space<vmem>> -> memref<1x672x64xf32, #tpu.memory_space<vmem>>
      %dma_wait3A_186 = tpu.memref_squeeze %dma_wait3A_185 : memref<1x672x64xf32, #tpu.memory_space<vmem>> -> memref<672x64xf32, #tpu.memory_space<vmem>>
      %dma_wait3A_187 = arith.constant 112 : i32
      %dma_wait3A_188 = arith.constant 0 : i32
      %dma_wait3A_189 = tpu.memref_slice %dma_wait3A_186[%dma_wait3A_187, %dma_wait3A_188] : memref<672x64xf32, #tpu.memory_space<vmem>> -> memref<112x64xf32, #tpu.memory_space<vmem>>
      %dma_wait3A_190 = arith.constant 0 : i32
      %dma_wait3A_191 = tpu.memref_slice %arg8[%and3A_150, %dma_wait3A_190] : memref<2x672xi32, #tpu.memory_space<vmem>> -> memref<1x672xi32, #tpu.memory_space<vmem>>
      %dma_wait3A_192 = tpu.memref_squeeze %dma_wait3A_191 : memref<1x672xi32, #tpu.memory_space<vmem>> -> memref<672xi32, #tpu.memory_space<vmem>>
      %dma_wait3A_193 = arith.constant 112 : i32
      %dma_wait3A_194 = tpu.memref_slice %dma_wait3A_192[%dma_wait3A_193] : memref<672xi32, #tpu.memory_space<vmem>> -> memref<112xi32, #tpu.memory_space<vmem>>
      %dma_wait3A_195 = arith.constant 0 : i32
      %dma_wait3A_196 = arith.constant 0 : i32
      %dma_wait3A_197 = tpu.memref_slice %arg5[%dma_wait3A_195, %dma_wait3A_196] : memref<1000000x64xf32, #tpu.memory_space<hbm>> -> memref<1000000x64xf32, #tpu.memory_space<hbm>>
      %dma_wait3A_198 = tpu.memref_slice %arg13[%and3A_150] : memref<2x!tpu.dma_semaphore, #tpu.memory_space<semaphore_mem>> -> memref<1x!tpu.dma_semaphore, #tpu.memory_space<semaphore_mem>>
      %dma_wait3A_199 = tpu.memref_squeeze %dma_wait3A_198 : memref<1x!tpu.dma_semaphore, #tpu.memory_space<semaphore_mem>> -> memref<!tpu.dma_semaphore, #tpu.memory_space<semaphore_mem>>
      tpu.wait_indirect_dma semaphore(%dma_wait3A_199 : memref<!tpu.dma_semaphore, #tpu.memory_space<semaphore_mem>>) src(%dma_wait3A_197 : memref<1000000x64xf32, #tpu.memory_space<hbm>>) dst(%dma_wait3A_189 : memref<112x64xf32, #tpu.memory_space<vmem>>)
      %dma_wait3A_200 = arith.constant 0 : i32
      %dma_wait3A_201 = arith.constant 0 : i32
      %dma_wait3A_202 = tpu.memref_slice %arg10[%and3A_150, %dma_wait3A_200, %dma_wait3A_201] : memref<2x672x64xf32, #tpu.memory_space<vmem>> -> memref<1x672x64xf32, #tpu.memory_space<vmem>>
      %dma_wait3A_203 = tpu.memref_squeeze %dma_wait3A_202 : memref<1x672x64xf32, #tpu.memory_space<vmem>> -> memref<672x64xf32, #tpu.memory_space<vmem>>
      %dma_wait3A_204 = arith.constant 224 : i32
      %dma_wait3A_205 = arith.constant 0 : i32
      %dma_wait3A_206 = tpu.memref_slice %dma_wait3A_203[%dma_wait3A_204, %dma_wait3A_205] : memref<672x64xf32, #tpu.memory_space<vmem>> -> memref<112x64xf32, #tpu.memory_space<vmem>>
      %dma_wait3A_207 = arith.constant 0 : i32
      %dma_wait3A_208 = tpu.memref_slice %arg8[%and3A_150, %dma_wait3A_207] : memref<2x672xi32, #tpu.memory_space<vmem>> -> memref<1x672xi32, #tpu.memory_space<vmem>>
      %dma_wait3A_209 = tpu.memref_squeeze %dma_wait3A_208 : memref<1x672xi32, #tpu.memory_space<vmem>> -> memref<672xi32, #tpu.memory_space<vmem>>
      %dma_wait3A_210 = arith.constant 224 : i32
      %dma_wait3A_211 = tpu.memref_slice %dma_wait3A_209[%dma_wait3A_210] : memref<672xi32, #tpu.memory_space<vmem>> -> memref<112xi32, #tpu.memory_space<vmem>>
      %dma_wait3A_212 = arith.constant 0 : i32
      %dma_wait3A_213 = arith.constant 0 : i32
      %dma_wait3A_214 = tpu.memref_slice %arg5[%dma_wait3A_212, %dma_wait3A_213] : memref<1000000x64xf32, #tpu.memory_space<hbm>> -> memref<1000000x64xf32, #tpu.memory_space<hbm>>
      %dma_wait3A_215 = tpu.memref_slice %arg13[%and3A_150] : memref<2x!tpu.dma_semaphore, #tpu.memory_space<semaphore_mem>> -> memref<1x!tpu.dma_semaphore, #tpu.memory_space<semaphore_mem>>
      %dma_wait3A_216 = tpu.memref_squeeze %dma_wait3A_215 : memref<1x!tpu.dma_semaphore, #tpu.memory_space<semaphore_mem>> -> memref<!tpu.dma_semaphore, #tpu.memory_space<semaphore_mem>>
      tpu.wait_indirect_dma semaphore(%dma_wait3A_216 : memref<!tpu.dma_semaphore, #tpu.memory_space<semaphore_mem>>) src(%dma_wait3A_214 : memref<1000000x64xf32, #tpu.memory_space<hbm>>) dst(%dma_wait3A_206 : memref<112x64xf32, #tpu.memory_space<vmem>>)
      %dma_wait3A_217 = arith.constant 0 : i32
      %dma_wait3A_218 = arith.constant 0 : i32
      %dma_wait3A_219 = tpu.memref_slice %arg10[%and3A_150, %dma_wait3A_217, %dma_wait3A_218] : memref<2x672x64xf32, #tpu.memory_space<vmem>> -> memref<1x672x64xf32, #tpu.memory_space<vmem>>
      %dma_wait3A_220 = tpu.memref_squeeze %dma_wait3A_219 : memref<1x672x64xf32, #tpu.memory_space<vmem>> -> memref<672x64xf32, #tpu.memory_space<vmem>>
      %dma_wait3A_221 = arith.constant 336 : i32
      %dma_wait3A_222 = arith.constant 0 : i32
      %dma_wait3A_223 = tpu.memref_slice %dma_wait3A_220[%dma_wait3A_221, %dma_wait3A_222] : memref<672x64xf32, #tpu.memory_space<vmem>> -> memref<112x64xf32, #tpu.memory_space<vmem>>
      %dma_wait3A_224 = arith.constant 0 : i32
      %dma_wait3A_225 = tpu.memref_slice %arg8[%and3A_150, %dma_wait3A_224] : memref<2x672xi32, #tpu.memory_space<vmem>> -> memref<1x672xi32, #tpu.memory_space<vmem>>
      %dma_wait3A_226 = tpu.memref_squeeze %dma_wait3A_225 : memref<1x672xi32, #tpu.memory_space<vmem>> -> memref<672xi32, #tpu.memory_space<vmem>>
      %dma_wait3A_227 = arith.constant 336 : i32
      %dma_wait3A_228 = tpu.memref_slice %dma_wait3A_226[%dma_wait3A_227] : memref<672xi32, #tpu.memory_space<vmem>> -> memref<112xi32, #tpu.memory_space<vmem>>
      %dma_wait3A_229 = arith.constant 0 : i32
      %dma_wait3A_230 = arith.constant 0 : i32
      %dma_wait3A_231 = tpu.memref_slice %arg5[%dma_wait3A_229, %dma_wait3A_230] : memref<1000000x64xf32, #tpu.memory_space<hbm>> -> memref<1000000x64xf32, #tpu.memory_space<hbm>>
      %dma_wait3A_232 = tpu.memref_slice %arg13[%and3A_150] : memref<2x!tpu.dma_semaphore, #tpu.memory_space<semaphore_mem>> -> memref<1x!tpu.dma_semaphore, #tpu.memory_space<semaphore_mem>>
      %dma_wait3A_233 = tpu.memref_squeeze %dma_wait3A_232 : memref<1x!tpu.dma_semaphore, #tpu.memory_space<semaphore_mem>> -> memref<!tpu.dma_semaphore, #tpu.memory_space<semaphore_mem>>
      tpu.wait_indirect_dma semaphore(%dma_wait3A_233 : memref<!tpu.dma_semaphore, #tpu.memory_space<semaphore_mem>>) src(%dma_wait3A_231 : memref<1000000x64xf32, #tpu.memory_space<hbm>>) dst(%dma_wait3A_223 : memref<112x64xf32, #tpu.memory_space<vmem>>)
      %dma_wait3A_234 = arith.constant 0 : i32
      %dma_wait3A_235 = arith.constant 0 : i32
      %dma_wait3A_236 = tpu.memref_slice %arg10[%and3A_150, %dma_wait3A_234, %dma_wait3A_235] : memref<2x672x64xf32, #tpu.memory_space<vmem>> -> memref<1x672x64xf32, #tpu.memory_space<vmem>>
      %dma_wait3A_237 = tpu.memref_squeeze %dma_wait3A_236 : memref<1x672x64xf32, #tpu.memory_space<vmem>> -> memref<672x64xf32, #tpu.memory_space<vmem>>
      %dma_wait3A_238 = arith.constant 448 : i32
      %dma_wait3A_239 = arith.constant 0 : i32
      %dma_wait3A_240 = tpu.memref_slice %dma_wait3A_237[%dma_wait3A_238, %dma_wait3A_239] : memref<672x64xf32, #tpu.memory_space<vmem>> -> memref<112x64xf32, #tpu.memory_space<vmem>>
      %dma_wait3A_241 = arith.constant 0 : i32
      %dma_wait3A_242 = tpu.memref_slice %arg8[%and3A_150, %dma_wait3A_241] : memref<2x672xi32, #tpu.memory_space<vmem>> -> memref<1x672xi32, #tpu.memory_space<vmem>>
      %dma_wait3A_243 = tpu.memref_squeeze %dma_wait3A_242 : memref<1x672xi32, #tpu.memory_space<vmem>> -> memref<672xi32, #tpu.memory_space<vmem>>
      %dma_wait3A_244 = arith.constant 448 : i32
      %dma_wait3A_245 = tpu.memref_slice %dma_wait3A_243[%dma_wait3A_244] : memref<672xi32, #tpu.memory_space<vmem>> -> memref<112xi32, #tpu.memory_space<vmem>>
      %dma_wait3A_246 = arith.constant 0 : i32
      %dma_wait3A_247 = arith.constant 0 : i32
      %dma_wait3A_248 = tpu.memref_slice %arg5[%dma_wait3A_246, %dma_wait3A_247] : memref<1000000x64xf32, #tpu.memory_space<hbm>> -> memref<1000000x64xf32, #tpu.memory_space<hbm>>
      %dma_wait3A_249 = tpu.memref_slice %arg13[%and3A_150] : memref<2x!tpu.dma_semaphore, #tpu.memory_space<semaphore_mem>> -> memref<1x!tpu.dma_semaphore, #tpu.memory_space<semaphore_mem>>
      %dma_wait3A_250 = tpu.memref_squeeze %dma_wait3A_249 : memref<1x!tpu.dma_semaphore, #tpu.memory_space<semaphore_mem>> -> memref<!tpu.dma_semaphore, #tpu.memory_space<semaphore_mem>>
      tpu.wait_indirect_dma semaphore(%dma_wait3A_250 : memref<!tpu.dma_semaphore, #tpu.memory_space<semaphore_mem>>) src(%dma_wait3A_248 : memref<1000000x64xf32, #tpu.memory_space<hbm>>) dst(%dma_wait3A_240 : memref<112x64xf32, #tpu.memory_space<vmem>>)
      %dma_wait3A_251 = arith.constant 0 : i32
      %dma_wait3A_252 = arith.constant 0 : i32
      %dma_wait3A_253 = tpu.memref_slice %arg10[%and3A_150, %dma_wait3A_251, %dma_wait3A_252] : memref<2x672x64xf32, #tpu.memory_space<vmem>> -> memref<1x672x64xf32, #tpu.memory_space<vmem>>
      %dma_wait3A_254 = tpu.memref_squeeze %dma_wait3A_253 : memref<1x672x64xf32, #tpu.memory_space<vmem>> -> memref<672x64xf32, #tpu.memory_space<vmem>>
      %dma_wait3A_255 = arith.constant 560 : i32
      %dma_wait3A_256 = arith.constant 0 : i32
      %dma_wait3A_257 = tpu.memref_slice %dma_wait3A_254[%dma_wait3A_255, %dma_wait3A_256] : memref<672x64xf32, #tpu.memory_space<vmem>> -> memref<112x64xf32, #tpu.memory_space<vmem>>
      %dma_wait3A_258 = arith.constant 0 : i32
      %dma_wait3A_259 = tpu.memref_slice %arg8[%and3A_150, %dma_wait3A_258] : memref<2x672xi32, #tpu.memory_space<vmem>> -> memref<1x672xi32, #tpu.memory_space<vmem>>
      %dma_wait3A_260 = tpu.memref_squeeze %dma_wait3A_259 : memref<1x672xi32, #tpu.memory_space<vmem>> -> memref<672xi32, #tpu.memory_space<vmem>>
      %dma_wait3A_261 = arith.constant 560 : i32
      %dma_wait3A_262 = tpu.memref_slice %dma_wait3A_260[%dma_wait3A_261] : memref<672xi32, #tpu.memory_space<vmem>> -> memref<112xi32, #tpu.memory_space<vmem>>
      %dma_wait3A_263 = arith.constant 0 : i32
      %dma_wait3A_264 = arith.constant 0 : i32
      %dma_wait3A_265 = tpu.memref_slice %arg5[%dma_wait3A_263, %dma_wait3A_264] : memref<1000000x64xf32, #tpu.memory_space<hbm>> -> memref<1000000x64xf32, #tpu.memory_space<hbm>>
      %dma_wait3A_266 = tpu.memref_slice %arg13[%and3A_150] : memref<2x!tpu.dma_semaphore, #tpu.memory_space<semaphore_mem>> -> memref<1x!tpu.dma_semaphore, #tpu.memory_space<semaphore_mem>>
      %dma_wait3A_267 = tpu.memref_squeeze %dma_wait3A_266 : memref<1x!tpu.dma_semaphore, #tpu.memory_space<semaphore_mem>> -> memref<!tpu.dma_semaphore, #tpu.memory_space<semaphore_mem>>
      tpu.wait_indirect_dma semaphore(%dma_wait3A_267 : memref<!tpu.dma_semaphore, #tpu.memory_space<semaphore_mem>>) src(%dma_wait3A_265 : memref<1000000x64xf32, #tpu.memory_space<hbm>>) dst(%dma_wait3A_257 : memref<112x64xf32, #tpu.memory_space<vmem>>)
      %scan3A_268 = arith.constant 0 : i32
      %scan3A_269 = arith.constant 0 : i32
      %scan3A_270 = arith.constant 32 : i32
      %scan3A_271 = arith.addi %scan3A_269, %scan3A_270 : i32
      %scan3A_272 = arith.constant 4 : i32
      scf.for %scan3A_526 = %scan3A_269 to %scan3A_271 step %scan3A_272  : i32 {
        %get3A = arith.constant 0 : i32
        %get3A_527 = arith.constant 0 : i32
        %get3A_528 = tpu.memref_slice %arg9[%and3A_150, %get3A, %get3A_527] : memref<2x32x64xf32, #tpu.memory_space<vmem>> -> memref<1x32x64xf32, #tpu.memory_space<vmem>>
        %get3A_529 = tpu.memref_squeeze %get3A_528 : memref<1x32x64xf32, #tpu.memory_space<vmem>> -> memref<32x64xf32, #tpu.memory_space<vmem>>
        %get3A_530 = arith.index_cast %scan3A_526 : i32 to index
        %get3A_531 = arith.constant 0 : index
        %get3A_532 = tpu.vector_load %get3A_529[%get3A_530, %get3A_531] {strides = array<i32>} : memref<32x64xf32, #tpu.memory_space<vmem>>, vector<16xf32>,
        %get3A_533 = arith.constant 0 : i32
        %get3A_534 = arith.constant 0 : i32
        %get3A_535 = tpu.memref_slice %arg10[%and3A_150, %get3A_533, %get3A_534] : memref<2x672x64xf32, #tpu.memory_space<vmem>> -> memref<1x672x64xf32, #tpu.memory_space<vmem>>
        %get3A_536 = tpu.memref_squeeze %get3A_535 : memref<1x672x64xf32, #tpu.memory_space<vmem>> -> memref<672x64xf32, #tpu.memory_space<vmem>>
        %get3A_537 = arith.index_cast %scan3A_526 : i32 to index
        %get3A_538 = arith.constant 0 : index
        %get3A_539 = tpu.vector_load %get3A_536[%get3A_537, %get3A_538] {strides = array<i32>} : memref<672x64xf32, #tpu.memory_space<vmem>>, vector<16xf32>,
        %mul3A_540 = arith.mulf %get3A_532, %get3A_539 : vector<16xf32>
        %get3A_541 = arith.constant 0 : i32
        %get3A_542 = arith.constant 0 : i32
        %get3A_543 = tpu.memref_slice %arg9[%and3A_150, %get3A_541, %get3A_542] : memref<2x32x64xf32, #tpu.memory_space<vmem>> -> memref<1x32x64xf32, #tpu.memory_space<vmem>>
        %get3A_544 = tpu.memref_squeeze %get3A_543 : memref<1x32x64xf32, #tpu.memory_space<vmem>> -> memref<32x64xf32, #tpu.memory_space<vmem>>
        %get3A_545 = arith.index_cast %scan3A_526 : i32 to index
        %get3A_546 = arith.constant 16 : index
        %get3A_547 = tpu.vector_load %get3A_544[%get3A_545, %get3A_546] {strides = array<i32>} : memref<32x64xf32, #tpu.memory_space<vmem>>, vector<16xf32>,
        %get3A_548 = arith.constant 0 : i32
        %get3A_549 = arith.constant 0 : i32
        %get3A_550 = tpu.memref_slice %arg10[%and3A_150, %get3A_548, %get3A_549] : memref<2x672x64xf32, #tpu.memory_space<vmem>> -> memref<1x672x64xf32, #tpu.memory_space<vmem>>
        %get3A_551 = tpu.memref_squeeze %get3A_550 : memref<1x672x64xf32, #tpu.memory_space<vmem>> -> memref<672x64xf32, #tpu.memory_space<vmem>>
        %get3A_552 = arith.index_cast %scan3A_526 : i32 to index
        %get3A_553 = arith.constant 16 : index
        %get3A_554 = tpu.vector_load %get3A_551[%get3A_552, %get3A_553] {strides = array<i32>} : memref<672x64xf32, #tpu.memory_space<vmem>>, vector<16xf32>,
        %mul3A_555 = arith.mulf %get3A_547, %get3A_554 : vector<16xf32>
        %add3A_556 = arith.addf %mul3A_540, %mul3A_555 : vector<16xf32>
        %get3A_557 = arith.constant 0 : i32
        %get3A_558 = arith.constant 0 : i32
        %get3A_559 = tpu.memref_slice %arg9[%and3A_150, %get3A_557, %get3A_558] : memref<2x32x64xf32, #tpu.memory_space<vmem>> -> memref<1x32x64xf32, #tpu.memory_space<vmem>>
        %get3A_560 = tpu.memref_squeeze %get3A_559 : memref<1x32x64xf32, #tpu.memory_space<vmem>> -> memref<32x64xf32, #tpu.memory_space<vmem>>
        %get3A_561 = arith.index_cast %scan3A_526 : i32 to index
        %get3A_562 = arith.constant 32 : index
        %get3A_563 = tpu.vector_load %get3A_560[%get3A_561, %get3A_562] {strides = array<i32>} : memref<32x64xf32, #tpu.memory_space<vmem>>, vector<16xf32>,
        %get3A_564 = arith.constant 0 : i32
        %get3A_565 = arith.constant 0 : i32
        %get3A_566 = tpu.memref_slice %arg10[%and3A_150, %get3A_564, %get3A_565] : memref<2x672x64xf32, #tpu.memory_space<vmem>> -> memref<1x672x64xf32, #tpu.memory_space<vmem>>
        %get3A_567 = tpu.memref_squeeze %get3A_566 : memref<1x672x64xf32, #tpu.memory_space<vmem>> -> memref<672x64xf32, #tpu.memory_space<vmem>>
        %get3A_568 = arith.index_cast %scan3A_526 : i32 to index
        %get3A_569 = arith.constant 32 : index
        %get3A_570 = tpu.vector_load %get3A_567[%get3A_568, %get3A_569] {strides = array<i32>} : memref<672x64xf32, #tpu.memory_space<vmem>>, vector<16xf32>,
        %mul3A_571 = arith.mulf %get3A_563, %get3A_570 : vector<16xf32>
        %add3A_572 = arith.addf %add3A_556, %mul3A_571 : vector<16xf32>
        %get3A_573 = arith.constant 0 : i32
        %get3A_574 = arith.constant 0 : i32
        %get3A_575 = tpu.memref_slice %arg9[%and3A_150, %get3A_573, %get3A_574] : memref<2x32x64xf32, #tpu.memory_space<vmem>> -> memref<1x32x64xf32, #tpu.memory_space<vmem>>
        %get3A_576 = tpu.memref_squeeze %get3A_575 : memref<1x32x64xf32, #tpu.memory_space<vmem>> -> memref<32x64xf32, #tpu.memory_space<vmem>>
        %get3A_577 = arith.index_cast %scan3A_526 : i32 to index
        %get3A_578 = arith.constant 48 : index
        %get3A_579 = tpu.vector_load %get3A_576[%get3A_577, %get3A_578] {strides = array<i32>} : memref<32x64xf32, #tpu.memory_space<vmem>>, vector<16xf32>,
        %get3A_580 = arith.constant 0 : i32
        %get3A_581 = arith.constant 0 : i32
        %get3A_582 = tpu.memref_slice %arg10[%and3A_150, %get3A_580, %get3A_581] : memref<2x672x64xf32, #tpu.memory_space<vmem>> -> memref<1x672x64xf32, #tpu.memory_space<vmem>>
        %get3A_583 = tpu.memref_squeeze %get3A_582 : memref<1x672x64xf32, #tpu.memory_space<vmem>> -> memref<672x64xf32, #tpu.memory_space<vmem>>
        %get3A_584 = arith.index_cast %scan3A_526 : i32 to index
        %get3A_585 = arith.constant 48 : index
        %get3A_586 = tpu.vector_load %get3A_583[%get3A_584, %get3A_585] {strides = array<i32>} : memref<672x64xf32, #tpu.memory_space<vmem>>, vector<16xf32>,
        %mul3A_587 = arith.mulf %get3A_579, %get3A_586 : vector<16xf32>
        %add3A_588 = arith.addf %add3A_572, %mul3A_587 : vector<16xf32>
        %mul3A_589 = arith.constant 16 : i32
        %mul3A_590 = arith.muli %scan3A_526, %mul3A_589 : i32
        %swap3A_591 = arith.index_cast %mul3A_590 : i32 to index
        %swap3A_592 = tpu.vector_load %arg11[%swap3A_591] {strides = array<i32>} : memref<10752xf32, #tpu.memory_space<vmem>>, vector<16xf32>,
        tpu.vector_store %arg11[%swap3A_591], %add3A_588 {strides = array<i32>} : memref<10752xf32, #tpu.memory_space<vmem>>, vector<16xf32>,
        %scan3A_593 = arith.constant 1 : i32
        %scan3A_594 = arith.addi %scan3A_526, %scan3A_593 : i32
        %get3A_595 = arith.constant 0 : i32
        %get3A_596 = arith.constant 0 : i32
        %get3A_597 = tpu.memref_slice %arg9[%and3A_150, %get3A_595, %get3A_596] : memref<2x32x64xf32, #tpu.memory_space<vmem>> -> memref<1x32x64xf32, #tpu.memory_space<vmem>>
        %get3A_598 = tpu.memref_squeeze %get3A_597 : memref<1x32x64xf32, #tpu.memory_space<vmem>> -> memref<32x64xf32, #tpu.memory_space<vmem>>
        %get3A_599 = arith.index_cast %scan3A_594 : i32 to index
        %get3A_600 = arith.constant 0 : index
        %get3A_601 = tpu.vector_load %get3A_598[%get3A_599, %get3A_600] {strides = array<i32>} : memref<32x64xf32, #tpu.memory_space<vmem>>, vector<16xf32>,
        %get3A_602 = arith.constant 0 : i32
        %get3A_603 = arith.constant 0 : i32
        %get3A_604 = tpu.memref_slice %arg10[%and3A_150, %get3A_602, %get3A_603] : memref<2x672x64xf32, #tpu.memory_space<vmem>> -> memref<1x672x64xf32, #tpu.memory_space<vmem>>
        %get3A_605 = tpu.memref_squeeze %get3A_604 : memref<1x672x64xf32, #tpu.memory_space<vmem>> -> memref<672x64xf32, #tpu.memory_space<vmem>>
        %get3A_606 = arith.index_cast %scan3A_594 : i32 to index
        %get3A_607 = arith.constant 0 : index
        %get3A_608 = tpu.vector_load %get3A_605[%get3A_606, %get3A_607] {strides = array<i32>} : memref<672x64xf32, #tpu.memory_space<vmem>>, vector<16xf32>,
        %mul3A_609 = arith.mulf %get3A_601, %get3A_608 : vector<16xf32>
        %get3A_610 = arith.constant 0 : i32
        %get3A_611 = arith.constant 0 : i32
        %get3A_612 = tpu.memref_slice %arg9[%and3A_150, %get3A_610, %get3A_611] : memref<2x32x64xf32, #tpu.memory_space<vmem>> -> memref<1x32x64xf32, #tpu.memory_space<vmem>>
        %get3A_613 = tpu.memref_squeeze %get3A_612 : memref<1x32x64xf32, #tpu.memory_space<vmem>> -> memref<32x64xf32, #tpu.memory_space<vmem>>
        %get3A_614 = arith.index_cast %scan3A_594 : i32 to index
        %get3A_615 = arith.constant 16 : index
        %get3A_616 = tpu.vector_load %get3A_613[%get3A_614, %get3A_615] {strides = array<i32>} : memref<32x64xf32, #tpu.memory_space<vmem>>, vector<16xf32>,
        %get3A_617 = arith.constant 0 : i32
        %get3A_618 = arith.constant 0 : i32
        %get3A_619 = tpu.memref_slice %arg10[%and3A_150, %get3A_617, %get3A_618] : memref<2x672x64xf32, #tpu.memory_space<vmem>> -> memref<1x672x64xf32, #tpu.memory_space<vmem>>
        %get3A_620 = tpu.memref_squeeze %get3A_619 : memref<1x672x64xf32, #tpu.memory_space<vmem>> -> memref<672x64xf32, #tpu.memory_space<vmem>>
        %get3A_621 = arith.index_cast %scan3A_594 : i32 to index
        %get3A_622 = arith.constant 16 : index
        %get3A_623 = tpu.vector_load %get3A_620[%get3A_621, %get3A_622] {strides = array<i32>} : memref<672x64xf32, #tpu.memory_space<vmem>>, vector<16xf32>,
        %mul3A_624 = arith.mulf %get3A_616, %get3A_623 : vector<16xf32>
        %add3A_625 = arith.addf %mul3A_609, %mul3A_624 : vector<16xf32>
        %get3A_626 = arith.constant 0 : i32
        %get3A_627 = arith.constant 0 : i32
        %get3A_628 = tpu.memref_slice %arg9[%and3A_150, %get3A_626, %get3A_627] : memref<2x32x64xf32, #tpu.memory_space<vmem>> -> memref<1x32x64xf32, #tpu.memory_space<vmem>>
        %get3A_629 = tpu.memref_squeeze %get3A_628 : memref<1x32x64xf32, #tpu.memory_space<vmem>> -> memref<32x64xf32, #tpu.memory_space<vmem>>
        %get3A_630 = arith.index_cast %scan3A_594 : i32 to index
        %get3A_631 = arith.constant 32 : index
        %get3A_632 = tpu.vector_load %get3A_629[%get3A_630, %get3A_631] {strides = array<i32>} : memref<32x64xf32, #tpu.memory_space<vmem>>, vector<16xf32>,
        %get3A_633 = arith.constant 0 : i32
        %get3A_634 = arith.constant 0 : i32
        %get3A_635 = tpu.memref_slice %arg10[%and3A_150, %get3A_633, %get3A_634] : memref<2x672x64xf32, #tpu.memory_space<vmem>> -> memref<1x672x64xf32, #tpu.memory_space<vmem>>
        %get3A_636 = tpu.memref_squeeze %get3A_635 : memref<1x672x64xf32, #tpu.memory_space<vmem>> -> memref<672x64xf32, #tpu.memory_space<vmem>>
        %get3A_637 = arith.index_cast %scan3A_594 : i32 to index
        %get3A_638 = arith.constant 32 : index
        %get3A_639 = tpu.vector_load %get3A_636[%get3A_637, %get3A_638] {strides = array<i32>} : memref<672x64xf32, #tpu.memory_space<vmem>>, vector<16xf32>,
        %mul3A_640 = arith.mulf %get3A_632, %get3A_639 : vector<16xf32>
        %add3A_641 = arith.addf %add3A_625, %mul3A_640 : vector<16xf32>
        %get3A_642 = arith.constant 0 : i32
        %get3A_643 = arith.constant 0 : i32
        %get3A_644 = tpu.memref_slice %arg9[%and3A_150, %get3A_642, %get3A_643] : memref<2x32x64xf32, #tpu.memory_space<vmem>> -> memref<1x32x64xf32, #tpu.memory_space<vmem>>
        %get3A_645 = tpu.memref_squeeze %get3A_644 : memref<1x32x64xf32, #tpu.memory_space<vmem>> -> memref<32x64xf32, #tpu.memory_space<vmem>>
        %get3A_646 = arith.index_cast %scan3A_594 : i32 to index
        %get3A_647 = arith.constant 48 : index
        %get3A_648 = tpu.vector_load %get3A_645[%get3A_646, %get3A_647] {strides = array<i32>} : memref<32x64xf32, #tpu.memory_space<vmem>>, vector<16xf32>,
        %get3A_649 = arith.constant 0 : i32
        %get3A_650 = arith.constant 0 : i32
        %get3A_651 = tpu.memref_slice %arg10[%and3A_150, %get3A_649, %get3A_650] : memref<2x672x64xf32, #tpu.memory_space<vmem>> -> memref<1x672x64xf32, #tpu.memory_space<vmem>>
        %get3A_652 = tpu.memref_squeeze %get3A_651 : memref<1x672x64xf32, #tpu.memory_space<vmem>> -> memref<672x64xf32, #tpu.memory_space<vmem>>
        %get3A_653 = arith.index_cast %scan3A_594 : i32 to index
        %get3A_654 = arith.constant 48 : index
        %get3A_655 = tpu.vector_load %get3A_652[%get3A_653, %get3A_654] {strides = array<i32>} : memref<672x64xf32, #tpu.memory_space<vmem>>, vector<16xf32>,
        %mul3A_656 = arith.mulf %get3A_648, %get3A_655 : vector<16xf32>
        %add3A_657 = arith.addf %add3A_641, %mul3A_656 : vector<16xf32>
        %mul3A_658 = arith.constant 16 : i32
        %mul3A_659 = arith.muli %scan3A_594, %mul3A_658 : i32
        %swap3A_660 = arith.index_cast %mul3A_659 : i32 to index
        %swap3A_661 = tpu.vector_load %arg11[%swap3A_660] {strides = array<i32>} : memref<10752xf32, #tpu.memory_space<vmem>>, vector<16xf32>,
        tpu.vector_store %arg11[%swap3A_660], %add3A_657 {strides = array<i32>} : memref<10752xf32, #tpu.memory_space<vmem>>, vector<16xf32>,
        %scan3A_662 = arith.constant 2 : i32
        %scan3A_663 = arith.addi %scan3A_526, %scan3A_662 : i32
        %get3A_664 = arith.constant 0 : i32
        %get3A_665 = arith.constant 0 : i32
        %get3A_666 = tpu.memref_slice %arg9[%and3A_150, %get3A_664, %get3A_665] : memref<2x32x64xf32, #tpu.memory_space<vmem>> -> memref<1x32x64xf32, #tpu.memory_space<vmem>>
        %get3A_667 = tpu.memref_squeeze %get3A_666 : memref<1x32x64xf32, #tpu.memory_space<vmem>> -> memref<32x64xf32, #tpu.memory_space<vmem>>
        %get3A_668 = arith.index_cast %scan3A_663 : i32 to index
        %get3A_669 = arith.constant 0 : index
        %get3A_670 = tpu.vector_load %get3A_667[%get3A_668, %get3A_669] {strides = array<i32>} : memref<32x64xf32, #tpu.memory_space<vmem>>, vector<16xf32>,
        %get3A_671 = arith.constant 0 : i32
        %get3A_672 = arith.constant 0 : i32
        %get3A_673 = tpu.memref_slice %arg10[%and3A_150, %get3A_671, %get3A_672] : memref<2x672x64xf32, #tpu.memory_space<vmem>> -> memref<1x672x64xf32, #tpu.memory_space<vmem>>
        %get3A_674 = tpu.memref_squeeze %get3A_673 : memref<1x672x64xf32, #tpu.memory_space<vmem>> -> memref<672x64xf32, #tpu.memory_space<vmem>>
        %get3A_675 = arith.index_cast %scan3A_663 : i32 to index
        %get3A_676 = arith.constant 0 : index
        %get3A_677 = tpu.vector_load %get3A_674[%get3A_675, %get3A_676] {strides = array<i32>} : memref<672x64xf32, #tpu.memory_space<vmem>>, vector<16xf32>,
        %mul3A_678 = arith.mulf %get3A_670, %get3A_677 : vector<16xf32>
        %get3A_679 = arith.constant 0 : i32
        %get3A_680 = arith.constant 0 : i32
        %get3A_681 = tpu.memref_slice %arg9[%and3A_150, %get3A_679, %get3A_680] : memref<2x32x64xf32, #tpu.memory_space<vmem>> -> memref<1x32x64xf32, #tpu.memory_space<vmem>>
        %get3A_682 = tpu.memref_squeeze %get3A_681 : memref<1x32x64xf32, #tpu.memory_space<vmem>> -> memref<32x64xf32, #tpu.memory_space<vmem>>
        %get3A_683 = arith.index_cast %scan3A_663 : i32 to index
        %get3A_684 = arith.constant 16 : index
        %get3A_685 = tpu.vector_load %get3A_682[%get3A_683, %get3A_684] {strides = array<i32>} : memref<32x64xf32, #tpu.memory_space<vmem>>, vector<16xf32>,
        %get3A_686 = arith.constant 0 : i32
        %get3A_687 = arith.constant 0 : i32
        %get3A_688 = tpu.memref_slice %arg10[%and3A_150, %get3A_686, %get3A_687] : memref<2x672x64xf32, #tpu.memory_space<vmem>> -> memref<1x672x64xf32, #tpu.memory_space<vmem>>
        %get3A_689 = tpu.memref_squeeze %get3A_688 : memref<1x672x64xf32, #tpu.memory_space<vmem>> -> memref<672x64xf32, #tpu.memory_space<vmem>>
        %get3A_690 = arith.index_cast %scan3A_663 : i32 to index
        %get3A_691 = arith.constant 16 : index
        %get3A_692 = tpu.vector_load %get3A_689[%get3A_690, %get3A_691] {strides = array<i32>} : memref<672x64xf32, #tpu.memory_space<vmem>>, vector<16xf32>,
        %mul3A_693 = arith.mulf %get3A_685, %get3A_692 : vector<16xf32>
        %add3A_694 = arith.addf %mul3A_678, %mul3A_693 : vector<16xf32>
        %get3A_695 = arith.constant 0 : i32
        %get3A_696 = arith.constant 0 : i32
        %get3A_697 = tpu.memref_slice %arg9[%and3A_150, %get3A_695, %get3A_696] : memref<2x32x64xf32, #tpu.memory_space<vmem>> -> memref<1x32x64xf32, #tpu.memory_space<vmem>>
        %get3A_698 = tpu.memref_squeeze %get3A_697 : memref<1x32x64xf32, #tpu.memory_space<vmem>> -> memref<32x64xf32, #tpu.memory_space<vmem>>
        %get3A_699 = arith.index_cast %scan3A_663 : i32 to index
        %get3A_700 = arith.constant 32 : index
        %get3A_701 = tpu.vector_load %get3A_698[%get3A_699, %get3A_700] {strides = array<i32>} : memref<32x64xf32, #tpu.memory_space<vmem>>, vector<16xf32>,
        %get3A_702 = arith.constant 0 : i32
        %get3A_703 = arith.constant 0 : i32
        %get3A_704 = tpu.memref_slice %arg10[%and3A_150, %get3A_702, %get3A_703] : memref<2x672x64xf32, #tpu.memory_space<vmem>> -> memref<1x672x64xf32, #tpu.memory_space<vmem>>
        %get3A_705 = tpu.memref_squeeze %get3A_704 : memref<1x672x64xf32, #tpu.memory_space<vmem>> -> memref<672x64xf32, #tpu.memory_space<vmem>>
        %get3A_706 = arith.index_cast %scan3A_663 : i32 to index
        %get3A_707 = arith.constant 32 : index
        %get3A_708 = tpu.vector_load %get3A_705[%get3A_706, %get3A_707] {strides = array<i32>} : memref<672x64xf32, #tpu.memory_space<vmem>>, vector<16xf32>,
        %mul3A_709 = arith.mulf %get3A_701, %get3A_708 : vector<16xf32>
        %add3A_710 = arith.addf %add3A_694, %mul3A_709 : vector<16xf32>
        %get3A_711 = arith.constant 0 : i32
        %get3A_712 = arith.constant 0 : i32
        %get3A_713 = tpu.memref_slice %arg9[%and3A_150, %get3A_711, %get3A_712] : memref<2x32x64xf32, #tpu.memory_space<vmem>> -> memref<1x32x64xf32, #tpu.memory_space<vmem>>
        %get3A_714 = tpu.memref_squeeze %get3A_713 : memref<1x32x64xf32, #tpu.memory_space<vmem>> -> memref<32x64xf32, #tpu.memory_space<vmem>>
        %get3A_715 = arith.index_cast %scan3A_663 : i32 to index
        %get3A_716 = arith.constant 48 : index
        %get3A_717 = tpu.vector_load %get3A_714[%get3A_715, %get3A_716] {strides = array<i32>} : memref<32x64xf32, #tpu.memory_space<vmem>>, vector<16xf32>,
        %get3A_718 = arith.constant 0 : i32
        %get3A_719 = arith.constant 0 : i32
        %get3A_720 = tpu.memref_slice %arg10[%and3A_150, %get3A_718, %get3A_719] : memref<2x672x64xf32, #tpu.memory_space<vmem>> -> memref<1x672x64xf32, #tpu.memory_space<vmem>>
        %get3A_721 = tpu.memref_squeeze %get3A_720 : memref<1x672x64xf32, #tpu.memory_space<vmem>> -> memref<672x64xf32, #tpu.memory_space<vmem>>
        %get3A_722 = arith.index_cast %scan3A_663 : i32 to index
        %get3A_723 = arith.constant 48 : index
        %get3A_724 = tpu.vector_load %get3A_721[%get3A_722, %get3A_723] {strides = array<i32>} : memref<672x64xf32, #tpu.memory_space<vmem>>, vector<16xf32>,
        %mul3A_725 = arith.mulf %get3A_717, %get3A_724 : vector<16xf32>
        %add3A_726 = arith.addf %add3A_710, %mul3A_725 : vector<16xf32>
        %mul3A_727 = arith.constant 16 : i32
        %mul3A_728 = arith.muli %scan3A_663, %mul3A_727 : i32
        %swap3A_729 = arith.index_cast %mul3A_728 : i32 to index
        %swap3A_730 = tpu.vector_load %arg11[%swap3A_729] {strides = array<i32>} : memref<10752xf32, #tpu.memory_space<vmem>>, vector<16xf32>,
        tpu.vector_store %arg11[%swap3A_729], %add3A_726 {strides = array<i32>} : memref<10752xf32, #tpu.memory_space<vmem>>, vector<16xf32>,
        %scan3A_731 = arith.constant 3 : i32
        %scan3A_732 = arith.addi %scan3A_526, %scan3A_731 : i32
        %get3A_733 = arith.constant 0 : i32
        %get3A_734 = arith.constant 0 : i32
        %get3A_735 = tpu.memref_slice %arg9[%and3A_150, %get3A_733, %get3A_734] : memref<2x32x64xf32, #tpu.memory_space<vmem>> -> memref<1x32x64xf32, #tpu.memory_space<vmem>>
        %get3A_736 = tpu.memref_squeeze %get3A_735 : memref<1x32x64xf32, #tpu.memory_space<vmem>> -> memref<32x64xf32, #tpu.memory_space<vmem>>
        %get3A_737 = arith.index_cast %scan3A_732 : i32 to index
        %get3A_738 = arith.constant 0 : index
        %get3A_739 = tpu.vector_load %get3A_736[%get3A_737, %get3A_738] {strides = array<i32>} : memref<32x64xf32, #tpu.memory_space<vmem>>, vector<16xf32>,
        %get3A_740 = arith.constant 0 : i32
        %get3A_741 = arith.constant 0 : i32
        %get3A_742 = tpu.memref_slice %arg10[%and3A_150, %get3A_740, %get3A_741] : memref<2x672x64xf32, #tpu.memory_space<vmem>> -> memref<1x672x64xf32, #tpu.memory_space<vmem>>
        %get3A_743 = tpu.memref_squeeze %get3A_742 : memref<1x672x64xf32, #tpu.memory_space<vmem>> -> memref<672x64xf32, #tpu.memory_space<vmem>>
        %get3A_744 = arith.index_cast %scan3A_732 : i32 to index
        %get3A_745 = arith.constant 0 : index
        %get3A_746 = tpu.vector_load %get3A_743[%get3A_744, %get3A_745] {strides = array<i32>} : memref<672x64xf32, #tpu.memory_space<vmem>>, vector<16xf32>,
        %mul3A_747 = arith.mulf %get3A_739, %get3A_746 : vector<16xf32>
        %get3A_748 = arith.constant 0 : i32
        %get3A_749 = arith.constant 0 : i32
        %get3A_750 = tpu.memref_slice %arg9[%and3A_150, %get3A_748, %get3A_749] : memref<2x32x64xf32, #tpu.memory_space<vmem>> -> memref<1x32x64xf32, #tpu.memory_space<vmem>>
        %get3A_751 = tpu.memref_squeeze %get3A_750 : memref<1x32x64xf32, #tpu.memory_space<vmem>> -> memref<32x64xf32, #tpu.memory_space<vmem>>
        %get3A_752 = arith.index_cast %scan3A_732 : i32 to index
        %get3A_753 = arith.constant 16 : index
        %get3A_754 = tpu.vector_load %get3A_751[%get3A_752, %get3A_753] {strides = array<i32>} : memref<32x64xf32, #tpu.memory_space<vmem>>, vector<16xf32>,
        %get3A_755 = arith.constant 0 : i32
        %get3A_756 = arith.constant 0 : i32
        %get3A_757 = tpu.memref_slice %arg10[%and3A_150, %get3A_755, %get3A_756] : memref<2x672x64xf32, #tpu.memory_space<vmem>> -> memref<1x672x64xf32, #tpu.memory_space<vmem>>
        %get3A_758 = tpu.memref_squeeze %get3A_757 : memref<1x672x64xf32, #tpu.memory_space<vmem>> -> memref<672x64xf32, #tpu.memory_space<vmem>>
        %get3A_759 = arith.index_cast %scan3A_732 : i32 to index
        %get3A_760 = arith.constant 16 : index
        %get3A_761 = tpu.vector_load %get3A_758[%get3A_759, %get3A_760] {strides = array<i32>} : memref<672x64xf32, #tpu.memory_space<vmem>>, vector<16xf32>,
        %mul3A_762 = arith.mulf %get3A_754, %get3A_761 : vector<16xf32>
        %add3A_763 = arith.addf %mul3A_747, %mul3A_762 : vector<16xf32>
        %get3A_764 = arith.constant 0 : i32
        %get3A_765 = arith.constant 0 : i32
        %get3A_766 = tpu.memref_slice %arg9[%and3A_150, %get3A_764, %get3A_765] : memref<2x32x64xf32, #tpu.memory_space<vmem>> -> memref<1x32x64xf32, #tpu.memory_space<vmem>>
        %get3A_767 = tpu.memref_squeeze %get3A_766 : memref<1x32x64xf32, #tpu.memory_space<vmem>> -> memref<32x64xf32, #tpu.memory_space<vmem>>
        %get3A_768 = arith.index_cast %scan3A_732 : i32 to index
        %get3A_769 = arith.constant 32 : index
        %get3A_770 = tpu.vector_load %get3A_767[%get3A_768, %get3A_769] {strides = array<i32>} : memref<32x64xf32, #tpu.memory_space<vmem>>, vector<16xf32>,
        %get3A_771 = arith.constant 0 : i32
        %get3A_772 = arith.constant 0 : i32
        %get3A_773 = tpu.memref_slice %arg10[%and3A_150, %get3A_771, %get3A_772] : memref<2x672x64xf32, #tpu.memory_space<vmem>> -> memref<1x672x64xf32, #tpu.memory_space<vmem>>
        %get3A_774 = tpu.memref_squeeze %get3A_773 : memref<1x672x64xf32, #tpu.memory_space<vmem>> -> memref<672x64xf32, #tpu.memory_space<vmem>>
        %get3A_775 = arith.index_cast %scan3A_732 : i32 to index
        %get3A_776 = arith.constant 32 : index
        %get3A_777 = tpu.vector_load %get3A_774[%get3A_775, %get3A_776] {strides = array<i32>} : memref<672x64xf32, #tpu.memory_space<vmem>>, vector<16xf32>,
        %mul3A_778 = arith.mulf %get3A_770, %get3A_777 : vector<16xf32>
        %add3A_779 = arith.addf %add3A_763, %mul3A_778 : vector<16xf32>
        %get3A_780 = arith.constant 0 : i32
        %get3A_781 = arith.constant 0 : i32
        %get3A_782 = tpu.memref_slice %arg9[%and3A_150, %get3A_780, %get3A_781] : memref<2x32x64xf32, #tpu.memory_space<vmem>> -> memref<1x32x64xf32, #tpu.memory_space<vmem>>
        %get3A_783 = tpu.memref_squeeze %get3A_782 : memref<1x32x64xf32, #tpu.memory_space<vmem>> -> memref<32x64xf32, #tpu.memory_space<vmem>>
        %get3A_784 = arith.index_cast %scan3A_732 : i32 to index
        %get3A_785 = arith.constant 48 : index
        %get3A_786 = tpu.vector_load %get3A_783[%get3A_784, %get3A_785] {strides = array<i32>} : memref<32x64xf32, #tpu.memory_space<vmem>>, vector<16xf32>,
        %get3A_787 = arith.constant 0 : i32
        %get3A_788 = arith.constant 0 : i32
        %get3A_789 = tpu.memref_slice %arg10[%and3A_150, %get3A_787, %get3A_788] : memref<2x672x64xf32, #tpu.memory_space<vmem>> -> memref<1x672x64xf32, #tpu.memory_space<vmem>>
        %get3A_790 = tpu.memref_squeeze %get3A_789 : memref<1x672x64xf32, #tpu.memory_space<vmem>> -> memref<672x64xf32, #tpu.memory_space<vmem>>
        %get3A_791 = arith.index_cast %scan3A_732 : i32 to index
        %get3A_792 = arith.constant 48 : index
        %get3A_793 = tpu.vector_load %get3A_790[%get3A_791, %get3A_792] {strides = array<i32>} : memref<672x64xf32, #tpu.memory_space<vmem>>, vector<16xf32>,
        %mul3A_794 = arith.mulf %get3A_786, %get3A_793 : vector<16xf32>
        %add3A_795 = arith.addf %add3A_779, %mul3A_794 : vector<16xf32>
        %mul3A_796 = arith.constant 16 : i32
        %mul3A_797 = arith.muli %scan3A_732, %mul3A_796 : i32
        %swap3A_798 = arith.index_cast %mul3A_797 : i32 to index
        %swap3A_799 = tpu.vector_load %arg11[%swap3A_798] {strides = array<i32>} : memref<10752xf32, #tpu.memory_space<vmem>>, vector<16xf32>,
        tpu.vector_store %arg11[%swap3A_798], %add3A_795 {strides = array<i32>} : memref<10752xf32, #tpu.memory_space<vmem>>, vector<16xf32>,
      }
      %scan3A_273 = arith.constant 32 : i32
      %scan3A_274 = arith.constant 0 : i32
      %scan3A_275 = arith.constant 0 : i32
      %scan3A_276 = arith.constant 32 : i32
      %scan3A_277 = arith.addi %scan3A_275, %scan3A_276 : i32
      %scan3A_278 = arith.constant 2 : i32
      scf.for %scan3A_526 = %scan3A_275 to %scan3A_277 step %scan3A_278  : i32 {
        %get3A = arith.constant 0 : i32
        %get3A_527 = arith.constant 0 : i32
        %get3A_528 = tpu.memref_slice %arg9[%and3A_150, %get3A, %get3A_527] : memref<2x32x64xf32, #tpu.memory_space<vmem>> -> memref<1x32x64xf32, #tpu.memory_space<vmem>>
        %get3A_529 = tpu.memref_squeeze %get3A_528 : memref<1x32x64xf32, #tpu.memory_space<vmem>> -> memref<32x64xf32, #tpu.memory_space<vmem>>
        %get3A_530 = arith.index_cast %scan3A_526 : i32 to index
        %get3A_531 = arith.constant 0 : index
        %get3A_532 = tpu.vector_load %get3A_529[%get3A_530, %get3A_531] {strides = array<i32>} : memref<32x64xf32, #tpu.memory_space<vmem>>, vector<16xf32>,
        %get3A_533 = arith.constant 0 : i32
        %get3A_534 = arith.constant 0 : i32
        %get3A_535 = tpu.memref_slice %arg9[%and3A_150, %get3A_533, %get3A_534] : memref<2x32x64xf32, #tpu.memory_space<vmem>> -> memref<1x32x64xf32, #tpu.memory_space<vmem>>
        %get3A_536 = tpu.memref_squeeze %get3A_535 : memref<1x32x64xf32, #tpu.memory_space<vmem>> -> memref<32x64xf32, #tpu.memory_space<vmem>>
        %get3A_537 = arith.index_cast %scan3A_526 : i32 to index
        %get3A_538 = arith.constant 16 : index
        %get3A_539 = tpu.vector_load %get3A_536[%get3A_537, %get3A_538] {strides = array<i32>} : memref<32x64xf32, #tpu.memory_space<vmem>>, vector<16xf32>,
        %get3A_540 = arith.constant 0 : i32
        %get3A_541 = arith.constant 0 : i32
        %get3A_542 = tpu.memref_slice %arg9[%and3A_150, %get3A_540, %get3A_541] : memref<2x32x64xf32, #tpu.memory_space<vmem>> -> memref<1x32x64xf32, #tpu.memory_space<vmem>>
        %get3A_543 = tpu.memref_squeeze %get3A_542 : memref<1x32x64xf32, #tpu.memory_space<vmem>> -> memref<32x64xf32, #tpu.memory_space<vmem>>
        %get3A_544 = arith.index_cast %scan3A_526 : i32 to index
        %get3A_545 = arith.constant 32 : index
        %get3A_546 = tpu.vector_load %get3A_543[%get3A_544, %get3A_545] {strides = array<i32>} : memref<32x64xf32, #tpu.memory_space<vmem>>, vector<16xf32>,
        %get3A_547 = arith.constant 0 : i32
        %get3A_548 = arith.constant 0 : i32
        %get3A_549 = tpu.memref_slice %arg9[%and3A_150, %get3A_547, %get3A_548] : memref<2x32x64xf32, #tpu.memory_space<vmem>> -> memref<1x32x64xf32, #tpu.memory_space<vmem>>
        %get3A_550 = tpu.memref_squeeze %get3A_549 : memref<1x32x64xf32, #tpu.memory_space<vmem>> -> memref<32x64xf32, #tpu.memory_space<vmem>>
        %get3A_551 = arith.index_cast %scan3A_526 : i32 to index
        %get3A_552 = arith.constant 48 : index
        %get3A_553 = tpu.vector_load %get3A_550[%get3A_551, %get3A_552] {strides = array<i32>} : memref<32x64xf32, #tpu.memory_space<vmem>>, vector<16xf32>,
        %mul3A_554 = arith.constant 20 : i32
        %mul3A_555 = arith.muli %scan3A_526, %mul3A_554 : i32
        %add3A_556 = arith.constant 32 : i32
        %add3A_557 = arith.addi %add3A_556, %mul3A_555 : i32
        %add3A_558 = arith.constant 0 : i32
        %add3A_559 = arith.addi %add3A_557, %add3A_558 : i32
        %get3A_560 = arith.constant 0 : i32
        %get3A_561 = arith.constant 0 : i32
        %get3A_562 = tpu.memref_slice %arg10[%and3A_150, %get3A_560, %get3A_561] : memref<2x672x64xf32, #tpu.memory_space<vmem>> -> memref<1x672x64xf32, #tpu.memory_space<vmem>>
        %get3A_563 = tpu.memref_squeeze %get3A_562 : memref<1x672x64xf32, #tpu.memory_space<vmem>> -> memref<672x64xf32, #tpu.memory_space<vmem>>
        %get3A_564 = arith.index_cast %add3A_559 : i32 to index
        %get3A_565 = arith.constant 0 : index
        %get3A_566 = tpu.vector_load %get3A_563[%get3A_564, %get3A_565] {strides = array<i32>} : memref<672x64xf32, #tpu.memory_space<vmem>>, vector<16xf32>,
        %mul3A_567 = arith.mulf %get3A_532, %get3A_566 : vector<16xf32>
        %get3A_568 = arith.constant 0 : i32
        %get3A_569 = arith.constant 0 : i32
        %get3A_570 = tpu.memref_slice %arg10[%and3A_150, %get3A_568, %get3A_569] : memref<2x672x64xf32, #tpu.memory_space<vmem>> -> memref<1x672x64xf32, #tpu.memory_space<vmem>>
        %get3A_571 = tpu.memref_squeeze %get3A_570 : memref<1x672x64xf32, #tpu.memory_space<vmem>> -> memref<672x64xf32, #tpu.memory_space<vmem>>
        %get3A_572 = arith.index_cast %add3A_559 : i32 to index
        %get3A_573 = arith.constant 16 : index
        %get3A_574 = tpu.vector_load %get3A_571[%get3A_572, %get3A_573] {strides = array<i32>} : memref<672x64xf32, #tpu.memory_space<vmem>>, vector<16xf32>,
        %mul3A_575 = arith.mulf %get3A_539, %get3A_574 : vector<16xf32>
        %add3A_576 = arith.addf %mul3A_567, %mul3A_575 : vector<16xf32>
        %get3A_577 = arith.constant 0 : i32
        %get3A_578 = arith.constant 0 : i32
        %get3A_579 = tpu.memref_slice %arg10[%and3A_150, %get3A_577, %get3A_578] : memref<2x672x64xf32, #tpu.memory_space<vmem>> -> memref<1x672x64xf32, #tpu.memory_space<vmem>>
        %get3A_580 = tpu.memref_squeeze %get3A_579 : memref<1x672x64xf32, #tpu.memory_space<vmem>> -> memref<672x64xf32, #tpu.memory_space<vmem>>
        %get3A_581 = arith.index_cast %add3A_559 : i32 to index
        %get3A_582 = arith.constant 32 : index
        %get3A_583 = tpu.vector_load %get3A_580[%get3A_581, %get3A_582] {strides = array<i32>} : memref<672x64xf32, #tpu.memory_space<vmem>>, vector<16xf32>,
        %mul3A_584 = arith.mulf %get3A_546, %get3A_583 : vector<16xf32>
        %add3A_585 = arith.addf %add3A_576, %mul3A_584 : vector<16xf32>
        %get3A_586 = arith.constant 0 : i32
        %get3A_587 = arith.constant 0 : i32
        %get3A_588 = tpu.memref_slice %arg10[%and3A_150, %get3A_586, %get3A_587] : memref<2x672x64xf32, #tpu.memory_space<vmem>> -> memref<1x672x64xf32, #tpu.memory_space<vmem>>
        %get3A_589 = tpu.memref_squeeze %get3A_588 : memref<1x672x64xf32, #tpu.memory_space<vmem>> -> memref<672x64xf32, #tpu.memory_space<vmem>>
        %get3A_590 = arith.index_cast %add3A_559 : i32 to index
        %get3A_591 = arith.constant 48 : index
        %get3A_592 = tpu.vector_load %get3A_589[%get3A_590, %get3A_591] {strides = array<i32>} : memref<672x64xf32, #tpu.memory_space<vmem>>, vector<16xf32>,
        %mul3A_593 = arith.mulf %get3A_553, %get3A_592 : vector<16xf32>
        %add3A_594 = arith.addf %add3A_585, %mul3A_593 : vector<16xf32>
        %mul3A_595 = arith.constant 16 : i32
        %mul3A_596 = arith.muli %add3A_559, %mul3A_595 : i32
        %swap3A_597 = arith.index_cast %mul3A_596 : i32 to index
        %swap3A_598 = tpu.vector_load %arg11[%swap3A_597] {strides = array<i32>} : memref<10752xf32, #tpu.memory_space<vmem>>, vector<16xf32>,
        tpu.vector_store %arg11[%swap3A_597], %add3A_594 {strides = array<i32>} : memref<10752xf32, #tpu.memory_space<vmem>>, vector<16xf32>,
        %add3A_599 = arith.constant 1 : i32
        %add3A_600 = arith.addi %add3A_557, %add3A_599 : i32
        %get3A_601 = arith.constant 0 : i32
        %get3A_602 = arith.constant 0 : i32
        %get3A_603 = tpu.memref_slice %arg10[%and3A_150, %get3A_601, %get3A_602] : memref<2x672x64xf32, #tpu.memory_space<vmem>> -> memref<1x672x64xf32, #tpu.memory_space<vmem>>
        %get3A_604 = tpu.memref_squeeze %get3A_603 : memref<1x672x64xf32, #tpu.memory_space<vmem>> -> memref<672x64xf32, #tpu.memory_space<vmem>>
        %get3A_605 = arith.index_cast %add3A_600 : i32 to index
        %get3A_606 = arith.constant 0 : index
        %get3A_607 = tpu.vector_load %get3A_604[%get3A_605, %get3A_606] {strides = array<i32>} : memref<672x64xf32, #tpu.memory_space<vmem>>, vector<16xf32>,
        %mul3A_608 = arith.mulf %get3A_532, %get3A_607 : vector<16xf32>
        %get3A_609 = arith.constant 0 : i32
        %get3A_610 = arith.constant 0 : i32
        %get3A_611 = tpu.memref_slice %arg10[%and3A_150, %get3A_609, %get3A_610] : memref<2x672x64xf32, #tpu.memory_space<vmem>> -> memref<1x672x64xf32, #tpu.memory_space<vmem>>
        %get3A_612 = tpu.memref_squeeze %get3A_611 : memref<1x672x64xf32, #tpu.memory_space<vmem>> -> memref<672x64xf32, #tpu.memory_space<vmem>>
        %get3A_613 = arith.index_cast %add3A_600 : i32 to index
        %get3A_614 = arith.constant 16 : index
        %get3A_615 = tpu.vector_load %get3A_612[%get3A_613, %get3A_614] {strides = array<i32>} : memref<672x64xf32, #tpu.memory_space<vmem>>, vector<16xf32>,
        %mul3A_616 = arith.mulf %get3A_539, %get3A_615 : vector<16xf32>
        %add3A_617 = arith.addf %mul3A_608, %mul3A_616 : vector<16xf32>
        %get3A_618 = arith.constant 0 : i32
        %get3A_619 = arith.constant 0 : i32
        %get3A_620 = tpu.memref_slice %arg10[%and3A_150, %get3A_618, %get3A_619] : memref<2x672x64xf32, #tpu.memory_space<vmem>> -> memref<1x672x64xf32, #tpu.memory_space<vmem>>
        %get3A_621 = tpu.memref_squeeze %get3A_620 : memref<1x672x64xf32, #tpu.memory_space<vmem>> -> memref<672x64xf32, #tpu.memory_space<vmem>>
        %get3A_622 = arith.index_cast %add3A_600 : i32 to index
        %get3A_623 = arith.constant 32 : index
        %get3A_624 = tpu.vector_load %get3A_621[%get3A_622, %get3A_623] {strides = array<i32>} : memref<672x64xf32, #tpu.memory_space<vmem>>, vector<16xf32>,
        %mul3A_625 = arith.mulf %get3A_546, %get3A_624 : vector<16xf32>
        %add3A_626 = arith.addf %add3A_617, %mul3A_625 : vector<16xf32>
        %get3A_627 = arith.constant 0 : i32
        %get3A_628 = arith.constant 0 : i32
        %get3A_629 = tpu.memref_slice %arg10[%and3A_150, %get3A_627, %get3A_628] : memref<2x672x64xf32, #tpu.memory_space<vmem>> -> memref<1x672x64xf32, #tpu.memory_space<vmem>>
        %get3A_630 = tpu.memref_squeeze %get3A_629 : memref<1x672x64xf32, #tpu.memory_space<vmem>> -> memref<672x64xf32, #tpu.memory_space<vmem>>
        %get3A_631 = arith.index_cast %add3A_600 : i32 to index
        %get3A_632 = arith.constant 48 : index
        %get3A_633 = tpu.vector_load %get3A_630[%get3A_631, %get3A_632] {strides = array<i32>} : memref<672x64xf32, #tpu.memory_space<vmem>>, vector<16xf32>,
        %mul3A_634 = arith.mulf %get3A_553, %get3A_633 : vector<16xf32>
        %add3A_635 = arith.addf %add3A_626, %mul3A_634 : vector<16xf32>
        %mul3A_636 = arith.constant 16 : i32
        %mul3A_637 = arith.muli %add3A_600, %mul3A_636 : i32
        %swap3A_638 = arith.index_cast %mul3A_637 : i32 to index
        %swap3A_639 = tpu.vector_load %arg11[%swap3A_638] {strides = array<i32>} : memref<10752xf32, #tpu.memory_space<vmem>>, vector<16xf32>,
        tpu.vector_store %arg11[%swap3A_638], %add3A_635 {strides = array<i32>} : memref<10752xf32, #tpu.memory_space<vmem>>, vector<16xf32>,
        %add3A_640 = arith.constant 2 : i32
        %add3A_641 = arith.addi %add3A_557, %add3A_640 : i32
        %get3A_642 = arith.constant 0 : i32
        %get3A_643 = arith.constant 0 : i32
        %get3A_644 = tpu.memref_slice %arg10[%and3A_150, %get3A_642, %get3A_643] : memref<2x672x64xf32, #tpu.memory_space<vmem>> -> memref<1x672x64xf32, #tpu.memory_space<vmem>>
        %get3A_645 = tpu.memref_squeeze %get3A_644 : memref<1x672x64xf32, #tpu.memory_space<vmem>> -> memref<672x64xf32, #tpu.memory_space<vmem>>
        %get3A_646 = arith.index_cast %add3A_641 : i32 to index
        %get3A_647 = arith.constant 0 : index
        %get3A_648 = tpu.vector_load %get3A_645[%get3A_646, %get3A_647] {strides = array<i32>} : memref<672x64xf32, #tpu.memory_space<vmem>>, vector<16xf32>,
        %mul3A_649 = arith.mulf %get3A_532, %get3A_648 : vector<16xf32>
        %get3A_650 = arith.constant 0 : i32
        %get3A_651 = arith.constant 0 : i32
        %get3A_652 = tpu.memref_slice %arg10[%and3A_150, %get3A_650, %get3A_651] : memref<2x672x64xf32, #tpu.memory_space<vmem>> -> memref<1x672x64xf32, #tpu.memory_space<vmem>>
        %get3A_653 = tpu.memref_squeeze %get3A_652 : memref<1x672x64xf32, #tpu.memory_space<vmem>> -> memref<672x64xf32, #tpu.memory_space<vmem>>
        %get3A_654 = arith.index_cast %add3A_641 : i32 to index
        %get3A_655 = arith.constant 16 : index
        %get3A_656 = tpu.vector_load %get3A_653[%get3A_654, %get3A_655] {strides = array<i32>} : memref<672x64xf32, #tpu.memory_space<vmem>>, vector<16xf32>,
        %mul3A_657 = arith.mulf %get3A_539, %get3A_656 : vector<16xf32>
        %add3A_658 = arith.addf %mul3A_649, %mul3A_657 : vector<16xf32>
        %get3A_659 = arith.constant 0 : i32
        %get3A_660 = arith.constant 0 : i32
        %get3A_661 = tpu.memref_slice %arg10[%and3A_150, %get3A_659, %get3A_660] : memref<2x672x64xf32, #tpu.memory_space<vmem>> -> memref<1x672x64xf32, #tpu.memory_space<vmem>>
        %get3A_662 = tpu.memref_squeeze %get3A_661 : memref<1x672x64xf32, #tpu.memory_space<vmem>> -> memref<672x64xf32, #tpu.memory_space<vmem>>
        %get3A_663 = arith.index_cast %add3A_641 : i32 to index
        %get3A_664 = arith.constant 32 : index
        %get3A_665 = tpu.vector_load %get3A_662[%get3A_663, %get3A_664] {strides = array<i32>} : memref<672x64xf32, #tpu.memory_space<vmem>>, vector<16xf32>,
        %mul3A_666 = arith.mulf %get3A_546, %get3A_665 : vector<16xf32>
        %add3A_667 = arith.addf %add3A_658, %mul3A_666 : vector<16xf32>
        %get3A_668 = arith.constant 0 : i32
        %get3A_669 = arith.constant 0 : i32
        %get3A_670 = tpu.memref_slice %arg10[%and3A_150, %get3A_668, %get3A_669] : memref<2x672x64xf32, #tpu.memory_space<vmem>> -> memref<1x672x64xf32, #tpu.memory_space<vmem>>
        %get3A_671 = tpu.memref_squeeze %get3A_670 : memref<1x672x64xf32, #tpu.memory_space<vmem>> -> memref<672x64xf32, #tpu.memory_space<vmem>>
        %get3A_672 = arith.index_cast %add3A_641 : i32 to index
        %get3A_673 = arith.constant 48 : index
        %get3A_674 = tpu.vector_load %get3A_671[%get3A_672, %get3A_673] {strides = array<i32>} : memref<672x64xf32, #tpu.memory_space<vmem>>, vector<16xf32>,
        %mul3A_675 = arith.mulf %get3A_553, %get3A_674 : vector<16xf32>
        %add3A_676 = arith.addf %add3A_667, %mul3A_675 : vector<16xf32>
        %mul3A_677 = arith.constant 16 : i32
        %mul3A_678 = arith.muli %add3A_641, %mul3A_677 : i32
        %swap3A_679 = arith.index_cast %mul3A_678 : i32 to index
        %swap3A_680 = tpu.vector_load %arg11[%swap3A_679] {strides = array<i32>} : memref<10752xf32, #tpu.memory_space<vmem>>, vector<16xf32>,
        tpu.vector_store %arg11[%swap3A_679], %add3A_676 {strides = array<i32>} : memref<10752xf32, #tpu.memory_space<vmem>>, vector<16xf32>,
        %add3A_681 = arith.constant 3 : i32
        %add3A_682 = arith.addi %add3A_557, %add3A_681 : i32
        %get3A_683 = arith.constant 0 : i32
        %get3A_684 = arith.constant 0 : i32
        %get3A_685 = tpu.memref_slice %arg10[%and3A_150, %get3A_683, %get3A_684] : memref<2x672x64xf32, #tpu.memory_space<vmem>> -> memref<1x672x64xf32, #tpu.memory_space<vmem>>
        %get3A_686 = tpu.memref_squeeze %get3A_685 : memref<1x672x64xf32, #tpu.memory_space<vmem>> -> memref<672x64xf32, #tpu.memory_space<vmem>>
        %get3A_687 = arith.index_cast %add3A_682 : i32 to index
        %get3A_688 = arith.constant 0 : index
        %get3A_689 = tpu.vector_load %get3A_686[%get3A_687, %get3A_688] {strides = array<i32>} : memref<672x64xf32, #tpu.memory_space<vmem>>, vector<16xf32>,
        %mul3A_690 = arith.mulf %get3A_532, %get3A_689 : vector<16xf32>
        %get3A_691 = arith.constant 0 : i32
        %get3A_692 = arith.constant 0 : i32
        %get3A_693 = tpu.memref_slice %arg10[%and3A_150, %get3A_691, %get3A_692] : memref<2x672x64xf32, #tpu.memory_space<vmem>> -> memref<1x672x64xf32, #tpu.memory_space<vmem>>
        %get3A_694 = tpu.memref_squeeze %get3A_693 : memref<1x672x64xf32, #tpu.memory_space<vmem>> -> memref<672x64xf32, #tpu.memory_space<vmem>>
        %get3A_695 = arith.index_cast %add3A_682 : i32 to index
        %get3A_696 = arith.constant 16 : index
        %get3A_697 = tpu.vector_load %get3A_694[%get3A_695, %get3A_696] {strides = array<i32>} : memref<672x64xf32, #tpu.memory_space<vmem>>, vector<16xf32>,
        %mul3A_698 = arith.mulf %get3A_539, %get3A_697 : vector<16xf32>
        %add3A_699 = arith.addf %mul3A_690, %mul3A_698 : vector<16xf32>
        %get3A_700 = arith.constant 0 : i32
        %get3A_701 = arith.constant 0 : i32
        %get3A_702 = tpu.memref_slice %arg10[%and3A_150, %get3A_700, %get3A_701] : memref<2x672x64xf32, #tpu.memory_space<vmem>> -> memref<1x672x64xf32, #tpu.memory_space<vmem>>
        %get3A_703 = tpu.memref_squeeze %get3A_702 : memref<1x672x64xf32, #tpu.memory_space<vmem>> -> memref<672x64xf32, #tpu.memory_space<vmem>>
        %get3A_704 = arith.index_cast %add3A_682 : i32 to index
        %get3A_705 = arith.constant 32 : index
        %get3A_706 = tpu.vector_load %get3A_703[%get3A_704, %get3A_705] {strides = array<i32>} : memref<672x64xf32, #tpu.memory_space<vmem>>, vector<16xf32>,
        %mul3A_707 = arith.mulf %get3A_546, %get3A_706 : vector<16xf32>
        %add3A_708 = arith.addf %add3A_699, %mul3A_707 : vector<16xf32>
        %get3A_709 = arith.constant 0 : i32
        %get3A_710 = arith.constant 0 : i32
        %get3A_711 = tpu.memref_slice %arg10[%and3A_150, %get3A_709, %get3A_710] : memref<2x672x64xf32, #tpu.memory_space<vmem>> -> memref<1x672x64xf32, #tpu.memory_space<vmem>>
        %get3A_712 = tpu.memref_squeeze %get3A_711 : memref<1x672x64xf32, #tpu.memory_space<vmem>> -> memref<672x64xf32, #tpu.memory_space<vmem>>
        %get3A_713 = arith.index_cast %add3A_682 : i32 to index
        %get3A_714 = arith.constant 48 : index
        %get3A_715 = tpu.vector_load %get3A_712[%get3A_713, %get3A_714] {strides = array<i32>} : memref<672x64xf32, #tpu.memory_space<vmem>>, vector<16xf32>,
        %mul3A_716 = arith.mulf %get3A_553, %get3A_715 : vector<16xf32>
        %add3A_717 = arith.addf %add3A_708, %mul3A_716 : vector<16xf32>
        %mul3A_718 = arith.constant 16 : i32
        %mul3A_719 = arith.muli %add3A_682, %mul3A_718 : i32
        %swap3A_720 = arith.index_cast %mul3A_719 : i32 to index
        %swap3A_721 = tpu.vector_load %arg11[%swap3A_720] {strides = array<i32>} : memref<10752xf32, #tpu.memory_space<vmem>>, vector<16xf32>,
        tpu.vector_store %arg11[%swap3A_720], %add3A_717 {strides = array<i32>} : memref<10752xf32, #tpu.memory_space<vmem>>, vector<16xf32>,
        %add3A_722 = arith.constant 4 : i32
        %add3A_723 = arith.addi %add3A_557, %add3A_722 : i32
        %get3A_724 = arith.constant 0 : i32
        %get3A_725 = arith.constant 0 : i32
        %get3A_726 = tpu.memref_slice %arg10[%and3A_150, %get3A_724, %get3A_725] : memref<2x672x64xf32, #tpu.memory_space<vmem>> -> memref<1x672x64xf32, #tpu.memory_space<vmem>>
        %get3A_727 = tpu.memref_squeeze %get3A_726 : memref<1x672x64xf32, #tpu.memory_space<vmem>> -> memref<672x64xf32, #tpu.memory_space<vmem>>
        %get3A_728 = arith.index_cast %add3A_723 : i32 to index
        %get3A_729 = arith.constant 0 : index
        %get3A_730 = tpu.vector_load %get3A_727[%get3A_728, %get3A_729] {strides = array<i32>} : memref<672x64xf32, #tpu.memory_space<vmem>>, vector<16xf32>,
        %mul3A_731 = arith.mulf %get3A_532, %get3A_730 : vector<16xf32>
        %get3A_732 = arith.constant 0 : i32
        %get3A_733 = arith.constant 0 : i32
        %get3A_734 = tpu.memref_slice %arg10[%and3A_150, %get3A_732, %get3A_733] : memref<2x672x64xf32, #tpu.memory_space<vmem>> -> memref<1x672x64xf32, #tpu.memory_space<vmem>>
        %get3A_735 = tpu.memref_squeeze %get3A_734 : memref<1x672x64xf32, #tpu.memory_space<vmem>> -> memref<672x64xf32, #tpu.memory_space<vmem>>
        %get3A_736 = arith.index_cast %add3A_723 : i32 to index
        %get3A_737 = arith.constant 16 : index
        %get3A_738 = tpu.vector_load %get3A_735[%get3A_736, %get3A_737] {strides = array<i32>} : memref<672x64xf32, #tpu.memory_space<vmem>>, vector<16xf32>,
        %mul3A_739 = arith.mulf %get3A_539, %get3A_738 : vector<16xf32>
        %add3A_740 = arith.addf %mul3A_731, %mul3A_739 : vector<16xf32>
        %get3A_741 = arith.constant 0 : i32
        %get3A_742 = arith.constant 0 : i32
        %get3A_743 = tpu.memref_slice %arg10[%and3A_150, %get3A_741, %get3A_742] : memref<2x672x64xf32, #tpu.memory_space<vmem>> -> memref<1x672x64xf32, #tpu.memory_space<vmem>>
        %get3A_744 = tpu.memref_squeeze %get3A_743 : memref<1x672x64xf32, #tpu.memory_space<vmem>> -> memref<672x64xf32, #tpu.memory_space<vmem>>
        %get3A_745 = arith.index_cast %add3A_723 : i32 to index
        %get3A_746 = arith.constant 32 : index
        %get3A_747 = tpu.vector_load %get3A_744[%get3A_745, %get3A_746] {strides = array<i32>} : memref<672x64xf32, #tpu.memory_space<vmem>>, vector<16xf32>,
        %mul3A_748 = arith.mulf %get3A_546, %get3A_747 : vector<16xf32>
        %add3A_749 = arith.addf %add3A_740, %mul3A_748 : vector<16xf32>
        %get3A_750 = arith.constant 0 : i32
        %get3A_751 = arith.constant 0 : i32
        %get3A_752 = tpu.memref_slice %arg10[%and3A_150, %get3A_750, %get3A_751] : memref<2x672x64xf32, #tpu.memory_space<vmem>> -> memref<1x672x64xf32, #tpu.memory_space<vmem>>
        %get3A_753 = tpu.memref_squeeze %get3A_752 : memref<1x672x64xf32, #tpu.memory_space<vmem>> -> memref<672x64xf32, #tpu.memory_space<vmem>>
        %get3A_754 = arith.index_cast %add3A_723 : i32 to index
        %get3A_755 = arith.constant 48 : index
        %get3A_756 = tpu.vector_load %get3A_753[%get3A_754, %get3A_755] {strides = array<i32>} : memref<672x64xf32, #tpu.memory_space<vmem>>, vector<16xf32>,
        %mul3A_757 = arith.mulf %get3A_553, %get3A_756 : vector<16xf32>
        %add3A_758 = arith.addf %add3A_749, %mul3A_757 : vector<16xf32>
        %mul3A_759 = arith.constant 16 : i32
        %mul3A_760 = arith.muli %add3A_723, %mul3A_759 : i32
        %swap3A_761 = arith.index_cast %mul3A_760 : i32 to index
        %swap3A_762 = tpu.vector_load %arg11[%swap3A_761] {strides = array<i32>} : memref<10752xf32, #tpu.memory_space<vmem>>, vector<16xf32>,
        tpu.vector_store %arg11[%swap3A_761], %add3A_758 {strides = array<i32>} : memref<10752xf32, #tpu.memory_space<vmem>>, vector<16xf32>,
        %add3A_763 = arith.constant 5 : i32
        %add3A_764 = arith.addi %add3A_557, %add3A_763 : i32
        %get3A_765 = arith.constant 0 : i32
        %get3A_766 = arith.constant 0 : i32
        %get3A_767 = tpu.memref_slice %arg10[%and3A_150, %get3A_765, %get3A_766] : memref<2x672x64xf32, #tpu.memory_space<vmem>> -> memref<1x672x64xf32, #tpu.memory_space<vmem>>
        %get3A_768 = tpu.memref_squeeze %get3A_767 : memref<1x672x64xf32, #tpu.memory_space<vmem>> -> memref<672x64xf32, #tpu.memory_space<vmem>>
        %get3A_769 = arith.index_cast %add3A_764 : i32 to index
        %get3A_770 = arith.constant 0 : index
        %get3A_771 = tpu.vector_load %get3A_768[%get3A_769, %get3A_770] {strides = array<i32>} : memref<672x64xf32, #tpu.memory_space<vmem>>, vector<16xf32>,
        %mul3A_772 = arith.mulf %get3A_532, %get3A_771 : vector<16xf32>
        %get3A_773 = arith.constant 0 : i32
        %get3A_774 = arith.constant 0 : i32
        %get3A_775 = tpu.memref_slice %arg10[%and3A_150, %get3A_773, %get3A_774] : memref<2x672x64xf32, #tpu.memory_space<vmem>> -> memref<1x672x64xf32, #tpu.memory_space<vmem>>
        %get3A_776 = tpu.memref_squeeze %get3A_775 : memref<1x672x64xf32, #tpu.memory_space<vmem>> -> memref<672x64xf32, #tpu.memory_space<vmem>>
        %get3A_777 = arith.index_cast %add3A_764 : i32 to index
        %get3A_778 = arith.constant 16 : index
        %get3A_779 = tpu.vector_load %get3A_776[%get3A_777, %get3A_778] {strides = array<i32>} : memref<672x64xf32, #tpu.memory_space<vmem>>, vector<16xf32>,
        %mul3A_780 = arith.mulf %get3A_539, %get3A_779 : vector<16xf32>
        %add3A_781 = arith.addf %mul3A_772, %mul3A_780 : vector<16xf32>
        %get3A_782 = arith.constant 0 : i32
        %get3A_783 = arith.constant 0 : i32
        %get3A_784 = tpu.memref_slice %arg10[%and3A_150, %get3A_782, %get3A_783] : memref<2x672x64xf32, #tpu.memory_space<vmem>> -> memref<1x672x64xf32, #tpu.memory_space<vmem>>
        %get3A_785 = tpu.memref_squeeze %get3A_784 : memref<1x672x64xf32, #tpu.memory_space<vmem>> -> memref<672x64xf32, #tpu.memory_space<vmem>>
        %get3A_786 = arith.index_cast %add3A_764 : i32 to index
        %get3A_787 = arith.constant 32 : index
        %get3A_788 = tpu.vector_load %get3A_785[%get3A_786, %get3A_787] {strides = array<i32>} : memref<672x64xf32, #tpu.memory_space<vmem>>, vector<16xf32>,
        %mul3A_789 = arith.mulf %get3A_546, %get3A_788 : vector<16xf32>
        %add3A_790 = arith.addf %add3A_781, %mul3A_789 : vector<16xf32>
        %get3A_791 = arith.constant 0 : i32
        %get3A_792 = arith.constant 0 : i32
        %get3A_793 = tpu.memref_slice %arg10[%and3A_150, %get3A_791, %get3A_792] : memref<2x672x64xf32, #tpu.memory_space<vmem>> -> memref<1x672x64xf32, #tpu.memory_space<vmem>>
        %get3A_794 = tpu.memref_squeeze %get3A_793 : memref<1x672x64xf32, #tpu.memory_space<vmem>> -> memref<672x64xf32, #tpu.memory_space<vmem>>
        %get3A_795 = arith.index_cast %add3A_764 : i32 to index
        %get3A_796 = arith.constant 48 : index
        %get3A_797 = tpu.vector_load %get3A_794[%get3A_795, %get3A_796] {strides = array<i32>} : memref<672x64xf32, #tpu.memory_space<vmem>>, vector<16xf32>,
        %mul3A_798 = arith.mulf %get3A_553, %get3A_797 : vector<16xf32>
        %add3A_799 = arith.addf %add3A_790, %mul3A_798 : vector<16xf32>
        %mul3A_800 = arith.constant 16 : i32
        %mul3A_801 = arith.muli %add3A_764, %mul3A_800 : i32
        %swap3A_802 = arith.index_cast %mul3A_801 : i32 to index
        %swap3A_803 = tpu.vector_load %arg11[%swap3A_802] {strides = array<i32>} : memref<10752xf32, #tpu.memory_space<vmem>>, vector<16xf32>,
        tpu.vector_store %arg11[%swap3A_802], %add3A_799 {strides = array<i32>} : memref<10752xf32, #tpu.memory_space<vmem>>, vector<16xf32>,
        %add3A_804 = arith.constant 6 : i32
        %add3A_805 = arith.addi %add3A_557, %add3A_804 : i32
        %get3A_806 = arith.constant 0 : i32
        %get3A_807 = arith.constant 0 : i32
        %get3A_808 = tpu.memref_slice %arg10[%and3A_150, %get3A_806, %get3A_807] : memref<2x672x64xf32, #tpu.memory_space<vmem>> -> memref<1x672x64xf32, #tpu.memory_space<vmem>>
        %get3A_809 = tpu.memref_squeeze %get3A_808 : memref<1x672x64xf32, #tpu.memory_space<vmem>> -> memref<672x64xf32, #tpu.memory_space<vmem>>
        %get3A_810 = arith.index_cast %add3A_805 : i32 to index
        %get3A_811 = arith.constant 0 : index
        %get3A_812 = tpu.vector_load %get3A_809[%get3A_810, %get3A_811] {strides = array<i32>} : memref<672x64xf32, #tpu.memory_space<vmem>>, vector<16xf32>,
        %mul3A_813 = arith.mulf %get3A_532, %get3A_812 : vector<16xf32>
        %get3A_814 = arith.constant 0 : i32
        %get3A_815 = arith.constant 0 : i32
        %get3A_816 = tpu.memref_slice %arg10[%and3A_150, %get3A_814, %get3A_815] : memref<2x672x64xf32, #tpu.memory_space<vmem>> -> memref<1x672x64xf32, #tpu.memory_space<vmem>>
        %get3A_817 = tpu.memref_squeeze %get3A_816 : memref<1x672x64xf32, #tpu.memory_space<vmem>> -> memref<672x64xf32, #tpu.memory_space<vmem>>
        %get3A_818 = arith.index_cast %add3A_805 : i32 to index
        %get3A_819 = arith.constant 16 : index
        %get3A_820 = tpu.vector_load %get3A_817[%get3A_818, %get3A_819] {strides = array<i32>} : memref<672x64xf32, #tpu.memory_space<vmem>>, vector<16xf32>,
        %mul3A_821 = arith.mulf %get3A_539, %get3A_820 : vector<16xf32>
        %add3A_822 = arith.addf %mul3A_813, %mul3A_821 : vector<16xf32>
        %get3A_823 = arith.constant 0 : i32
        %get3A_824 = arith.constant 0 : i32
        %get3A_825 = tpu.memref_slice %arg10[%and3A_150, %get3A_823, %get3A_824] : memref<2x672x64xf32, #tpu.memory_space<vmem>> -> memref<1x672x64xf32, #tpu.memory_space<vmem>>
        %get3A_826 = tpu.memref_squeeze %get3A_825 : memref<1x672x64xf32, #tpu.memory_space<vmem>> -> memref<672x64xf32, #tpu.memory_space<vmem>>
        %get3A_827 = arith.index_cast %add3A_805 : i32 to index
        %get3A_828 = arith.constant 32 : index
        %get3A_829 = tpu.vector_load %get3A_826[%get3A_827, %get3A_828] {strides = array<i32>} : memref<672x64xf32, #tpu.memory_space<vmem>>, vector<16xf32>,
        %mul3A_830 = arith.mulf %get3A_546, %get3A_829 : vector<16xf32>
        %add3A_831 = arith.addf %add3A_822, %mul3A_830 : vector<16xf32>
        %get3A_832 = arith.constant 0 : i32
        %get3A_833 = arith.constant 0 : i32
        %get3A_834 = tpu.memref_slice %arg10[%and3A_150, %get3A_832, %get3A_833] : memref<2x672x64xf32, #tpu.memory_space<vmem>> -> memref<1x672x64xf32, #tpu.memory_space<vmem>>
        %get3A_835 = tpu.memref_squeeze %get3A_834 : memref<1x672x64xf32, #tpu.memory_space<vmem>> -> memref<672x64xf32, #tpu.memory_space<vmem>>
        %get3A_836 = arith.index_cast %add3A_805 : i32 to index
        %get3A_837 = arith.constant 48 : index
        %get3A_838 = tpu.vector_load %get3A_835[%get3A_836, %get3A_837] {strides = array<i32>} : memref<672x64xf32, #tpu.memory_space<vmem>>, vector<16xf32>,
        %mul3A_839 = arith.mulf %get3A_553, %get3A_838 : vector<16xf32>
        %add3A_840 = arith.addf %add3A_831, %mul3A_839 : vector<16xf32>
        %mul3A_841 = arith.constant 16 : i32
        %mul3A_842 = arith.muli %add3A_805, %mul3A_841 : i32
        %swap3A_843 = arith.index_cast %mul3A_842 : i32 to index
        %swap3A_844 = tpu.vector_load %arg11[%swap3A_843] {strides = array<i32>} : memref<10752xf32, #tpu.memory_space<vmem>>, vector<16xf32>,
        tpu.vector_store %arg11[%swap3A_843], %add3A_840 {strides = array<i32>} : memref<10752xf32, #tpu.memory_space<vmem>>, vector<16xf32>,
        %add3A_845 = arith.constant 7 : i32
        %add3A_846 = arith.addi %add3A_557, %add3A_845 : i32
        %get3A_847 = arith.constant 0 : i32
        %get3A_848 = arith.constant 0 : i32
        %get3A_849 = tpu.memref_slice %arg10[%and3A_150, %get3A_847, %get3A_848] : memref<2x672x64xf32, #tpu.memory_space<vmem>> -> memref<1x672x64xf32, #tpu.memory_space<vmem>>
        %get3A_850 = tpu.memref_squeeze %get3A_849 : memref<1x672x64xf32, #tpu.memory_space<vmem>> -> memref<672x64xf32, #tpu.memory_space<vmem>>
        %get3A_851 = arith.index_cast %add3A_846 : i32 to index
        %get3A_852 = arith.constant 0 : index
        %get3A_853 = tpu.vector_load %get3A_850[%get3A_851, %get3A_852] {strides = array<i32>} : memref<672x64xf32, #tpu.memory_space<vmem>>, vector<16xf32>,
        %mul3A_854 = arith.mulf %get3A_532, %get3A_853 : vector<16xf32>
        %get3A_855 = arith.constant 0 : i32
        %get3A_856 = arith.constant 0 : i32
        %get3A_857 = tpu.memref_slice %arg10[%and3A_150, %get3A_855, %get3A_856] : memref<2x672x64xf32, #tpu.memory_space<vmem>> -> memref<1x672x64xf32, #tpu.memory_space<vmem>>
        %get3A_858 = tpu.memref_squeeze %get3A_857 : memref<1x672x64xf32, #tpu.memory_space<vmem>> -> memref<672x64xf32, #tpu.memory_space<vmem>>
        %get3A_859 = arith.index_cast %add3A_846 : i32 to index
        %get3A_860 = arith.constant 16 : index
        %get3A_861 = tpu.vector_load %get3A_858[%get3A_859, %get3A_860] {strides = array<i32>} : memref<672x64xf32, #tpu.memory_space<vmem>>, vector<16xf32>,
        %mul3A_862 = arith.mulf %get3A_539, %get3A_861 : vector<16xf32>
        %add3A_863 = arith.addf %mul3A_854, %mul3A_862 : vector<16xf32>
        %get3A_864 = arith.constant 0 : i32
        %get3A_865 = arith.constant 0 : i32
        %get3A_866 = tpu.memref_slice %arg10[%and3A_150, %get3A_864, %get3A_865] : memref<2x672x64xf32, #tpu.memory_space<vmem>> -> memref<1x672x64xf32, #tpu.memory_space<vmem>>
        %get3A_867 = tpu.memref_squeeze %get3A_866 : memref<1x672x64xf32, #tpu.memory_space<vmem>> -> memref<672x64xf32, #tpu.memory_space<vmem>>
        %get3A_868 = arith.index_cast %add3A_846 : i32 to index
        %get3A_869 = arith.constant 32 : index
        %get3A_870 = tpu.vector_load %get3A_867[%get3A_868, %get3A_869] {strides = array<i32>} : memref<672x64xf32, #tpu.memory_space<vmem>>, vector<16xf32>,
        %mul3A_871 = arith.mulf %get3A_546, %get3A_870 : vector<16xf32>
        %add3A_872 = arith.addf %add3A_863, %mul3A_871 : vector<16xf32>
        %get3A_873 = arith.constant 0 : i32
        %get3A_874 = arith.constant 0 : i32
        %get3A_875 = tpu.memref_slice %arg10[%and3A_150, %get3A_873, %get3A_874] : memref<2x672x64xf32, #tpu.memory_space<vmem>> -> memref<1x672x64xf32, #tpu.memory_space<vmem>>
        %get3A_876 = tpu.memref_squeeze %get3A_875 : memref<1x672x64xf32, #tpu.memory_space<vmem>> -> memref<672x64xf32, #tpu.memory_space<vmem>>
        %get3A_877 = arith.index_cast %add3A_846 : i32 to index
        %get3A_878 = arith.constant 48 : index
        %get3A_879 = tpu.vector_load %get3A_876[%get3A_877, %get3A_878] {strides = array<i32>} : memref<672x64xf32, #tpu.memory_space<vmem>>, vector<16xf32>,
        %mul3A_880 = arith.mulf %get3A_553, %get3A_879 : vector<16xf32>
        %add3A_881 = arith.addf %add3A_872, %mul3A_880 : vector<16xf32>
        %mul3A_882 = arith.constant 16 : i32
        %mul3A_883 = arith.muli %add3A_846, %mul3A_882 : i32
        %swap3A_884 = arith.index_cast %mul3A_883 : i32 to index
        %swap3A_885 = tpu.vector_load %arg11[%swap3A_884] {strides = array<i32>} : memref<10752xf32, #tpu.memory_space<vmem>>, vector<16xf32>,
        tpu.vector_store %arg11[%swap3A_884], %add3A_881 {strides = array<i32>} : memref<10752xf32, #tpu.memory_space<vmem>>, vector<16xf32>,
        %add3A_886 = arith.constant 8 : i32
        %add3A_887 = arith.addi %add3A_557, %add3A_886 : i32
        %get3A_888 = arith.constant 0 : i32
        %get3A_889 = arith.constant 0 : i32
        %get3A_890 = tpu.memref_slice %arg10[%and3A_150, %get3A_888, %get3A_889] : memref<2x672x64xf32, #tpu.memory_space<vmem>> -> memref<1x672x64xf32, #tpu.memory_space<vmem>>
        %get3A_891 = tpu.memref_squeeze %get3A_890 : memref<1x672x64xf32, #tpu.memory_space<vmem>> -> memref<672x64xf32, #tpu.memory_space<vmem>>
        %get3A_892 = arith.index_cast %add3A_887 : i32 to index
        %get3A_893 = arith.constant 0 : index
        %get3A_894 = tpu.vector_load %get3A_891[%get3A_892, %get3A_893] {strides = array<i32>} : memref<672x64xf32, #tpu.memory_space<vmem>>, vector<16xf32>,
        %mul3A_895 = arith.mulf %get3A_532, %get3A_894 : vector<16xf32>
        %get3A_896 = arith.constant 0 : i32
        %get3A_897 = arith.constant 0 : i32
        %get3A_898 = tpu.memref_slice %arg10[%and3A_150, %get3A_896, %get3A_897] : memref<2x672x64xf32, #tpu.memory_space<vmem>> -> memref<1x672x64xf32, #tpu.memory_space<vmem>>
        %get3A_899 = tpu.memref_squeeze %get3A_898 : memref<1x672x64xf32, #tpu.memory_space<vmem>> -> memref<672x64xf32, #tpu.memory_space<vmem>>
        %get3A_900 = arith.index_cast %add3A_887 : i32 to index
        %get3A_901 = arith.constant 16 : index
        %get3A_902 = tpu.vector_load %get3A_899[%get3A_900, %get3A_901] {strides = array<i32>} : memref<672x64xf32, #tpu.memory_space<vmem>>, vector<16xf32>,
        %mul3A_903 = arith.mulf %get3A_539, %get3A_902 : vector<16xf32>
        %add3A_904 = arith.addf %mul3A_895, %mul3A_903 : vector<16xf32>
        %get3A_905 = arith.constant 0 : i32
        %get3A_906 = arith.constant 0 : i32
        %get3A_907 = tpu.memref_slice %arg10[%and3A_150, %get3A_905, %get3A_906] : memref<2x672x64xf32, #tpu.memory_space<vmem>> -> memref<1x672x64xf32, #tpu.memory_space<vmem>>
        %get3A_908 = tpu.memref_squeeze %get3A_907 : memref<1x672x64xf32, #tpu.memory_space<vmem>> -> memref<672x64xf32, #tpu.memory_space<vmem>>
        %get3A_909 = arith.index_cast %add3A_887 : i32 to index
        %get3A_910 = arith.constant 32 : index
        %get3A_911 = tpu.vector_load %get3A_908[%get3A_909, %get3A_910] {strides = array<i32>} : memref<672x64xf32, #tpu.memory_space<vmem>>, vector<16xf32>,
        %mul3A_912 = arith.mulf %get3A_546, %get3A_911 : vector<16xf32>
        %add3A_913 = arith.addf %add3A_904, %mul3A_912 : vector<16xf32>
        %get3A_914 = arith.constant 0 : i32
        %get3A_915 = arith.constant 0 : i32
        %get3A_916 = tpu.memref_slice %arg10[%and3A_150, %get3A_914, %get3A_915] : memref<2x672x64xf32, #tpu.memory_space<vmem>> -> memref<1x672x64xf32, #tpu.memory_space<vmem>>
        %get3A_917 = tpu.memref_squeeze %get3A_916 : memref<1x672x64xf32, #tpu.memory_space<vmem>> -> memref<672x64xf32, #tpu.memory_space<vmem>>
        %get3A_918 = arith.index_cast %add3A_887 : i32 to index
        %get3A_919 = arith.constant 48 : index
        %get3A_920 = tpu.vector_load %get3A_917[%get3A_918, %get3A_919] {strides = array<i32>} : memref<672x64xf32, #tpu.memory_space<vmem>>, vector<16xf32>,
        %mul3A_921 = arith.mulf %get3A_553, %get3A_920 : vector<16xf32>
        %add3A_922 = arith.addf %add3A_913, %mul3A_921 : vector<16xf32>
        %mul3A_923 = arith.constant 16 : i32
        %mul3A_924 = arith.muli %add3A_887, %mul3A_923 : i32
        %swap3A_925 = arith.index_cast %mul3A_924 : i32 to index
        %swap3A_926 = tpu.vector_load %arg11[%swap3A_925] {strides = array<i32>} : memref<10752xf32, #tpu.memory_space<vmem>>, vector<16xf32>,
        tpu.vector_store %arg11[%swap3A_925], %add3A_922 {strides = array<i32>} : memref<10752xf32, #tpu.memory_space<vmem>>, vector<16xf32>,
        %add3A_927 = arith.constant 9 : i32
        %add3A_928 = arith.addi %add3A_557, %add3A_927 : i32
        %get3A_929 = arith.constant 0 : i32
        %get3A_930 = arith.constant 0 : i32
        %get3A_931 = tpu.memref_slice %arg10[%and3A_150, %get3A_929, %get3A_930] : memref<2x672x64xf32, #tpu.memory_space<vmem>> -> memref<1x672x64xf32, #tpu.memory_space<vmem>>
        %get3A_932 = tpu.memref_squeeze %get3A_931 : memref<1x672x64xf32, #tpu.memory_space<vmem>> -> memref<672x64xf32, #tpu.memory_space<vmem>>
        %get3A_933 = arith.index_cast %add3A_928 : i32 to index
        %get3A_934 = arith.constant 0 : index
        %get3A_935 = tpu.vector_load %get3A_932[%get3A_933, %get3A_934] {strides = array<i32>} : memref<672x64xf32, #tpu.memory_space<vmem>>, vector<16xf32>,
        %mul3A_936 = arith.mulf %get3A_532, %get3A_935 : vector<16xf32>
        %get3A_937 = arith.constant 0 : i32
        %get3A_938 = arith.constant 0 : i32
        %get3A_939 = tpu.memref_slice %arg10[%and3A_150, %get3A_937, %get3A_938] : memref<2x672x64xf32, #tpu.memory_space<vmem>> -> memref<1x672x64xf32, #tpu.memory_space<vmem>>
        %get3A_940 = tpu.memref_squeeze %get3A_939 : memref<1x672x64xf32, #tpu.memory_space<vmem>> -> memref<672x64xf32, #tpu.memory_space<vmem>>
        %get3A_941 = arith.index_cast %add3A_928 : i32 to index
        %get3A_942 = arith.constant 16 : index
        %get3A_943 = tpu.vector_load %get3A_940[%get3A_941, %get3A_942] {strides = array<i32>} : memref<672x64xf32, #tpu.memory_space<vmem>>, vector<16xf32>,
        %mul3A_944 = arith.mulf %get3A_539, %get3A_943 : vector<16xf32>
        %add3A_945 = arith.addf %mul3A_936, %mul3A_944 : vector<16xf32>
        %get3A_946 = arith.constant 0 : i32
        %get3A_947 = arith.constant 0 : i32
        %get3A_948 = tpu.memref_slice %arg10[%and3A_150, %get3A_946, %get3A_947] : memref<2x672x64xf32, #tpu.memory_space<vmem>> -> memref<1x672x64xf32, #tpu.memory_space<vmem>>
        %get3A_949 = tpu.memref_squeeze %get3A_948 : memref<1x672x64xf32, #tpu.memory_space<vmem>> -> memref<672x64xf32, #tpu.memory_space<vmem>>
        %get3A_950 = arith.index_cast %add3A_928 : i32 to index
        %get3A_951 = arith.constant 32 : index
        %get3A_952 = tpu.vector_load %get3A_949[%get3A_950, %get3A_951] {strides = array<i32>} : memref<672x64xf32, #tpu.memory_space<vmem>>, vector<16xf32>,
        %mul3A_953 = arith.mulf %get3A_546, %get3A_952 : vector<16xf32>
        %add3A_954 = arith.addf %add3A_945, %mul3A_953 : vector<16xf32>
        %get3A_955 = arith.constant 0 : i32
        %get3A_956 = arith.constant 0 : i32
        %get3A_957 = tpu.memref_slice %arg10[%and3A_150, %get3A_955, %get3A_956] : memref<2x672x64xf32, #tpu.memory_space<vmem>> -> memref<1x672x64xf32, #tpu.memory_space<vmem>>
        %get3A_958 = tpu.memref_squeeze %get3A_957 : memref<1x672x64xf32, #tpu.memory_space<vmem>> -> memref<672x64xf32, #tpu.memory_space<vmem>>
        %get3A_959 = arith.index_cast %add3A_928 : i32 to index
        %get3A_960 = arith.constant 48 : index
        %get3A_961 = tpu.vector_load %get3A_958[%get3A_959, %get3A_960] {strides = array<i32>} : memref<672x64xf32, #tpu.memory_space<vmem>>, vector<16xf32>,
        %mul3A_962 = arith.mulf %get3A_553, %get3A_961 : vector<16xf32>
        %add3A_963 = arith.addf %add3A_954, %mul3A_962 : vector<16xf32>
        %mul3A_964 = arith.constant 16 : i32
        %mul3A_965 = arith.muli %add3A_928, %mul3A_964 : i32
        %swap3A_966 = arith.index_cast %mul3A_965 : i32 to index
        %swap3A_967 = tpu.vector_load %arg11[%swap3A_966] {strides = array<i32>} : memref<10752xf32, #tpu.memory_space<vmem>>, vector<16xf32>,
        tpu.vector_store %arg11[%swap3A_966], %add3A_963 {strides = array<i32>} : memref<10752xf32, #tpu.memory_space<vmem>>, vector<16xf32>,
        %add3A_968 = arith.constant 10 : i32
        %add3A_969 = arith.addi %add3A_557, %add3A_968 : i32
        %get3A_970 = arith.constant 0 : i32
        %get3A_971 = arith.constant 0 : i32
        %get3A_972 = tpu.memref_slice %arg10[%and3A_150, %get3A_970, %get3A_971] : memref<2x672x64xf32, #tpu.memory_space<vmem>> -> memref<1x672x64xf32, #tpu.memory_space<vmem>>
        %get3A_973 = tpu.memref_squeeze %get3A_972 : memref<1x672x64xf32, #tpu.memory_space<vmem>> -> memref<672x64xf32, #tpu.memory_space<vmem>>
        %get3A_974 = arith.index_cast %add3A_969 : i32 to index
        %get3A_975 = arith.constant 0 : index
        %get3A_976 = tpu.vector_load %get3A_973[%get3A_974, %get3A_975] {strides = array<i32>} : memref<672x64xf32, #tpu.memory_space<vmem>>, vector<16xf32>,
        %mul3A_977 = arith.mulf %get3A_532, %get3A_976 : vector<16xf32>
        %get3A_978 = arith.constant 0 : i32
        %get3A_979 = arith.constant 0 : i32
        %get3A_980 = tpu.memref_slice %arg10[%and3A_150, %get3A_978, %get3A_979] : memref<2x672x64xf32, #tpu.memory_space<vmem>> -> memref<1x672x64xf32, #tpu.memory_space<vmem>>
        %get3A_981 = tpu.memref_squeeze %get3A_980 : memref<1x672x64xf32, #tpu.memory_space<vmem>> -> memref<672x64xf32, #tpu.memory_space<vmem>>
        %get3A_982 = arith.index_cast %add3A_969 : i32 to index
        %get3A_983 = arith.constant 16 : index
        %get3A_984 = tpu.vector_load %get3A_981[%get3A_982, %get3A_983] {strides = array<i32>} : memref<672x64xf32, #tpu.memory_space<vmem>>, vector<16xf32>,
        %mul3A_985 = arith.mulf %get3A_539, %get3A_984 : vector<16xf32>
        %add3A_986 = arith.addf %mul3A_977, %mul3A_985 : vector<16xf32>
        %get3A_987 = arith.constant 0 : i32
        %get3A_988 = arith.constant 0 : i32
        %get3A_989 = tpu.memref_slice %arg10[%and3A_150, %get3A_987, %get3A_988] : memref<2x672x64xf32, #tpu.memory_space<vmem>> -> memref<1x672x64xf32, #tpu.memory_space<vmem>>
        %get3A_990 = tpu.memref_squeeze %get3A_989 : memref<1x672x64xf32, #tpu.memory_space<vmem>> -> memref<672x64xf32, #tpu.memory_space<vmem>>
        %get3A_991 = arith.index_cast %add3A_969 : i32 to index
        %get3A_992 = arith.constant 32 : index
        %get3A_993 = tpu.vector_load %get3A_990[%get3A_991, %get3A_992] {strides = array<i32>} : memref<672x64xf32, #tpu.memory_space<vmem>>, vector<16xf32>,
        %mul3A_994 = arith.mulf %get3A_546, %get3A_993 : vector<16xf32>
        %add3A_995 = arith.addf %add3A_986, %mul3A_994 : vector<16xf32>
        %get3A_996 = arith.constant 0 : i32
        %get3A_997 = arith.constant 0 : i32
        %get3A_998 = tpu.memref_slice %arg10[%and3A_150, %get3A_996, %get3A_997] : memref<2x672x64xf32, #tpu.memory_space<vmem>> -> memref<1x672x64xf32, #tpu.memory_space<vmem>>
        %get3A_999 = tpu.memref_squeeze %get3A_998 : memref<1x672x64xf32, #tpu.memory_space<vmem>> -> memref<672x64xf32, #tpu.memory_space<vmem>>
        %get3A_1000 = arith.index_cast %add3A_969 : i32 to index
        %get3A_1001 = arith.constant 48 : index
        %get3A_1002 = tpu.vector_load %get3A_999[%get3A_1000, %get3A_1001] {strides = array<i32>} : memref<672x64xf32, #tpu.memory_space<vmem>>, vector<16xf32>,
        %mul3A_1003 = arith.mulf %get3A_553, %get3A_1002 : vector<16xf32>
        %add3A_1004 = arith.addf %add3A_995, %mul3A_1003 : vector<16xf32>
        %mul3A_1005 = arith.constant 16 : i32
        %mul3A_1006 = arith.muli %add3A_969, %mul3A_1005 : i32
        %swap3A_1007 = arith.index_cast %mul3A_1006 : i32 to index
        %swap3A_1008 = tpu.vector_load %arg11[%swap3A_1007] {strides = array<i32>} : memref<10752xf32, #tpu.memory_space<vmem>>, vector<16xf32>,
        tpu.vector_store %arg11[%swap3A_1007], %add3A_1004 {strides = array<i32>} : memref<10752xf32, #tpu.memory_space<vmem>>, vector<16xf32>,
        %add3A_1009 = arith.constant 11 : i32
        %add3A_1010 = arith.addi %add3A_557, %add3A_1009 : i32
        %get3A_1011 = arith.constant 0 : i32
        %get3A_1012 = arith.constant 0 : i32
        %get3A_1013 = tpu.memref_slice %arg10[%and3A_150, %get3A_1011, %get3A_1012] : memref<2x672x64xf32, #tpu.memory_space<vmem>> -> memref<1x672x64xf32, #tpu.memory_space<vmem>>
        %get3A_1014 = tpu.memref_squeeze %get3A_1013 : memref<1x672x64xf32, #tpu.memory_space<vmem>> -> memref<672x64xf32, #tpu.memory_space<vmem>>
        %get3A_1015 = arith.index_cast %add3A_1010 : i32 to index
        %get3A_1016 = arith.constant 0 : index
        %get3A_1017 = tpu.vector_load %get3A_1014[%get3A_1015, %get3A_1016] {strides = array<i32>} : memref<672x64xf32, #tpu.memory_space<vmem>>, vector<16xf32>,
        %mul3A_1018 = arith.mulf %get3A_532, %get3A_1017 : vector<16xf32>
        %get3A_1019 = arith.constant 0 : i32
        %get3A_1020 = arith.constant 0 : i32
        %get3A_1021 = tpu.memref_slice %arg10[%and3A_150, %get3A_1019, %get3A_1020] : memref<2x672x64xf32, #tpu.memory_space<vmem>> -> memref<1x672x64xf32, #tpu.memory_space<vmem>>
        %get3A_1022 = tpu.memref_squeeze %get3A_1021 : memref<1x672x64xf32, #tpu.memory_space<vmem>> -> memref<672x64xf32, #tpu.memory_space<vmem>>
        %get3A_1023 = arith.index_cast %add3A_1010 : i32 to index
        %get3A_1024 = arith.constant 16 : index
        %get3A_1025 = tpu.vector_load %get3A_1022[%get3A_1023, %get3A_1024] {strides = array<i32>} : memref<672x64xf32, #tpu.memory_space<vmem>>, vector<16xf32>,
        %mul3A_1026 = arith.mulf %get3A_539, %get3A_1025 : vector<16xf32>
        %add3A_1027 = arith.addf %mul3A_1018, %mul3A_1026 : vector<16xf32>
        %get3A_1028 = arith.constant 0 : i32
        %get3A_1029 = arith.constant 0 : i32
        %get3A_1030 = tpu.memref_slice %arg10[%and3A_150, %get3A_1028, %get3A_1029] : memref<2x672x64xf32, #tpu.memory_space<vmem>> -> memref<1x672x64xf32, #tpu.memory_space<vmem>>
        %get3A_1031 = tpu.memref_squeeze %get3A_1030 : memref<1x672x64xf32, #tpu.memory_space<vmem>> -> memref<672x64xf32, #tpu.memory_space<vmem>>
        %get3A_1032 = arith.index_cast %add3A_1010 : i32 to index
        %get3A_1033 = arith.constant 32 : index
        %get3A_1034 = tpu.vector_load %get3A_1031[%get3A_1032, %get3A_1033] {strides = array<i32>} : memref<672x64xf32, #tpu.memory_space<vmem>>, vector<16xf32>,
        %mul3A_1035 = arith.mulf %get3A_546, %get3A_1034 : vector<16xf32>
        %add3A_1036 = arith.addf %add3A_1027, %mul3A_1035 : vector<16xf32>
        %get3A_1037 = arith.constant 0 : i32
        %get3A_1038 = arith.constant 0 : i32
        %get3A_1039 = tpu.memref_slice %arg10[%and3A_150, %get3A_1037, %get3A_1038] : memref<2x672x64xf32, #tpu.memory_space<vmem>> -> memref<1x672x64xf32, #tpu.memory_space<vmem>>
        %get3A_1040 = tpu.memref_squeeze %get3A_1039 : memref<1x672x64xf32, #tpu.memory_space<vmem>> -> memref<672x64xf32, #tpu.memory_space<vmem>>
        %get3A_1041 = arith.index_cast %add3A_1010 : i32 to index
        %get3A_1042 = arith.constant 48 : index
        %get3A_1043 = tpu.vector_load %get3A_1040[%get3A_1041, %get3A_1042] {strides = array<i32>} : memref<672x64xf32, #tpu.memory_space<vmem>>, vector<16xf32>,
        %mul3A_1044 = arith.mulf %get3A_553, %get3A_1043 : vector<16xf32>
        %add3A_1045 = arith.addf %add3A_1036, %mul3A_1044 : vector<16xf32>
        %mul3A_1046 = arith.constant 16 : i32
        %mul3A_1047 = arith.muli %add3A_1010, %mul3A_1046 : i32
        %swap3A_1048 = arith.index_cast %mul3A_1047 : i32 to index
        %swap3A_1049 = tpu.vector_load %arg11[%swap3A_1048] {strides = array<i32>} : memref<10752xf32, #tpu.memory_space<vmem>>, vector<16xf32>,
        tpu.vector_store %arg11[%swap3A_1048], %add3A_1045 {strides = array<i32>} : memref<10752xf32, #tpu.memory_space<vmem>>, vector<16xf32>,
        %add3A_1050 = arith.constant 12 : i32
        %add3A_1051 = arith.addi %add3A_557, %add3A_1050 : i32
        %get3A_1052 = arith.constant 0 : i32
        %get3A_1053 = arith.constant 0 : i32
        %get3A_1054 = tpu.memref_slice %arg10[%and3A_150, %get3A_1052, %get3A_1053] : memref<2x672x64xf32, #tpu.memory_space<vmem>> -> memref<1x672x64xf32, #tpu.memory_space<vmem>>
        %get3A_1055 = tpu.memref_squeeze %get3A_1054 : memref<1x672x64xf32, #tpu.memory_space<vmem>> -> memref<672x64xf32, #tpu.memory_space<vmem>>
        %get3A_1056 = arith.index_cast %add3A_1051 : i32 to index
        %get3A_1057 = arith.constant 0 : index
        %get3A_1058 = tpu.vector_load %get3A_1055[%get3A_1056, %get3A_1057] {strides = array<i32>} : memref<672x64xf32, #tpu.memory_space<vmem>>, vector<16xf32>,
        %mul3A_1059 = arith.mulf %get3A_532, %get3A_1058 : vector<16xf32>
        %get3A_1060 = arith.constant 0 : i32
        %get3A_1061 = arith.constant 0 : i32
        %get3A_1062 = tpu.memref_slice %arg10[%and3A_150, %get3A_1060, %get3A_1061] : memref<2x672x64xf32, #tpu.memory_space<vmem>> -> memref<1x672x64xf32, #tpu.memory_space<vmem>>
        %get3A_1063 = tpu.memref_squeeze %get3A_1062 : memref<1x672x64xf32, #tpu.memory_space<vmem>> -> memref<672x64xf32, #tpu.memory_space<vmem>>
        %get3A_1064 = arith.index_cast %add3A_1051 : i32 to index
        %get3A_1065 = arith.constant 16 : index
        %get3A_1066 = tpu.vector_load %get3A_1063[%get3A_1064, %get3A_1065] {strides = array<i32>} : memref<672x64xf32, #tpu.memory_space<vmem>>, vector<16xf32>,
        %mul3A_1067 = arith.mulf %get3A_539, %get3A_1066 : vector<16xf32>
        %add3A_1068 = arith.addf %mul3A_1059, %mul3A_1067 : vector<16xf32>
        %get3A_1069 = arith.constant 0 : i32
        %get3A_1070 = arith.constant 0 : i32
        %get3A_1071 = tpu.memref_slice %arg10[%and3A_150, %get3A_1069, %get3A_1070] : memref<2x672x64xf32, #tpu.memory_space<vmem>> -> memref<1x672x64xf32, #tpu.memory_space<vmem>>
        %get3A_1072 = tpu.memref_squeeze %get3A_1071 : memref<1x672x64xf32, #tpu.memory_space<vmem>> -> memref<672x64xf32, #tpu.memory_space<vmem>>
        %get3A_1073 = arith.index_cast %add3A_1051 : i32 to index
        %get3A_1074 = arith.constant 32 : index
        %get3A_1075 = tpu.vector_load %get3A_1072[%get3A_1073, %get3A_1074] {strides = array<i32>} : memref<672x64xf32, #tpu.memory_space<vmem>>, vector<16xf32>,
        %mul3A_1076 = arith.mulf %get3A_546, %get3A_1075 : vector<16xf32>
        %add3A_1077 = arith.addf %add3A_1068, %mul3A_1076 : vector<16xf32>
        %get3A_1078 = arith.constant 0 : i32
        %get3A_1079 = arith.constant 0 : i32
        %get3A_1080 = tpu.memref_slice %arg10[%and3A_150, %get3A_1078, %get3A_1079] : memref<2x672x64xf32, #tpu.memory_space<vmem>> -> memref<1x672x64xf32, #tpu.memory_space<vmem>>
        %get3A_1081 = tpu.memref_squeeze %get3A_1080 : memref<1x672x64xf32, #tpu.memory_space<vmem>> -> memref<672x64xf32, #tpu.memory_space<vmem>>
        %get3A_1082 = arith.index_cast %add3A_1051 : i32 to index
        %get3A_1083 = arith.constant 48 : index
        %get3A_1084 = tpu.vector_load %get3A_1081[%get3A_1082, %get3A_1083] {strides = array<i32>} : memref<672x64xf32, #tpu.memory_space<vmem>>, vector<16xf32>,
        %mul3A_1085 = arith.mulf %get3A_553, %get3A_1084 : vector<16xf32>
        %add3A_1086 = arith.addf %add3A_1077, %mul3A_1085 : vector<16xf32>
        %mul3A_1087 = arith.constant 16 : i32
        %mul3A_1088 = arith.muli %add3A_1051, %mul3A_1087 : i32
        %swap3A_1089 = arith.index_cast %mul3A_1088 : i32 to index
        %swap3A_1090 = tpu.vector_load %arg11[%swap3A_1089] {strides = array<i32>} : memref<10752xf32, #tpu.memory_space<vmem>>, vector<16xf32>,
        tpu.vector_store %arg11[%swap3A_1089], %add3A_1086 {strides = array<i32>} : memref<10752xf32, #tpu.memory_space<vmem>>, vector<16xf32>,
        %add3A_1091 = arith.constant 13 : i32
        %add3A_1092 = arith.addi %add3A_557, %add3A_1091 : i32
        %get3A_1093 = arith.constant 0 : i32
        %get3A_1094 = arith.constant 0 : i32
        %get3A_1095 = tpu.memref_slice %arg10[%and3A_150, %get3A_1093, %get3A_1094] : memref<2x672x64xf32, #tpu.memory_space<vmem>> -> memref<1x672x64xf32, #tpu.memory_space<vmem>>
        %get3A_1096 = tpu.memref_squeeze %get3A_1095 : memref<1x672x64xf32, #tpu.memory_space<vmem>> -> memref<672x64xf32, #tpu.memory_space<vmem>>
        %get3A_1097 = arith.index_cast %add3A_1092 : i32 to index
        %get3A_1098 = arith.constant 0 : index
        %get3A_1099 = tpu.vector_load %get3A_1096[%get3A_1097, %get3A_1098] {strides = array<i32>} : memref<672x64xf32, #tpu.memory_space<vmem>>, vector<16xf32>,
        %mul3A_1100 = arith.mulf %get3A_532, %get3A_1099 : vector<16xf32>
        %get3A_1101 = arith.constant 0 : i32
        %get3A_1102 = arith.constant 0 : i32
        %get3A_1103 = tpu.memref_slice %arg10[%and3A_150, %get3A_1101, %get3A_1102] : memref<2x672x64xf32, #tpu.memory_space<vmem>> -> memref<1x672x64xf32, #tpu.memory_space<vmem>>
        %get3A_1104 = tpu.memref_squeeze %get3A_1103 : memref<1x672x64xf32, #tpu.memory_space<vmem>> -> memref<672x64xf32, #tpu.memory_space<vmem>>
        %get3A_1105 = arith.index_cast %add3A_1092 : i32 to index
        %get3A_1106 = arith.constant 16 : index
        %get3A_1107 = tpu.vector_load %get3A_1104[%get3A_1105, %get3A_1106] {strides = array<i32>} : memref<672x64xf32, #tpu.memory_space<vmem>>, vector<16xf32>,
        %mul3A_1108 = arith.mulf %get3A_539, %get3A_1107 : vector<16xf32>
        %add3A_1109 = arith.addf %mul3A_1100, %mul3A_1108 : vector<16xf32>
        %get3A_1110 = arith.constant 0 : i32
        %get3A_1111 = arith.constant 0 : i32
        %get3A_1112 = tpu.memref_slice %arg10[%and3A_150, %get3A_1110, %get3A_1111] : memref<2x672x64xf32, #tpu.memory_space<vmem>> -> memref<1x672x64xf32, #tpu.memory_space<vmem>>
        %get3A_1113 = tpu.memref_squeeze %get3A_1112 : memref<1x672x64xf32, #tpu.memory_space<vmem>> -> memref<672x64xf32, #tpu.memory_space<vmem>>
        %get3A_1114 = arith.index_cast %add3A_1092 : i32 to index
        %get3A_1115 = arith.constant 32 : index
        %get3A_1116 = tpu.vector_load %get3A_1113[%get3A_1114, %get3A_1115] {strides = array<i32>} : memref<672x64xf32, #tpu.memory_space<vmem>>, vector<16xf32>,
        %mul3A_1117 = arith.mulf %get3A_546, %get3A_1116 : vector<16xf32>
        %add3A_1118 = arith.addf %add3A_1109, %mul3A_1117 : vector<16xf32>
        %get3A_1119 = arith.constant 0 : i32
        %get3A_1120 = arith.constant 0 : i32
        %get3A_1121 = tpu.memref_slice %arg10[%and3A_150, %get3A_1119, %get3A_1120] : memref<2x672x64xf32, #tpu.memory_space<vmem>> -> memref<1x672x64xf32, #tpu.memory_space<vmem>>
        %get3A_1122 = tpu.memref_squeeze %get3A_1121 : memref<1x672x64xf32, #tpu.memory_space<vmem>> -> memref<672x64xf32, #tpu.memory_space<vmem>>
        %get3A_1123 = arith.index_cast %add3A_1092 : i32 to index
        %get3A_1124 = arith.constant 48 : index
        %get3A_1125 = tpu.vector_load %get3A_1122[%get3A_1123, %get3A_1124] {strides = array<i32>} : memref<672x64xf32, #tpu.memory_space<vmem>>, vector<16xf32>,
        %mul3A_1126 = arith.mulf %get3A_553, %get3A_1125 : vector<16xf32>
        %add3A_1127 = arith.addf %add3A_1118, %mul3A_1126 : vector<16xf32>
        %mul3A_1128 = arith.constant 16 : i32
        %mul3A_1129 = arith.muli %add3A_1092, %mul3A_1128 : i32
        %swap3A_1130 = arith.index_cast %mul3A_1129 : i32 to index
        %swap3A_1131 = tpu.vector_load %arg11[%swap3A_1130] {strides = array<i32>} : memref<10752xf32, #tpu.memory_space<vmem>>, vector<16xf32>,
        tpu.vector_store %arg11[%swap3A_1130], %add3A_1127 {strides = array<i32>} : memref<10752xf32, #tpu.memory_space<vmem>>, vector<16xf32>,
        %add3A_1132 = arith.constant 14 : i32
        %add3A_1133 = arith.addi %add3A_557, %add3A_1132 : i32
        %get3A_1134 = arith.constant 0 : i32
        %get3A_1135 = arith.constant 0 : i32
        %get3A_1136 = tpu.memref_slice %arg10[%and3A_150, %get3A_1134, %get3A_1135] : memref<2x672x64xf32, #tpu.memory_space<vmem>> -> memref<1x672x64xf32, #tpu.memory_space<vmem>>
        %get3A_1137 = tpu.memref_squeeze %get3A_1136 : memref<1x672x64xf32, #tpu.memory_space<vmem>> -> memref<672x64xf32, #tpu.memory_space<vmem>>
        %get3A_1138 = arith.index_cast %add3A_1133 : i32 to index
        %get3A_1139 = arith.constant 0 : index
        %get3A_1140 = tpu.vector_load %get3A_1137[%get3A_1138, %get3A_1139] {strides = array<i32>} : memref<672x64xf32, #tpu.memory_space<vmem>>, vector<16xf32>,
        %mul3A_1141 = arith.mulf %get3A_532, %get3A_1140 : vector<16xf32>
        %get3A_1142 = arith.constant 0 : i32
        %get3A_1143 = arith.constant 0 : i32
        %get3A_1144 = tpu.memref_slice %arg10[%and3A_150, %get3A_1142, %get3A_1143] : memref<2x672x64xf32, #tpu.memory_space<vmem>> -> memref<1x672x64xf32, #tpu.memory_space<vmem>>
        %get3A_1145 = tpu.memref_squeeze %get3A_1144 : memref<1x672x64xf32, #tpu.memory_space<vmem>> -> memref<672x64xf32, #tpu.memory_space<vmem>>
        %get3A_1146 = arith.index_cast %add3A_1133 : i32 to index
        %get3A_1147 = arith.constant 16 : index
        %get3A_1148 = tpu.vector_load %get3A_1145[%get3A_1146, %get3A_1147] {strides = array<i32>} : memref<672x64xf32, #tpu.memory_space<vmem>>, vector<16xf32>,
        %mul3A_1149 = arith.mulf %get3A_539, %get3A_1148 : vector<16xf32>
        %add3A_1150 = arith.addf %mul3A_1141, %mul3A_1149 : vector<16xf32>
        %get3A_1151 = arith.constant 0 : i32
        %get3A_1152 = arith.constant 0 : i32
        %get3A_1153 = tpu.memref_slice %arg10[%and3A_150, %get3A_1151, %get3A_1152] : memref<2x672x64xf32, #tpu.memory_space<vmem>> -> memref<1x672x64xf32, #tpu.memory_space<vmem>>
        %get3A_1154 = tpu.memref_squeeze %get3A_1153 : memref<1x672x64xf32, #tpu.memory_space<vmem>> -> memref<672x64xf32, #tpu.memory_space<vmem>>
        %get3A_1155 = arith.index_cast %add3A_1133 : i32 to index
        %get3A_1156 = arith.constant 32 : index
        %get3A_1157 = tpu.vector_load %get3A_1154[%get3A_1155, %get3A_1156] {strides = array<i32>} : memref<672x64xf32, #tpu.memory_space<vmem>>, vector<16xf32>,
        %mul3A_1158 = arith.mulf %get3A_546, %get3A_1157 : vector<16xf32>
        %add3A_1159 = arith.addf %add3A_1150, %mul3A_1158 : vector<16xf32>
        %get3A_1160 = arith.constant 0 : i32
        %get3A_1161 = arith.constant 0 : i32
        %get3A_1162 = tpu.memref_slice %arg10[%and3A_150, %get3A_1160, %get3A_1161] : memref<2x672x64xf32, #tpu.memory_space<vmem>> -> memref<1x672x64xf32, #tpu.memory_space<vmem>>
        %get3A_1163 = tpu.memref_squeeze %get3A_1162 : memref<1x672x64xf32, #tpu.memory_space<vmem>> -> memref<672x64xf32, #tpu.memory_space<vmem>>
        %get3A_1164 = arith.index_cast %add3A_1133 : i32 to index
        %get3A_1165 = arith.constant 48 : index
        %get3A_1166 = tpu.vector_load %get3A_1163[%get3A_1164, %get3A_1165] {strides = array<i32>} : memref<672x64xf32, #tpu.memory_space<vmem>>, vector<16xf32>,
        %mul3A_1167 = arith.mulf %get3A_553, %get3A_1166 : vector<16xf32>
        %add3A_1168 = arith.addf %add3A_1159, %mul3A_1167 : vector<16xf32>
        %mul3A_1169 = arith.constant 16 : i32
        %mul3A_1170 = arith.muli %add3A_1133, %mul3A_1169 : i32
        %swap3A_1171 = arith.index_cast %mul3A_1170 : i32 to index
        %swap3A_1172 = tpu.vector_load %arg11[%swap3A_1171] {strides = array<i32>} : memref<10752xf32, #tpu.memory_space<vmem>>, vector<16xf32>,
        tpu.vector_store %arg11[%swap3A_1171], %add3A_1168 {strides = array<i32>} : memref<10752xf32, #tpu.memory_space<vmem>>, vector<16xf32>,
        %add3A_1173 = arith.constant 15 : i32
        %add3A_1174 = arith.addi %add3A_557, %add3A_1173 : i32
        %get3A_1175 = arith.constant 0 : i32
        %get3A_1176 = arith.constant 0 : i32
        %get3A_1177 = tpu.memref_slice %arg10[%and3A_150, %get3A_1175, %get3A_1176] : memref<2x672x64xf32, #tpu.memory_space<vmem>> -> memref<1x672x64xf32, #tpu.memory_space<vmem>>
        %get3A_1178 = tpu.memref_squeeze %get3A_1177 : memref<1x672x64xf32, #tpu.memory_space<vmem>> -> memref<672x64xf32, #tpu.memory_space<vmem>>
        %get3A_1179 = arith.index_cast %add3A_1174 : i32 to index
        %get3A_1180 = arith.constant 0 : index
        %get3A_1181 = tpu.vector_load %get3A_1178[%get3A_1179, %get3A_1180] {strides = array<i32>} : memref<672x64xf32, #tpu.memory_space<vmem>>, vector<16xf32>,
        %mul3A_1182 = arith.mulf %get3A_532, %get3A_1181 : vector<16xf32>
        %get3A_1183 = arith.constant 0 : i32
        %get3A_1184 = arith.constant 0 : i32
        %get3A_1185 = tpu.memref_slice %arg10[%and3A_150, %get3A_1183, %get3A_1184] : memref<2x672x64xf32, #tpu.memory_space<vmem>> -> memref<1x672x64xf32, #tpu.memory_space<vmem>>
        %get3A_1186 = tpu.memref_squeeze %get3A_1185 : memref<1x672x64xf32, #tpu.memory_space<vmem>> -> memref<672x64xf32, #tpu.memory_space<vmem>>
        %get3A_1187 = arith.index_cast %add3A_1174 : i32 to index
        %get3A_1188 = arith.constant 16 : index
        %get3A_1189 = tpu.vector_load %get3A_1186[%get3A_1187, %get3A_1188] {strides = array<i32>} : memref<672x64xf32, #tpu.memory_space<vmem>>, vector<16xf32>,
        %mul3A_1190 = arith.mulf %get3A_539, %get3A_1189 : vector<16xf32>
        %add3A_1191 = arith.addf %mul3A_1182, %mul3A_1190 : vector<16xf32>
        %get3A_1192 = arith.constant 0 : i32
        %get3A_1193 = arith.constant 0 : i32
        %get3A_1194 = tpu.memref_slice %arg10[%and3A_150, %get3A_1192, %get3A_1193] : memref<2x672x64xf32, #tpu.memory_space<vmem>> -> memref<1x672x64xf32, #tpu.memory_space<vmem>>
        %get3A_1195 = tpu.memref_squeeze %get3A_1194 : memref<1x672x64xf32, #tpu.memory_space<vmem>> -> memref<672x64xf32, #tpu.memory_space<vmem>>
        %get3A_1196 = arith.index_cast %add3A_1174 : i32 to index
        %get3A_1197 = arith.constant 32 : index
        %get3A_1198 = tpu.vector_load %get3A_1195[%get3A_1196, %get3A_1197] {strides = array<i32>} : memref<672x64xf32, #tpu.memory_space<vmem>>, vector<16xf32>,
        %mul3A_1199 = arith.mulf %get3A_546, %get3A_1198 : vector<16xf32>
        %add3A_1200 = arith.addf %add3A_1191, %mul3A_1199 : vector<16xf32>
        %get3A_1201 = arith.constant 0 : i32
        %get3A_1202 = arith.constant 0 : i32
        %get3A_1203 = tpu.memref_slice %arg10[%and3A_150, %get3A_1201, %get3A_1202] : memref<2x672x64xf32, #tpu.memory_space<vmem>> -> memref<1x672x64xf32, #tpu.memory_space<vmem>>
        %get3A_1204 = tpu.memref_squeeze %get3A_1203 : memref<1x672x64xf32, #tpu.memory_space<vmem>> -> memref<672x64xf32, #tpu.memory_space<vmem>>
        %get3A_1205 = arith.index_cast %add3A_1174 : i32 to index
        %get3A_1206 = arith.constant 48 : index
        %get3A_1207 = tpu.vector_load %get3A_1204[%get3A_1205, %get3A_1206] {strides = array<i32>} : memref<672x64xf32, #tpu.memory_space<vmem>>, vector<16xf32>,
        %mul3A_1208 = arith.mulf %get3A_553, %get3A_1207 : vector<16xf32>
        %add3A_1209 = arith.addf %add3A_1200, %mul3A_1208 : vector<16xf32>
        %mul3A_1210 = arith.constant 16 : i32
        %mul3A_1211 = arith.muli %add3A_1174, %mul3A_1210 : i32
        %swap3A_1212 = arith.index_cast %mul3A_1211 : i32 to index
        %swap3A_1213 = tpu.vector_load %arg11[%swap3A_1212] {strides = array<i32>} : memref<10752xf32, #tpu.memory_space<vmem>>, vector<16xf32>,
        tpu.vector_store %arg11[%swap3A_1212], %add3A_1209 {strides = array<i32>} : memref<10752xf32, #tpu.memory_space<vmem>>, vector<16xf32>,
        %add3A_1214 = arith.constant 16 : i32
        %add3A_1215 = arith.addi %add3A_557, %add3A_1214 : i32
        %get3A_1216 = arith.constant 0 : i32
        %get3A_1217 = arith.constant 0 : i32
        %get3A_1218 = tpu.memref_slice %arg10[%and3A_150, %get3A_1216, %get3A_1217] : memref<2x672x64xf32, #tpu.memory_space<vmem>> -> memref<1x672x64xf32, #tpu.memory_space<vmem>>
        %get3A_1219 = tpu.memref_squeeze %get3A_1218 : memref<1x672x64xf32, #tpu.memory_space<vmem>> -> memref<672x64xf32, #tpu.memory_space<vmem>>
        %get3A_1220 = arith.index_cast %add3A_1215 : i32 to index
        %get3A_1221 = arith.constant 0 : index
        %get3A_1222 = tpu.vector_load %get3A_1219[%get3A_1220, %get3A_1221] {strides = array<i32>} : memref<672x64xf32, #tpu.memory_space<vmem>>, vector<16xf32>,
        %mul3A_1223 = arith.mulf %get3A_532, %get3A_1222 : vector<16xf32>
        %get3A_1224 = arith.constant 0 : i32
        %get3A_1225 = arith.constant 0 : i32
        %get3A_1226 = tpu.memref_slice %arg10[%and3A_150, %get3A_1224, %get3A_1225] : memref<2x672x64xf32, #tpu.memory_space<vmem>> -> memref<1x672x64xf32, #tpu.memory_space<vmem>>
        %get3A_1227 = tpu.memref_squeeze %get3A_1226 : memref<1x672x64xf32, #tpu.memory_space<vmem>> -> memref<672x64xf32, #tpu.memory_space<vmem>>
        %get3A_1228 = arith.index_cast %add3A_1215 : i32 to index
        %get3A_1229 = arith.constant 16 : index
        %get3A_1230 = tpu.vector_load %get3A_1227[%get3A_1228, %get3A_1229] {strides = array<i32>} : memref<672x64xf32, #tpu.memory_space<vmem>>, vector<16xf32>,
        %mul3A_1231 = arith.mulf %get3A_539, %get3A_1230 : vector<16xf32>
        %add3A_1232 = arith.addf %mul3A_1223, %mul3A_1231 : vector<16xf32>
        %get3A_1233 = arith.constant 0 : i32
        %get3A_1234 = arith.constant 0 : i32
        %get3A_1235 = tpu.memref_slice %arg10[%and3A_150, %get3A_1233, %get3A_1234] : memref<2x672x64xf32, #tpu.memory_space<vmem>> -> memref<1x672x64xf32, #tpu.memory_space<vmem>>
        %get3A_1236 = tpu.memref_squeeze %get3A_1235 : memref<1x672x64xf32, #tpu.memory_space<vmem>> -> memref<672x64xf32, #tpu.memory_space<vmem>>
        %get3A_1237 = arith.index_cast %add3A_1215 : i32 to index
        %get3A_1238 = arith.constant 32 : index
        %get3A_1239 = tpu.vector_load %get3A_1236[%get3A_1237, %get3A_1238] {strides = array<i32>} : memref<672x64xf32, #tpu.memory_space<vmem>>, vector<16xf32>,
        %mul3A_1240 = arith.mulf %get3A_546, %get3A_1239 : vector<16xf32>
        %add3A_1241 = arith.addf %add3A_1232, %mul3A_1240 : vector<16xf32>
        %get3A_1242 = arith.constant 0 : i32
        %get3A_1243 = arith.constant 0 : i32
        %get3A_1244 = tpu.memref_slice %arg10[%and3A_150, %get3A_1242, %get3A_1243] : memref<2x672x64xf32, #tpu.memory_space<vmem>> -> memref<1x672x64xf32, #tpu.memory_space<vmem>>
        %get3A_1245 = tpu.memref_squeeze %get3A_1244 : memref<1x672x64xf32, #tpu.memory_space<vmem>> -> memref<672x64xf32, #tpu.memory_space<vmem>>
        %get3A_1246 = arith.index_cast %add3A_1215 : i32 to index
        %get3A_1247 = arith.constant 48 : index
        %get3A_1248 = tpu.vector_load %get3A_1245[%get3A_1246, %get3A_1247] {strides = array<i32>} : memref<672x64xf32, #tpu.memory_space<vmem>>, vector<16xf32>,
        %mul3A_1249 = arith.mulf %get3A_553, %get3A_1248 : vector<16xf32>
        %add3A_1250 = arith.addf %add3A_1241, %mul3A_1249 : vector<16xf32>
        %mul3A_1251 = arith.constant 16 : i32
        %mul3A_1252 = arith.muli %add3A_1215, %mul3A_1251 : i32
        %swap3A_1253 = arith.index_cast %mul3A_1252 : i32 to index
        %swap3A_1254 = tpu.vector_load %arg11[%swap3A_1253] {strides = array<i32>} : memref<10752xf32, #tpu.memory_space<vmem>>, vector<16xf32>,
        tpu.vector_store %arg11[%swap3A_1253], %add3A_1250 {strides = array<i32>} : memref<10752xf32, #tpu.memory_space<vmem>>, vector<16xf32>,
        %add3A_1255 = arith.constant 17 : i32
        %add3A_1256 = arith.addi %add3A_557, %add3A_1255 : i32
        %get3A_1257 = arith.constant 0 : i32
        %get3A_1258 = arith.constant 0 : i32
        %get3A_1259 = tpu.memref_slice %arg10[%and3A_150, %get3A_1257, %get3A_1258] : memref<2x672x64xf32, #tpu.memory_space<vmem>> -> memref<1x672x64xf32, #tpu.memory_space<vmem>>
        %get3A_1260 = tpu.memref_squeeze %get3A_1259 : memref<1x672x64xf32, #tpu.memory_space<vmem>> -> memref<672x64xf32, #tpu.memory_space<vmem>>
        %get3A_1261 = arith.index_cast %add3A_1256 : i32 to index
        %get3A_1262 = arith.constant 0 : index
        %get3A_1263 = tpu.vector_load %get3A_1260[%get3A_1261, %get3A_1262] {strides = array<i32>} : memref<672x64xf32, #tpu.memory_space<vmem>>, vector<16xf32>,
        %mul3A_1264 = arith.mulf %get3A_532, %get3A_1263 : vector<16xf32>
        %get3A_1265 = arith.constant 0 : i32
        %get3A_1266 = arith.constant 0 : i32
        %get3A_1267 = tpu.memref_slice %arg10[%and3A_150, %get3A_1265, %get3A_1266] : memref<2x672x64xf32, #tpu.memory_space<vmem>> -> memref<1x672x64xf32, #tpu.memory_space<vmem>>
        %get3A_1268 = tpu.memref_squeeze %get3A_1267 : memref<1x672x64xf32, #tpu.memory_space<vmem>> -> memref<672x64xf32, #tpu.memory_space<vmem>>
        %get3A_1269 = arith.index_cast %add3A_1256 : i32 to index
        %get3A_1270 = arith.constant 16 : index
        %get3A_1271 = tpu.vector_load %get3A_1268[%get3A_1269, %get3A_1270] {strides = array<i32>} : memref<672x64xf32, #tpu.memory_space<vmem>>, vector<16xf32>,
        %mul3A_1272 = arith.mulf %get3A_539, %get3A_1271 : vector<16xf32>
        %add3A_1273 = arith.addf %mul3A_1264, %mul3A_1272 : vector<16xf32>
        %get3A_1274 = arith.constant 0 : i32
        %get3A_1275 = arith.constant 0 : i32
        %get3A_1276 = tpu.memref_slice %arg10[%and3A_150, %get3A_1274, %get3A_1275] : memref<2x672x64xf32, #tpu.memory_space<vmem>> -> memref<1x672x64xf32, #tpu.memory_space<vmem>>
        %get3A_1277 = tpu.memref_squeeze %get3A_1276 : memref<1x672x64xf32, #tpu.memory_space<vmem>> -> memref<672x64xf32, #tpu.memory_space<vmem>>
        %get3A_1278 = arith.index_cast %add3A_1256 : i32 to index
        %get3A_1279 = arith.constant 32 : index
        %get3A_1280 = tpu.vector_load %get3A_1277[%get3A_1278, %get3A_1279] {strides = array<i32>} : memref<672x64xf32, #tpu.memory_space<vmem>>, vector<16xf32>,
        %mul3A_1281 = arith.mulf %get3A_546, %get3A_1280 : vector<16xf32>
        %add3A_1282 = arith.addf %add3A_1273, %mul3A_1281 : vector<16xf32>
        %get3A_1283 = arith.constant 0 : i32
        %get3A_1284 = arith.constant 0 : i32
        %get3A_1285 = tpu.memref_slice %arg10[%and3A_150, %get3A_1283, %get3A_1284] : memref<2x672x64xf32, #tpu.memory_space<vmem>> -> memref<1x672x64xf32, #tpu.memory_space<vmem>>
        %get3A_1286 = tpu.memref_squeeze %get3A_1285 : memref<1x672x64xf32, #tpu.memory_space<vmem>> -> memref<672x64xf32, #tpu.memory_space<vmem>>
        %get3A_1287 = arith.index_cast %add3A_1256 : i32 to index
        %get3A_1288 = arith.constant 48 : index
        %get3A_1289 = tpu.vector_load %get3A_1286[%get3A_1287, %get3A_1288] {strides = array<i32>} : memref<672x64xf32, #tpu.memory_space<vmem>>, vector<16xf32>,
        %mul3A_1290 = arith.mulf %get3A_553, %get3A_1289 : vector<16xf32>
        %add3A_1291 = arith.addf %add3A_1282, %mul3A_1290 : vector<16xf32>
        %mul3A_1292 = arith.constant 16 : i32
        %mul3A_1293 = arith.muli %add3A_1256, %mul3A_1292 : i32
        %swap3A_1294 = arith.index_cast %mul3A_1293 : i32 to index
        %swap3A_1295 = tpu.vector_load %arg11[%swap3A_1294] {strides = array<i32>} : memref<10752xf32, #tpu.memory_space<vmem>>, vector<16xf32>,
        tpu.vector_store %arg11[%swap3A_1294], %add3A_1291 {strides = array<i32>} : memref<10752xf32, #tpu.memory_space<vmem>>, vector<16xf32>,
        %add3A_1296 = arith.constant 18 : i32
        %add3A_1297 = arith.addi %add3A_557, %add3A_1296 : i32
        %get3A_1298 = arith.constant 0 : i32
        %get3A_1299 = arith.constant 0 : i32
        %get3A_1300 = tpu.memref_slice %arg10[%and3A_150, %get3A_1298, %get3A_1299] : memref<2x672x64xf32, #tpu.memory_space<vmem>> -> memref<1x672x64xf32, #tpu.memory_space<vmem>>
        %get3A_1301 = tpu.memref_squeeze %get3A_1300 : memref<1x672x64xf32, #tpu.memory_space<vmem>> -> memref<672x64xf32, #tpu.memory_space<vmem>>
        %get3A_1302 = arith.index_cast %add3A_1297 : i32 to index
        %get3A_1303 = arith.constant 0 : index
        %get3A_1304 = tpu.vector_load %get3A_1301[%get3A_1302, %get3A_1303] {strides = array<i32>} : memref<672x64xf32, #tpu.memory_space<vmem>>, vector<16xf32>,
        %mul3A_1305 = arith.mulf %get3A_532, %get3A_1304 : vector<16xf32>
        %get3A_1306 = arith.constant 0 : i32
        %get3A_1307 = arith.constant 0 : i32
        %get3A_1308 = tpu.memref_slice %arg10[%and3A_150, %get3A_1306, %get3A_1307] : memref<2x672x64xf32, #tpu.memory_space<vmem>> -> memref<1x672x64xf32, #tpu.memory_space<vmem>>
        %get3A_1309 = tpu.memref_squeeze %get3A_1308 : memref<1x672x64xf32, #tpu.memory_space<vmem>> -> memref<672x64xf32, #tpu.memory_space<vmem>>
        %get3A_1310 = arith.index_cast %add3A_1297 : i32 to index
        %get3A_1311 = arith.constant 16 : index
        %get3A_1312 = tpu.vector_load %get3A_1309[%get3A_1310, %get3A_1311] {strides = array<i32>} : memref<672x64xf32, #tpu.memory_space<vmem>>, vector<16xf32>,
        %mul3A_1313 = arith.mulf %get3A_539, %get3A_1312 : vector<16xf32>
        %add3A_1314 = arith.addf %mul3A_1305, %mul3A_1313 : vector<16xf32>
        %get3A_1315 = arith.constant 0 : i32
        %get3A_1316 = arith.constant 0 : i32
        %get3A_1317 = tpu.memref_slice %arg10[%and3A_150, %get3A_1315, %get3A_1316] : memref<2x672x64xf32, #tpu.memory_space<vmem>> -> memref<1x672x64xf32, #tpu.memory_space<vmem>>
        %get3A_1318 = tpu.memref_squeeze %get3A_1317 : memref<1x672x64xf32, #tpu.memory_space<vmem>> -> memref<672x64xf32, #tpu.memory_space<vmem>>
        %get3A_1319 = arith.index_cast %add3A_1297 : i32 to index
        %get3A_1320 = arith.constant 32 : index
        %get3A_1321 = tpu.vector_load %get3A_1318[%get3A_1319, %get3A_1320] {strides = array<i32>} : memref<672x64xf32, #tpu.memory_space<vmem>>, vector<16xf32>,
        %mul3A_1322 = arith.mulf %get3A_546, %get3A_1321 : vector<16xf32>
        %add3A_1323 = arith.addf %add3A_1314, %mul3A_1322 : vector<16xf32>
        %get3A_1324 = arith.constant 0 : i32
        %get3A_1325 = arith.constant 0 : i32
        %get3A_1326 = tpu.memref_slice %arg10[%and3A_150, %get3A_1324, %get3A_1325] : memref<2x672x64xf32, #tpu.memory_space<vmem>> -> memref<1x672x64xf32, #tpu.memory_space<vmem>>
        %get3A_1327 = tpu.memref_squeeze %get3A_1326 : memref<1x672x64xf32, #tpu.memory_space<vmem>> -> memref<672x64xf32, #tpu.memory_space<vmem>>
        %get3A_1328 = arith.index_cast %add3A_1297 : i32 to index
        %get3A_1329 = arith.constant 48 : index
        %get3A_1330 = tpu.vector_load %get3A_1327[%get3A_1328, %get3A_1329] {strides = array<i32>} : memref<672x64xf32, #tpu.memory_space<vmem>>, vector<16xf32>,
        %mul3A_1331 = arith.mulf %get3A_553, %get3A_1330 : vector<16xf32>
        %add3A_1332 = arith.addf %add3A_1323, %mul3A_1331 : vector<16xf32>
        %mul3A_1333 = arith.constant 16 : i32
        %mul3A_1334 = arith.muli %add3A_1297, %mul3A_1333 : i32
        %swap3A_1335 = arith.index_cast %mul3A_1334 : i32 to index
        %swap3A_1336 = tpu.vector_load %arg11[%swap3A_1335] {strides = array<i32>} : memref<10752xf32, #tpu.memory_space<vmem>>, vector<16xf32>,
        tpu.vector_store %arg11[%swap3A_1335], %add3A_1332 {strides = array<i32>} : memref<10752xf32, #tpu.memory_space<vmem>>, vector<16xf32>,
        %add3A_1337 = arith.constant 19 : i32
        %add3A_1338 = arith.addi %add3A_557, %add3A_1337 : i32
        %get3A_1339 = arith.constant 0 : i32
        %get3A_1340 = arith.constant 0 : i32
        %get3A_1341 = tpu.memref_slice %arg10[%and3A_150, %get3A_1339, %get3A_1340] : memref<2x672x64xf32, #tpu.memory_space<vmem>> -> memref<1x672x64xf32, #tpu.memory_space<vmem>>
        %get3A_1342 = tpu.memref_squeeze %get3A_1341 : memref<1x672x64xf32, #tpu.memory_space<vmem>> -> memref<672x64xf32, #tpu.memory_space<vmem>>
        %get3A_1343 = arith.index_cast %add3A_1338 : i32 to index
        %get3A_1344 = arith.constant 0 : index
        %get3A_1345 = tpu.vector_load %get3A_1342[%get3A_1343, %get3A_1344] {strides = array<i32>} : memref<672x64xf32, #tpu.memory_space<vmem>>, vector<16xf32>,
        %mul3A_1346 = arith.mulf %get3A_532, %get3A_1345 : vector<16xf32>
        %get3A_1347 = arith.constant 0 : i32
        %get3A_1348 = arith.constant 0 : i32
        %get3A_1349 = tpu.memref_slice %arg10[%and3A_150, %get3A_1347, %get3A_1348] : memref<2x672x64xf32, #tpu.memory_space<vmem>> -> memref<1x672x64xf32, #tpu.memory_space<vmem>>
        %get3A_1350 = tpu.memref_squeeze %get3A_1349 : memref<1x672x64xf32, #tpu.memory_space<vmem>> -> memref<672x64xf32, #tpu.memory_space<vmem>>
        %get3A_1351 = arith.index_cast %add3A_1338 : i32 to index
        %get3A_1352 = arith.constant 16 : index
        %get3A_1353 = tpu.vector_load %get3A_1350[%get3A_1351, %get3A_1352] {strides = array<i32>} : memref<672x64xf32, #tpu.memory_space<vmem>>, vector<16xf32>,
        %mul3A_1354 = arith.mulf %get3A_539, %get3A_1353 : vector<16xf32>
        %add3A_1355 = arith.addf %mul3A_1346, %mul3A_1354 : vector<16xf32>
        %get3A_1356 = arith.constant 0 : i32
        %get3A_1357 = arith.constant 0 : i32
        %get3A_1358 = tpu.memref_slice %arg10[%and3A_150, %get3A_1356, %get3A_1357] : memref<2x672x64xf32, #tpu.memory_space<vmem>> -> memref<1x672x64xf32, #tpu.memory_space<vmem>>
        %get3A_1359 = tpu.memref_squeeze %get3A_1358 : memref<1x672x64xf32, #tpu.memory_space<vmem>> -> memref<672x64xf32, #tpu.memory_space<vmem>>
        %get3A_1360 = arith.index_cast %add3A_1338 : i32 to index
        %get3A_1361 = arith.constant 32 : index
        %get3A_1362 = tpu.vector_load %get3A_1359[%get3A_1360, %get3A_1361] {strides = array<i32>} : memref<672x64xf32, #tpu.memory_space<vmem>>, vector<16xf32>,
        %mul3A_1363 = arith.mulf %get3A_546, %get3A_1362 : vector<16xf32>
        %add3A_1364 = arith.addf %add3A_1355, %mul3A_1363 : vector<16xf32>
        %get3A_1365 = arith.constant 0 : i32
        %get3A_1366 = arith.constant 0 : i32
        %get3A_1367 = tpu.memref_slice %arg10[%and3A_150, %get3A_1365, %get3A_1366] : memref<2x672x64xf32, #tpu.memory_space<vmem>> -> memref<1x672x64xf32, #tpu.memory_space<vmem>>
        %get3A_1368 = tpu.memref_squeeze %get3A_1367 : memref<1x672x64xf32, #tpu.memory_space<vmem>> -> memref<672x64xf32, #tpu.memory_space<vmem>>
        %get3A_1369 = arith.index_cast %add3A_1338 : i32 to index
        %get3A_1370 = arith.constant 48 : index
        %get3A_1371 = tpu.vector_load %get3A_1368[%get3A_1369, %get3A_1370] {strides = array<i32>} : memref<672x64xf32, #tpu.memory_space<vmem>>, vector<16xf32>,
        %mul3A_1372 = arith.mulf %get3A_553, %get3A_1371 : vector<16xf32>
        %add3A_1373 = arith.addf %add3A_1364, %mul3A_1372 : vector<16xf32>
        %mul3A_1374 = arith.constant 16 : i32
        %mul3A_1375 = arith.muli %add3A_1338, %mul3A_1374 : i32
        %swap3A_1376 = arith.index_cast %mul3A_1375 : i32 to index
        %swap3A_1377 = tpu.vector_load %arg11[%swap3A_1376] {strides = array<i32>} : memref<10752xf32, #tpu.memory_space<vmem>>, vector<16xf32>,
        tpu.vector_store %arg11[%swap3A_1376], %add3A_1373 {strides = array<i32>} : memref<10752xf32, #tpu.memory_space<vmem>>, vector<16xf32>,
        %scan3A_1378 = arith.constant 1 : i32
        %scan3A_1379 = arith.addi %scan3A_526, %scan3A_1378 : i32
        %get3A_1380 = arith.constant 0 : i32
        %get3A_1381 = arith.constant 0 : i32
        %get3A_1382 = tpu.memref_slice %arg9[%and3A_150, %get3A_1380, %get3A_1381] : memref<2x32x64xf32, #tpu.memory_space<vmem>> -> memref<1x32x64xf32, #tpu.memory_space<vmem>>
        %get3A_1383 = tpu.memref_squeeze %get3A_1382 : memref<1x32x64xf32, #tpu.memory_space<vmem>> -> memref<32x64xf32, #tpu.memory_space<vmem>>
        %get3A_1384 = arith.index_cast %scan3A_1379 : i32 to index
        %get3A_1385 = arith.constant 0 : index
        %get3A_1386 = tpu.vector_load %get3A_1383[%get3A_1384, %get3A_1385] {strides = array<i32>} : memref<32x64xf32, #tpu.memory_space<vmem>>, vector<16xf32>,
        %get3A_1387 = arith.constant 0 : i32
        %get3A_1388 = arith.constant 0 : i32
        %get3A_1389 = tpu.memref_slice %arg9[%and3A_150, %get3A_1387, %get3A_1388] : memref<2x32x64xf32, #tpu.memory_space<vmem>> -> memref<1x32x64xf32, #tpu.memory_space<vmem>>
        %get3A_1390 = tpu.memref_squeeze %get3A_1389 : memref<1x32x64xf32, #tpu.memory_space<vmem>> -> memref<32x64xf32, #tpu.memory_space<vmem>>
        %get3A_1391 = arith.index_cast %scan3A_1379 : i32 to index
        %get3A_1392 = arith.constant 16 : index
        %get3A_1393 = tpu.vector_load %get3A_1390[%get3A_1391, %get3A_1392] {strides = array<i32>} : memref<32x64xf32, #tpu.memory_space<vmem>>, vector<16xf32>,
        %get3A_1394 = arith.constant 0 : i32
        %get3A_1395 = arith.constant 0 : i32
        %get3A_1396 = tpu.memref_slice %arg9[%and3A_150, %get3A_1394, %get3A_1395] : memref<2x32x64xf32, #tpu.memory_space<vmem>> -> memref<1x32x64xf32, #tpu.memory_space<vmem>>
        %get3A_1397 = tpu.memref_squeeze %get3A_1396 : memref<1x32x64xf32, #tpu.memory_space<vmem>> -> memref<32x64xf32, #tpu.memory_space<vmem>>
        %get3A_1398 = arith.index_cast %scan3A_1379 : i32 to index
        %get3A_1399 = arith.constant 32 : index
        %get3A_1400 = tpu.vector_load %get3A_1397[%get3A_1398, %get3A_1399] {strides = array<i32>} : memref<32x64xf32, #tpu.memory_space<vmem>>, vector<16xf32>,
        %get3A_1401 = arith.constant 0 : i32
        %get3A_1402 = arith.constant 0 : i32
        %get3A_1403 = tpu.memref_slice %arg9[%and3A_150, %get3A_1401, %get3A_1402] : memref<2x32x64xf32, #tpu.memory_space<vmem>> -> memref<1x32x64xf32, #tpu.memory_space<vmem>>
        %get3A_1404 = tpu.memref_squeeze %get3A_1403 : memref<1x32x64xf32, #tpu.memory_space<vmem>> -> memref<32x64xf32, #tpu.memory_space<vmem>>
        %get3A_1405 = arith.index_cast %scan3A_1379 : i32 to index
        %get3A_1406 = arith.constant 48 : index
        %get3A_1407 = tpu.vector_load %get3A_1404[%get3A_1405, %get3A_1406] {strides = array<i32>} : memref<32x64xf32, #tpu.memory_space<vmem>>, vector<16xf32>,
        %mul3A_1408 = arith.constant 20 : i32
        %mul3A_1409 = arith.muli %scan3A_1379, %mul3A_1408 : i32
        %add3A_1410 = arith.constant 32 : i32
        %add3A_1411 = arith.addi %add3A_1410, %mul3A_1409 : i32
        %add3A_1412 = arith.constant 0 : i32
        %add3A_1413 = arith.addi %add3A_1411, %add3A_1412 : i32
        %get3A_1414 = arith.constant 0 : i32
        %get3A_1415 = arith.constant 0 : i32
        %get3A_1416 = tpu.memref_slice %arg10[%and3A_150, %get3A_1414, %get3A_1415] : memref<2x672x64xf32, #tpu.memory_space<vmem>> -> memref<1x672x64xf32, #tpu.memory_space<vmem>>
        %get3A_1417 = tpu.memref_squeeze %get3A_1416 : memref<1x672x64xf32, #tpu.memory_space<vmem>> -> memref<672x64xf32, #tpu.memory_space<vmem>>
        %get3A_1418 = arith.index_cast %add3A_1413 : i32 to index
        %get3A_1419 = arith.constant 0 : index
        %get3A_1420 = tpu.vector_load %get3A_1417[%get3A_1418, %get3A_1419] {strides = array<i32>} : memref<672x64xf32, #tpu.memory_space<vmem>>, vector<16xf32>,
        %mul3A_1421 = arith.mulf %get3A_1386, %get3A_1420 : vector<16xf32>
        %get3A_1422 = arith.constant 0 : i32
        %get3A_1423 = arith.constant 0 : i32
        %get3A_1424 = tpu.memref_slice %arg10[%and3A_150, %get3A_1422, %get3A_1423] : memref<2x672x64xf32, #tpu.memory_space<vmem>> -> memref<1x672x64xf32, #tpu.memory_space<vmem>>
        %get3A_1425 = tpu.memref_squeeze %get3A_1424 : memref<1x672x64xf32, #tpu.memory_space<vmem>> -> memref<672x64xf32, #tpu.memory_space<vmem>>
        %get3A_1426 = arith.index_cast %add3A_1413 : i32 to index
        %get3A_1427 = arith.constant 16 : index
        %get3A_1428 = tpu.vector_load %get3A_1425[%get3A_1426, %get3A_1427] {strides = array<i32>} : memref<672x64xf32, #tpu.memory_space<vmem>>, vector<16xf32>,
        %mul3A_1429 = arith.mulf %get3A_1393, %get3A_1428 : vector<16xf32>
        %add3A_1430 = arith.addf %mul3A_1421, %mul3A_1429 : vector<16xf32>
        %get3A_1431 = arith.constant 0 : i32
        %get3A_1432 = arith.constant 0 : i32
        %get3A_1433 = tpu.memref_slice %arg10[%and3A_150, %get3A_1431, %get3A_1432] : memref<2x672x64xf32, #tpu.memory_space<vmem>> -> memref<1x672x64xf32, #tpu.memory_space<vmem>>
        %get3A_1434 = tpu.memref_squeeze %get3A_1433 : memref<1x672x64xf32, #tpu.memory_space<vmem>> -> memref<672x64xf32, #tpu.memory_space<vmem>>
        %get3A_1435 = arith.index_cast %add3A_1413 : i32 to index
        %get3A_1436 = arith.constant 32 : index
        %get3A_1437 = tpu.vector_load %get3A_1434[%get3A_1435, %get3A_1436] {strides = array<i32>} : memref<672x64xf32, #tpu.memory_space<vmem>>, vector<16xf32>,
        %mul3A_1438 = arith.mulf %get3A_1400, %get3A_1437 : vector<16xf32>
        %add3A_1439 = arith.addf %add3A_1430, %mul3A_1438 : vector<16xf32>
        %get3A_1440 = arith.constant 0 : i32
        %get3A_1441 = arith.constant 0 : i32
        %get3A_1442 = tpu.memref_slice %arg10[%and3A_150, %get3A_1440, %get3A_1441] : memref<2x672x64xf32, #tpu.memory_space<vmem>> -> memref<1x672x64xf32, #tpu.memory_space<vmem>>
        %get3A_1443 = tpu.memref_squeeze %get3A_1442 : memref<1x672x64xf32, #tpu.memory_space<vmem>> -> memref<672x64xf32, #tpu.memory_space<vmem>>
        %get3A_1444 = arith.index_cast %add3A_1413 : i32 to index
        %get3A_1445 = arith.constant 48 : index
        %get3A_1446 = tpu.vector_load %get3A_1443[%get3A_1444, %get3A_1445] {strides = array<i32>} : memref<672x64xf32, #tpu.memory_space<vmem>>, vector<16xf32>,
        %mul3A_1447 = arith.mulf %get3A_1407, %get3A_1446 : vector<16xf32>
        %add3A_1448 = arith.addf %add3A_1439, %mul3A_1447 : vector<16xf32>
        %mul3A_1449 = arith.constant 16 : i32
        %mul3A_1450 = arith.muli %add3A_1413, %mul3A_1449 : i32
        %swap3A_1451 = arith.index_cast %mul3A_1450 : i32 to index
        %swap3A_1452 = tpu.vector_load %arg11[%swap3A_1451] {strides = array<i32>} : memref<10752xf32, #tpu.memory_space<vmem>>, vector<16xf32>,
        tpu.vector_store %arg11[%swap3A_1451], %add3A_1448 {strides = array<i32>} : memref<10752xf32, #tpu.memory_space<vmem>>, vector<16xf32>,
        %add3A_1453 = arith.constant 1 : i32
        %add3A_1454 = arith.addi %add3A_1411, %add3A_1453 : i32
        %get3A_1455 = arith.constant 0 : i32
        %get3A_1456 = arith.constant 0 : i32
        %get3A_1457 = tpu.memref_slice %arg10[%and3A_150, %get3A_1455, %get3A_1456] : memref<2x672x64xf32, #tpu.memory_space<vmem>> -> memref<1x672x64xf32, #tpu.memory_space<vmem>>
        %get3A_1458 = tpu.memref_squeeze %get3A_1457 : memref<1x672x64xf32, #tpu.memory_space<vmem>> -> memref<672x64xf32, #tpu.memory_space<vmem>>
        %get3A_1459 = arith.index_cast %add3A_1454 : i32 to index
        %get3A_1460 = arith.constant 0 : index
        %get3A_1461 = tpu.vector_load %get3A_1458[%get3A_1459, %get3A_1460] {strides = array<i32>} : memref<672x64xf32, #tpu.memory_space<vmem>>, vector<16xf32>,
        %mul3A_1462 = arith.mulf %get3A_1386, %get3A_1461 : vector<16xf32>
        %get3A_1463 = arith.constant 0 : i32
        %get3A_1464 = arith.constant 0 : i32
        %get3A_1465 = tpu.memref_slice %arg10[%and3A_150, %get3A_1463, %get3A_1464] : memref<2x672x64xf32, #tpu.memory_space<vmem>> -> memref<1x672x64xf32, #tpu.memory_space<vmem>>
        %get3A_1466 = tpu.memref_squeeze %get3A_1465 : memref<1x672x64xf32, #tpu.memory_space<vmem>> -> memref<672x64xf32, #tpu.memory_space<vmem>>
        %get3A_1467 = arith.index_cast %add3A_1454 : i32 to index
        %get3A_1468 = arith.constant 16 : index
        %get3A_1469 = tpu.vector_load %get3A_1466[%get3A_1467, %get3A_1468] {strides = array<i32>} : memref<672x64xf32, #tpu.memory_space<vmem>>, vector<16xf32>,
        %mul3A_1470 = arith.mulf %get3A_1393, %get3A_1469 : vector<16xf32>
        %add3A_1471 = arith.addf %mul3A_1462, %mul3A_1470 : vector<16xf32>
        %get3A_1472 = arith.constant 0 : i32
        %get3A_1473 = arith.constant 0 : i32
        %get3A_1474 = tpu.memref_slice %arg10[%and3A_150, %get3A_1472, %get3A_1473] : memref<2x672x64xf32, #tpu.memory_space<vmem>> -> memref<1x672x64xf32, #tpu.memory_space<vmem>>
        %get3A_1475 = tpu.memref_squeeze %get3A_1474 : memref<1x672x64xf32, #tpu.memory_space<vmem>> -> memref<672x64xf32, #tpu.memory_space<vmem>>
        %get3A_1476 = arith.index_cast %add3A_1454 : i32 to index
        %get3A_1477 = arith.constant 32 : index
        %get3A_1478 = tpu.vector_load %get3A_1475[%get3A_1476, %get3A_1477] {strides = array<i32>} : memref<672x64xf32, #tpu.memory_space<vmem>>, vector<16xf32>,
        %mul3A_1479 = arith.mulf %get3A_1400, %get3A_1478 : vector<16xf32>
        %add3A_1480 = arith.addf %add3A_1471, %mul3A_1479 : vector<16xf32>
        %get3A_1481 = arith.constant 0 : i32
        %get3A_1482 = arith.constant 0 : i32
        %get3A_1483 = tpu.memref_slice %arg10[%and3A_150, %get3A_1481, %get3A_1482] : memref<2x672x64xf32, #tpu.memory_space<vmem>> -> memref<1x672x64xf32, #tpu.memory_space<vmem>>
        %get3A_1484 = tpu.memref_squeeze %get3A_1483 : memref<1x672x64xf32, #tpu.memory_space<vmem>> -> memref<672x64xf32, #tpu.memory_space<vmem>>
        %get3A_1485 = arith.index_cast %add3A_1454 : i32 to index
        %get3A_1486 = arith.constant 48 : index
        %get3A_1487 = tpu.vector_load %get3A_1484[%get3A_1485, %get3A_1486] {strides = array<i32>} : memref<672x64xf32, #tpu.memory_space<vmem>>, vector<16xf32>,
        %mul3A_1488 = arith.mulf %get3A_1407, %get3A_1487 : vector<16xf32>
        %add3A_1489 = arith.addf %add3A_1480, %mul3A_1488 : vector<16xf32>
        %mul3A_1490 = arith.constant 16 : i32
        %mul3A_1491 = arith.muli %add3A_1454, %mul3A_1490 : i32
        %swap3A_1492 = arith.index_cast %mul3A_1491 : i32 to index
        %swap3A_1493 = tpu.vector_load %arg11[%swap3A_1492] {strides = array<i32>} : memref<10752xf32, #tpu.memory_space<vmem>>, vector<16xf32>,
        tpu.vector_store %arg11[%swap3A_1492], %add3A_1489 {strides = array<i32>} : memref<10752xf32, #tpu.memory_space<vmem>>, vector<16xf32>,
        %add3A_1494 = arith.constant 2 : i32
        %add3A_1495 = arith.addi %add3A_1411, %add3A_1494 : i32
        %get3A_1496 = arith.constant 0 : i32
        %get3A_1497 = arith.constant 0 : i32
        %get3A_1498 = tpu.memref_slice %arg10[%and3A_150, %get3A_1496, %get3A_1497] : memref<2x672x64xf32, #tpu.memory_space<vmem>> -> memref<1x672x64xf32, #tpu.memory_space<vmem>>
        %get3A_1499 = tpu.memref_squeeze %get3A_1498 : memref<1x672x64xf32, #tpu.memory_space<vmem>> -> memref<672x64xf32, #tpu.memory_space<vmem>>
        %get3A_1500 = arith.index_cast %add3A_1495 : i32 to index
        %get3A_1501 = arith.constant 0 : index
        %get3A_1502 = tpu.vector_load %get3A_1499[%get3A_1500, %get3A_1501] {strides = array<i32>} : memref<672x64xf32, #tpu.memory_space<vmem>>, vector<16xf32>,
        %mul3A_1503 = arith.mulf %get3A_1386, %get3A_1502 : vector<16xf32>
        %get3A_1504 = arith.constant 0 : i32
        %get3A_1505 = arith.constant 0 : i32
        %get3A_1506 = tpu.memref_slice %arg10[%and3A_150, %get3A_1504, %get3A_1505] : memref<2x672x64xf32, #tpu.memory_space<vmem>> -> memref<1x672x64xf32, #tpu.memory_space<vmem>>
        %get3A_1507 = tpu.memref_squeeze %get3A_1506 : memref<1x672x64xf32, #tpu.memory_space<vmem>> -> memref<672x64xf32, #tpu.memory_space<vmem>>
        %get3A_1508 = arith.index_cast %add3A_1495 : i32 to index
        %get3A_1509 = arith.constant 16 : index
        %get3A_1510 = tpu.vector_load %get3A_1507[%get3A_1508, %get3A_1509] {strides = array<i32>} : memref<672x64xf32, #tpu.memory_space<vmem>>, vector<16xf32>,
        %mul3A_1511 = arith.mulf %get3A_1393, %get3A_1510 : vector<16xf32>
        %add3A_1512 = arith.addf %mul3A_1503, %mul3A_1511 : vector<16xf32>
        %get3A_1513 = arith.constant 0 : i32
        %get3A_1514 = arith.constant 0 : i32
        %get3A_1515 = tpu.memref_slice %arg10[%and3A_150, %get3A_1513, %get3A_1514] : memref<2x672x64xf32, #tpu.memory_space<vmem>> -> memref<1x672x64xf32, #tpu.memory_space<vmem>>
        %get3A_1516 = tpu.memref_squeeze %get3A_1515 : memref<1x672x64xf32, #tpu.memory_space<vmem>> -> memref<672x64xf32, #tpu.memory_space<vmem>>
        %get3A_1517 = arith.index_cast %add3A_1495 : i32 to index
        %get3A_1518 = arith.constant 32 : index
        %get3A_1519 = tpu.vector_load %get3A_1516[%get3A_1517, %get3A_1518] {strides = array<i32>} : memref<672x64xf32, #tpu.memory_space<vmem>>, vector<16xf32>,
        %mul3A_1520 = arith.mulf %get3A_1400, %get3A_1519 : vector<16xf32>
        %add3A_1521 = arith.addf %add3A_1512, %mul3A_1520 : vector<16xf32>
        %get3A_1522 = arith.constant 0 : i32
        %get3A_1523 = arith.constant 0 : i32
        %get3A_1524 = tpu.memref_slice %arg10[%and3A_150, %get3A_1522, %get3A_1523] : memref<2x672x64xf32, #tpu.memory_space<vmem>> -> memref<1x672x64xf32, #tpu.memory_space<vmem>>
        %get3A_1525 = tpu.memref_squeeze %get3A_1524 : memref<1x672x64xf32, #tpu.memory_space<vmem>> -> memref<672x64xf32, #tpu.memory_space<vmem>>
        %get3A_1526 = arith.index_cast %add3A_1495 : i32 to index
        %get3A_1527 = arith.constant 48 : index
        %get3A_1528 = tpu.vector_load %get3A_1525[%get3A_1526, %get3A_1527] {strides = array<i32>} : memref<672x64xf32, #tpu.memory_space<vmem>>, vector<16xf32>,
        %mul3A_1529 = arith.mulf %get3A_1407, %get3A_1528 : vector<16xf32>
        %add3A_1530 = arith.addf %add3A_1521, %mul3A_1529 : vector<16xf32>
        %mul3A_1531 = arith.constant 16 : i32
        %mul3A_1532 = arith.muli %add3A_1495, %mul3A_1531 : i32
        %swap3A_1533 = arith.index_cast %mul3A_1532 : i32 to index
        %swap3A_1534 = tpu.vector_load %arg11[%swap3A_1533] {strides = array<i32>} : memref<10752xf32, #tpu.memory_space<vmem>>, vector<16xf32>,
        tpu.vector_store %arg11[%swap3A_1533], %add3A_1530 {strides = array<i32>} : memref<10752xf32, #tpu.memory_space<vmem>>, vector<16xf32>,
        %add3A_1535 = arith.constant 3 : i32
        %add3A_1536 = arith.addi %add3A_1411, %add3A_1535 : i32
        %get3A_1537 = arith.constant 0 : i32
        %get3A_1538 = arith.constant 0 : i32
        %get3A_1539 = tpu.memref_slice %arg10[%and3A_150, %get3A_1537, %get3A_1538] : memref<2x672x64xf32, #tpu.memory_space<vmem>> -> memref<1x672x64xf32, #tpu.memory_space<vmem>>
        %get3A_1540 = tpu.memref_squeeze %get3A_1539 : memref<1x672x64xf32, #tpu.memory_space<vmem>> -> memref<672x64xf32, #tpu.memory_space<vmem>>
        %get3A_1541 = arith.index_cast %add3A_1536 : i32 to index
        %get3A_1542 = arith.constant 0 : index
        %get3A_1543 = tpu.vector_load %get3A_1540[%get3A_1541, %get3A_1542] {strides = array<i32>} : memref<672x64xf32, #tpu.memory_space<vmem>>, vector<16xf32>,
        %mul3A_1544 = arith.mulf %get3A_1386, %get3A_1543 : vector<16xf32>
        %get3A_1545 = arith.constant 0 : i32
        %get3A_1546 = arith.constant 0 : i32
        %get3A_1547 = tpu.memref_slice %arg10[%and3A_150, %get3A_1545, %get3A_1546] : memref<2x672x64xf32, #tpu.memory_space<vmem>> -> memref<1x672x64xf32, #tpu.memory_space<vmem>>
        %get3A_1548 = tpu.memref_squeeze %get3A_1547 : memref<1x672x64xf32, #tpu.memory_space<vmem>> -> memref<672x64xf32, #tpu.memory_space<vmem>>
        %get3A_1549 = arith.index_cast %add3A_1536 : i32 to index
        %get3A_1550 = arith.constant 16 : index
        %get3A_1551 = tpu.vector_load %get3A_1548[%get3A_1549, %get3A_1550] {strides = array<i32>} : memref<672x64xf32, #tpu.memory_space<vmem>>, vector<16xf32>,
        %mul3A_1552 = arith.mulf %get3A_1393, %get3A_1551 : vector<16xf32>
        %add3A_1553 = arith.addf %mul3A_1544, %mul3A_1552 : vector<16xf32>
        %get3A_1554 = arith.constant 0 : i32
        %get3A_1555 = arith.constant 0 : i32
        %get3A_1556 = tpu.memref_slice %arg10[%and3A_150, %get3A_1554, %get3A_1555] : memref<2x672x64xf32, #tpu.memory_space<vmem>> -> memref<1x672x64xf32, #tpu.memory_space<vmem>>
        %get3A_1557 = tpu.memref_squeeze %get3A_1556 : memref<1x672x64xf32, #tpu.memory_space<vmem>> -> memref<672x64xf32, #tpu.memory_space<vmem>>
        %get3A_1558 = arith.index_cast %add3A_1536 : i32 to index
        %get3A_1559 = arith.constant 32 : index
        %get3A_1560 = tpu.vector_load %get3A_1557[%get3A_1558, %get3A_1559] {strides = array<i32>} : memref<672x64xf32, #tpu.memory_space<vmem>>, vector<16xf32>,
        %mul3A_1561 = arith.mulf %get3A_1400, %get3A_1560 : vector<16xf32>
        %add3A_1562 = arith.addf %add3A_1553, %mul3A_1561 : vector<16xf32>
        %get3A_1563 = arith.constant 0 : i32
        %get3A_1564 = arith.constant 0 : i32
        %get3A_1565 = tpu.memref_slice %arg10[%and3A_150, %get3A_1563, %get3A_1564] : memref<2x672x64xf32, #tpu.memory_space<vmem>> -> memref<1x672x64xf32, #tpu.memory_space<vmem>>
        %get3A_1566 = tpu.memref_squeeze %get3A_1565 : memref<1x672x64xf32, #tpu.memory_space<vmem>> -> memref<672x64xf32, #tpu.memory_space<vmem>>
        %get3A_1567 = arith.index_cast %add3A_1536 : i32 to index
        %get3A_1568 = arith.constant 48 : index
        %get3A_1569 = tpu.vector_load %get3A_1566[%get3A_1567, %get3A_1568] {strides = array<i32>} : memref<672x64xf32, #tpu.memory_space<vmem>>, vector<16xf32>,
        %mul3A_1570 = arith.mulf %get3A_1407, %get3A_1569 : vector<16xf32>
        %add3A_1571 = arith.addf %add3A_1562, %mul3A_1570 : vector<16xf32>
        %mul3A_1572 = arith.constant 16 : i32
        %mul3A_1573 = arith.muli %add3A_1536, %mul3A_1572 : i32
        %swap3A_1574 = arith.index_cast %mul3A_1573 : i32 to index
        %swap3A_1575 = tpu.vector_load %arg11[%swap3A_1574] {strides = array<i32>} : memref<10752xf32, #tpu.memory_space<vmem>>, vector<16xf32>,
        tpu.vector_store %arg11[%swap3A_1574], %add3A_1571 {strides = array<i32>} : memref<10752xf32, #tpu.memory_space<vmem>>, vector<16xf32>,
        %add3A_1576 = arith.constant 4 : i32
        %add3A_1577 = arith.addi %add3A_1411, %add3A_1576 : i32
        %get3A_1578 = arith.constant 0 : i32
        %get3A_1579 = arith.constant 0 : i32
        %get3A_1580 = tpu.memref_slice %arg10[%and3A_150, %get3A_1578, %get3A_1579] : memref<2x672x64xf32, #tpu.memory_space<vmem>> -> memref<1x672x64xf32, #tpu.memory_space<vmem>>
        %get3A_1581 = tpu.memref_squeeze %get3A_1580 : memref<1x672x64xf32, #tpu.memory_space<vmem>> -> memref<672x64xf32, #tpu.memory_space<vmem>>
        %get3A_1582 = arith.index_cast %add3A_1577 : i32 to index
        %get3A_1583 = arith.constant 0 : index
        %get3A_1584 = tpu.vector_load %get3A_1581[%get3A_1582, %get3A_1583] {strides = array<i32>} : memref<672x64xf32, #tpu.memory_space<vmem>>, vector<16xf32>,
        %mul3A_1585 = arith.mulf %get3A_1386, %get3A_1584 : vector<16xf32>
        %get3A_1586 = arith.constant 0 : i32
        %get3A_1587 = arith.constant 0 : i32
        %get3A_1588 = tpu.memref_slice %arg10[%and3A_150, %get3A_1586, %get3A_1587] : memref<2x672x64xf32, #tpu.memory_space<vmem>> -> memref<1x672x64xf32, #tpu.memory_space<vmem>>
        %get3A_1589 = tpu.memref_squeeze %get3A_1588 : memref<1x672x64xf32, #tpu.memory_space<vmem>> -> memref<672x64xf32, #tpu.memory_space<vmem>>
        %get3A_1590 = arith.index_cast %add3A_1577 : i32 to index
        %get3A_1591 = arith.constant 16 : index
        %get3A_1592 = tpu.vector_load %get3A_1589[%get3A_1590, %get3A_1591] {strides = array<i32>} : memref<672x64xf32, #tpu.memory_space<vmem>>, vector<16xf32>,
        %mul3A_1593 = arith.mulf %get3A_1393, %get3A_1592 : vector<16xf32>
        %add3A_1594 = arith.addf %mul3A_1585, %mul3A_1593 : vector<16xf32>
        %get3A_1595 = arith.constant 0 : i32
        %get3A_1596 = arith.constant 0 : i32
        %get3A_1597 = tpu.memref_slice %arg10[%and3A_150, %get3A_1595, %get3A_1596] : memref<2x672x64xf32, #tpu.memory_space<vmem>> -> memref<1x672x64xf32, #tpu.memory_space<vmem>>
        %get3A_1598 = tpu.memref_squeeze %get3A_1597 : memref<1x672x64xf32, #tpu.memory_space<vmem>> -> memref<672x64xf32, #tpu.memory_space<vmem>>
        %get3A_1599 = arith.index_cast %add3A_1577 : i32 to index
        %get3A_1600 = arith.constant 32 : index
        %get3A_1601 = tpu.vector_load %get3A_1598[%get3A_1599, %get3A_1600] {strides = array<i32>} : memref<672x64xf32, #tpu.memory_space<vmem>>, vector<16xf32>,
        %mul3A_1602 = arith.mulf %get3A_1400, %get3A_1601 : vector<16xf32>
        %add3A_1603 = arith.addf %add3A_1594, %mul3A_1602 : vector<16xf32>
        %get3A_1604 = arith.constant 0 : i32
        %get3A_1605 = arith.constant 0 : i32
        %get3A_1606 = tpu.memref_slice %arg10[%and3A_150, %get3A_1604, %get3A_1605] : memref<2x672x64xf32, #tpu.memory_space<vmem>> -> memref<1x672x64xf32, #tpu.memory_space<vmem>>
        %get3A_1607 = tpu.memref_squeeze %get3A_1606 : memref<1x672x64xf32, #tpu.memory_space<vmem>> -> memref<672x64xf32, #tpu.memory_space<vmem>>
        %get3A_1608 = arith.index_cast %add3A_1577 : i32 to index
        %get3A_1609 = arith.constant 48 : index
        %get3A_1610 = tpu.vector_load %get3A_1607[%get3A_1608, %get3A_1609] {strides = array<i32>} : memref<672x64xf32, #tpu.memory_space<vmem>>, vector<16xf32>,
        %mul3A_1611 = arith.mulf %get3A_1407, %get3A_1610 : vector<16xf32>
        %add3A_1612 = arith.addf %add3A_1603, %mul3A_1611 : vector<16xf32>
        %mul3A_1613 = arith.constant 16 : i32
        %mul3A_1614 = arith.muli %add3A_1577, %mul3A_1613 : i32
        %swap3A_1615 = arith.index_cast %mul3A_1614 : i32 to index
        %swap3A_1616 = tpu.vector_load %arg11[%swap3A_1615] {strides = array<i32>} : memref<10752xf32, #tpu.memory_space<vmem>>, vector<16xf32>,
        tpu.vector_store %arg11[%swap3A_1615], %add3A_1612 {strides = array<i32>} : memref<10752xf32, #tpu.memory_space<vmem>>, vector<16xf32>,
        %add3A_1617 = arith.constant 5 : i32
        %add3A_1618 = arith.addi %add3A_1411, %add3A_1617 : i32
        %get3A_1619 = arith.constant 0 : i32
        %get3A_1620 = arith.constant 0 : i32
        %get3A_1621 = tpu.memref_slice %arg10[%and3A_150, %get3A_1619, %get3A_1620] : memref<2x672x64xf32, #tpu.memory_space<vmem>> -> memref<1x672x64xf32, #tpu.memory_space<vmem>>
        %get3A_1622 = tpu.memref_squeeze %get3A_1621 : memref<1x672x64xf32, #tpu.memory_space<vmem>> -> memref<672x64xf32, #tpu.memory_space<vmem>>
        %get3A_1623 = arith.index_cast %add3A_1618 : i32 to index
        %get3A_1624 = arith.constant 0 : index
        %get3A_1625 = tpu.vector_load %get3A_1622[%get3A_1623, %get3A_1624] {strides = array<i32>} : memref<672x64xf32, #tpu.memory_space<vmem>>, vector<16xf32>,
        %mul3A_1626 = arith.mulf %get3A_1386, %get3A_1625 : vector<16xf32>
        %get3A_1627 = arith.constant 0 : i32
        %get3A_1628 = arith.constant 0 : i32
        %get3A_1629 = tpu.memref_slice %arg10[%and3A_150, %get3A_1627, %get3A_1628] : memref<2x672x64xf32, #tpu.memory_space<vmem>> -> memref<1x672x64xf32, #tpu.memory_space<vmem>>
        %get3A_1630 = tpu.memref_squeeze %get3A_1629 : memref<1x672x64xf32, #tpu.memory_space<vmem>> -> memref<672x64xf32, #tpu.memory_space<vmem>>
        %get3A_1631 = arith.index_cast %add3A_1618 : i32 to index
        %get3A_1632 = arith.constant 16 : index
        %get3A_1633 = tpu.vector_load %get3A_1630[%get3A_1631, %get3A_1632] {strides = array<i32>} : memref<672x64xf32, #tpu.memory_space<vmem>>, vector<16xf32>,
        %mul3A_1634 = arith.mulf %get3A_1393, %get3A_1633 : vector<16xf32>
        %add3A_1635 = arith.addf %mul3A_1626, %mul3A_1634 : vector<16xf32>
        %get3A_1636 = arith.constant 0 : i32
        %get3A_1637 = arith.constant 0 : i32
        %get3A_1638 = tpu.memref_slice %arg10[%and3A_150, %get3A_1636, %get3A_1637] : memref<2x672x64xf32, #tpu.memory_space<vmem>> -> memref<1x672x64xf32, #tpu.memory_space<vmem>>
        %get3A_1639 = tpu.memref_squeeze %get3A_1638 : memref<1x672x64xf32, #tpu.memory_space<vmem>> -> memref<672x64xf32, #tpu.memory_space<vmem>>
        %get3A_1640 = arith.index_cast %add3A_1618 : i32 to index
        %get3A_1641 = arith.constant 32 : index
        %get3A_1642 = tpu.vector_load %get3A_1639[%get3A_1640, %get3A_1641] {strides = array<i32>} : memref<672x64xf32, #tpu.memory_space<vmem>>, vector<16xf32>,
        %mul3A_1643 = arith.mulf %get3A_1400, %get3A_1642 : vector<16xf32>
        %add3A_1644 = arith.addf %add3A_1635, %mul3A_1643 : vector<16xf32>
        %get3A_1645 = arith.constant 0 : i32
        %get3A_1646 = arith.constant 0 : i32
        %get3A_1647 = tpu.memref_slice %arg10[%and3A_150, %get3A_1645, %get3A_1646] : memref<2x672x64xf32, #tpu.memory_space<vmem>> -> memref<1x672x64xf32, #tpu.memory_space<vmem>>
        %get3A_1648 = tpu.memref_squeeze %get3A_1647 : memref<1x672x64xf32, #tpu.memory_space<vmem>> -> memref<672x64xf32, #tpu.memory_space<vmem>>
        %get3A_1649 = arith.index_cast %add3A_1618 : i32 to index
        %get3A_1650 = arith.constant 48 : index
        %get3A_1651 = tpu.vector_load %get3A_1648[%get3A_1649, %get3A_1650] {strides = array<i32>} : memref<672x64xf32, #tpu.memory_space<vmem>>, vector<16xf32>,
        %mul3A_1652 = arith.mulf %get3A_1407, %get3A_1651 : vector<16xf32>
        %add3A_1653 = arith.addf %add3A_1644, %mul3A_1652 : vector<16xf32>
        %mul3A_1654 = arith.constant 16 : i32
        %mul3A_1655 = arith.muli %add3A_1618, %mul3A_1654 : i32
        %swap3A_1656 = arith.index_cast %mul3A_1655 : i32 to index
        %swap3A_1657 = tpu.vector_load %arg11[%swap3A_1656] {strides = array<i32>} : memref<10752xf32, #tpu.memory_space<vmem>>, vector<16xf32>,
        tpu.vector_store %arg11[%swap3A_1656], %add3A_1653 {strides = array<i32>} : memref<10752xf32, #tpu.memory_space<vmem>>, vector<16xf32>,
        %add3A_1658 = arith.constant 6 : i32
        %add3A_1659 = arith.addi %add3A_1411, %add3A_1658 : i32
        %get3A_1660 = arith.constant 0 : i32
        %get3A_1661 = arith.constant 0 : i32
        %get3A_1662 = tpu.memref_slice %arg10[%and3A_150, %get3A_1660, %get3A_1661] : memref<2x672x64xf32, #tpu.memory_space<vmem>> -> memref<1x672x64xf32, #tpu.memory_space<vmem>>
        %get3A_1663 = tpu.memref_squeeze %get3A_1662 : memref<1x672x64xf32, #tpu.memory_space<vmem>> -> memref<672x64xf32, #tpu.memory_space<vmem>>
        %get3A_1664 = arith.index_cast %add3A_1659 : i32 to index
        %get3A_1665 = arith.constant 0 : index
        %get3A_1666 = tpu.vector_load %get3A_1663[%get3A_1664, %get3A_1665] {strides = array<i32>} : memref<672x64xf32, #tpu.memory_space<vmem>>, vector<16xf32>,
        %mul3A_1667 = arith.mulf %get3A_1386, %get3A_1666 : vector<16xf32>
        %get3A_1668 = arith.constant 0 : i32
        %get3A_1669 = arith.constant 0 : i32
        %get3A_1670 = tpu.memref_slice %arg10[%and3A_150, %get3A_1668, %get3A_1669] : memref<2x672x64xf32, #tpu.memory_space<vmem>> -> memref<1x672x64xf32, #tpu.memory_space<vmem>>
        %get3A_1671 = tpu.memref_squeeze %get3A_1670 : memref<1x672x64xf32, #tpu.memory_space<vmem>> -> memref<672x64xf32, #tpu.memory_space<vmem>>
        %get3A_1672 = arith.index_cast %add3A_1659 : i32 to index
        %get3A_1673 = arith.constant 16 : index
        %get3A_1674 = tpu.vector_load %get3A_1671[%get3A_1672, %get3A_1673] {strides = array<i32>} : memref<672x64xf32, #tpu.memory_space<vmem>>, vector<16xf32>,
        %mul3A_1675 = arith.mulf %get3A_1393, %get3A_1674 : vector<16xf32>
        %add3A_1676 = arith.addf %mul3A_1667, %mul3A_1675 : vector<16xf32>
        %get3A_1677 = arith.constant 0 : i32
        %get3A_1678 = arith.constant 0 : i32
        %get3A_1679 = tpu.memref_slice %arg10[%and3A_150, %get3A_1677, %get3A_1678] : memref<2x672x64xf32, #tpu.memory_space<vmem>> -> memref<1x672x64xf32, #tpu.memory_space<vmem>>
        %get3A_1680 = tpu.memref_squeeze %get3A_1679 : memref<1x672x64xf32, #tpu.memory_space<vmem>> -> memref<672x64xf32, #tpu.memory_space<vmem>>
        %get3A_1681 = arith.index_cast %add3A_1659 : i32 to index
        %get3A_1682 = arith.constant 32 : index
        %get3A_1683 = tpu.vector_load %get3A_1680[%get3A_1681, %get3A_1682] {strides = array<i32>} : memref<672x64xf32, #tpu.memory_space<vmem>>, vector<16xf32>,
        %mul3A_1684 = arith.mulf %get3A_1400, %get3A_1683 : vector<16xf32>
        %add3A_1685 = arith.addf %add3A_1676, %mul3A_1684 : vector<16xf32>
        %get3A_1686 = arith.constant 0 : i32
        %get3A_1687 = arith.constant 0 : i32
        %get3A_1688 = tpu.memref_slice %arg10[%and3A_150, %get3A_1686, %get3A_1687] : memref<2x672x64xf32, #tpu.memory_space<vmem>> -> memref<1x672x64xf32, #tpu.memory_space<vmem>>
        %get3A_1689 = tpu.memref_squeeze %get3A_1688 : memref<1x672x64xf32, #tpu.memory_space<vmem>> -> memref<672x64xf32, #tpu.memory_space<vmem>>
        %get3A_1690 = arith.index_cast %add3A_1659 : i32 to index
        %get3A_1691 = arith.constant 48 : index
        %get3A_1692 = tpu.vector_load %get3A_1689[%get3A_1690, %get3A_1691] {strides = array<i32>} : memref<672x64xf32, #tpu.memory_space<vmem>>, vector<16xf32>,
        %mul3A_1693 = arith.mulf %get3A_1407, %get3A_1692 : vector<16xf32>
        %add3A_1694 = arith.addf %add3A_1685, %mul3A_1693 : vector<16xf32>
        %mul3A_1695 = arith.constant 16 : i32
        %mul3A_1696 = arith.muli %add3A_1659, %mul3A_1695 : i32
        %swap3A_1697 = arith.index_cast %mul3A_1696 : i32 to index
        %swap3A_1698 = tpu.vector_load %arg11[%swap3A_1697] {strides = array<i32>} : memref<10752xf32, #tpu.memory_space<vmem>>, vector<16xf32>,
        tpu.vector_store %arg11[%swap3A_1697], %add3A_1694 {strides = array<i32>} : memref<10752xf32, #tpu.memory_space<vmem>>, vector<16xf32>,
        %add3A_1699 = arith.constant 7 : i32
        %add3A_1700 = arith.addi %add3A_1411, %add3A_1699 : i32
        %get3A_1701 = arith.constant 0 : i32
        %get3A_1702 = arith.constant 0 : i32
        %get3A_1703 = tpu.memref_slice %arg10[%and3A_150, %get3A_1701, %get3A_1702] : memref<2x672x64xf32, #tpu.memory_space<vmem>> -> memref<1x672x64xf32, #tpu.memory_space<vmem>>
        %get3A_1704 = tpu.memref_squeeze %get3A_1703 : memref<1x672x64xf32, #tpu.memory_space<vmem>> -> memref<672x64xf32, #tpu.memory_space<vmem>>
        %get3A_1705 = arith.index_cast %add3A_1700 : i32 to index
        %get3A_1706 = arith.constant 0 : index
        %get3A_1707 = tpu.vector_load %get3A_1704[%get3A_1705, %get3A_1706] {strides = array<i32>} : memref<672x64xf32, #tpu.memory_space<vmem>>, vector<16xf32>,
        %mul3A_1708 = arith.mulf %get3A_1386, %get3A_1707 : vector<16xf32>
        %get3A_1709 = arith.constant 0 : i32
        %get3A_1710 = arith.constant 0 : i32
        %get3A_1711 = tpu.memref_slice %arg10[%and3A_150, %get3A_1709, %get3A_1710] : memref<2x672x64xf32, #tpu.memory_space<vmem>> -> memref<1x672x64xf32, #tpu.memory_space<vmem>>
        %get3A_1712 = tpu.memref_squeeze %get3A_1711 : memref<1x672x64xf32, #tpu.memory_space<vmem>> -> memref<672x64xf32, #tpu.memory_space<vmem>>
        %get3A_1713 = arith.index_cast %add3A_1700 : i32 to index
        %get3A_1714 = arith.constant 16 : index
        %get3A_1715 = tpu.vector_load %get3A_1712[%get3A_1713, %get3A_1714] {strides = array<i32>} : memref<672x64xf32, #tpu.memory_space<vmem>>, vector<16xf32>,
        %mul3A_1716 = arith.mulf %get3A_1393, %get3A_1715 : vector<16xf32>
        %add3A_1717 = arith.addf %mul3A_1708, %mul3A_1716 : vector<16xf32>
        %get3A_1718 = arith.constant 0 : i32
        %get3A_1719 = arith.constant 0 : i32
        %get3A_1720 = tpu.memref_slice %arg10[%and3A_150, %get3A_1718, %get3A_1719] : memref<2x672x64xf32, #tpu.memory_space<vmem>> -> memref<1x672x64xf32, #tpu.memory_space<vmem>>
        %get3A_1721 = tpu.memref_squeeze %get3A_1720 : memref<1x672x64xf32, #tpu.memory_space<vmem>> -> memref<672x64xf32, #tpu.memory_space<vmem>>
        %get3A_1722 = arith.index_cast %add3A_1700 : i32 to index
        %get3A_1723 = arith.constant 32 : index
        %get3A_1724 = tpu.vector_load %get3A_1721[%get3A_1722, %get3A_1723] {strides = array<i32>} : memref<672x64xf32, #tpu.memory_space<vmem>>, vector<16xf32>,
        %mul3A_1725 = arith.mulf %get3A_1400, %get3A_1724 : vector<16xf32>
        %add3A_1726 = arith.addf %add3A_1717, %mul3A_1725 : vector<16xf32>
        %get3A_1727 = arith.constant 0 : i32
        %get3A_1728 = arith.constant 0 : i32
        %get3A_1729 = tpu.memref_slice %arg10[%and3A_150, %get3A_1727, %get3A_1728] : memref<2x672x64xf32, #tpu.memory_space<vmem>> -> memref<1x672x64xf32, #tpu.memory_space<vmem>>
        %get3A_1730 = tpu.memref_squeeze %get3A_1729 : memref<1x672x64xf32, #tpu.memory_space<vmem>> -> memref<672x64xf32, #tpu.memory_space<vmem>>
        %get3A_1731 = arith.index_cast %add3A_1700 : i32 to index
        %get3A_1732 = arith.constant 48 : index
        %get3A_1733 = tpu.vector_load %get3A_1730[%get3A_1731, %get3A_1732] {strides = array<i32>} : memref<672x64xf32, #tpu.memory_space<vmem>>, vector<16xf32>,
        %mul3A_1734 = arith.mulf %get3A_1407, %get3A_1733 : vector<16xf32>
        %add3A_1735 = arith.addf %add3A_1726, %mul3A_1734 : vector<16xf32>
        %mul3A_1736 = arith.constant 16 : i32
        %mul3A_1737 = arith.muli %add3A_1700, %mul3A_1736 : i32
        %swap3A_1738 = arith.index_cast %mul3A_1737 : i32 to index
        %swap3A_1739 = tpu.vector_load %arg11[%swap3A_1738] {strides = array<i32>} : memref<10752xf32, #tpu.memory_space<vmem>>, vector<16xf32>,
        tpu.vector_store %arg11[%swap3A_1738], %add3A_1735 {strides = array<i32>} : memref<10752xf32, #tpu.memory_space<vmem>>, vector<16xf32>,
        %add3A_1740 = arith.constant 8 : i32
        %add3A_1741 = arith.addi %add3A_1411, %add3A_1740 : i32
        %get3A_1742 = arith.constant 0 : i32
        %get3A_1743 = arith.constant 0 : i32
        %get3A_1744 = tpu.memref_slice %arg10[%and3A_150, %get3A_1742, %get3A_1743] : memref<2x672x64xf32, #tpu.memory_space<vmem>> -> memref<1x672x64xf32, #tpu.memory_space<vmem>>
        %get3A_1745 = tpu.memref_squeeze %get3A_1744 : memref<1x672x64xf32, #tpu.memory_space<vmem>> -> memref<672x64xf32, #tpu.memory_space<vmem>>
        %get3A_1746 = arith.index_cast %add3A_1741 : i32 to index
        %get3A_1747 = arith.constant 0 : index
        %get3A_1748 = tpu.vector_load %get3A_1745[%get3A_1746, %get3A_1747] {strides = array<i32>} : memref<672x64xf32, #tpu.memory_space<vmem>>, vector<16xf32>,
        %mul3A_1749 = arith.mulf %get3A_1386, %get3A_1748 : vector<16xf32>
        %get3A_1750 = arith.constant 0 : i32
        %get3A_1751 = arith.constant 0 : i32
        %get3A_1752 = tpu.memref_slice %arg10[%and3A_150, %get3A_1750, %get3A_1751] : memref<2x672x64xf32, #tpu.memory_space<vmem>> -> memref<1x672x64xf32, #tpu.memory_space<vmem>>
        %get3A_1753 = tpu.memref_squeeze %get3A_1752 : memref<1x672x64xf32, #tpu.memory_space<vmem>> -> memref<672x64xf32, #tpu.memory_space<vmem>>
        %get3A_1754 = arith.index_cast %add3A_1741 : i32 to index
        %get3A_1755 = arith.constant 16 : index
        %get3A_1756 = tpu.vector_load %get3A_1753[%get3A_1754, %get3A_1755] {strides = array<i32>} : memref<672x64xf32, #tpu.memory_space<vmem>>, vector<16xf32>,
        %mul3A_1757 = arith.mulf %get3A_1393, %get3A_1756 : vector<16xf32>
        %add3A_1758 = arith.addf %mul3A_1749, %mul3A_1757 : vector<16xf32>
        %get3A_1759 = arith.constant 0 : i32
        %get3A_1760 = arith.constant 0 : i32
        %get3A_1761 = tpu.memref_slice %arg10[%and3A_150, %get3A_1759, %get3A_1760] : memref<2x672x64xf32, #tpu.memory_space<vmem>> -> memref<1x672x64xf32, #tpu.memory_space<vmem>>
        %get3A_1762 = tpu.memref_squeeze %get3A_1761 : memref<1x672x64xf32, #tpu.memory_space<vmem>> -> memref<672x64xf32, #tpu.memory_space<vmem>>
        %get3A_1763 = arith.index_cast %add3A_1741 : i32 to index
        %get3A_1764 = arith.constant 32 : index
        %get3A_1765 = tpu.vector_load %get3A_1762[%get3A_1763, %get3A_1764] {strides = array<i32>} : memref<672x64xf32, #tpu.memory_space<vmem>>, vector<16xf32>,
        %mul3A_1766 = arith.mulf %get3A_1400, %get3A_1765 : vector<16xf32>
        %add3A_1767 = arith.addf %add3A_1758, %mul3A_1766 : vector<16xf32>
        %get3A_1768 = arith.constant 0 : i32
        %get3A_1769 = arith.constant 0 : i32
        %get3A_1770 = tpu.memref_slice %arg10[%and3A_150, %get3A_1768, %get3A_1769] : memref<2x672x64xf32, #tpu.memory_space<vmem>> -> memref<1x672x64xf32, #tpu.memory_space<vmem>>
        %get3A_1771 = tpu.memref_squeeze %get3A_1770 : memref<1x672x64xf32, #tpu.memory_space<vmem>> -> memref<672x64xf32, #tpu.memory_space<vmem>>
        %get3A_1772 = arith.index_cast %add3A_1741 : i32 to index
        %get3A_1773 = arith.constant 48 : index
        %get3A_1774 = tpu.vector_load %get3A_1771[%get3A_1772, %get3A_1773] {strides = array<i32>} : memref<672x64xf32, #tpu.memory_space<vmem>>, vector<16xf32>,
        %mul3A_1775 = arith.mulf %get3A_1407, %get3A_1774 : vector<16xf32>
        %add3A_1776 = arith.addf %add3A_1767, %mul3A_1775 : vector<16xf32>
        %mul3A_1777 = arith.constant 16 : i32
        %mul3A_1778 = arith.muli %add3A_1741, %mul3A_1777 : i32
        %swap3A_1779 = arith.index_cast %mul3A_1778 : i32 to index
        %swap3A_1780 = tpu.vector_load %arg11[%swap3A_1779] {strides = array<i32>} : memref<10752xf32, #tpu.memory_space<vmem>>, vector<16xf32>,
        tpu.vector_store %arg11[%swap3A_1779], %add3A_1776 {strides = array<i32>} : memref<10752xf32, #tpu.memory_space<vmem>>, vector<16xf32>,
        %add3A_1781 = arith.constant 9 : i32
        %add3A_1782 = arith.addi %add3A_1411, %add3A_1781 : i32
        %get3A_1783 = arith.constant 0 : i32
        %get3A_1784 = arith.constant 0 : i32
        %get3A_1785 = tpu.memref_slice %arg10[%and3A_150, %get3A_1783, %get3A_1784] : memref<2x672x64xf32, #tpu.memory_space<vmem>> -> memref<1x672x64xf32, #tpu.memory_space<vmem>>
        %get3A_1786 = tpu.memref_squeeze %get3A_1785 : memref<1x672x64xf32, #tpu.memory_space<vmem>> -> memref<672x64xf32, #tpu.memory_space<vmem>>
        %get3A_1787 = arith.index_cast %add3A_1782 : i32 to index
        %get3A_1788 = arith.constant 0 : index
        %get3A_1789 = tpu.vector_load %get3A_1786[%get3A_1787, %get3A_1788] {strides = array<i32>} : memref<672x64xf32, #tpu.memory_space<vmem>>, vector<16xf32>,
        %mul3A_1790 = arith.mulf %get3A_1386, %get3A_1789 : vector<16xf32>
        %get3A_1791 = arith.constant 0 : i32
        %get3A_1792 = arith.constant 0 : i32
        %get3A_1793 = tpu.memref_slice %arg10[%and3A_150, %get3A_1791, %get3A_1792] : memref<2x672x64xf32, #tpu.memory_space<vmem>> -> memref<1x672x64xf32, #tpu.memory_space<vmem>>
        %get3A_1794 = tpu.memref_squeeze %get3A_1793 : memref<1x672x64xf32, #tpu.memory_space<vmem>> -> memref<672x64xf32, #tpu.memory_space<vmem>>
        %get3A_1795 = arith.index_cast %add3A_1782 : i32 to index
        %get3A_1796 = arith.constant 16 : index
        %get3A_1797 = tpu.vector_load %get3A_1794[%get3A_1795, %get3A_1796] {strides = array<i32>} : memref<672x64xf32, #tpu.memory_space<vmem>>, vector<16xf32>,
        %mul3A_1798 = arith.mulf %get3A_1393, %get3A_1797 : vector<16xf32>
        %add3A_1799 = arith.addf %mul3A_1790, %mul3A_1798 : vector<16xf32>
        %get3A_1800 = arith.constant 0 : i32
        %get3A_1801 = arith.constant 0 : i32
        %get3A_1802 = tpu.memref_slice %arg10[%and3A_150, %get3A_1800, %get3A_1801] : memref<2x672x64xf32, #tpu.memory_space<vmem>> -> memref<1x672x64xf32, #tpu.memory_space<vmem>>
        %get3A_1803 = tpu.memref_squeeze %get3A_1802 : memref<1x672x64xf32, #tpu.memory_space<vmem>> -> memref<672x64xf32, #tpu.memory_space<vmem>>
        %get3A_1804 = arith.index_cast %add3A_1782 : i32 to index
        %get3A_1805 = arith.constant 32 : index
        %get3A_1806 = tpu.vector_load %get3A_1803[%get3A_1804, %get3A_1805] {strides = array<i32>} : memref<672x64xf32, #tpu.memory_space<vmem>>, vector<16xf32>,
        %mul3A_1807 = arith.mulf %get3A_1400, %get3A_1806 : vector<16xf32>
        %add3A_1808 = arith.addf %add3A_1799, %mul3A_1807 : vector<16xf32>
        %get3A_1809 = arith.constant 0 : i32
        %get3A_1810 = arith.constant 0 : i32
        %get3A_1811 = tpu.memref_slice %arg10[%and3A_150, %get3A_1809, %get3A_1810] : memref<2x672x64xf32, #tpu.memory_space<vmem>> -> memref<1x672x64xf32, #tpu.memory_space<vmem>>
        %get3A_1812 = tpu.memref_squeeze %get3A_1811 : memref<1x672x64xf32, #tpu.memory_space<vmem>> -> memref<672x64xf32, #tpu.memory_space<vmem>>
        %get3A_1813 = arith.index_cast %add3A_1782 : i32 to index
        %get3A_1814 = arith.constant 48 : index
        %get3A_1815 = tpu.vector_load %get3A_1812[%get3A_1813, %get3A_1814] {strides = array<i32>} : memref<672x64xf32, #tpu.memory_space<vmem>>, vector<16xf32>,
        %mul3A_1816 = arith.mulf %get3A_1407, %get3A_1815 : vector<16xf32>
        %add3A_1817 = arith.addf %add3A_1808, %mul3A_1816 : vector<16xf32>
        %mul3A_1818 = arith.constant 16 : i32
        %mul3A_1819 = arith.muli %add3A_1782, %mul3A_1818 : i32
        %swap3A_1820 = arith.index_cast %mul3A_1819 : i32 to index
        %swap3A_1821 = tpu.vector_load %arg11[%swap3A_1820] {strides = array<i32>} : memref<10752xf32, #tpu.memory_space<vmem>>, vector<16xf32>,
        tpu.vector_store %arg11[%swap3A_1820], %add3A_1817 {strides = array<i32>} : memref<10752xf32, #tpu.memory_space<vmem>>, vector<16xf32>,
        %add3A_1822 = arith.constant 10 : i32
        %add3A_1823 = arith.addi %add3A_1411, %add3A_1822 : i32
        %get3A_1824 = arith.constant 0 : i32
        %get3A_1825 = arith.constant 0 : i32
        %get3A_1826 = tpu.memref_slice %arg10[%and3A_150, %get3A_1824, %get3A_1825] : memref<2x672x64xf32, #tpu.memory_space<vmem>> -> memref<1x672x64xf32, #tpu.memory_space<vmem>>
        %get3A_1827 = tpu.memref_squeeze %get3A_1826 : memref<1x672x64xf32, #tpu.memory_space<vmem>> -> memref<672x64xf32, #tpu.memory_space<vmem>>
        %get3A_1828 = arith.index_cast %add3A_1823 : i32 to index
        %get3A_1829 = arith.constant 0 : index
        %get3A_1830 = tpu.vector_load %get3A_1827[%get3A_1828, %get3A_1829] {strides = array<i32>} : memref<672x64xf32, #tpu.memory_space<vmem>>, vector<16xf32>,
        %mul3A_1831 = arith.mulf %get3A_1386, %get3A_1830 : vector<16xf32>
        %get3A_1832 = arith.constant 0 : i32
        %get3A_1833 = arith.constant 0 : i32
        %get3A_1834 = tpu.memref_slice %arg10[%and3A_150, %get3A_1832, %get3A_1833] : memref<2x672x64xf32, #tpu.memory_space<vmem>> -> memref<1x672x64xf32, #tpu.memory_space<vmem>>
        %get3A_1835 = tpu.memref_squeeze %get3A_1834 : memref<1x672x64xf32, #tpu.memory_space<vmem>> -> memref<672x64xf32, #tpu.memory_space<vmem>>
        %get3A_1836 = arith.index_cast %add3A_1823 : i32 to index
        %get3A_1837 = arith.constant 16 : index
        %get3A_1838 = tpu.vector_load %get3A_1835[%get3A_1836, %get3A_1837] {strides = array<i32>} : memref<672x64xf32, #tpu.memory_space<vmem>>, vector<16xf32>,
        %mul3A_1839 = arith.mulf %get3A_1393, %get3A_1838 : vector<16xf32>
        %add3A_1840 = arith.addf %mul3A_1831, %mul3A_1839 : vector<16xf32>
        %get3A_1841 = arith.constant 0 : i32
        %get3A_1842 = arith.constant 0 : i32
        %get3A_1843 = tpu.memref_slice %arg10[%and3A_150, %get3A_1841, %get3A_1842] : memref<2x672x64xf32, #tpu.memory_space<vmem>> -> memref<1x672x64xf32, #tpu.memory_space<vmem>>
        %get3A_1844 = tpu.memref_squeeze %get3A_1843 : memref<1x672x64xf32, #tpu.memory_space<vmem>> -> memref<672x64xf32, #tpu.memory_space<vmem>>
        %get3A_1845 = arith.index_cast %add3A_1823 : i32 to index
        %get3A_1846 = arith.constant 32 : index
        %get3A_1847 = tpu.vector_load %get3A_1844[%get3A_1845, %get3A_1846] {strides = array<i32>} : memref<672x64xf32, #tpu.memory_space<vmem>>, vector<16xf32>,
        %mul3A_1848 = arith.mulf %get3A_1400, %get3A_1847 : vector<16xf32>
        %add3A_1849 = arith.addf %add3A_1840, %mul3A_1848 : vector<16xf32>
        %get3A_1850 = arith.constant 0 : i32
        %get3A_1851 = arith.constant 0 : i32
        %get3A_1852 = tpu.memref_slice %arg10[%and3A_150, %get3A_1850, %get3A_1851] : memref<2x672x64xf32, #tpu.memory_space<vmem>> -> memref<1x672x64xf32, #tpu.memory_space<vmem>>
        %get3A_1853 = tpu.memref_squeeze %get3A_1852 : memref<1x672x64xf32, #tpu.memory_space<vmem>> -> memref<672x64xf32, #tpu.memory_space<vmem>>
        %get3A_1854 = arith.index_cast %add3A_1823 : i32 to index
        %get3A_1855 = arith.constant 48 : index
        %get3A_1856 = tpu.vector_load %get3A_1853[%get3A_1854, %get3A_1855] {strides = array<i32>} : memref<672x64xf32, #tpu.memory_space<vmem>>, vector<16xf32>,
        %mul3A_1857 = arith.mulf %get3A_1407, %get3A_1856 : vector<16xf32>
        %add3A_1858 = arith.addf %add3A_1849, %mul3A_1857 : vector<16xf32>
        %mul3A_1859 = arith.constant 16 : i32
        %mul3A_1860 = arith.muli %add3A_1823, %mul3A_1859 : i32
        %swap3A_1861 = arith.index_cast %mul3A_1860 : i32 to index
        %swap3A_1862 = tpu.vector_load %arg11[%swap3A_1861] {strides = array<i32>} : memref<10752xf32, #tpu.memory_space<vmem>>, vector<16xf32>,
        tpu.vector_store %arg11[%swap3A_1861], %add3A_1858 {strides = array<i32>} : memref<10752xf32, #tpu.memory_space<vmem>>, vector<16xf32>,
        %add3A_1863 = arith.constant 11 : i32
        %add3A_1864 = arith.addi %add3A_1411, %add3A_1863 : i32
        %get3A_1865 = arith.constant 0 : i32
        %get3A_1866 = arith.constant 0 : i32
        %get3A_1867 = tpu.memref_slice %arg10[%and3A_150, %get3A_1865, %get3A_1866] : memref<2x672x64xf32, #tpu.memory_space<vmem>> -> memref<1x672x64xf32, #tpu.memory_space<vmem>>
        %get3A_1868 = tpu.memref_squeeze %get3A_1867 : memref<1x672x64xf32, #tpu.memory_space<vmem>> -> memref<672x64xf32, #tpu.memory_space<vmem>>
        %get3A_1869 = arith.index_cast %add3A_1864 : i32 to index
        %get3A_1870 = arith.constant 0 : index
        %get3A_1871 = tpu.vector_load %get3A_1868[%get3A_1869, %get3A_1870] {strides = array<i32>} : memref<672x64xf32, #tpu.memory_space<vmem>>, vector<16xf32>,
        %mul3A_1872 = arith.mulf %get3A_1386, %get3A_1871 : vector<16xf32>
        %get3A_1873 = arith.constant 0 : i32
        %get3A_1874 = arith.constant 0 : i32
        %get3A_1875 = tpu.memref_slice %arg10[%and3A_150, %get3A_1873, %get3A_1874] : memref<2x672x64xf32, #tpu.memory_space<vmem>> -> memref<1x672x64xf32, #tpu.memory_space<vmem>>
        %get3A_1876 = tpu.memref_squeeze %get3A_1875 : memref<1x672x64xf32, #tpu.memory_space<vmem>> -> memref<672x64xf32, #tpu.memory_space<vmem>>
        %get3A_1877 = arith.index_cast %add3A_1864 : i32 to index
        %get3A_1878 = arith.constant 16 : index
        %get3A_1879 = tpu.vector_load %get3A_1876[%get3A_1877, %get3A_1878] {strides = array<i32>} : memref<672x64xf32, #tpu.memory_space<vmem>>, vector<16xf32>,
        %mul3A_1880 = arith.mulf %get3A_1393, %get3A_1879 : vector<16xf32>
        %add3A_1881 = arith.addf %mul3A_1872, %mul3A_1880 : vector<16xf32>
        %get3A_1882 = arith.constant 0 : i32
        %get3A_1883 = arith.constant 0 : i32
        %get3A_1884 = tpu.memref_slice %arg10[%and3A_150, %get3A_1882, %get3A_1883] : memref<2x672x64xf32, #tpu.memory_space<vmem>> -> memref<1x672x64xf32, #tpu.memory_space<vmem>>
        %get3A_1885 = tpu.memref_squeeze %get3A_1884 : memref<1x672x64xf32, #tpu.memory_space<vmem>> -> memref<672x64xf32, #tpu.memory_space<vmem>>
        %get3A_1886 = arith.index_cast %add3A_1864 : i32 to index
        %get3A_1887 = arith.constant 32 : index
        %get3A_1888 = tpu.vector_load %get3A_1885[%get3A_1886, %get3A_1887] {strides = array<i32>} : memref<672x64xf32, #tpu.memory_space<vmem>>, vector<16xf32>,
        %mul3A_1889 = arith.mulf %get3A_1400, %get3A_1888 : vector<16xf32>
        %add3A_1890 = arith.addf %add3A_1881, %mul3A_1889 : vector<16xf32>
        %get3A_1891 = arith.constant 0 : i32
        %get3A_1892 = arith.constant 0 : i32
        %get3A_1893 = tpu.memref_slice %arg10[%and3A_150, %get3A_1891, %get3A_1892] : memref<2x672x64xf32, #tpu.memory_space<vmem>> -> memref<1x672x64xf32, #tpu.memory_space<vmem>>
        %get3A_1894 = tpu.memref_squeeze %get3A_1893 : memref<1x672x64xf32, #tpu.memory_space<vmem>> -> memref<672x64xf32, #tpu.memory_space<vmem>>
        %get3A_1895 = arith.index_cast %add3A_1864 : i32 to index
        %get3A_1896 = arith.constant 48 : index
        %get3A_1897 = tpu.vector_load %get3A_1894[%get3A_1895, %get3A_1896] {strides = array<i32>} : memref<672x64xf32, #tpu.memory_space<vmem>>, vector<16xf32>,
        %mul3A_1898 = arith.mulf %get3A_1407, %get3A_1897 : vector<16xf32>
        %add3A_1899 = arith.addf %add3A_1890, %mul3A_1898 : vector<16xf32>
        %mul3A_1900 = arith.constant 16 : i32
        %mul3A_1901 = arith.muli %add3A_1864, %mul3A_1900 : i32
        %swap3A_1902 = arith.index_cast %mul3A_1901 : i32 to index
        %swap3A_1903 = tpu.vector_load %arg11[%swap3A_1902] {strides = array<i32>} : memref<10752xf32, #tpu.memory_space<vmem>>, vector<16xf32>,
        tpu.vector_store %arg11[%swap3A_1902], %add3A_1899 {strides = array<i32>} : memref<10752xf32, #tpu.memory_space<vmem>>, vector<16xf32>,
        %add3A_1904 = arith.constant 12 : i32
        %add3A_1905 = arith.addi %add3A_1411, %add3A_1904 : i32
        %get3A_1906 = arith.constant 0 : i32
        %get3A_1907 = arith.constant 0 : i32
        %get3A_1908 = tpu.memref_slice %arg10[%and3A_150, %get3A_1906, %get3A_1907] : memref<2x672x64xf32, #tpu.memory_space<vmem>> -> memref<1x672x64xf32, #tpu.memory_space<vmem>>
        %get3A_1909 = tpu.memref_squeeze %get3A_1908 : memref<1x672x64xf32, #tpu.memory_space<vmem>> -> memref<672x64xf32, #tpu.memory_space<vmem>>
        %get3A_1910 = arith.index_cast %add3A_1905 : i32 to index
        %get3A_1911 = arith.constant 0 : index
        %get3A_1912 = tpu.vector_load %get3A_1909[%get3A_1910, %get3A_1911] {strides = array<i32>} : memref<672x64xf32, #tpu.memory_space<vmem>>, vector<16xf32>,
        %mul3A_1913 = arith.mulf %get3A_1386, %get3A_1912 : vector<16xf32>
        %get3A_1914 = arith.constant 0 : i32
        %get3A_1915 = arith.constant 0 : i32
        %get3A_1916 = tpu.memref_slice %arg10[%and3A_150, %get3A_1914, %get3A_1915] : memref<2x672x64xf32, #tpu.memory_space<vmem>> -> memref<1x672x64xf32, #tpu.memory_space<vmem>>
        %get3A_1917 = tpu.memref_squeeze %get3A_1916 : memref<1x672x64xf32, #tpu.memory_space<vmem>> -> memref<672x64xf32, #tpu.memory_space<vmem>>
        %get3A_1918 = arith.index_cast %add3A_1905 : i32 to index
        %get3A_1919 = arith.constant 16 : index
        %get3A_1920 = tpu.vector_load %get3A_1917[%get3A_1918, %get3A_1919] {strides = array<i32>} : memref<672x64xf32, #tpu.memory_space<vmem>>, vector<16xf32>,
        %mul3A_1921 = arith.mulf %get3A_1393, %get3A_1920 : vector<16xf32>
        %add3A_1922 = arith.addf %mul3A_1913, %mul3A_1921 : vector<16xf32>
        %get3A_1923 = arith.constant 0 : i32
        %get3A_1924 = arith.constant 0 : i32
        %get3A_1925 = tpu.memref_slice %arg10[%and3A_150, %get3A_1923, %get3A_1924] : memref<2x672x64xf32, #tpu.memory_space<vmem>> -> memref<1x672x64xf32, #tpu.memory_space<vmem>>
        %get3A_1926 = tpu.memref_squeeze %get3A_1925 : memref<1x672x64xf32, #tpu.memory_space<vmem>> -> memref<672x64xf32, #tpu.memory_space<vmem>>
        %get3A_1927 = arith.index_cast %add3A_1905 : i32 to index
        %get3A_1928 = arith.constant 32 : index
        %get3A_1929 = tpu.vector_load %get3A_1926[%get3A_1927, %get3A_1928] {strides = array<i32>} : memref<672x64xf32, #tpu.memory_space<vmem>>, vector<16xf32>,
        %mul3A_1930 = arith.mulf %get3A_1400, %get3A_1929 : vector<16xf32>
        %add3A_1931 = arith.addf %add3A_1922, %mul3A_1930 : vector<16xf32>
        %get3A_1932 = arith.constant 0 : i32
        %get3A_1933 = arith.constant 0 : i32
        %get3A_1934 = tpu.memref_slice %arg10[%and3A_150, %get3A_1932, %get3A_1933] : memref<2x672x64xf32, #tpu.memory_space<vmem>> -> memref<1x672x64xf32, #tpu.memory_space<vmem>>
        %get3A_1935 = tpu.memref_squeeze %get3A_1934 : memref<1x672x64xf32, #tpu.memory_space<vmem>> -> memref<672x64xf32, #tpu.memory_space<vmem>>
        %get3A_1936 = arith.index_cast %add3A_1905 : i32 to index
        %get3A_1937 = arith.constant 48 : index
        %get3A_1938 = tpu.vector_load %get3A_1935[%get3A_1936, %get3A_1937] {strides = array<i32>} : memref<672x64xf32, #tpu.memory_space<vmem>>, vector<16xf32>,
        %mul3A_1939 = arith.mulf %get3A_1407, %get3A_1938 : vector<16xf32>
        %add3A_1940 = arith.addf %add3A_1931, %mul3A_1939 : vector<16xf32>
        %mul3A_1941 = arith.constant 16 : i32
        %mul3A_1942 = arith.muli %add3A_1905, %mul3A_1941 : i32
        %swap3A_1943 = arith.index_cast %mul3A_1942 : i32 to index
        %swap3A_1944 = tpu.vector_load %arg11[%swap3A_1943] {strides = array<i32>} : memref<10752xf32, #tpu.memory_space<vmem>>, vector<16xf32>,
        tpu.vector_store %arg11[%swap3A_1943], %add3A_1940 {strides = array<i32>} : memref<10752xf32, #tpu.memory_space<vmem>>, vector<16xf32>,
        %add3A_1945 = arith.constant 13 : i32
        %add3A_1946 = arith.addi %add3A_1411, %add3A_1945 : i32
        %get3A_1947 = arith.constant 0 : i32
        %get3A_1948 = arith.constant 0 : i32
        %get3A_1949 = tpu.memref_slice %arg10[%and3A_150, %get3A_1947, %get3A_1948] : memref<2x672x64xf32, #tpu.memory_space<vmem>> -> memref<1x672x64xf32, #tpu.memory_space<vmem>>
        %get3A_1950 = tpu.memref_squeeze %get3A_1949 : memref<1x672x64xf32, #tpu.memory_space<vmem>> -> memref<672x64xf32, #tpu.memory_space<vmem>>
        %get3A_1951 = arith.index_cast %add3A_1946 : i32 to index
        %get3A_1952 = arith.constant 0 : index
        %get3A_1953 = tpu.vector_load %get3A_1950[%get3A_1951, %get3A_1952] {strides = array<i32>} : memref<672x64xf32, #tpu.memory_space<vmem>>, vector<16xf32>,
        %mul3A_1954 = arith.mulf %get3A_1386, %get3A_1953 : vector<16xf32>
        %get3A_1955 = arith.constant 0 : i32
        %get3A_1956 = arith.constant 0 : i32
        %get3A_1957 = tpu.memref_slice %arg10[%and3A_150, %get3A_1955, %get3A_1956] : memref<2x672x64xf32, #tpu.memory_space<vmem>> -> memref<1x672x64xf32, #tpu.memory_space<vmem>>
        %get3A_1958 = tpu.memref_squeeze %get3A_1957 : memref<1x672x64xf32, #tpu.memory_space<vmem>> -> memref<672x64xf32, #tpu.memory_space<vmem>>
        %get3A_1959 = arith.index_cast %add3A_1946 : i32 to index
        %get3A_1960 = arith.constant 16 : index
        %get3A_1961 = tpu.vector_load %get3A_1958[%get3A_1959, %get3A_1960] {strides = array<i32>} : memref<672x64xf32, #tpu.memory_space<vmem>>, vector<16xf32>,
        %mul3A_1962 = arith.mulf %get3A_1393, %get3A_1961 : vector<16xf32>
        %add3A_1963 = arith.addf %mul3A_1954, %mul3A_1962 : vector<16xf32>
        %get3A_1964 = arith.constant 0 : i32
        %get3A_1965 = arith.constant 0 : i32
        %get3A_1966 = tpu.memref_slice %arg10[%and3A_150, %get3A_1964, %get3A_1965] : memref<2x672x64xf32, #tpu.memory_space<vmem>> -> memref<1x672x64xf32, #tpu.memory_space<vmem>>
        %get3A_1967 = tpu.memref_squeeze %get3A_1966 : memref<1x672x64xf32, #tpu.memory_space<vmem>> -> memref<672x64xf32, #tpu.memory_space<vmem>>
        %get3A_1968 = arith.index_cast %add3A_1946 : i32 to index
        %get3A_1969 = arith.constant 32 : index
        %get3A_1970 = tpu.vector_load %get3A_1967[%get3A_1968, %get3A_1969] {strides = array<i32>} : memref<672x64xf32, #tpu.memory_space<vmem>>, vector<16xf32>,
        %mul3A_1971 = arith.mulf %get3A_1400, %get3A_1970 : vector<16xf32>
        %add3A_1972 = arith.addf %add3A_1963, %mul3A_1971 : vector<16xf32>
        %get3A_1973 = arith.constant 0 : i32
        %get3A_1974 = arith.constant 0 : i32
        %get3A_1975 = tpu.memref_slice %arg10[%and3A_150, %get3A_1973, %get3A_1974] : memref<2x672x64xf32, #tpu.memory_space<vmem>> -> memref<1x672x64xf32, #tpu.memory_space<vmem>>
        %get3A_1976 = tpu.memref_squeeze %get3A_1975 : memref<1x672x64xf32, #tpu.memory_space<vmem>> -> memref<672x64xf32, #tpu.memory_space<vmem>>
        %get3A_1977 = arith.index_cast %add3A_1946 : i32 to index
        %get3A_1978 = arith.constant 48 : index
        %get3A_1979 = tpu.vector_load %get3A_1976[%get3A_1977, %get3A_1978] {strides = array<i32>} : memref<672x64xf32, #tpu.memory_space<vmem>>, vector<16xf32>,
        %mul3A_1980 = arith.mulf %get3A_1407, %get3A_1979 : vector<16xf32>
        %add3A_1981 = arith.addf %add3A_1972, %mul3A_1980 : vector<16xf32>
        %mul3A_1982 = arith.constant 16 : i32
        %mul3A_1983 = arith.muli %add3A_1946, %mul3A_1982 : i32
        %swap3A_1984 = arith.index_cast %mul3A_1983 : i32 to index
        %swap3A_1985 = tpu.vector_load %arg11[%swap3A_1984] {strides = array<i32>} : memref<10752xf32, #tpu.memory_space<vmem>>, vector<16xf32>,
        tpu.vector_store %arg11[%swap3A_1984], %add3A_1981 {strides = array<i32>} : memref<10752xf32, #tpu.memory_space<vmem>>, vector<16xf32>,
        %add3A_1986 = arith.constant 14 : i32
        %add3A_1987 = arith.addi %add3A_1411, %add3A_1986 : i32
        %get3A_1988 = arith.constant 0 : i32
        %get3A_1989 = arith.constant 0 : i32
        %get3A_1990 = tpu.memref_slice %arg10[%and3A_150, %get3A_1988, %get3A_1989] : memref<2x672x64xf32, #tpu.memory_space<vmem>> -> memref<1x672x64xf32, #tpu.memory_space<vmem>>
        %get3A_1991 = tpu.memref_squeeze %get3A_1990 : memref<1x672x64xf32, #tpu.memory_space<vmem>> -> memref<672x64xf32, #tpu.memory_space<vmem>>
        %get3A_1992 = arith.index_cast %add3A_1987 : i32 to index
        %get3A_1993 = arith.constant 0 : index
        %get3A_1994 = tpu.vector_load %get3A_1991[%get3A_1992, %get3A_1993] {strides = array<i32>} : memref<672x64xf32, #tpu.memory_space<vmem>>, vector<16xf32>,
        %mul3A_1995 = arith.mulf %get3A_1386, %get3A_1994 : vector<16xf32>
        %get3A_1996 = arith.constant 0 : i32
        %get3A_1997 = arith.constant 0 : i32
        %get3A_1998 = tpu.memref_slice %arg10[%and3A_150, %get3A_1996, %get3A_1997] : memref<2x672x64xf32, #tpu.memory_space<vmem>> -> memref<1x672x64xf32, #tpu.memory_space<vmem>>
        %get3A_1999 = tpu.memref_squeeze %get3A_1998 : memref<1x672x64xf32, #tpu.memory_space<vmem>> -> memref<672x64xf32, #tpu.memory_space<vmem>>
        %get3A_2000 = arith.index_cast %add3A_1987 : i32 to index
        %get3A_2001 = arith.constant 16 : index
        %get3A_2002 = tpu.vector_load %get3A_1999[%get3A_2000, %get3A_2001] {strides = array<i32>} : memref<672x64xf32, #tpu.memory_space<vmem>>, vector<16xf32>,
        %mul3A_2003 = arith.mulf %get3A_1393, %get3A_2002 : vector<16xf32>
        %add3A_2004 = arith.addf %mul3A_1995, %mul3A_2003 : vector<16xf32>
        %get3A_2005 = arith.constant 0 : i32
        %get3A_2006 = arith.constant 0 : i32
        %get3A_2007 = tpu.memref_slice %arg10[%and3A_150, %get3A_2005, %get3A_2006] : memref<2x672x64xf32, #tpu.memory_space<vmem>> -> memref<1x672x64xf32, #tpu.memory_space<vmem>>
        %get3A_2008 = tpu.memref_squeeze %get3A_2007 : memref<1x672x64xf32, #tpu.memory_space<vmem>> -> memref<672x64xf32, #tpu.memory_space<vmem>>
        %get3A_2009 = arith.index_cast %add3A_1987 : i32 to index
        %get3A_2010 = arith.constant 32 : index
        %get3A_2011 = tpu.vector_load %get3A_2008[%get3A_2009, %get3A_2010] {strides = array<i32>} : memref<672x64xf32, #tpu.memory_space<vmem>>, vector<16xf32>,
        %mul3A_2012 = arith.mulf %get3A_1400, %get3A_2011 : vector<16xf32>
        %add3A_2013 = arith.addf %add3A_2004, %mul3A_2012 : vector<16xf32>
        %get3A_2014 = arith.constant 0 : i32
        %get3A_2015 = arith.constant 0 : i32
        %get3A_2016 = tpu.memref_slice %arg10[%and3A_150, %get3A_2014, %get3A_2015] : memref<2x672x64xf32, #tpu.memory_space<vmem>> -> memref<1x672x64xf32, #tpu.memory_space<vmem>>
        %get3A_2017 = tpu.memref_squeeze %get3A_2016 : memref<1x672x64xf32, #tpu.memory_space<vmem>> -> memref<672x64xf32, #tpu.memory_space<vmem>>
        %get3A_2018 = arith.index_cast %add3A_1987 : i32 to index
        %get3A_2019 = arith.constant 48 : index
        %get3A_2020 = tpu.vector_load %get3A_2017[%get3A_2018, %get3A_2019] {strides = array<i32>} : memref<672x64xf32, #tpu.memory_space<vmem>>, vector<16xf32>,
        %mul3A_2021 = arith.mulf %get3A_1407, %get3A_2020 : vector<16xf32>
        %add3A_2022 = arith.addf %add3A_2013, %mul3A_2021 : vector<16xf32>
        %mul3A_2023 = arith.constant 16 : i32
        %mul3A_2024 = arith.muli %add3A_1987, %mul3A_2023 : i32
        %swap3A_2025 = arith.index_cast %mul3A_2024 : i32 to index
        %swap3A_2026 = tpu.vector_load %arg11[%swap3A_2025] {strides = array<i32>} : memref<10752xf32, #tpu.memory_space<vmem>>, vector<16xf32>,
        tpu.vector_store %arg11[%swap3A_2025], %add3A_2022 {strides = array<i32>} : memref<10752xf32, #tpu.memory_space<vmem>>, vector<16xf32>,
        %add3A_2027 = arith.constant 15 : i32
        %add3A_2028 = arith.addi %add3A_1411, %add3A_2027 : i32
        %get3A_2029 = arith.constant 0 : i32
        %get3A_2030 = arith.constant 0 : i32
        %get3A_2031 = tpu.memref_slice %arg10[%and3A_150, %get3A_2029, %get3A_2030] : memref<2x672x64xf32, #tpu.memory_space<vmem>> -> memref<1x672x64xf32, #tpu.memory_space<vmem>>
        %get3A_2032 = tpu.memref_squeeze %get3A_2031 : memref<1x672x64xf32, #tpu.memory_space<vmem>> -> memref<672x64xf32, #tpu.memory_space<vmem>>
        %get3A_2033 = arith.index_cast %add3A_2028 : i32 to index
        %get3A_2034 = arith.constant 0 : index
        %get3A_2035 = tpu.vector_load %get3A_2032[%get3A_2033, %get3A_2034] {strides = array<i32>} : memref<672x64xf32, #tpu.memory_space<vmem>>, vector<16xf32>,
        %mul3A_2036 = arith.mulf %get3A_1386, %get3A_2035 : vector<16xf32>
        %get3A_2037 = arith.constant 0 : i32
        %get3A_2038 = arith.constant 0 : i32
        %get3A_2039 = tpu.memref_slice %arg10[%and3A_150, %get3A_2037, %get3A_2038] : memref<2x672x64xf32, #tpu.memory_space<vmem>> -> memref<1x672x64xf32, #tpu.memory_space<vmem>>
        %get3A_2040 = tpu.memref_squeeze %get3A_2039 : memref<1x672x64xf32, #tpu.memory_space<vmem>> -> memref<672x64xf32, #tpu.memory_space<vmem>>
        %get3A_2041 = arith.index_cast %add3A_2028 : i32 to index
        %get3A_2042 = arith.constant 16 : index
        %get3A_2043 = tpu.vector_load %get3A_2040[%get3A_2041, %get3A_2042] {strides = array<i32>} : memref<672x64xf32, #tpu.memory_space<vmem>>, vector<16xf32>,
        %mul3A_2044 = arith.mulf %get3A_1393, %get3A_2043 : vector<16xf32>
        %add3A_2045 = arith.addf %mul3A_2036, %mul3A_2044 : vector<16xf32>
        %get3A_2046 = arith.constant 0 : i32
        %get3A_2047 = arith.constant 0 : i32
        %get3A_2048 = tpu.memref_slice %arg10[%and3A_150, %get3A_2046, %get3A_2047] : memref<2x672x64xf32, #tpu.memory_space<vmem>> -> memref<1x672x64xf32, #tpu.memory_space<vmem>>
        %get3A_2049 = tpu.memref_squeeze %get3A_2048 : memref<1x672x64xf32, #tpu.memory_space<vmem>> -> memref<672x64xf32, #tpu.memory_space<vmem>>
        %get3A_2050 = arith.index_cast %add3A_2028 : i32 to index
        %get3A_2051 = arith.constant 32 : index
        %get3A_2052 = tpu.vector_load %get3A_2049[%get3A_2050, %get3A_2051] {strides = array<i32>} : memref<672x64xf32, #tpu.memory_space<vmem>>, vector<16xf32>,
        %mul3A_2053 = arith.mulf %get3A_1400, %get3A_2052 : vector<16xf32>
        %add3A_2054 = arith.addf %add3A_2045, %mul3A_2053 : vector<16xf32>
        %get3A_2055 = arith.constant 0 : i32
        %get3A_2056 = arith.constant 0 : i32
        %get3A_2057 = tpu.memref_slice %arg10[%and3A_150, %get3A_2055, %get3A_2056] : memref<2x672x64xf32, #tpu.memory_space<vmem>> -> memref<1x672x64xf32, #tpu.memory_space<vmem>>
        %get3A_2058 = tpu.memref_squeeze %get3A_2057 : memref<1x672x64xf32, #tpu.memory_space<vmem>> -> memref<672x64xf32, #tpu.memory_space<vmem>>
        %get3A_2059 = arith.index_cast %add3A_2028 : i32 to index
        %get3A_2060 = arith.constant 48 : index
        %get3A_2061 = tpu.vector_load %get3A_2058[%get3A_2059, %get3A_2060] {strides = array<i32>} : memref<672x64xf32, #tpu.memory_space<vmem>>, vector<16xf32>,
        %mul3A_2062 = arith.mulf %get3A_1407, %get3A_2061 : vector<16xf32>
        %add3A_2063 = arith.addf %add3A_2054, %mul3A_2062 : vector<16xf32>
        %mul3A_2064 = arith.constant 16 : i32
        %mul3A_2065 = arith.muli %add3A_2028, %mul3A_2064 : i32
        %swap3A_2066 = arith.index_cast %mul3A_2065 : i32 to index
        %swap3A_2067 = tpu.vector_load %arg11[%swap3A_2066] {strides = array<i32>} : memref<10752xf32, #tpu.memory_space<vmem>>, vector<16xf32>,
        tpu.vector_store %arg11[%swap3A_2066], %add3A_2063 {strides = array<i32>} : memref<10752xf32, #tpu.memory_space<vmem>>, vector<16xf32>,
        %add3A_2068 = arith.constant 16 : i32
        %add3A_2069 = arith.addi %add3A_1411, %add3A_2068 : i32
        %get3A_2070 = arith.constant 0 : i32
        %get3A_2071 = arith.constant 0 : i32
        %get3A_2072 = tpu.memref_slice %arg10[%and3A_150, %get3A_2070, %get3A_2071] : memref<2x672x64xf32, #tpu.memory_space<vmem>> -> memref<1x672x64xf32, #tpu.memory_space<vmem>>
        %get3A_2073 = tpu.memref_squeeze %get3A_2072 : memref<1x672x64xf32, #tpu.memory_space<vmem>> -> memref<672x64xf32, #tpu.memory_space<vmem>>
        %get3A_2074 = arith.index_cast %add3A_2069 : i32 to index
        %get3A_2075 = arith.constant 0 : index
        %get3A_2076 = tpu.vector_load %get3A_2073[%get3A_2074, %get3A_2075] {strides = array<i32>} : memref<672x64xf32, #tpu.memory_space<vmem>>, vector<16xf32>,
        %mul3A_2077 = arith.mulf %get3A_1386, %get3A_2076 : vector<16xf32>
        %get3A_2078 = arith.constant 0 : i32
        %get3A_2079 = arith.constant 0 : i32
        %get3A_2080 = tpu.memref_slice %arg10[%and3A_150, %get3A_2078, %get3A_2079] : memref<2x672x64xf32, #tpu.memory_space<vmem>> -> memref<1x672x64xf32, #tpu.memory_space<vmem>>
        %get3A_2081 = tpu.memref_squeeze %get3A_2080 : memref<1x672x64xf32, #tpu.memory_space<vmem>> -> memref<672x64xf32, #tpu.memory_space<vmem>>
        %get3A_2082 = arith.index_cast %add3A_2069 : i32 to index
        %get3A_2083 = arith.constant 16 : index
        %get3A_2084 = tpu.vector_load %get3A_2081[%get3A_2082, %get3A_2083] {strides = array<i32>} : memref<672x64xf32, #tpu.memory_space<vmem>>, vector<16xf32>,
        %mul3A_2085 = arith.mulf %get3A_1393, %get3A_2084 : vector<16xf32>
        %add3A_2086 = arith.addf %mul3A_2077, %mul3A_2085 : vector<16xf32>
        %get3A_2087 = arith.constant 0 : i32
        %get3A_2088 = arith.constant 0 : i32
        %get3A_2089 = tpu.memref_slice %arg10[%and3A_150, %get3A_2087, %get3A_2088] : memref<2x672x64xf32, #tpu.memory_space<vmem>> -> memref<1x672x64xf32, #tpu.memory_space<vmem>>
        %get3A_2090 = tpu.memref_squeeze %get3A_2089 : memref<1x672x64xf32, #tpu.memory_space<vmem>> -> memref<672x64xf32, #tpu.memory_space<vmem>>
        %get3A_2091 = arith.index_cast %add3A_2069 : i32 to index
        %get3A_2092 = arith.constant 32 : index
        %get3A_2093 = tpu.vector_load %get3A_2090[%get3A_2091, %get3A_2092] {strides = array<i32>} : memref<672x64xf32, #tpu.memory_space<vmem>>, vector<16xf32>,
        %mul3A_2094 = arith.mulf %get3A_1400, %get3A_2093 : vector<16xf32>
        %add3A_2095 = arith.addf %add3A_2086, %mul3A_2094 : vector<16xf32>
        %get3A_2096 = arith.constant 0 : i32
        %get3A_2097 = arith.constant 0 : i32
        %get3A_2098 = tpu.memref_slice %arg10[%and3A_150, %get3A_2096, %get3A_2097] : memref<2x672x64xf32, #tpu.memory_space<vmem>> -> memref<1x672x64xf32, #tpu.memory_space<vmem>>
        %get3A_2099 = tpu.memref_squeeze %get3A_2098 : memref<1x672x64xf32, #tpu.memory_space<vmem>> -> memref<672x64xf32, #tpu.memory_space<vmem>>
        %get3A_2100 = arith.index_cast %add3A_2069 : i32 to index
        %get3A_2101 = arith.constant 48 : index
        %get3A_2102 = tpu.vector_load %get3A_2099[%get3A_2100, %get3A_2101] {strides = array<i32>} : memref<672x64xf32, #tpu.memory_space<vmem>>, vector<16xf32>,
        %mul3A_2103 = arith.mulf %get3A_1407, %get3A_2102 : vector<16xf32>
        %add3A_2104 = arith.addf %add3A_2095, %mul3A_2103 : vector<16xf32>
        %mul3A_2105 = arith.constant 16 : i32
        %mul3A_2106 = arith.muli %add3A_2069, %mul3A_2105 : i32
        %swap3A_2107 = arith.index_cast %mul3A_2106 : i32 to index
        %swap3A_2108 = tpu.vector_load %arg11[%swap3A_2107] {strides = array<i32>} : memref<10752xf32, #tpu.memory_space<vmem>>, vector<16xf32>,
        tpu.vector_store %arg11[%swap3A_2107], %add3A_2104 {strides = array<i32>} : memref<10752xf32, #tpu.memory_space<vmem>>, vector<16xf32>,
        %add3A_2109 = arith.constant 17 : i32
        %add3A_2110 = arith.addi %add3A_1411, %add3A_2109 : i32
        %get3A_2111 = arith.constant 0 : i32
        %get3A_2112 = arith.constant 0 : i32
        %get3A_2113 = tpu.memref_slice %arg10[%and3A_150, %get3A_2111, %get3A_2112] : memref<2x672x64xf32, #tpu.memory_space<vmem>> -> memref<1x672x64xf32, #tpu.memory_space<vmem>>
        %get3A_2114 = tpu.memref_squeeze %get3A_2113 : memref<1x672x64xf32, #tpu.memory_space<vmem>> -> memref<672x64xf32, #tpu.memory_space<vmem>>
        %get3A_2115 = arith.index_cast %add3A_2110 : i32 to index
        %get3A_2116 = arith.constant 0 : index
        %get3A_2117 = tpu.vector_load %get3A_2114[%get3A_2115, %get3A_2116] {strides = array<i32>} : memref<672x64xf32, #tpu.memory_space<vmem>>, vector<16xf32>,
        %mul3A_2118 = arith.mulf %get3A_1386, %get3A_2117 : vector<16xf32>
        %get3A_2119 = arith.constant 0 : i32
        %get3A_2120 = arith.constant 0 : i32
        %get3A_2121 = tpu.memref_slice %arg10[%and3A_150, %get3A_2119, %get3A_2120] : memref<2x672x64xf32, #tpu.memory_space<vmem>> -> memref<1x672x64xf32, #tpu.memory_space<vmem>>
        %get3A_2122 = tpu.memref_squeeze %get3A_2121 : memref<1x672x64xf32, #tpu.memory_space<vmem>> -> memref<672x64xf32, #tpu.memory_space<vmem>>
        %get3A_2123 = arith.index_cast %add3A_2110 : i32 to index
        %get3A_2124 = arith.constant 16 : index
        %get3A_2125 = tpu.vector_load %get3A_2122[%get3A_2123, %get3A_2124] {strides = array<i32>} : memref<672x64xf32, #tpu.memory_space<vmem>>, vector<16xf32>,
        %mul3A_2126 = arith.mulf %get3A_1393, %get3A_2125 : vector<16xf32>
        %add3A_2127 = arith.addf %mul3A_2118, %mul3A_2126 : vector<16xf32>
        %get3A_2128 = arith.constant 0 : i32
        %get3A_2129 = arith.constant 0 : i32
        %get3A_2130 = tpu.memref_slice %arg10[%and3A_150, %get3A_2128, %get3A_2129] : memref<2x672x64xf32, #tpu.memory_space<vmem>> -> memref<1x672x64xf32, #tpu.memory_space<vmem>>
        %get3A_2131 = tpu.memref_squeeze %get3A_2130 : memref<1x672x64xf32, #tpu.memory_space<vmem>> -> memref<672x64xf32, #tpu.memory_space<vmem>>
        %get3A_2132 = arith.index_cast %add3A_2110 : i32 to index
        %get3A_2133 = arith.constant 32 : index
        %get3A_2134 = tpu.vector_load %get3A_2131[%get3A_2132, %get3A_2133] {strides = array<i32>} : memref<672x64xf32, #tpu.memory_space<vmem>>, vector<16xf32>,
        %mul3A_2135 = arith.mulf %get3A_1400, %get3A_2134 : vector<16xf32>
        %add3A_2136 = arith.addf %add3A_2127, %mul3A_2135 : vector<16xf32>
        %get3A_2137 = arith.constant 0 : i32
        %get3A_2138 = arith.constant 0 : i32
        %get3A_2139 = tpu.memref_slice %arg10[%and3A_150, %get3A_2137, %get3A_2138] : memref<2x672x64xf32, #tpu.memory_space<vmem>> -> memref<1x672x64xf32, #tpu.memory_space<vmem>>
        %get3A_2140 = tpu.memref_squeeze %get3A_2139 : memref<1x672x64xf32, #tpu.memory_space<vmem>> -> memref<672x64xf32, #tpu.memory_space<vmem>>
        %get3A_2141 = arith.index_cast %add3A_2110 : i32 to index
        %get3A_2142 = arith.constant 48 : index
        %get3A_2143 = tpu.vector_load %get3A_2140[%get3A_2141, %get3A_2142] {strides = array<i32>} : memref<672x64xf32, #tpu.memory_space<vmem>>, vector<16xf32>,
        %mul3A_2144 = arith.mulf %get3A_1407, %get3A_2143 : vector<16xf32>
        %add3A_2145 = arith.addf %add3A_2136, %mul3A_2144 : vector<16xf32>
        %mul3A_2146 = arith.constant 16 : i32
        %mul3A_2147 = arith.muli %add3A_2110, %mul3A_2146 : i32
        %swap3A_2148 = arith.index_cast %mul3A_2147 : i32 to index
        %swap3A_2149 = tpu.vector_load %arg11[%swap3A_2148] {strides = array<i32>} : memref<10752xf32, #tpu.memory_space<vmem>>, vector<16xf32>,
        tpu.vector_store %arg11[%swap3A_2148], %add3A_2145 {strides = array<i32>} : memref<10752xf32, #tpu.memory_space<vmem>>, vector<16xf32>,
        %add3A_2150 = arith.constant 18 : i32
        %add3A_2151 = arith.addi %add3A_1411, %add3A_2150 : i32
        %get3A_2152 = arith.constant 0 : i32
        %get3A_2153 = arith.constant 0 : i32
        %get3A_2154 = tpu.memref_slice %arg10[%and3A_150, %get3A_2152, %get3A_2153] : memref<2x672x64xf32, #tpu.memory_space<vmem>> -> memref<1x672x64xf32, #tpu.memory_space<vmem>>
        %get3A_2155 = tpu.memref_squeeze %get3A_2154 : memref<1x672x64xf32, #tpu.memory_space<vmem>> -> memref<672x64xf32, #tpu.memory_space<vmem>>
        %get3A_2156 = arith.index_cast %add3A_2151 : i32 to index
        %get3A_2157 = arith.constant 0 : index
        %get3A_2158 = tpu.vector_load %get3A_2155[%get3A_2156, %get3A_2157] {strides = array<i32>} : memref<672x64xf32, #tpu.memory_space<vmem>>, vector<16xf32>,
        %mul3A_2159 = arith.mulf %get3A_1386, %get3A_2158 : vector<16xf32>
        %get3A_2160 = arith.constant 0 : i32
        %get3A_2161 = arith.constant 0 : i32
        %get3A_2162 = tpu.memref_slice %arg10[%and3A_150, %get3A_2160, %get3A_2161] : memref<2x672x64xf32, #tpu.memory_space<vmem>> -> memref<1x672x64xf32, #tpu.memory_space<vmem>>
        %get3A_2163 = tpu.memref_squeeze %get3A_2162 : memref<1x672x64xf32, #tpu.memory_space<vmem>> -> memref<672x64xf32, #tpu.memory_space<vmem>>
        %get3A_2164 = arith.index_cast %add3A_2151 : i32 to index
        %get3A_2165 = arith.constant 16 : index
        %get3A_2166 = tpu.vector_load %get3A_2163[%get3A_2164, %get3A_2165] {strides = array<i32>} : memref<672x64xf32, #tpu.memory_space<vmem>>, vector<16xf32>,
        %mul3A_2167 = arith.mulf %get3A_1393, %get3A_2166 : vector<16xf32>
        %add3A_2168 = arith.addf %mul3A_2159, %mul3A_2167 : vector<16xf32>
        %get3A_2169 = arith.constant 0 : i32
        %get3A_2170 = arith.constant 0 : i32
        %get3A_2171 = tpu.memref_slice %arg10[%and3A_150, %get3A_2169, %get3A_2170] : memref<2x672x64xf32, #tpu.memory_space<vmem>> -> memref<1x672x64xf32, #tpu.memory_space<vmem>>
        %get3A_2172 = tpu.memref_squeeze %get3A_2171 : memref<1x672x64xf32, #tpu.memory_space<vmem>> -> memref<672x64xf32, #tpu.memory_space<vmem>>
        %get3A_2173 = arith.index_cast %add3A_2151 : i32 to index
        %get3A_2174 = arith.constant 32 : index
        %get3A_2175 = tpu.vector_load %get3A_2172[%get3A_2173, %get3A_2174] {strides = array<i32>} : memref<672x64xf32, #tpu.memory_space<vmem>>, vector<16xf32>,
        %mul3A_2176 = arith.mulf %get3A_1400, %get3A_2175 : vector<16xf32>
        %add3A_2177 = arith.addf %add3A_2168, %mul3A_2176 : vector<16xf32>
        %get3A_2178 = arith.constant 0 : i32
        %get3A_2179 = arith.constant 0 : i32
        %get3A_2180 = tpu.memref_slice %arg10[%and3A_150, %get3A_2178, %get3A_2179] : memref<2x672x64xf32, #tpu.memory_space<vmem>> -> memref<1x672x64xf32, #tpu.memory_space<vmem>>
        %get3A_2181 = tpu.memref_squeeze %get3A_2180 : memref<1x672x64xf32, #tpu.memory_space<vmem>> -> memref<672x64xf32, #tpu.memory_space<vmem>>
        %get3A_2182 = arith.index_cast %add3A_2151 : i32 to index
        %get3A_2183 = arith.constant 48 : index
        %get3A_2184 = tpu.vector_load %get3A_2181[%get3A_2182, %get3A_2183] {strides = array<i32>} : memref<672x64xf32, #tpu.memory_space<vmem>>, vector<16xf32>,
        %mul3A_2185 = arith.mulf %get3A_1407, %get3A_2184 : vector<16xf32>
        %add3A_2186 = arith.addf %add3A_2177, %mul3A_2185 : vector<16xf32>
        %mul3A_2187 = arith.constant 16 : i32
        %mul3A_2188 = arith.muli %add3A_2151, %mul3A_2187 : i32
        %swap3A_2189 = arith.index_cast %mul3A_2188 : i32 to index
        %swap3A_2190 = tpu.vector_load %arg11[%swap3A_2189] {strides = array<i32>} : memref<10752xf32, #tpu.memory_space<vmem>>, vector<16xf32>,
        tpu.vector_store %arg11[%swap3A_2189], %add3A_2186 {strides = array<i32>} : memref<10752xf32, #tpu.memory_space<vmem>>, vector<16xf32>,
        %add3A_2191 = arith.constant 19 : i32
        %add3A_2192 = arith.addi %add3A_1411, %add3A_2191 : i32
        %get3A_2193 = arith.constant 0 : i32
        %get3A_2194 = arith.constant 0 : i32
        %get3A_2195 = tpu.memref_slice %arg10[%and3A_150, %get3A_2193, %get3A_2194] : memref<2x672x64xf32, #tpu.memory_space<vmem>> -> memref<1x672x64xf32, #tpu.memory_space<vmem>>
        %get3A_2196 = tpu.memref_squeeze %get3A_2195 : memref<1x672x64xf32, #tpu.memory_space<vmem>> -> memref<672x64xf32, #tpu.memory_space<vmem>>
        %get3A_2197 = arith.index_cast %add3A_2192 : i32 to index
        %get3A_2198 = arith.constant 0 : index
        %get3A_2199 = tpu.vector_load %get3A_2196[%get3A_2197, %get3A_2198] {strides = array<i32>} : memref<672x64xf32, #tpu.memory_space<vmem>>, vector<16xf32>,
        %mul3A_2200 = arith.mulf %get3A_1386, %get3A_2199 : vector<16xf32>
        %get3A_2201 = arith.constant 0 : i32
        %get3A_2202 = arith.constant 0 : i32
        %get3A_2203 = tpu.memref_slice %arg10[%and3A_150, %get3A_2201, %get3A_2202] : memref<2x672x64xf32, #tpu.memory_space<vmem>> -> memref<1x672x64xf32, #tpu.memory_space<vmem>>
        %get3A_2204 = tpu.memref_squeeze %get3A_2203 : memref<1x672x64xf32, #tpu.memory_space<vmem>> -> memref<672x64xf32, #tpu.memory_space<vmem>>
        %get3A_2205 = arith.index_cast %add3A_2192 : i32 to index
        %get3A_2206 = arith.constant 16 : index
        %get3A_2207 = tpu.vector_load %get3A_2204[%get3A_2205, %get3A_2206] {strides = array<i32>} : memref<672x64xf32, #tpu.memory_space<vmem>>, vector<16xf32>,
        %mul3A_2208 = arith.mulf %get3A_1393, %get3A_2207 : vector<16xf32>
        %add3A_2209 = arith.addf %mul3A_2200, %mul3A_2208 : vector<16xf32>
        %get3A_2210 = arith.constant 0 : i32
        %get3A_2211 = arith.constant 0 : i32
        %get3A_2212 = tpu.memref_slice %arg10[%and3A_150, %get3A_2210, %get3A_2211] : memref<2x672x64xf32, #tpu.memory_space<vmem>> -> memref<1x672x64xf32, #tpu.memory_space<vmem>>
        %get3A_2213 = tpu.memref_squeeze %get3A_2212 : memref<1x672x64xf32, #tpu.memory_space<vmem>> -> memref<672x64xf32, #tpu.memory_space<vmem>>
        %get3A_2214 = arith.index_cast %add3A_2192 : i32 to index
        %get3A_2215 = arith.constant 32 : index
        %get3A_2216 = tpu.vector_load %get3A_2213[%get3A_2214, %get3A_2215] {strides = array<i32>} : memref<672x64xf32, #tpu.memory_space<vmem>>, vector<16xf32>,
        %mul3A_2217 = arith.mulf %get3A_1400, %get3A_2216 : vector<16xf32>
        %add3A_2218 = arith.addf %add3A_2209, %mul3A_2217 : vector<16xf32>
        %get3A_2219 = arith.constant 0 : i32
        %get3A_2220 = arith.constant 0 : i32
        %get3A_2221 = tpu.memref_slice %arg10[%and3A_150, %get3A_2219, %get3A_2220] : memref<2x672x64xf32, #tpu.memory_space<vmem>> -> memref<1x672x64xf32, #tpu.memory_space<vmem>>
        %get3A_2222 = tpu.memref_squeeze %get3A_2221 : memref<1x672x64xf32, #tpu.memory_space<vmem>> -> memref<672x64xf32, #tpu.memory_space<vmem>>
        %get3A_2223 = arith.index_cast %add3A_2192 : i32 to index
        %get3A_2224 = arith.constant 48 : index
        %get3A_2225 = tpu.vector_load %get3A_2222[%get3A_2223, %get3A_2224] {strides = array<i32>} : memref<672x64xf32, #tpu.memory_space<vmem>>, vector<16xf32>,
        %mul3A_2226 = arith.mulf %get3A_1407, %get3A_2225 : vector<16xf32>
        %add3A_2227 = arith.addf %add3A_2218, %mul3A_2226 : vector<16xf32>
        %mul3A_2228 = arith.constant 16 : i32
        %mul3A_2229 = arith.muli %add3A_2192, %mul3A_2228 : i32
        %swap3A_2230 = arith.index_cast %mul3A_2229 : i32 to index
        %swap3A_2231 = tpu.vector_load %arg11[%swap3A_2230] {strides = array<i32>} : memref<10752xf32, #tpu.memory_space<vmem>>, vector<16xf32>,
        tpu.vector_store %arg11[%swap3A_2230], %add3A_2227 {strides = array<i32>} : memref<10752xf32, #tpu.memory_space<vmem>>, vector<16xf32>,
      }
      %scan3A_279 = arith.constant 32 : i32
      %mul3A_280 = arith.constant 672 : i32
      %mul3A_281 = arith.muli %scan3A_149, %mul3A_280 : i32
      %scan3A_282 = arith.constant 0 : i32
      %scan3A_283 = arith.constant 0 : i32
      %scan3A_284 = arith.constant 40 : i32
      %scan3A_285 = arith.addi %scan3A_283, %scan3A_284 : i32
      %scan3A_286 = arith.constant 4 : i32
      scf.for %scan3A_526 = %scan3A_283 to %scan3A_285 step %scan3A_286  : i32 {
        %mul3A_527 = arith.constant 256 : i32
        %mul3A_528 = arith.muli %scan3A_526, %mul3A_527 : i32
        %add3A_529 = vector.broadcast %mul3A_528 : i32 to vector<16xi32>
        %add3A_530 = arith.addi %add3A_529, %mul3A_5 : vector<16xi32>
        %add3A_531 = arith.constant 0 : i32
        %add3A_532 = vector.broadcast %add3A_531 : i32 to vector<16xi32>
        %add3A_533 = arith.addi %add3A_530, %add3A_532 : vector<16xi32>
        %gather3A_534 = tpu.vector_load_idx %arg11[%add3A_533] : memref<10752xf32, #tpu.memory_space<vmem>>[vector<16xi32>], vector<16xf32>,
        %add3A_535 = vector.broadcast %mul3A_528 : i32 to vector<16xi32>
        %add3A_536 = arith.addi %add3A_535, %mul3A_5 : vector<16xi32>
        %add3A_537 = arith.constant 1 : i32
        %add3A_538 = vector.broadcast %add3A_537 : i32 to vector<16xi32>
        %add3A_539 = arith.addi %add3A_536, %add3A_538 : vector<16xi32>
        %gather3A_540 = tpu.vector_load_idx %arg11[%add3A_539] : memref<10752xf32, #tpu.memory_space<vmem>>[vector<16xi32>], vector<16xf32>,
        %add3A_541 = vector.broadcast %mul3A_528 : i32 to vector<16xi32>
        %add3A_542 = arith.addi %add3A_541, %mul3A_5 : vector<16xi32>
        %add3A_543 = arith.constant 2 : i32
        %add3A_544 = vector.broadcast %add3A_543 : i32 to vector<16xi32>
        %add3A_545 = arith.addi %add3A_542, %add3A_544 : vector<16xi32>
        %gather3A_546 = tpu.vector_load_idx %arg11[%add3A_545] : memref<10752xf32, #tpu.memory_space<vmem>>[vector<16xi32>], vector<16xf32>,
        %add3A_547 = vector.broadcast %mul3A_528 : i32 to vector<16xi32>
        %add3A_548 = arith.addi %add3A_547, %mul3A_5 : vector<16xi32>
        %add3A_549 = arith.constant 3 : i32
        %add3A_550 = vector.broadcast %add3A_549 : i32 to vector<16xi32>
        %add3A_551 = arith.addi %add3A_548, %add3A_550 : vector<16xi32>
        %gather3A_552 = tpu.vector_load_idx %arg11[%add3A_551] : memref<10752xf32, #tpu.memory_space<vmem>>[vector<16xi32>], vector<16xf32>,
        %add3A_553 = vector.broadcast %mul3A_528 : i32 to vector<16xi32>
        %add3A_554 = arith.addi %add3A_553, %mul3A_5 : vector<16xi32>
        %add3A_555 = arith.constant 4 : i32
        %add3A_556 = vector.broadcast %add3A_555 : i32 to vector<16xi32>
        %add3A_557 = arith.addi %add3A_554, %add3A_556 : vector<16xi32>
        %gather3A_558 = tpu.vector_load_idx %arg11[%add3A_557] : memref<10752xf32, #tpu.memory_space<vmem>>[vector<16xi32>], vector<16xf32>,
        %add3A_559 = vector.broadcast %mul3A_528 : i32 to vector<16xi32>
        %add3A_560 = arith.addi %add3A_559, %mul3A_5 : vector<16xi32>
        %add3A_561 = arith.constant 5 : i32
        %add3A_562 = vector.broadcast %add3A_561 : i32 to vector<16xi32>
        %add3A_563 = arith.addi %add3A_560, %add3A_562 : vector<16xi32>
        %gather3A_564 = tpu.vector_load_idx %arg11[%add3A_563] : memref<10752xf32, #tpu.memory_space<vmem>>[vector<16xi32>], vector<16xf32>,
        %add3A_565 = vector.broadcast %mul3A_528 : i32 to vector<16xi32>
        %add3A_566 = arith.addi %add3A_565, %mul3A_5 : vector<16xi32>
        %add3A_567 = arith.constant 6 : i32
        %add3A_568 = vector.broadcast %add3A_567 : i32 to vector<16xi32>
        %add3A_569 = arith.addi %add3A_566, %add3A_568 : vector<16xi32>
        %gather3A_570 = tpu.vector_load_idx %arg11[%add3A_569] : memref<10752xf32, #tpu.memory_space<vmem>>[vector<16xi32>], vector<16xf32>,
        %add3A_571 = vector.broadcast %mul3A_528 : i32 to vector<16xi32>
        %add3A_572 = arith.addi %add3A_571, %mul3A_5 : vector<16xi32>
        %add3A_573 = arith.constant 7 : i32
        %add3A_574 = vector.broadcast %add3A_573 : i32 to vector<16xi32>
        %add3A_575 = arith.addi %add3A_572, %add3A_574 : vector<16xi32>
        %gather3A_576 = tpu.vector_load_idx %arg11[%add3A_575] : memref<10752xf32, #tpu.memory_space<vmem>>[vector<16xi32>], vector<16xf32>,
        %add3A_577 = vector.broadcast %mul3A_528 : i32 to vector<16xi32>
        %add3A_578 = arith.addi %add3A_577, %mul3A_5 : vector<16xi32>
        %add3A_579 = arith.constant 8 : i32
        %add3A_580 = vector.broadcast %add3A_579 : i32 to vector<16xi32>
        %add3A_581 = arith.addi %add3A_578, %add3A_580 : vector<16xi32>
        %gather3A_582 = tpu.vector_load_idx %arg11[%add3A_581] : memref<10752xf32, #tpu.memory_space<vmem>>[vector<16xi32>], vector<16xf32>,
        %add3A_583 = vector.broadcast %mul3A_528 : i32 to vector<16xi32>
        %add3A_584 = arith.addi %add3A_583, %mul3A_5 : vector<16xi32>
        %add3A_585 = arith.constant 9 : i32
        %add3A_586 = vector.broadcast %add3A_585 : i32 to vector<16xi32>
        %add3A_587 = arith.addi %add3A_584, %add3A_586 : vector<16xi32>
        %gather3A_588 = tpu.vector_load_idx %arg11[%add3A_587] : memref<10752xf32, #tpu.memory_space<vmem>>[vector<16xi32>], vector<16xf32>,
        %add3A_589 = vector.broadcast %mul3A_528 : i32 to vector<16xi32>
        %add3A_590 = arith.addi %add3A_589, %mul3A_5 : vector<16xi32>
        %add3A_591 = arith.constant 10 : i32
        %add3A_592 = vector.broadcast %add3A_591 : i32 to vector<16xi32>
        %add3A_593 = arith.addi %add3A_590, %add3A_592 : vector<16xi32>
        %gather3A_594 = tpu.vector_load_idx %arg11[%add3A_593] : memref<10752xf32, #tpu.memory_space<vmem>>[vector<16xi32>], vector<16xf32>,
        %add3A_595 = vector.broadcast %mul3A_528 : i32 to vector<16xi32>
        %add3A_596 = arith.addi %add3A_595, %mul3A_5 : vector<16xi32>
        %add3A_597 = arith.constant 11 : i32
        %add3A_598 = vector.broadcast %add3A_597 : i32 to vector<16xi32>
        %add3A_599 = arith.addi %add3A_596, %add3A_598 : vector<16xi32>
        %gather3A_600 = tpu.vector_load_idx %arg11[%add3A_599] : memref<10752xf32, #tpu.memory_space<vmem>>[vector<16xi32>], vector<16xf32>,
        %add3A_601 = vector.broadcast %mul3A_528 : i32 to vector<16xi32>
        %add3A_602 = arith.addi %add3A_601, %mul3A_5 : vector<16xi32>
        %add3A_603 = arith.constant 12 : i32
        %add3A_604 = vector.broadcast %add3A_603 : i32 to vector<16xi32>
        %add3A_605 = arith.addi %add3A_602, %add3A_604 : vector<16xi32>
        %gather3A_606 = tpu.vector_load_idx %arg11[%add3A_605] : memref<10752xf32, #tpu.memory_space<vmem>>[vector<16xi32>], vector<16xf32>,
        %add3A_607 = vector.broadcast %mul3A_528 : i32 to vector<16xi32>
        %add3A_608 = arith.addi %add3A_607, %mul3A_5 : vector<16xi32>
        %add3A_609 = arith.constant 13 : i32
        %add3A_610 = vector.broadcast %add3A_609 : i32 to vector<16xi32>
        %add3A_611 = arith.addi %add3A_608, %add3A_610 : vector<16xi32>
        %gather3A_612 = tpu.vector_load_idx %arg11[%add3A_611] : memref<10752xf32, #tpu.memory_space<vmem>>[vector<16xi32>], vector<16xf32>,
        %add3A_613 = vector.broadcast %mul3A_528 : i32 to vector<16xi32>
        %add3A_614 = arith.addi %add3A_613, %mul3A_5 : vector<16xi32>
        %add3A_615 = arith.constant 14 : i32
        %add3A_616 = vector.broadcast %add3A_615 : i32 to vector<16xi32>
        %add3A_617 = arith.addi %add3A_614, %add3A_616 : vector<16xi32>
        %gather3A_618 = tpu.vector_load_idx %arg11[%add3A_617] : memref<10752xf32, #tpu.memory_space<vmem>>[vector<16xi32>], vector<16xf32>,
        %add3A_619 = vector.broadcast %mul3A_528 : i32 to vector<16xi32>
        %add3A_620 = arith.addi %add3A_619, %mul3A_5 : vector<16xi32>
        %add3A_621 = arith.constant 15 : i32
        %add3A_622 = vector.broadcast %add3A_621 : i32 to vector<16xi32>
        %add3A_623 = arith.addi %add3A_620, %add3A_622 : vector<16xi32>
        %gather3A_624 = tpu.vector_load_idx %arg11[%add3A_623] : memref<10752xf32, #tpu.memory_space<vmem>>[vector<16xi32>], vector<16xf32>,
        %add3A_625 = arith.addf %gather3A_534, %gather3A_540 : vector<16xf32>
        %add3A_626 = arith.addf %gather3A_546, %gather3A_552 : vector<16xf32>
        %add3A_627 = arith.addf %gather3A_558, %gather3A_564 : vector<16xf32>
        %add3A_628 = arith.addf %gather3A_570, %gather3A_576 : vector<16xf32>
        %add3A_629 = arith.addf %gather3A_582, %gather3A_588 : vector<16xf32>
        %add3A_630 = arith.addf %gather3A_594, %gather3A_600 : vector<16xf32>
        %add3A_631 = arith.addf %gather3A_606, %gather3A_612 : vector<16xf32>
        %add3A_632 = arith.addf %gather3A_618, %gather3A_624 : vector<16xf32>
        %add3A_633 = arith.addf %add3A_625, %add3A_626 : vector<16xf32>
        %add3A_634 = arith.addf %add3A_627, %add3A_628 : vector<16xf32>
        %add3A_635 = arith.addf %add3A_629, %add3A_630 : vector<16xf32>
        %add3A_636 = arith.addf %add3A_631, %add3A_632 : vector<16xf32>
        %add3A_637 = arith.addf %add3A_633, %add3A_634 : vector<16xf32>
        %add3A_638 = arith.addf %add3A_635, %add3A_636 : vector<16xf32>
        %add3A_639 = arith.addf %add3A_637, %add3A_638 : vector<16xf32>
        %mul3A_640 = arith.constant 16 : i32
        %mul3A_641 = arith.muli %scan3A_526, %mul3A_640 : i32
        %add3A_642 = arith.addi %mul3A_281, %mul3A_641 : i32
        %swap3A_643 = arith.index_cast %add3A_642 : i32 to index
        %swap3A_644 = tpu.vector_load %arg12[%swap3A_643] {strides = array<i32>} : memref<10752xf32, #tpu.memory_space<vmem>>, vector<16xf32>,
        tpu.vector_store %arg12[%swap3A_643], %add3A_639 {strides = array<i32>} : memref<10752xf32, #tpu.memory_space<vmem>>, vector<16xf32>,
        %scan3A_645 = arith.constant 1 : i32
        %scan3A_646 = arith.addi %scan3A_526, %scan3A_645 : i32
        %mul3A_647 = arith.constant 256 : i32
        %mul3A_648 = arith.muli %scan3A_646, %mul3A_647 : i32
        %add3A_649 = vector.broadcast %mul3A_648 : i32 to vector<16xi32>
        %add3A_650 = arith.addi %add3A_649, %mul3A_5 : vector<16xi32>
        %add3A_651 = arith.constant 0 : i32
        %add3A_652 = vector.broadcast %add3A_651 : i32 to vector<16xi32>
        %add3A_653 = arith.addi %add3A_650, %add3A_652 : vector<16xi32>
        %gather3A_654 = tpu.vector_load_idx %arg11[%add3A_653] : memref<10752xf32, #tpu.memory_space<vmem>>[vector<16xi32>], vector<16xf32>,
        %add3A_655 = vector.broadcast %mul3A_648 : i32 to vector<16xi32>
        %add3A_656 = arith.addi %add3A_655, %mul3A_5 : vector<16xi32>
        %add3A_657 = arith.constant 1 : i32
        %add3A_658 = vector.broadcast %add3A_657 : i32 to vector<16xi32>
        %add3A_659 = arith.addi %add3A_656, %add3A_658 : vector<16xi32>
        %gather3A_660 = tpu.vector_load_idx %arg11[%add3A_659] : memref<10752xf32, #tpu.memory_space<vmem>>[vector<16xi32>], vector<16xf32>,
        %add3A_661 = vector.broadcast %mul3A_648 : i32 to vector<16xi32>
        %add3A_662 = arith.addi %add3A_661, %mul3A_5 : vector<16xi32>
        %add3A_663 = arith.constant 2 : i32
        %add3A_664 = vector.broadcast %add3A_663 : i32 to vector<16xi32>
        %add3A_665 = arith.addi %add3A_662, %add3A_664 : vector<16xi32>
        %gather3A_666 = tpu.vector_load_idx %arg11[%add3A_665] : memref<10752xf32, #tpu.memory_space<vmem>>[vector<16xi32>], vector<16xf32>,
        %add3A_667 = vector.broadcast %mul3A_648 : i32 to vector<16xi32>
        %add3A_668 = arith.addi %add3A_667, %mul3A_5 : vector<16xi32>
        %add3A_669 = arith.constant 3 : i32
        %add3A_670 = vector.broadcast %add3A_669 : i32 to vector<16xi32>
        %add3A_671 = arith.addi %add3A_668, %add3A_670 : vector<16xi32>
        %gather3A_672 = tpu.vector_load_idx %arg11[%add3A_671] : memref<10752xf32, #tpu.memory_space<vmem>>[vector<16xi32>], vector<16xf32>,
        %add3A_673 = vector.broadcast %mul3A_648 : i32 to vector<16xi32>
        %add3A_674 = arith.addi %add3A_673, %mul3A_5 : vector<16xi32>
        %add3A_675 = arith.constant 4 : i32
        %add3A_676 = vector.broadcast %add3A_675 : i32 to vector<16xi32>
        %add3A_677 = arith.addi %add3A_674, %add3A_676 : vector<16xi32>
        %gather3A_678 = tpu.vector_load_idx %arg11[%add3A_677] : memref<10752xf32, #tpu.memory_space<vmem>>[vector<16xi32>], vector<16xf32>,
        %add3A_679 = vector.broadcast %mul3A_648 : i32 to vector<16xi32>
        %add3A_680 = arith.addi %add3A_679, %mul3A_5 : vector<16xi32>
        %add3A_681 = arith.constant 5 : i32
        %add3A_682 = vector.broadcast %add3A_681 : i32 to vector<16xi32>
        %add3A_683 = arith.addi %add3A_680, %add3A_682 : vector<16xi32>
        %gather3A_684 = tpu.vector_load_idx %arg11[%add3A_683] : memref<10752xf32, #tpu.memory_space<vmem>>[vector<16xi32>], vector<16xf32>,
        %add3A_685 = vector.broadcast %mul3A_648 : i32 to vector<16xi32>
        %add3A_686 = arith.addi %add3A_685, %mul3A_5 : vector<16xi32>
        %add3A_687 = arith.constant 6 : i32
        %add3A_688 = vector.broadcast %add3A_687 : i32 to vector<16xi32>
        %add3A_689 = arith.addi %add3A_686, %add3A_688 : vector<16xi32>
        %gather3A_690 = tpu.vector_load_idx %arg11[%add3A_689] : memref<10752xf32, #tpu.memory_space<vmem>>[vector<16xi32>], vector<16xf32>,
        %add3A_691 = vector.broadcast %mul3A_648 : i32 to vector<16xi32>
        %add3A_692 = arith.addi %add3A_691, %mul3A_5 : vector<16xi32>
        %add3A_693 = arith.constant 7 : i32
        %add3A_694 = vector.broadcast %add3A_693 : i32 to vector<16xi32>
        %add3A_695 = arith.addi %add3A_692, %add3A_694 : vector<16xi32>
        %gather3A_696 = tpu.vector_load_idx %arg11[%add3A_695] : memref<10752xf32, #tpu.memory_space<vmem>>[vector<16xi32>], vector<16xf32>,
        %add3A_697 = vector.broadcast %mul3A_648 : i32 to vector<16xi32>
        %add3A_698 = arith.addi %add3A_697, %mul3A_5 : vector<16xi32>
        %add3A_699 = arith.constant 8 : i32
        %add3A_700 = vector.broadcast %add3A_699 : i32 to vector<16xi32>
        %add3A_701 = arith.addi %add3A_698, %add3A_700 : vector<16xi32>
        %gather3A_702 = tpu.vector_load_idx %arg11[%add3A_701] : memref<10752xf32, #tpu.memory_space<vmem>>[vector<16xi32>], vector<16xf32>,
        %add3A_703 = vector.broadcast %mul3A_648 : i32 to vector<16xi32>
        %add3A_704 = arith.addi %add3A_703, %mul3A_5 : vector<16xi32>
        %add3A_705 = arith.constant 9 : i32
        %add3A_706 = vector.broadcast %add3A_705 : i32 to vector<16xi32>
        %add3A_707 = arith.addi %add3A_704, %add3A_706 : vector<16xi32>
        %gather3A_708 = tpu.vector_load_idx %arg11[%add3A_707] : memref<10752xf32, #tpu.memory_space<vmem>>[vector<16xi32>], vector<16xf32>,
        %add3A_709 = vector.broadcast %mul3A_648 : i32 to vector<16xi32>
        %add3A_710 = arith.addi %add3A_709, %mul3A_5 : vector<16xi32>
        %add3A_711 = arith.constant 10 : i32
        %add3A_712 = vector.broadcast %add3A_711 : i32 to vector<16xi32>
        %add3A_713 = arith.addi %add3A_710, %add3A_712 : vector<16xi32>
        %gather3A_714 = tpu.vector_load_idx %arg11[%add3A_713] : memref<10752xf32, #tpu.memory_space<vmem>>[vector<16xi32>], vector<16xf32>,
        %add3A_715 = vector.broadcast %mul3A_648 : i32 to vector<16xi32>
        %add3A_716 = arith.addi %add3A_715, %mul3A_5 : vector<16xi32>
        %add3A_717 = arith.constant 11 : i32
        %add3A_718 = vector.broadcast %add3A_717 : i32 to vector<16xi32>
        %add3A_719 = arith.addi %add3A_716, %add3A_718 : vector<16xi32>
        %gather3A_720 = tpu.vector_load_idx %arg11[%add3A_719] : memref<10752xf32, #tpu.memory_space<vmem>>[vector<16xi32>], vector<16xf32>,
        %add3A_721 = vector.broadcast %mul3A_648 : i32 to vector<16xi32>
        %add3A_722 = arith.addi %add3A_721, %mul3A_5 : vector<16xi32>
        %add3A_723 = arith.constant 12 : i32
        %add3A_724 = vector.broadcast %add3A_723 : i32 to vector<16xi32>
        %add3A_725 = arith.addi %add3A_722, %add3A_724 : vector<16xi32>
        %gather3A_726 = tpu.vector_load_idx %arg11[%add3A_725] : memref<10752xf32, #tpu.memory_space<vmem>>[vector<16xi32>], vector<16xf32>,
        %add3A_727 = vector.broadcast %mul3A_648 : i32 to vector<16xi32>
        %add3A_728 = arith.addi %add3A_727, %mul3A_5 : vector<16xi32>
        %add3A_729 = arith.constant 13 : i32
        %add3A_730 = vector.broadcast %add3A_729 : i32 to vector<16xi32>
        %add3A_731 = arith.addi %add3A_728, %add3A_730 : vector<16xi32>
        %gather3A_732 = tpu.vector_load_idx %arg11[%add3A_731] : memref<10752xf32, #tpu.memory_space<vmem>>[vector<16xi32>], vector<16xf32>,
        %add3A_733 = vector.broadcast %mul3A_648 : i32 to vector<16xi32>
        %add3A_734 = arith.addi %add3A_733, %mul3A_5 : vector<16xi32>
        %add3A_735 = arith.constant 14 : i32
        %add3A_736 = vector.broadcast %add3A_735 : i32 to vector<16xi32>
        %add3A_737 = arith.addi %add3A_734, %add3A_736 : vector<16xi32>
        %gather3A_738 = tpu.vector_load_idx %arg11[%add3A_737] : memref<10752xf32, #tpu.memory_space<vmem>>[vector<16xi32>], vector<16xf32>,
        %add3A_739 = vector.broadcast %mul3A_648 : i32 to vector<16xi32>
        %add3A_740 = arith.addi %add3A_739, %mul3A_5 : vector<16xi32>
        %add3A_741 = arith.constant 15 : i32
        %add3A_742 = vector.broadcast %add3A_741 : i32 to vector<16xi32>
        %add3A_743 = arith.addi %add3A_740, %add3A_742 : vector<16xi32>
        %gather3A_744 = tpu.vector_load_idx %arg11[%add3A_743] : memref<10752xf32, #tpu.memory_space<vmem>>[vector<16xi32>], vector<16xf32>,
        %add3A_745 = arith.addf %gather3A_654, %gather3A_660 : vector<16xf32>
        %add3A_746 = arith.addf %gather3A_666, %gather3A_672 : vector<16xf32>
        %add3A_747 = arith.addf %gather3A_678, %gather3A_684 : vector<16xf32>
        %add3A_748 = arith.addf %gather3A_690, %gather3A_696 : vector<16xf32>
        %add3A_749 = arith.addf %gather3A_702, %gather3A_708 : vector<16xf32>
        %add3A_750 = arith.addf %gather3A_714, %gather3A_720 : vector<16xf32>
        %add3A_751 = arith.addf %gather3A_726, %gather3A_732 : vector<16xf32>
        %add3A_752 = arith.addf %gather3A_738, %gather3A_744 : vector<16xf32>
        %add3A_753 = arith.addf %add3A_745, %add3A_746 : vector<16xf32>
        %add3A_754 = arith.addf %add3A_747, %add3A_748 : vector<16xf32>
        %add3A_755 = arith.addf %add3A_749, %add3A_750 : vector<16xf32>
        %add3A_756 = arith.addf %add3A_751, %add3A_752 : vector<16xf32>
        %add3A_757 = arith.addf %add3A_753, %add3A_754 : vector<16xf32>
        %add3A_758 = arith.addf %add3A_755, %add3A_756 : vector<16xf32>
        %add3A_759 = arith.addf %add3A_757, %add3A_758 : vector<16xf32>
        %mul3A_760 = arith.constant 16 : i32
        %mul3A_761 = arith.muli %scan3A_646, %mul3A_760 : i32
        %add3A_762 = arith.addi %mul3A_281, %mul3A_761 : i32
        %swap3A_763 = arith.index_cast %add3A_762 : i32 to index
        %swap3A_764 = tpu.vector_load %arg12[%swap3A_763] {strides = array<i32>} : memref<10752xf32, #tpu.memory_space<vmem>>, vector<16xf32>,
        tpu.vector_store %arg12[%swap3A_763], %add3A_759 {strides = array<i32>} : memref<10752xf32, #tpu.memory_space<vmem>>, vector<16xf32>,
        %scan3A_765 = arith.constant 2 : i32
        %scan3A_766 = arith.addi %scan3A_526, %scan3A_765 : i32
        %mul3A_767 = arith.constant 256 : i32
        %mul3A_768 = arith.muli %scan3A_766, %mul3A_767 : i32
        %add3A_769 = vector.broadcast %mul3A_768 : i32 to vector<16xi32>
        %add3A_770 = arith.addi %add3A_769, %mul3A_5 : vector<16xi32>
        %add3A_771 = arith.constant 0 : i32
        %add3A_772 = vector.broadcast %add3A_771 : i32 to vector<16xi32>
        %add3A_773 = arith.addi %add3A_770, %add3A_772 : vector<16xi32>
        %gather3A_774 = tpu.vector_load_idx %arg11[%add3A_773] : memref<10752xf32, #tpu.memory_space<vmem>>[vector<16xi32>], vector<16xf32>,
        %add3A_775 = vector.broadcast %mul3A_768 : i32 to vector<16xi32>
        %add3A_776 = arith.addi %add3A_775, %mul3A_5 : vector<16xi32>
        %add3A_777 = arith.constant 1 : i32
        %add3A_778 = vector.broadcast %add3A_777 : i32 to vector<16xi32>
        %add3A_779 = arith.addi %add3A_776, %add3A_778 : vector<16xi32>
        %gather3A_780 = tpu.vector_load_idx %arg11[%add3A_779] : memref<10752xf32, #tpu.memory_space<vmem>>[vector<16xi32>], vector<16xf32>,
        %add3A_781 = vector.broadcast %mul3A_768 : i32 to vector<16xi32>
        %add3A_782 = arith.addi %add3A_781, %mul3A_5 : vector<16xi32>
        %add3A_783 = arith.constant 2 : i32
        %add3A_784 = vector.broadcast %add3A_783 : i32 to vector<16xi32>
        %add3A_785 = arith.addi %add3A_782, %add3A_784 : vector<16xi32>
        %gather3A_786 = tpu.vector_load_idx %arg11[%add3A_785] : memref<10752xf32, #tpu.memory_space<vmem>>[vector<16xi32>], vector<16xf32>,
        %add3A_787 = vector.broadcast %mul3A_768 : i32 to vector<16xi32>
        %add3A_788 = arith.addi %add3A_787, %mul3A_5 : vector<16xi32>
        %add3A_789 = arith.constant 3 : i32
        %add3A_790 = vector.broadcast %add3A_789 : i32 to vector<16xi32>
        %add3A_791 = arith.addi %add3A_788, %add3A_790 : vector<16xi32>
        %gather3A_792 = tpu.vector_load_idx %arg11[%add3A_791] : memref<10752xf32, #tpu.memory_space<vmem>>[vector<16xi32>], vector<16xf32>,
        %add3A_793 = vector.broadcast %mul3A_768 : i32 to vector<16xi32>
        %add3A_794 = arith.addi %add3A_793, %mul3A_5 : vector<16xi32>
        %add3A_795 = arith.constant 4 : i32
        %add3A_796 = vector.broadcast %add3A_795 : i32 to vector<16xi32>
        %add3A_797 = arith.addi %add3A_794, %add3A_796 : vector<16xi32>
        %gather3A_798 = tpu.vector_load_idx %arg11[%add3A_797] : memref<10752xf32, #tpu.memory_space<vmem>>[vector<16xi32>], vector<16xf32>,
        %add3A_799 = vector.broadcast %mul3A_768 : i32 to vector<16xi32>
        %add3A_800 = arith.addi %add3A_799, %mul3A_5 : vector<16xi32>
        %add3A_801 = arith.constant 5 : i32
        %add3A_802 = vector.broadcast %add3A_801 : i32 to vector<16xi32>
        %add3A_803 = arith.addi %add3A_800, %add3A_802 : vector<16xi32>
        %gather3A_804 = tpu.vector_load_idx %arg11[%add3A_803] : memref<10752xf32, #tpu.memory_space<vmem>>[vector<16xi32>], vector<16xf32>,
        %add3A_805 = vector.broadcast %mul3A_768 : i32 to vector<16xi32>
        %add3A_806 = arith.addi %add3A_805, %mul3A_5 : vector<16xi32>
        %add3A_807 = arith.constant 6 : i32
        %add3A_808 = vector.broadcast %add3A_807 : i32 to vector<16xi32>
        %add3A_809 = arith.addi %add3A_806, %add3A_808 : vector<16xi32>
        %gather3A_810 = tpu.vector_load_idx %arg11[%add3A_809] : memref<10752xf32, #tpu.memory_space<vmem>>[vector<16xi32>], vector<16xf32>,
        %add3A_811 = vector.broadcast %mul3A_768 : i32 to vector<16xi32>
        %add3A_812 = arith.addi %add3A_811, %mul3A_5 : vector<16xi32>
        %add3A_813 = arith.constant 7 : i32
        %add3A_814 = vector.broadcast %add3A_813 : i32 to vector<16xi32>
        %add3A_815 = arith.addi %add3A_812, %add3A_814 : vector<16xi32>
        %gather3A_816 = tpu.vector_load_idx %arg11[%add3A_815] : memref<10752xf32, #tpu.memory_space<vmem>>[vector<16xi32>], vector<16xf32>,
        %add3A_817 = vector.broadcast %mul3A_768 : i32 to vector<16xi32>
        %add3A_818 = arith.addi %add3A_817, %mul3A_5 : vector<16xi32>
        %add3A_819 = arith.constant 8 : i32
        %add3A_820 = vector.broadcast %add3A_819 : i32 to vector<16xi32>
        %add3A_821 = arith.addi %add3A_818, %add3A_820 : vector<16xi32>
        %gather3A_822 = tpu.vector_load_idx %arg11[%add3A_821] : memref<10752xf32, #tpu.memory_space<vmem>>[vector<16xi32>], vector<16xf32>,
        %add3A_823 = vector.broadcast %mul3A_768 : i32 to vector<16xi32>
        %add3A_824 = arith.addi %add3A_823, %mul3A_5 : vector<16xi32>
        %add3A_825 = arith.constant 9 : i32
        %add3A_826 = vector.broadcast %add3A_825 : i32 to vector<16xi32>
        %add3A_827 = arith.addi %add3A_824, %add3A_826 : vector<16xi32>
        %gather3A_828 = tpu.vector_load_idx %arg11[%add3A_827] : memref<10752xf32, #tpu.memory_space<vmem>>[vector<16xi32>], vector<16xf32>,
        %add3A_829 = vector.broadcast %mul3A_768 : i32 to vector<16xi32>
        %add3A_830 = arith.addi %add3A_829, %mul3A_5 : vector<16xi32>
        %add3A_831 = arith.constant 10 : i32
        %add3A_832 = vector.broadcast %add3A_831 : i32 to vector<16xi32>
        %add3A_833 = arith.addi %add3A_830, %add3A_832 : vector<16xi32>
        %gather3A_834 = tpu.vector_load_idx %arg11[%add3A_833] : memref<10752xf32, #tpu.memory_space<vmem>>[vector<16xi32>], vector<16xf32>,
        %add3A_835 = vector.broadcast %mul3A_768 : i32 to vector<16xi32>
        %add3A_836 = arith.addi %add3A_835, %mul3A_5 : vector<16xi32>
        %add3A_837 = arith.constant 11 : i32
        %add3A_838 = vector.broadcast %add3A_837 : i32 to vector<16xi32>
        %add3A_839 = arith.addi %add3A_836, %add3A_838 : vector<16xi32>
        %gather3A_840 = tpu.vector_load_idx %arg11[%add3A_839] : memref<10752xf32, #tpu.memory_space<vmem>>[vector<16xi32>], vector<16xf32>,
        %add3A_841 = vector.broadcast %mul3A_768 : i32 to vector<16xi32>
        %add3A_842 = arith.addi %add3A_841, %mul3A_5 : vector<16xi32>
        %add3A_843 = arith.constant 12 : i32
        %add3A_844 = vector.broadcast %add3A_843 : i32 to vector<16xi32>
        %add3A_845 = arith.addi %add3A_842, %add3A_844 : vector<16xi32>
        %gather3A_846 = tpu.vector_load_idx %arg11[%add3A_845] : memref<10752xf32, #tpu.memory_space<vmem>>[vector<16xi32>], vector<16xf32>,
        %add3A_847 = vector.broadcast %mul3A_768 : i32 to vector<16xi32>
        %add3A_848 = arith.addi %add3A_847, %mul3A_5 : vector<16xi32>
        %add3A_849 = arith.constant 13 : i32
        %add3A_850 = vector.broadcast %add3A_849 : i32 to vector<16xi32>
        %add3A_851 = arith.addi %add3A_848, %add3A_850 : vector<16xi32>
        %gather3A_852 = tpu.vector_load_idx %arg11[%add3A_851] : memref<10752xf32, #tpu.memory_space<vmem>>[vector<16xi32>], vector<16xf32>,
        %add3A_853 = vector.broadcast %mul3A_768 : i32 to vector<16xi32>
        %add3A_854 = arith.addi %add3A_853, %mul3A_5 : vector<16xi32>
        %add3A_855 = arith.constant 14 : i32
        %add3A_856 = vector.broadcast %add3A_855 : i32 to vector<16xi32>
        %add3A_857 = arith.addi %add3A_854, %add3A_856 : vector<16xi32>
        %gather3A_858 = tpu.vector_load_idx %arg11[%add3A_857] : memref<10752xf32, #tpu.memory_space<vmem>>[vector<16xi32>], vector<16xf32>,
        %add3A_859 = vector.broadcast %mul3A_768 : i32 to vector<16xi32>
        %add3A_860 = arith.addi %add3A_859, %mul3A_5 : vector<16xi32>
        %add3A_861 = arith.constant 15 : i32
        %add3A_862 = vector.broadcast %add3A_861 : i32 to vector<16xi32>
        %add3A_863 = arith.addi %add3A_860, %add3A_862 : vector<16xi32>
        %gather3A_864 = tpu.vector_load_idx %arg11[%add3A_863] : memref<10752xf32, #tpu.memory_space<vmem>>[vector<16xi32>], vector<16xf32>,
        %add3A_865 = arith.addf %gather3A_774, %gather3A_780 : vector<16xf32>
        %add3A_866 = arith.addf %gather3A_786, %gather3A_792 : vector<16xf32>
        %add3A_867 = arith.addf %gather3A_798, %gather3A_804 : vector<16xf32>
        %add3A_868 = arith.addf %gather3A_810, %gather3A_816 : vector<16xf32>
        %add3A_869 = arith.addf %gather3A_822, %gather3A_828 : vector<16xf32>
        %add3A_870 = arith.addf %gather3A_834, %gather3A_840 : vector<16xf32>
        %add3A_871 = arith.addf %gather3A_846, %gather3A_852 : vector<16xf32>
        %add3A_872 = arith.addf %gather3A_858, %gather3A_864 : vector<16xf32>
        %add3A_873 = arith.addf %add3A_865, %add3A_866 : vector<16xf32>
        %add3A_874 = arith.addf %add3A_867, %add3A_868 : vector<16xf32>
        %add3A_875 = arith.addf %add3A_869, %add3A_870 : vector<16xf32>
        %add3A_876 = arith.addf %add3A_871, %add3A_872 : vector<16xf32>
        %add3A_877 = arith.addf %add3A_873, %add3A_874 : vector<16xf32>
        %add3A_878 = arith.addf %add3A_875, %add3A_876 : vector<16xf32>
        %add3A_879 = arith.addf %add3A_877, %add3A_878 : vector<16xf32>
        %mul3A_880 = arith.constant 16 : i32
        %mul3A_881 = arith.muli %scan3A_766, %mul3A_880 : i32
        %add3A_882 = arith.addi %mul3A_281, %mul3A_881 : i32
        %swap3A_883 = arith.index_cast %add3A_882 : i32 to index
        %swap3A_884 = tpu.vector_load %arg12[%swap3A_883] {strides = array<i32>} : memref<10752xf32, #tpu.memory_space<vmem>>, vector<16xf32>,
        tpu.vector_store %arg12[%swap3A_883], %add3A_879 {strides = array<i32>} : memref<10752xf32, #tpu.memory_space<vmem>>, vector<16xf32>,
        %scan3A_885 = arith.constant 3 : i32
        %scan3A_886 = arith.addi %scan3A_526, %scan3A_885 : i32
        %mul3A_887 = arith.constant 256 : i32
        %mul3A_888 = arith.muli %scan3A_886, %mul3A_887 : i32
        %add3A_889 = vector.broadcast %mul3A_888 : i32 to vector<16xi32>
        %add3A_890 = arith.addi %add3A_889, %mul3A_5 : vector<16xi32>
        %add3A_891 = arith.constant 0 : i32
        %add3A_892 = vector.broadcast %add3A_891 : i32 to vector<16xi32>
        %add3A_893 = arith.addi %add3A_890, %add3A_892 : vector<16xi32>
        %gather3A_894 = tpu.vector_load_idx %arg11[%add3A_893] : memref<10752xf32, #tpu.memory_space<vmem>>[vector<16xi32>], vector<16xf32>,
        %add3A_895 = vector.broadcast %mul3A_888 : i32 to vector<16xi32>
        %add3A_896 = arith.addi %add3A_895, %mul3A_5 : vector<16xi32>
        %add3A_897 = arith.constant 1 : i32
        %add3A_898 = vector.broadcast %add3A_897 : i32 to vector<16xi32>
        %add3A_899 = arith.addi %add3A_896, %add3A_898 : vector<16xi32>
        %gather3A_900 = tpu.vector_load_idx %arg11[%add3A_899] : memref<10752xf32, #tpu.memory_space<vmem>>[vector<16xi32>], vector<16xf32>,
        %add3A_901 = vector.broadcast %mul3A_888 : i32 to vector<16xi32>
        %add3A_902 = arith.addi %add3A_901, %mul3A_5 : vector<16xi32>
        %add3A_903 = arith.constant 2 : i32
        %add3A_904 = vector.broadcast %add3A_903 : i32 to vector<16xi32>
        %add3A_905 = arith.addi %add3A_902, %add3A_904 : vector<16xi32>
        %gather3A_906 = tpu.vector_load_idx %arg11[%add3A_905] : memref<10752xf32, #tpu.memory_space<vmem>>[vector<16xi32>], vector<16xf32>,
        %add3A_907 = vector.broadcast %mul3A_888 : i32 to vector<16xi32>
        %add3A_908 = arith.addi %add3A_907, %mul3A_5 : vector<16xi32>
        %add3A_909 = arith.constant 3 : i32
        %add3A_910 = vector.broadcast %add3A_909 : i32 to vector<16xi32>
        %add3A_911 = arith.addi %add3A_908, %add3A_910 : vector<16xi32>
        %gather3A_912 = tpu.vector_load_idx %arg11[%add3A_911] : memref<10752xf32, #tpu.memory_space<vmem>>[vector<16xi32>], vector<16xf32>,
        %add3A_913 = vector.broadcast %mul3A_888 : i32 to vector<16xi32>
        %add3A_914 = arith.addi %add3A_913, %mul3A_5 : vector<16xi32>
        %add3A_915 = arith.constant 4 : i32
        %add3A_916 = vector.broadcast %add3A_915 : i32 to vector<16xi32>
        %add3A_917 = arith.addi %add3A_914, %add3A_916 : vector<16xi32>
        %gather3A_918 = tpu.vector_load_idx %arg11[%add3A_917] : memref<10752xf32, #tpu.memory_space<vmem>>[vector<16xi32>], vector<16xf32>,
        %add3A_919 = vector.broadcast %mul3A_888 : i32 to vector<16xi32>
        %add3A_920 = arith.addi %add3A_919, %mul3A_5 : vector<16xi32>
        %add3A_921 = arith.constant 5 : i32
        %add3A_922 = vector.broadcast %add3A_921 : i32 to vector<16xi32>
        %add3A_923 = arith.addi %add3A_920, %add3A_922 : vector<16xi32>
        %gather3A_924 = tpu.vector_load_idx %arg11[%add3A_923] : memref<10752xf32, #tpu.memory_space<vmem>>[vector<16xi32>], vector<16xf32>,
        %add3A_925 = vector.broadcast %mul3A_888 : i32 to vector<16xi32>
        %add3A_926 = arith.addi %add3A_925, %mul3A_5 : vector<16xi32>
        %add3A_927 = arith.constant 6 : i32
        %add3A_928 = vector.broadcast %add3A_927 : i32 to vector<16xi32>
        %add3A_929 = arith.addi %add3A_926, %add3A_928 : vector<16xi32>
        %gather3A_930 = tpu.vector_load_idx %arg11[%add3A_929] : memref<10752xf32, #tpu.memory_space<vmem>>[vector<16xi32>], vector<16xf32>,
        %add3A_931 = vector.broadcast %mul3A_888 : i32 to vector<16xi32>
        %add3A_932 = arith.addi %add3A_931, %mul3A_5 : vector<16xi32>
        %add3A_933 = arith.constant 7 : i32
        %add3A_934 = vector.broadcast %add3A_933 : i32 to vector<16xi32>
        %add3A_935 = arith.addi %add3A_932, %add3A_934 : vector<16xi32>
        %gather3A_936 = tpu.vector_load_idx %arg11[%add3A_935] : memref<10752xf32, #tpu.memory_space<vmem>>[vector<16xi32>], vector<16xf32>,
        %add3A_937 = vector.broadcast %mul3A_888 : i32 to vector<16xi32>
        %add3A_938 = arith.addi %add3A_937, %mul3A_5 : vector<16xi32>
        %add3A_939 = arith.constant 8 : i32
        %add3A_940 = vector.broadcast %add3A_939 : i32 to vector<16xi32>
        %add3A_941 = arith.addi %add3A_938, %add3A_940 : vector<16xi32>
        %gather3A_942 = tpu.vector_load_idx %arg11[%add3A_941] : memref<10752xf32, #tpu.memory_space<vmem>>[vector<16xi32>], vector<16xf32>,
        %add3A_943 = vector.broadcast %mul3A_888 : i32 to vector<16xi32>
        %add3A_944 = arith.addi %add3A_943, %mul3A_5 : vector<16xi32>
        %add3A_945 = arith.constant 9 : i32
        %add3A_946 = vector.broadcast %add3A_945 : i32 to vector<16xi32>
        %add3A_947 = arith.addi %add3A_944, %add3A_946 : vector<16xi32>
        %gather3A_948 = tpu.vector_load_idx %arg11[%add3A_947] : memref<10752xf32, #tpu.memory_space<vmem>>[vector<16xi32>], vector<16xf32>,
        %add3A_949 = vector.broadcast %mul3A_888 : i32 to vector<16xi32>
        %add3A_950 = arith.addi %add3A_949, %mul3A_5 : vector<16xi32>
        %add3A_951 = arith.constant 10 : i32
        %add3A_952 = vector.broadcast %add3A_951 : i32 to vector<16xi32>
        %add3A_953 = arith.addi %add3A_950, %add3A_952 : vector<16xi32>
        %gather3A_954 = tpu.vector_load_idx %arg11[%add3A_953] : memref<10752xf32, #tpu.memory_space<vmem>>[vector<16xi32>], vector<16xf32>,
        %add3A_955 = vector.broadcast %mul3A_888 : i32 to vector<16xi32>
        %add3A_956 = arith.addi %add3A_955, %mul3A_5 : vector<16xi32>
        %add3A_957 = arith.constant 11 : i32
        %add3A_958 = vector.broadcast %add3A_957 : i32 to vector<16xi32>
        %add3A_959 = arith.addi %add3A_956, %add3A_958 : vector<16xi32>
        %gather3A_960 = tpu.vector_load_idx %arg11[%add3A_959] : memref<10752xf32, #tpu.memory_space<vmem>>[vector<16xi32>], vector<16xf32>,
        %add3A_961 = vector.broadcast %mul3A_888 : i32 to vector<16xi32>
        %add3A_962 = arith.addi %add3A_961, %mul3A_5 : vector<16xi32>
        %add3A_963 = arith.constant 12 : i32
        %add3A_964 = vector.broadcast %add3A_963 : i32 to vector<16xi32>
        %add3A_965 = arith.addi %add3A_962, %add3A_964 : vector<16xi32>
        %gather3A_966 = tpu.vector_load_idx %arg11[%add3A_965] : memref<10752xf32, #tpu.memory_space<vmem>>[vector<16xi32>], vector<16xf32>,
        %add3A_967 = vector.broadcast %mul3A_888 : i32 to vector<16xi32>
        %add3A_968 = arith.addi %add3A_967, %mul3A_5 : vector<16xi32>
        %add3A_969 = arith.constant 13 : i32
        %add3A_970 = vector.broadcast %add3A_969 : i32 to vector<16xi32>
        %add3A_971 = arith.addi %add3A_968, %add3A_970 : vector<16xi32>
        %gather3A_972 = tpu.vector_load_idx %arg11[%add3A_971] : memref<10752xf32, #tpu.memory_space<vmem>>[vector<16xi32>], vector<16xf32>,
        %add3A_973 = vector.broadcast %mul3A_888 : i32 to vector<16xi32>
        %add3A_974 = arith.addi %add3A_973, %mul3A_5 : vector<16xi32>
        %add3A_975 = arith.constant 14 : i32
        %add3A_976 = vector.broadcast %add3A_975 : i32 to vector<16xi32>
        %add3A_977 = arith.addi %add3A_974, %add3A_976 : vector<16xi32>
        %gather3A_978 = tpu.vector_load_idx %arg11[%add3A_977] : memref<10752xf32, #tpu.memory_space<vmem>>[vector<16xi32>], vector<16xf32>,
        %add3A_979 = vector.broadcast %mul3A_888 : i32 to vector<16xi32>
        %add3A_980 = arith.addi %add3A_979, %mul3A_5 : vector<16xi32>
        %add3A_981 = arith.constant 15 : i32
        %add3A_982 = vector.broadcast %add3A_981 : i32 to vector<16xi32>
        %add3A_983 = arith.addi %add3A_980, %add3A_982 : vector<16xi32>
        %gather3A_984 = tpu.vector_load_idx %arg11[%add3A_983] : memref<10752xf32, #tpu.memory_space<vmem>>[vector<16xi32>], vector<16xf32>,
        %add3A_985 = arith.addf %gather3A_894, %gather3A_900 : vector<16xf32>
        %add3A_986 = arith.addf %gather3A_906, %gather3A_912 : vector<16xf32>
        %add3A_987 = arith.addf %gather3A_918, %gather3A_924 : vector<16xf32>
        %add3A_988 = arith.addf %gather3A_930, %gather3A_936 : vector<16xf32>
        %add3A_989 = arith.addf %gather3A_942, %gather3A_948 : vector<16xf32>
        %add3A_990 = arith.addf %gather3A_954, %gather3A_960 : vector<16xf32>
        %add3A_991 = arith.addf %gather3A_966, %gather3A_972 : vector<16xf32>
        %add3A_992 = arith.addf %gather3A_978, %gather3A_984 : vector<16xf32>
        %add3A_993 = arith.addf %add3A_985, %add3A_986 : vector<16xf32>
        %add3A_994 = arith.addf %add3A_987, %add3A_988 : vector<16xf32>
        %add3A_995 = arith.addf %add3A_989, %add3A_990 : vector<16xf32>
        %add3A_996 = arith.addf %add3A_991, %add3A_992 : vector<16xf32>
        %add3A_997 = arith.addf %add3A_993, %add3A_994 : vector<16xf32>
        %add3A_998 = arith.addf %add3A_995, %add3A_996 : vector<16xf32>
        %add3A_999 = arith.addf %add3A_997, %add3A_998 : vector<16xf32>
        %mul3A_1000 = arith.constant 16 : i32
        %mul3A_1001 = arith.muli %scan3A_886, %mul3A_1000 : i32
        %add3A_1002 = arith.addi %mul3A_281, %mul3A_1001 : i32
        %swap3A_1003 = arith.index_cast %add3A_1002 : i32 to index
        %swap3A_1004 = tpu.vector_load %arg12[%swap3A_1003] {strides = array<i32>} : memref<10752xf32, #tpu.memory_space<vmem>>, vector<16xf32>,
        tpu.vector_store %arg12[%swap3A_1003], %add3A_999 {strides = array<i32>} : memref<10752xf32, #tpu.memory_space<vmem>>, vector<16xf32>,
      }
      %scan3A_287 = arith.constant 40 : i32
      %scan3A_288 = arith.addi %scan3A_283, %scan3A_287 : i32
      %mul3A_289 = arith.constant 256 : i32
      %mul3A_290 = arith.muli %scan3A_288, %mul3A_289 : i32
      %add3A_291 = vector.broadcast %mul3A_290 : i32 to vector<16xi32>
      %add3A_292 = arith.addi %add3A_291, %mul3A_5 : vector<16xi32>
      %add3A_293 = arith.constant 0 : i32
      %add3A_294 = vector.broadcast %add3A_293 : i32 to vector<16xi32>
      %add3A_295 = arith.addi %add3A_292, %add3A_294 : vector<16xi32>
      %gather3A = tpu.vector_load_idx %arg11[%add3A_295] : memref<10752xf32, #tpu.memory_space<vmem>>[vector<16xi32>], vector<16xf32>,
      %add3A_296 = vector.broadcast %mul3A_290 : i32 to vector<16xi32>
      %add3A_297 = arith.addi %add3A_296, %mul3A_5 : vector<16xi32>
      %add3A_298 = arith.constant 1 : i32
      %add3A_299 = vector.broadcast %add3A_298 : i32 to vector<16xi32>
      %add3A_300 = arith.addi %add3A_297, %add3A_299 : vector<16xi32>
      %gather3A_301 = tpu.vector_load_idx %arg11[%add3A_300] : memref<10752xf32, #tpu.memory_space<vmem>>[vector<16xi32>], vector<16xf32>,
      %add3A_302 = vector.broadcast %mul3A_290 : i32 to vector<16xi32>
      %add3A_303 = arith.addi %add3A_302, %mul3A_5 : vector<16xi32>
      %add3A_304 = arith.constant 2 : i32
      %add3A_305 = vector.broadcast %add3A_304 : i32 to vector<16xi32>
      %add3A_306 = arith.addi %add3A_303, %add3A_305 : vector<16xi32>
      %gather3A_307 = tpu.vector_load_idx %arg11[%add3A_306] : memref<10752xf32, #tpu.memory_space<vmem>>[vector<16xi32>], vector<16xf32>,
      %add3A_308 = vector.broadcast %mul3A_290 : i32 to vector<16xi32>
      %add3A_309 = arith.addi %add3A_308, %mul3A_5 : vector<16xi32>
      %add3A_310 = arith.constant 3 : i32
      %add3A_311 = vector.broadcast %add3A_310 : i32 to vector<16xi32>
      %add3A_312 = arith.addi %add3A_309, %add3A_311 : vector<16xi32>
      %gather3A_313 = tpu.vector_load_idx %arg11[%add3A_312] : memref<10752xf32, #tpu.memory_space<vmem>>[vector<16xi32>], vector<16xf32>,
      %add3A_314 = vector.broadcast %mul3A_290 : i32 to vector<16xi32>
      %add3A_315 = arith.addi %add3A_314, %mul3A_5 : vector<16xi32>
      %add3A_316 = arith.constant 4 : i32
      %add3A_317 = vector.broadcast %add3A_316 : i32 to vector<16xi32>
      %add3A_318 = arith.addi %add3A_315, %add3A_317 : vector<16xi32>
      %gather3A_319 = tpu.vector_load_idx %arg11[%add3A_318] : memref<10752xf32, #tpu.memory_space<vmem>>[vector<16xi32>], vector<16xf32>,
      %add3A_320 = vector.broadcast %mul3A_290 : i32 to vector<16xi32>
      %add3A_321 = arith.addi %add3A_320, %mul3A_5 : vector<16xi32>
      %add3A_322 = arith.constant 5 : i32
      %add3A_323 = vector.broadcast %add3A_322 : i32 to vector<16xi32>
      %add3A_324 = arith.addi %add3A_321, %add3A_323 : vector<16xi32>
      %gather3A_325 = tpu.vector_load_idx %arg11[%add3A_324] : memref<10752xf32, #tpu.memory_space<vmem>>[vector<16xi32>], vector<16xf32>,
      %add3A_326 = vector.broadcast %mul3A_290 : i32 to vector<16xi32>
      %add3A_327 = arith.addi %add3A_326, %mul3A_5 : vector<16xi32>
      %add3A_328 = arith.constant 6 : i32
      %add3A_329 = vector.broadcast %add3A_328 : i32 to vector<16xi32>
      %add3A_330 = arith.addi %add3A_327, %add3A_329 : vector<16xi32>
      %gather3A_331 = tpu.vector_load_idx %arg11[%add3A_330] : memref<10752xf32, #tpu.memory_space<vmem>>[vector<16xi32>], vector<16xf32>,
      %add3A_332 = vector.broadcast %mul3A_290 : i32 to vector<16xi32>
      %add3A_333 = arith.addi %add3A_332, %mul3A_5 : vector<16xi32>
      %add3A_334 = arith.constant 7 : i32
      %add3A_335 = vector.broadcast %add3A_334 : i32 to vector<16xi32>
      %add3A_336 = arith.addi %add3A_333, %add3A_335 : vector<16xi32>
      %gather3A_337 = tpu.vector_load_idx %arg11[%add3A_336] : memref<10752xf32, #tpu.memory_space<vmem>>[vector<16xi32>], vector<16xf32>,
      %add3A_338 = vector.broadcast %mul3A_290 : i32 to vector<16xi32>
      %add3A_339 = arith.addi %add3A_338, %mul3A_5 : vector<16xi32>
      %add3A_340 = arith.constant 8 : i32
      %add3A_341 = vector.broadcast %add3A_340 : i32 to vector<16xi32>
      %add3A_342 = arith.addi %add3A_339, %add3A_341 : vector<16xi32>
      %gather3A_343 = tpu.vector_load_idx %arg11[%add3A_342] : memref<10752xf32, #tpu.memory_space<vmem>>[vector<16xi32>], vector<16xf32>,
      %add3A_344 = vector.broadcast %mul3A_290 : i32 to vector<16xi32>
      %add3A_345 = arith.addi %add3A_344, %mul3A_5 : vector<16xi32>
      %add3A_346 = arith.constant 9 : i32
      %add3A_347 = vector.broadcast %add3A_346 : i32 to vector<16xi32>
      %add3A_348 = arith.addi %add3A_345, %add3A_347 : vector<16xi32>
      %gather3A_349 = tpu.vector_load_idx %arg11[%add3A_348] : memref<10752xf32, #tpu.memory_space<vmem>>[vector<16xi32>], vector<16xf32>,
      %add3A_350 = vector.broadcast %mul3A_290 : i32 to vector<16xi32>
      %add3A_351 = arith.addi %add3A_350, %mul3A_5 : vector<16xi32>
      %add3A_352 = arith.constant 10 : i32
      %add3A_353 = vector.broadcast %add3A_352 : i32 to vector<16xi32>
      %add3A_354 = arith.addi %add3A_351, %add3A_353 : vector<16xi32>
      %gather3A_355 = tpu.vector_load_idx %arg11[%add3A_354] : memref<10752xf32, #tpu.memory_space<vmem>>[vector<16xi32>], vector<16xf32>,
      %add3A_356 = vector.broadcast %mul3A_290 : i32 to vector<16xi32>
      %add3A_357 = arith.addi %add3A_356, %mul3A_5 : vector<16xi32>
      %add3A_358 = arith.constant 11 : i32
      %add3A_359 = vector.broadcast %add3A_358 : i32 to vector<16xi32>
      %add3A_360 = arith.addi %add3A_357, %add3A_359 : vector<16xi32>
      %gather3A_361 = tpu.vector_load_idx %arg11[%add3A_360] : memref<10752xf32, #tpu.memory_space<vmem>>[vector<16xi32>], vector<16xf32>,
      %add3A_362 = vector.broadcast %mul3A_290 : i32 to vector<16xi32>
      %add3A_363 = arith.addi %add3A_362, %mul3A_5 : vector<16xi32>
      %add3A_364 = arith.constant 12 : i32
      %add3A_365 = vector.broadcast %add3A_364 : i32 to vector<16xi32>
      %add3A_366 = arith.addi %add3A_363, %add3A_365 : vector<16xi32>
      %gather3A_367 = tpu.vector_load_idx %arg11[%add3A_366] : memref<10752xf32, #tpu.memory_space<vmem>>[vector<16xi32>], vector<16xf32>,
      %add3A_368 = vector.broadcast %mul3A_290 : i32 to vector<16xi32>
      %add3A_369 = arith.addi %add3A_368, %mul3A_5 : vector<16xi32>
      %add3A_370 = arith.constant 13 : i32
      %add3A_371 = vector.broadcast %add3A_370 : i32 to vector<16xi32>
      %add3A_372 = arith.addi %add3A_369, %add3A_371 : vector<16xi32>
      %gather3A_373 = tpu.vector_load_idx %arg11[%add3A_372] : memref<10752xf32, #tpu.memory_space<vmem>>[vector<16xi32>], vector<16xf32>,
      %add3A_374 = vector.broadcast %mul3A_290 : i32 to vector<16xi32>
      %add3A_375 = arith.addi %add3A_374, %mul3A_5 : vector<16xi32>
      %add3A_376 = arith.constant 14 : i32
      %add3A_377 = vector.broadcast %add3A_376 : i32 to vector<16xi32>
      %add3A_378 = arith.addi %add3A_375, %add3A_377 : vector<16xi32>
      %gather3A_379 = tpu.vector_load_idx %arg11[%add3A_378] : memref<10752xf32, #tpu.memory_space<vmem>>[vector<16xi32>], vector<16xf32>,
      %add3A_380 = vector.broadcast %mul3A_290 : i32 to vector<16xi32>
      %add3A_381 = arith.addi %add3A_380, %mul3A_5 : vector<16xi32>
      %add3A_382 = arith.constant 15 : i32
      %add3A_383 = vector.broadcast %add3A_382 : i32 to vector<16xi32>
      %add3A_384 = arith.addi %add3A_381, %add3A_383 : vector<16xi32>
      %gather3A_385 = tpu.vector_load_idx %arg11[%add3A_384] : memref<10752xf32, #tpu.memory_space<vmem>>[vector<16xi32>], vector<16xf32>,
      %add3A_386 = arith.addf %gather3A, %gather3A_301 : vector<16xf32>
      %add3A_387 = arith.addf %gather3A_307, %gather3A_313 : vector<16xf32>
      %add3A_388 = arith.addf %gather3A_319, %gather3A_325 : vector<16xf32>
      %add3A_389 = arith.addf %gather3A_331, %gather3A_337 : vector<16xf32>
      %add3A_390 = arith.addf %gather3A_343, %gather3A_349 : vector<16xf32>
      %add3A_391 = arith.addf %gather3A_355, %gather3A_361 : vector<16xf32>
      %add3A_392 = arith.addf %gather3A_367, %gather3A_373 : vector<16xf32>
      %add3A_393 = arith.addf %gather3A_379, %gather3A_385 : vector<16xf32>
      %add3A_394 = arith.addf %add3A_386, %add3A_387 : vector<16xf32>
      %add3A_395 = arith.addf %add3A_388, %add3A_389 : vector<16xf32>
      %add3A_396 = arith.addf %add3A_390, %add3A_391 : vector<16xf32>
      %add3A_397 = arith.addf %add3A_392, %add3A_393 : vector<16xf32>
      %add3A_398 = arith.addf %add3A_394, %add3A_395 : vector<16xf32>
      %add3A_399 = arith.addf %add3A_396, %add3A_397 : vector<16xf32>
      %add3A_400 = arith.addf %add3A_398, %add3A_399 : vector<16xf32>
      %mul3A_401 = arith.constant 16 : i32
      %mul3A_402 = arith.muli %scan3A_288, %mul3A_401 : i32
      %add3A_403 = arith.addi %mul3A_281, %mul3A_402 : i32
      %swap3A = arith.index_cast %add3A_403 : i32 to index
      %swap3A_404 = tpu.vector_load %arg12[%swap3A] {strides = array<i32>} : memref<10752xf32, #tpu.memory_space<vmem>>, vector<16xf32>,
      tpu.vector_store %arg12[%swap3A], %add3A_400 {strides = array<i32>} : memref<10752xf32, #tpu.memory_space<vmem>>, vector<16xf32>,
      %scan3A_405 = arith.constant 41 : i32
      %scan3A_406 = arith.addi %scan3A_283, %scan3A_405 : i32
      %mul3A_407 = arith.constant 256 : i32
      %mul3A_408 = arith.muli %scan3A_406, %mul3A_407 : i32
      %add3A_409 = vector.broadcast %mul3A_408 : i32 to vector<16xi32>
      %add3A_410 = arith.addi %add3A_409, %mul3A_5 : vector<16xi32>
      %add3A_411 = arith.constant 0 : i32
      %add3A_412 = vector.broadcast %add3A_411 : i32 to vector<16xi32>
      %add3A_413 = arith.addi %add3A_410, %add3A_412 : vector<16xi32>
      %gather3A_414 = tpu.vector_load_idx %arg11[%add3A_413] : memref<10752xf32, #tpu.memory_space<vmem>>[vector<16xi32>], vector<16xf32>,
      %add3A_415 = vector.broadcast %mul3A_408 : i32 to vector<16xi32>
      %add3A_416 = arith.addi %add3A_415, %mul3A_5 : vector<16xi32>
      %add3A_417 = arith.constant 1 : i32
      %add3A_418 = vector.broadcast %add3A_417 : i32 to vector<16xi32>
      %add3A_419 = arith.addi %add3A_416, %add3A_418 : vector<16xi32>
      %gather3A_420 = tpu.vector_load_idx %arg11[%add3A_419] : memref<10752xf32, #tpu.memory_space<vmem>>[vector<16xi32>], vector<16xf32>,
      %add3A_421 = vector.broadcast %mul3A_408 : i32 to vector<16xi32>
      %add3A_422 = arith.addi %add3A_421, %mul3A_5 : vector<16xi32>
      %add3A_423 = arith.constant 2 : i32
      %add3A_424 = vector.broadcast %add3A_423 : i32 to vector<16xi32>
      %add3A_425 = arith.addi %add3A_422, %add3A_424 : vector<16xi32>
      %gather3A_426 = tpu.vector_load_idx %arg11[%add3A_425] : memref<10752xf32, #tpu.memory_space<vmem>>[vector<16xi32>], vector<16xf32>,
      %add3A_427 = vector.broadcast %mul3A_408 : i32 to vector<16xi32>
      %add3A_428 = arith.addi %add3A_427, %mul3A_5 : vector<16xi32>
      %add3A_429 = arith.constant 3 : i32
      %add3A_430 = vector.broadcast %add3A_429 : i32 to vector<16xi32>
      %add3A_431 = arith.addi %add3A_428, %add3A_430 : vector<16xi32>
      %gather3A_432 = tpu.vector_load_idx %arg11[%add3A_431] : memref<10752xf32, #tpu.memory_space<vmem>>[vector<16xi32>], vector<16xf32>,
      %add3A_433 = vector.broadcast %mul3A_408 : i32 to vector<16xi32>
      %add3A_434 = arith.addi %add3A_433, %mul3A_5 : vector<16xi32>
      %add3A_435 = arith.constant 4 : i32
      %add3A_436 = vector.broadcast %add3A_435 : i32 to vector<16xi32>
      %add3A_437 = arith.addi %add3A_434, %add3A_436 : vector<16xi32>
      %gather3A_438 = tpu.vector_load_idx %arg11[%add3A_437] : memref<10752xf32, #tpu.memory_space<vmem>>[vector<16xi32>], vector<16xf32>,
      %add3A_439 = vector.broadcast %mul3A_408 : i32 to vector<16xi32>
      %add3A_440 = arith.addi %add3A_439, %mul3A_5 : vector<16xi32>
      %add3A_441 = arith.constant 5 : i32
      %add3A_442 = vector.broadcast %add3A_441 : i32 to vector<16xi32>
      %add3A_443 = arith.addi %add3A_440, %add3A_442 : vector<16xi32>
      %gather3A_444 = tpu.vector_load_idx %arg11[%add3A_443] : memref<10752xf32, #tpu.memory_space<vmem>>[vector<16xi32>], vector<16xf32>,
      %add3A_445 = vector.broadcast %mul3A_408 : i32 to vector<16xi32>
      %add3A_446 = arith.addi %add3A_445, %mul3A_5 : vector<16xi32>
      %add3A_447 = arith.constant 6 : i32
      %add3A_448 = vector.broadcast %add3A_447 : i32 to vector<16xi32>
      %add3A_449 = arith.addi %add3A_446, %add3A_448 : vector<16xi32>
      %gather3A_450 = tpu.vector_load_idx %arg11[%add3A_449] : memref<10752xf32, #tpu.memory_space<vmem>>[vector<16xi32>], vector<16xf32>,
      %add3A_451 = vector.broadcast %mul3A_408 : i32 to vector<16xi32>
      %add3A_452 = arith.addi %add3A_451, %mul3A_5 : vector<16xi32>
      %add3A_453 = arith.constant 7 : i32
      %add3A_454 = vector.broadcast %add3A_453 : i32 to vector<16xi32>
      %add3A_455 = arith.addi %add3A_452, %add3A_454 : vector<16xi32>
      %gather3A_456 = tpu.vector_load_idx %arg11[%add3A_455] : memref<10752xf32, #tpu.memory_space<vmem>>[vector<16xi32>], vector<16xf32>,
      %add3A_457 = vector.broadcast %mul3A_408 : i32 to vector<16xi32>
      %add3A_458 = arith.addi %add3A_457, %mul3A_5 : vector<16xi32>
      %add3A_459 = arith.constant 8 : i32
      %add3A_460 = vector.broadcast %add3A_459 : i32 to vector<16xi32>
      %add3A_461 = arith.addi %add3A_458, %add3A_460 : vector<16xi32>
      %gather3A_462 = tpu.vector_load_idx %arg11[%add3A_461] : memref<10752xf32, #tpu.memory_space<vmem>>[vector<16xi32>], vector<16xf32>,
      %add3A_463 = vector.broadcast %mul3A_408 : i32 to vector<16xi32>
      %add3A_464 = arith.addi %add3A_463, %mul3A_5 : vector<16xi32>
      %add3A_465 = arith.constant 9 : i32
      %add3A_466 = vector.broadcast %add3A_465 : i32 to vector<16xi32>
      %add3A_467 = arith.addi %add3A_464, %add3A_466 : vector<16xi32>
      %gather3A_468 = tpu.vector_load_idx %arg11[%add3A_467] : memref<10752xf32, #tpu.memory_space<vmem>>[vector<16xi32>], vector<16xf32>,
      %add3A_469 = vector.broadcast %mul3A_408 : i32 to vector<16xi32>
      %add3A_470 = arith.addi %add3A_469, %mul3A_5 : vector<16xi32>
      %add3A_471 = arith.constant 10 : i32
      %add3A_472 = vector.broadcast %add3A_471 : i32 to vector<16xi32>
      %add3A_473 = arith.addi %add3A_470, %add3A_472 : vector<16xi32>
      %gather3A_474 = tpu.vector_load_idx %arg11[%add3A_473] : memref<10752xf32, #tpu.memory_space<vmem>>[vector<16xi32>], vector<16xf32>,
      %add3A_475 = vector.broadcast %mul3A_408 : i32 to vector<16xi32>
      %add3A_476 = arith.addi %add3A_475, %mul3A_5 : vector<16xi32>
      %add3A_477 = arith.constant 11 : i32
      %add3A_478 = vector.broadcast %add3A_477 : i32 to vector<16xi32>
      %add3A_479 = arith.addi %add3A_476, %add3A_478 : vector<16xi32>
      %gather3A_480 = tpu.vector_load_idx %arg11[%add3A_479] : memref<10752xf32, #tpu.memory_space<vmem>>[vector<16xi32>], vector<16xf32>,
      %add3A_481 = vector.broadcast %mul3A_408 : i32 to vector<16xi32>
      %add3A_482 = arith.addi %add3A_481, %mul3A_5 : vector<16xi32>
      %add3A_483 = arith.constant 12 : i32
      %add3A_484 = vector.broadcast %add3A_483 : i32 to vector<16xi32>
      %add3A_485 = arith.addi %add3A_482, %add3A_484 : vector<16xi32>
      %gather3A_486 = tpu.vector_load_idx %arg11[%add3A_485] : memref<10752xf32, #tpu.memory_space<vmem>>[vector<16xi32>], vector<16xf32>,
      %add3A_487 = vector.broadcast %mul3A_408 : i32 to vector<16xi32>
      %add3A_488 = arith.addi %add3A_487, %mul3A_5 : vector<16xi32>
      %add3A_489 = arith.constant 13 : i32
      %add3A_490 = vector.broadcast %add3A_489 : i32 to vector<16xi32>
      %add3A_491 = arith.addi %add3A_488, %add3A_490 : vector<16xi32>
      %gather3A_492 = tpu.vector_load_idx %arg11[%add3A_491] : memref<10752xf32, #tpu.memory_space<vmem>>[vector<16xi32>], vector<16xf32>,
      %add3A_493 = vector.broadcast %mul3A_408 : i32 to vector<16xi32>
      %add3A_494 = arith.addi %add3A_493, %mul3A_5 : vector<16xi32>
      %add3A_495 = arith.constant 14 : i32
      %add3A_496 = vector.broadcast %add3A_495 : i32 to vector<16xi32>
      %add3A_497 = arith.addi %add3A_494, %add3A_496 : vector<16xi32>
      %gather3A_498 = tpu.vector_load_idx %arg11[%add3A_497] : memref<10752xf32, #tpu.memory_space<vmem>>[vector<16xi32>], vector<16xf32>,
      %add3A_499 = vector.broadcast %mul3A_408 : i32 to vector<16xi32>
      %add3A_500 = arith.addi %add3A_499, %mul3A_5 : vector<16xi32>
      %add3A_501 = arith.constant 15 : i32
      %add3A_502 = vector.broadcast %add3A_501 : i32 to vector<16xi32>
      %add3A_503 = arith.addi %add3A_500, %add3A_502 : vector<16xi32>
      %gather3A_504 = tpu.vector_load_idx %arg11[%add3A_503] : memref<10752xf32, #tpu.memory_space<vmem>>[vector<16xi32>], vector<16xf32>,
      %add3A_505 = arith.addf %gather3A_414, %gather3A_420 : vector<16xf32>
      %add3A_506 = arith.addf %gather3A_426, %gather3A_432 : vector<16xf32>
      %add3A_507 = arith.addf %gather3A_438, %gather3A_444 : vector<16xf32>
      %add3A_508 = arith.addf %gather3A_450, %gather3A_456 : vector<16xf32>
      %add3A_509 = arith.addf %gather3A_462, %gather3A_468 : vector<16xf32>
      %add3A_510 = arith.addf %gather3A_474, %gather3A_480 : vector<16xf32>
      %add3A_511 = arith.addf %gather3A_486, %gather3A_492 : vector<16xf32>
      %add3A_512 = arith.addf %gather3A_498, %gather3A_504 : vector<16xf32>
      %add3A_513 = arith.addf %add3A_505, %add3A_506 : vector<16xf32>
      %add3A_514 = arith.addf %add3A_507, %add3A_508 : vector<16xf32>
      %add3A_515 = arith.addf %add3A_509, %add3A_510 : vector<16xf32>
      %add3A_516 = arith.addf %add3A_511, %add3A_512 : vector<16xf32>
      %add3A_517 = arith.addf %add3A_513, %add3A_514 : vector<16xf32>
      %add3A_518 = arith.addf %add3A_515, %add3A_516 : vector<16xf32>
      %add3A_519 = arith.addf %add3A_517, %add3A_518 : vector<16xf32>
      %mul3A_520 = arith.constant 16 : i32
      %mul3A_521 = arith.muli %scan3A_406, %mul3A_520 : i32
      %add3A_522 = arith.addi %mul3A_281, %mul3A_521 : i32
      %swap3A_523 = arith.index_cast %add3A_522 : i32 to index
      %swap3A_524 = tpu.vector_load %arg12[%swap3A_523] {strides = array<i32>} : memref<10752xf32, #tpu.memory_space<vmem>>, vector<16xf32>,
      tpu.vector_store %arg12[%swap3A_523], %add3A_519 {strides = array<i32>} : memref<10752xf32, #tpu.memory_space<vmem>>, vector<16xf32>,
      %scan3A_525 = arith.constant 42 : i32
    }
    %scan3A_146 = arith.constant 16 : i32
    %mul3A_147 = arith.constant 10752 : i32
    %mul3A_148 = arith.muli %add3A, %mul3A_147 : i32
    "tpu.region"() ({
      %run_scoped3A_149 = tpu.sem_alloc : memref<!tpu.dma_semaphore, #tpu.memory_space<semaphore_mem>>
      %dma_start3A_150 = tpu.memref_slice %arg6[%mul3A_148] : memref<344064xf32, #tpu.memory_space<hbm>> -> memref<10752xf32, #tpu.memory_space<hbm>>
      %dma_start3A_151 = tpu.memref_slice %arg6[%mul3A_148] : memref<344064xf32, #tpu.memory_space<hbm>> -> memref<10752xf32, #tpu.memory_space<hbm>>
      tpu.enqueue_dma source(%arg12 : memref<10752xf32, #tpu.memory_space<vmem>>) target(%dma_start3A_151 : memref<10752xf32, #tpu.memory_space<hbm>>) target_semaphore(%run_scoped3A_149 : memref<!tpu.dma_semaphore, #tpu.memory_space<semaphore_mem>>)
      %dma_wait3A = tpu.memref_slice %arg6[%mul3A_148] : memref<344064xf32, #tpu.memory_space<hbm>> -> memref<10752xf32, #tpu.memory_space<hbm>>
      %dma_wait3A_152 = tpu.memref_slice %arg6[%mul3A_148] : memref<344064xf32, #tpu.memory_space<hbm>> -> memref<10752xf32, #tpu.memory_space<hbm>>
      tpu.wait_dma2 semaphore(%run_scoped3A_149 : memref<!tpu.dma_semaphore, #tpu.memory_space<semaphore_mem>>) src(%arg12 : memref<10752xf32, #tpu.memory_space<vmem>>) dst(%dma_wait3A_152 : memref<10752xf32, #tpu.memory_space<hbm>>)
      tpu.yield
    }) : () -> ()
    return
  }
}

module attributes {stable_mosaic.version = 14 : i64} {
  func.func @_tc_body(%arg0: memref<2688x128xf32, #tpu.memory_space<vmem>>, %arg1: memref<1x128xf32, #tpu.memory_space<vmem>>) attributes {dimension_semantics = [], scalar_prefetch = 0 : i64, scratch_operands = 0 : i64, tpu.core_type = #tpu.core_type<tc>} {
    %get3A = arith.constant 0 : index
    %get3A_0 = arith.constant 0 : index
    %get3A_1 = vector.load %arg0[%get3A, %get3A_0] : memref<2688x128xf32, #tpu.memory_space<vmem>>, vector<2688x128xf32>
    %iota3A = tpu.iota {dimensions = array<i32: 0>} : vector<2688x128xi32>
    %mul3A = arith.constant 128 : i32
    %mul3A_2 = vector.broadcast %mul3A : i32 to vector<2688x128xi32>
    %mul3A_3 = arith.muli %iota3A, %mul3A_2 : vector<2688x128xi32>
    %iota3A_4 = tpu.iota {dimensions = array<i32: 1>} : vector<2688x128xi32>
    %add3A = arith.addi %mul3A_3, %iota3A_4 : vector<2688x128xi32>
    %jit3A = arith.constant 672 : i32
    %eq3A = arith.constant 0 : i32
    %eq3A_5 = arith.cmpi eq, %jit3A, %eq3A : i32
    %jit3A_6 = arith.constant 1 : i32
    %select_n3A = arith.select %eq3A_5, %jit3A_6, %jit3A : i32
    %rem3A = vector.broadcast %select_n3A : i32 to vector<2688x128xi32>
    %rem3A_7 = arith.remsi %add3A, %rem3A : vector<2688x128xi32>
    %ne3A = arith.constant 0 : i32
    %ne3A_8 = vector.broadcast %ne3A : i32 to vector<2688x128xi32>
    %ne3A_9 = arith.cmpi ne, %rem3A_7, %ne3A_8 : vector<2688x128xi32>
    %lt3A = arith.constant 0 : i32
    %lt3A_10 = vector.broadcast %lt3A : i32 to vector<2688x128xi32>
    %lt3A_11 = arith.cmpi slt, %rem3A_7, %lt3A_10 : vector<2688x128xi32>
    %lt3A_12 = arith.constant 0 : i32
    %lt3A_13 = arith.cmpi slt, %select_n3A, %lt3A_12 : i32
    %ne3A_14 = vector.broadcast %lt3A_13 : i1 to vector<2688x128xi1>
    %ne3A_15 = vector.broadcast %ne3A_14 : vector<2688x128xi1> to vector<2688x128xi1>
    %ne3A_16 = arith.xori %lt3A_11, %ne3A_15 : vector<2688x128xi1>
    %and3A = arith.andi %ne3A_16, %ne3A_9 : vector<2688x128xi1>
    %add3A_17 = vector.broadcast %select_n3A : i32 to vector<2688x128xi32>
    %add3A_18 = arith.addi %rem3A_7, %add3A_17 : vector<2688x128xi32>
    %select_n3A_19 = arith.select %and3A, %add3A_18, %rem3A_7 : vector<2688x128xi1>, vector<2688x128xi32>
    %lt3A_20 = arith.constant 32 : i32
    %lt3A_21 = vector.broadcast %lt3A_20 : i32 to vector<2688x128xi32>
    %lt3A_22 = arith.cmpi slt, %select_n3A_19, %lt3A_21 : vector<2688x128xi32>
    %jit3A_23 = arith.constant -1.000000e+01 : f32
    %jit3A_24 = arith.constant 1.000000e+01 : f32
    %max3A = vector.broadcast %jit3A_23 : f32 to vector<2688x128xf32>
    %max3A_25 = arith.maximumf %max3A, %get3A_1 : vector<2688x128xf32>
    %min3A = vector.broadcast %jit3A_24 : f32 to vector<2688x128xf32>
    %min3A_26 = arith.minimumf %min3A, %max3A_25 : vector<2688x128xf32>
    %neg3A = arith.constant 0.000000e+00 : f32
    %neg3A_27 = vector.broadcast %neg3A : f32 to vector<2688x128xf32>
    %neg3A_28 = arith.subf %neg3A_27, %min3A_26 : vector<2688x128xf32>
    %select_n3A_29 = arith.select %lt3A_22, %neg3A_28, %min3A_26 : vector<2688x128xi1>, vector<2688x128xf32>
    %exp3A = math.exp %select_n3A_29 : vector<2688x128xf32>
    %log1p3A = math.log1p %exp3A : vector<2688x128xf32>
    %jit3A_30 = arith.constant 0.000000e+00 : f32
    %broadcast_in_dim3A = vector.broadcast %jit3A_30 : f32 to vector<2688x128xf32>
    %select_n3A_31 = arith.select %lt3A_22, %log1p3A, %broadcast_in_dim3A : vector<2688x128xi1>, vector<2688x128xf32>
    %reduce_sum3A = vector.shape_cast %select_n3A_31 : vector<2688x128xf32> to vector<1x2688x128xf32>
    %reduce_sum3A_32 = arith.constant dense<0.000000e+00> : vector<1xf32>
    %reduce_sum3A_33 = vector.multi_reduction <add>, %reduce_sum3A, %reduce_sum3A_32 [1, 2] : vector<1x2688x128xf32> to vector<1xf32>
    %reduce_sum3A_34 = vector.shape_cast %reduce_sum3A_33 : vector<1xf32> to vector<1x1x1xf32>
    %reduce_sum3A_35 = vector.extract %reduce_sum3A_34[0, 0, 0] : f32 from vector<1x1x1xf32>
    %mul3A_36 = arith.constant 6.10351563E-5 : f32
    %mul3A_37 = arith.mulf %reduce_sum3A_35, %mul3A_36 : f32
    %jit3A_38 = arith.constant 0.000000e+00 : f32
    %broadcast_in_dim3A_39 = vector.broadcast %jit3A_38 : f32 to vector<2688x128xf32>
    %select_n3A_40 = arith.select %lt3A_22, %broadcast_in_dim3A_39, %log1p3A : vector<2688x128xi1>, vector<2688x128xf32>
    %reduce_sum3A_41 = vector.shape_cast %select_n3A_40 : vector<2688x128xf32> to vector<1x2688x128xf32>
    %reduce_sum3A_42 = arith.constant dense<0.000000e+00> : vector<1xf32>
    %reduce_sum3A_43 = vector.multi_reduction <add>, %reduce_sum3A_41, %reduce_sum3A_42 [1, 2] : vector<1x2688x128xf32> to vector<1xf32>
    %reduce_sum3A_44 = vector.shape_cast %reduce_sum3A_43 : vector<1xf32> to vector<1x1x1xf32>
    %reduce_sum3A_45 = vector.extract %reduce_sum3A_44[0, 0, 0] : f32 from vector<1x1x1xf32>
    %mul3A_46 = arith.constant 3.05175786E-6 : f32
    %mul3A_47 = arith.mulf %reduce_sum3A_45, %mul3A_46 : f32
    %iota3A_48 = tpu.iota {dimensions = array<i32: 1>} : vector<1x128xi32>
    %eq3A_49 = arith.constant 0 : i32
    %eq3A_50 = vector.broadcast %eq3A_49 : i32 to vector<1x128xi32>
    %eq3A_51 = arith.cmpi eq, %iota3A_48, %eq3A_50 : vector<1x128xi32>
    %eq3A_52 = arith.constant 1 : i32
    %eq3A_53 = vector.broadcast %eq3A_52 : i32 to vector<1x128xi32>
    %eq3A_54 = arith.cmpi eq, %iota3A_48, %eq3A_53 : vector<1x128xi32>
    %jit3A_55 = arith.constant 0.000000e+00 : f32
    %broadcast_in_dim3A_56 = vector.broadcast %mul3A_47 : f32 to vector<1x128xf32>
    %broadcast_in_dim3A_57 = vector.broadcast %jit3A_55 : f32 to vector<1x128xf32>
    %select_n3A_58 = arith.select %eq3A_54, %broadcast_in_dim3A_56, %broadcast_in_dim3A_57 : vector<1x128xi1>, vector<1x128xf32>
    %broadcast_in_dim3A_59 = vector.broadcast %mul3A_37 : f32 to vector<1x128xf32>
    %select_n3A_60 = arith.select %eq3A_51, %broadcast_in_dim3A_59, %select_n3A_58 : vector<1x128xi1>, vector<1x128xf32>
    %swap3A = arith.constant 0 : index
    %swap3A_61 = arith.constant 0 : index
    %swap3A_62 = vector.load %arg1[%swap3A, %swap3A_61] : memref<1x128xf32, #tpu.memory_space<vmem>>, vector<1x128xf32>
    tpu.vector_store %arg1[%swap3A, %swap3A_61], %select_n3A_60 {strides = array<i32>} : memref<1x128xf32, #tpu.memory_space<vmem>>, vector<1x128xf32>,
    return
  }
}

</mosaic_0001>

<sc_bundles>
// kernel: kernel.4.cloned.1.call-start
scs
__scs_entry_jumppad:
0x0: {  	(pc) =	sbr.rel $0x88, $3  }
0x1: {  	(tag) =	ssettag $0x0;
	lr =	simm.s32 $0x1  }
0x2: {  	[smem:$0x3F9C] =	sst lr;
	_ =	strace $0xD0000000  }
0x3: {  	_ = 	snop  }
0x4: {  	_ = 	snop  }
0x5: {  	_ = 	snop  }
0x6: {  	_ = 	snop  }
0x7: {  	_ = 	snop  }
__scs_overlays_trampoline_lowered:
0x8: {  	[smem:$0x3FAB] =	sst s0  }
0x9: {  	[smem:$0x3FAC] =	sst s1  }
0xa: {  	[smem:$0x3FAD] =	sst s2  }
0xb: {  	[smem:$0x3FAE] =	sst s3  }
0xc: {  	[smem:$0x3FAF] =	sst s4  }
0xd: {  	[smem:$0x3FB0] =	sst s5  }
0xe: {  	[smem:$0x3FB1] =	sst s6  }
0xf: {  	[smem:$0x3FB2] =	sst s7  }
0x10: {  	[smem:$0x3FB3] =	sst s8  }
0x11: {  	[smem:$0x3FB4] =	sst s9;
	s0 =	simm.s32 @!p0 $0x0  }
0x12: {  	s1 =	sld [smem:$0x3F9A];
	s0 =	simm.s32 @p0 $0x1  }
0x13: {  	[smem:$0x3FB5] =	sst s0;
	s0 =	simm.s32 @!p1 $0x0  }
0x14: {  	s2 =	sld [smem:$0x3F99];
	s0 =	simm.s32 @p1 $0x1  }
0x15: {  	[smem:$0x3FB6] =	sst s0;
	s0 =	simm.s32 @!p2 $0x0  }
0x16: {  	s3 =	sld [smem:$0x3FDB];
	s0 =	simm.s32 @p2 $0x1  }
0x17: {  	s4 =	simm.s32 $0x1BF5;
	[smem:$0x3FB8] =	sst s0  }
0x18: {  	s0 =	sld [smem:$0x3F9B];
	_ =	swait.ge [sflag:s4], $0x0  }
0x19: {  	s7 =	sld [smem:$0x3F9C]  }
0x1a: {  	s8 =	sadd.s32 $0xFFFFE003, lr  }
0x1b: {  	s9 =	sadd.s32 $0xFFFFFEF7, lr;
	s5 =	simm.s32 $0xFFFFFFFF;
	p2 =	slt.u32 s8, $0xFFFFF086  }
0x1c: {  	p1 =	slt.u32 s9, $0xF7A;
	s5 =	simm.s32 @!p2 $0x0  }
0x1d: {  	s5 =	simm.s32 @p1 $0x1;
	p0 =	seq.s32 s7, s2  }
0x1e: {  	s7 =	smul.u32 @!p0 $0xF7A, s2;
	p2 =	seq.s32 @!p0 s5, $0x0  }
0x1f: {  	s9 =	smul.u32 $0xF7A, s1;
	s8 =	simm.s32 @!p0 $0x1BF5;
	p2 =	por !p2, p0  }
0x20: {  	[sflag:s8] =	ssyncset.s32 @!p0 $0xFFFFF086;
	s6 =	sadd.s32 @!p0 s3, s7;
	s7 =	simm.s32 @!p0 $0x108  }
0x21: {  	s3 =	sadd.s32 s3, s9;
	s6 =	sadd.s32 @!p0 $0x88, s6;
	s7 =	simm.s32 @p2 $0x1082  }
0x22: {  	[simem:s7], [sflag:s8] =	dma.local @!p0 [hbm:s6], $0xF7A  }
0x23: {  	s9 =	sor.u32 $0xD0000000, s2;
	s6 =	simm.s32 $0x108;
	_ =	swait.ge @!p0 [sflag:s8], $0x0  }
0x24: {  	s3 =	sadd.s32 $0x88, s3;
	s6 =	simm.s32 @!p1 $0x1082;
	[sflag:s4] =	ssyncset.s32 $0xFFFFF086  }
0x25: {  	[simem:s6], [sflag:s4] =	dma.local [hbm:s3], $0xF7A  }
0x26: {  	[smem:$0x3F9C] =	sst s1;
	(tag) =	ssettag s2;
	_ =	strace s9  }
0x27: {  	s1 =	sld [smem:$0x3FAC]  }
0x28: {  	s2 =	sld [smem:$0x3FAD]  }
0x29: {  	s4 =	sld [smem:$0x3FAF]  }
0x2a: {  	p0 =	seq.s32 s5, $0x0;
	s5 =	sld [smem:$0x3FB0]  }
0x2b: {  	s6 =	sld [smem:$0x3FB1]  }
0x2c: {  	s7 =	sld [smem:$0x3FB2]  }
0x2d: {  	s3 =	simm.s32 $0x108;
	s8 =	sld [smem:$0x3FB3]  }
0x2e: {  	s3 =	simm.s32 @!p0 $0x1082;
	s9 =	sld [smem:$0x3FB4]  }
0x2f: {  	lr =	sadd.s32 s0, s3;
	s0 =	sld [smem:$0x3FAB]  }
0x30: {  	s3 =	sld [smem:$0x3FAE]  }
0x31: {  	[smem:$0x3FB7] =	sst s10  }
0x32: {  	s10 =	sld [smem:$0x3FB5];
	_ =	sdelay $0x3  }
0x33: {  	p0 =	seq.s32 s10, $0x1;
	s10 =	sld [smem:$0x3FB7];
	_ =	sdelay $0x3  }
0x34: {  	[smem:$0x3FB7] =	sst s10  }
0x35: {  	s10 =	sld [smem:$0x3FB6];
	_ =	sdelay $0x3  }
0x36: {  	p1 =	seq.s32 s10, $0x1;
	s10 =	sld [smem:$0x3FB7];
	_ =	sdelay $0x3  }
0x37: {  	[smem:$0x3FB7] =	sst s10  }
0x38: {  	s10 =	sld [smem:$0x3FB8]  }
0x39: {  	_ = 	snop;
	(pc) =	sbr.ind lr, $3  }
0x3a: {  	_ = 	snop  }
0x3b: {  	_ = 	snop  }
0x3c: {  	p2 =	seq.s32 s10, $0x1;
	s10 =	sld [smem:$0x3FB7]  }
0x3d: {  	_ =	shalt  }
0x3e: {  	_ =	shalt  }
0x3f: {  	_ =	shalt  }
0x40: {  	_ =	shalt  }
0x41: {  	_ =	shalt  }
0x42: {  	_ =	shalt  }
0x43: {  	_ =	shalt  }
0x44: {  	_ =	shalt  }
0x45: {  	_ =	shalt  }
0x46: {  	_ =	shalt  }
0x47: {  	_ =	shalt  }
0x48: {  	_ =	shalt  }
0x49: {  	_ =	shalt  }
0x4a: {  	_ =	shalt  }
0x4b: {  	_ =	shalt  }
0x4c: {  	_ =	shalt  }
0x4d: {  	_ =	shalt  }
0x4e: {  	_ =	shalt  }
0x4f: {  	_ =	shalt  }
0x50: {  	_ =	shalt  }
0x51: {  	_ =	shalt  }
0x52: {  	_ =	shalt  }
0x53: {  	_ =	shalt  }
0x54: {  	_ =	shalt  }
0x55: {  	_ =	shalt  }
0x56: {  	_ =	shalt  }
0x57: {  	_ =	shalt  }
0x58: {  	_ =	shalt  }
0x59: {  	_ =	shalt  }
0x5a: {  	_ =	shalt  }
0x5b: {  	_ =	shalt  }
0x5c: {  	_ =	shalt  }
0x5d: {  	_ =	shalt  }
0x5e: {  	_ =	shalt  }
0x5f: {  	_ =	shalt  }
0x60: {  	_ =	shalt  }
0x61: {  	_ =	shalt  }
0x62: {  	_ =	shalt  }
0x63: {  	_ =	shalt  }
0x64: {  	_ =	shalt  }
0x65: {  	_ =	shalt  }
0x66: {  	_ =	shalt  }
0x67: {  	_ =	shalt  }
0x68: {  	_ =	shalt  }
0x69: {  	_ =	shalt  }
0x6a: {  	_ =	shalt  }
0x6b: {  	_ =	shalt  }
0x6c: {  	_ =	shalt  }
0x6d: {  	_ =	shalt  }
0x6e: {  	_ =	shalt  }
0x6f: {  	_ =	shalt  }
0x70: {  	_ =	shalt  }
0x71: {  	_ =	shalt  }
0x72: {  	_ =	shalt  }
0x73: {  	_ =	shalt  }
0x74: {  	_ =	shalt  }
0x75: {  	_ =	shalt  }
0x76: {  	_ =	shalt  }
0x77: {  	_ =	shalt  }
0x78: {  	_ =	shalt  }
0x79: {  	_ =	shalt  }
0x7a: {  	_ =	shalt  }
0x7b: {  	_ =	shalt  }
0x7c: {  	_ =	shalt  }
0x7d: {  	_ =	shalt  }
0x7e: {  	_ =	shalt  }
0x7f: {  	_ =	shalt  }
0x80: {  	_ =	shalt  }
0x81: {  	_ =	shalt  }
0x82: {  	_ =	shalt  }
0x83: {  	_ =	shalt  }
0x84: {  	_ =	shalt  }
0x85: {  	_ =	shalt  }
0x86: {  	_ =	shalt  }
0x87: {  	_ =	shalt  }
.Lfunc_end0:
.L_simem_size_0:
called_computation_lowered:
.L_overlay_start_0:
0x88: {  	s2 =	sld [smem:$0x3FD9]  }
0x89: {  	s3 =	sld [smem:$0x3FFE];
	_ =	sdelay $0x1  }
0x8a: {  	s1 =	srdreg.scid  }
0x8b: {  	s0 =	sand.u32 $0x1, s1  }
0x8c: {  	s17 =	sshll.u32 s0, $0xA;
	s2 =	sadd.s32 s3, s2  }
0x8d: {  	s2 =	sadd.s32 s2, s17  }
0x8e: {  	[smem:$0x3FC3] =	sst s2  }
0x8f: {  	_ = 	snop  }
0x90: {  	s2 =	sld [smem:$0x3FC9];
	(tm) =	ssettm $0x1  }
0x91: {  	s18 =	sld [smem:$0x3FFB];
	_ =	sdelay $0x3  }
0x92: {  	_ =	strace s18  }
0x93: {  	s3 =	sld [smem:$0x3FFC];
	_ =	sdelay $0x3  }
0x94: {  	_ =	strace s3  }
0x95: {  	s3 =	sld [smem:$0x3FFD];
	_ =	sdelay $0x3  }
0x96: {  	_ =	strace s3  }
0x97: {  	_ =	strace $0x8FFFFFFF  }
0x98: {  	s19 =	sld [smem:$0x3FDB];
	_ =	sdelay $0x1  }
0x99: {  	s4 =	simm.s32 $_scs_section_size  }
0x9a: {  	s5 =	simm.s32 $_size__tile_overlayer_lowered;
	s6 =	simm.s32 $_tile_overlayer_lowered  }
0x9b: {  	s22 =	simm.s32 $0x1BFF;
	s21 =	sshll.u32 s6, $0x1;
	s3 =	sadd.s32 s4, s19  }
0x9c: {  	s7 =	simm.s32 $0x0;
	s20 =	sshll.u32 s5, $0x1;
	s5 =	sadd.s32 s21, s3  }
0x9d: {  	[timem:s7], [sflag:s22] =	dma.local [hbm:s5], s20  }
0x9e: {  	_ =	swait.ge [sflag:s22], s20  }
0x9f: {  	s4 =	ssub.s32 $0x0, s20;
	[sflag:s22] =	ssyncset.done $0x0  }
0xa0: {  	[sflag:s22] =	ssyncadd.s32 s4;
	_ =	sdelay $0x1  }
0xa1: {  	s23 =	simm.s32 $0x1B8B  }
0xa2: {  	_ =	swait.ge [sflag:s23], $0x1  }
0xa3: {  	[sflag:s23] =	ssyncset.done $0x0  }
0xa4: {  	s25 =	simm.s32 $0x1B8E;
	s24 =	sld [smem:$0x3FFE];
	[sflag:s23] =	ssyncadd.s32 $0xFFFFFFFF  }
0xa5: {  	s26 =	simm.s32 $execute0_lowered;
	[smem:$0x3FD2] =	sst s25  }
0xa6: {  	s5 =	sshll.u32 s26, $0x1;
	_ =	strace $0x80000046;
	[dreg:$0x1] =	wrdreg $0xFFFFFFFF  }
0xa7: {  	s28 =	simm.s32 $_size_execute0_lowered;
	s3 =	sadd.s32 s3, s5;
	[dreg:$0x0] =	wrdreg $0x0  }
0xa8: {  	s5 =	sshll.u32 s28, $0x1;
	[dreg:$0x2] =	wrdreg s3  }
0xa9: {  	[dreg:$0x3] =	wrdreg s5  }
0xaa: {  	[dreg:$0x4] =	wrdreg $0xC0  }
0xab: {  	_ =	task [dreg:s7], $0x5FFFF  }
0xac: {  	[dreg:$0x1] =	wrdreg $0xFFFFFFFF  }
0xad: {  	[dreg:$0x0] =	wrdreg $0x60  }
0xae: {  	[dreg:$0x2] =	wrdreg s2  }
0xaf: {  	[dreg:$0x3] =	wrdreg s24  }
0xb0: {  	[dreg:$0x4] =	wrdreg $0x9  }
0xb1: {  	_ =	task.clear_ibuf [dreg:s7], $0x5FFFF;
	_ =	strace $0x90000046  }
0xb2: {  	s29 =	simm.s32 $0x9;
	_ =	strace $0x80000048  }
0xb3: {  	_ =	swait.ge [sflag:s29], $0x1  }
0xb4: {  	[sflag:s29] =	ssyncadd.s32 $0xFFFFFFFF  }
0xb5: {  	_ =	strace $0x90000048  }
0xb6: {  	_ =	sfence  }
0xb7: {  	s30 =	sld [smem:$0x0];
	_ =	sdelay $0x2  }
0xb8: {  	s31 =	sshll.u32 s1, $0xD;
	s1 =	sshrl.u32 s1, $0x2  }
0xb9: {  	s3 =	sand.u32 $0x4000, s31;
	s1 =	sadd.s32 s1, s30  }
0xba: {  	s0 =	sor.u32 s3, s0;
	s1 =	sshll.u32 s1, $0x11  }
0xbb: {  	s0 =	sor.u32 s1, s0  }
0xbc: {  	s0 =	sadd.s32 $0x8F2B, s0  }
0xbd: {  	[sflag:s0] =	ssyncadd.remote.s32 $0x1  }
0xbe: {  	_ =	sfence.sel $0xFFFF  }
0xbf: {  	[dreg:$0x0] =	wrdreg $0xFFFFFFFF;
	(pc) =	sbr.abs _section_cstart, $3  }
0xc0: {  	[dreg:$0x1] =	wrdreg $0xFFFFFFFF  }
0xc1: {  	_ =	task.clear_ibuf [dreg:s7], $0x2FFFF;
	_ =	strace $0x9FFFFFFF  }
0xc2: {  	(tm) =	ssettm $0x7FFFFFFF  }
0xc3: {  	_ =	shalt  }
tec
execute0_lowered:
.L_overlay_start_1:
0x0: {  	(tag) =	ssettag $0x1  }
0x1: {  	v0 =	vlaneseq.u32  }
0x2: {  	v0 =	vmul.u32 $0x10, v0;
	_ =	sdelay $0x1  }
0x3: {  	v1 =	vor.u32 $0x1, v0;
	v2 =	vor.u32 $0x2, v0  }
0x4: {  	v3 =	vor.u32 $0x3, v0;
	v4 =	vor.u32 $0x4, v0;
	v5 =	vor.u32 $0x5, v0  }
0x5: {  	v6 =	vor.u32 $0x6, v0;
	v7 =	vor.u32 $0x7, v0;
	v8 =	vor.u32 $0x8, v0  }
0x6: {  	v9 =	vor.u32 $0x9, v0;
	v10 =	vor.u32 $0xA, v0;
	v11 =	vor.u32 $0xB, v0  }
0x7: {  	s0 =	rddreg [dreg:$0x0];
	v12 =	vor.u32 $0xC, v0;
	v13 =	vor.u32 $0xD, v0;
	v14 =	vor.u32 $0xE, v0  }
0x8: {  	s1 =	rddreg [dreg:$0x1];
	s2 =	simm.s32 $0x0;
	v15 =	vor.u32 $0xF, v0;
	v16 =	vor.u32 $0x2800, v0;
	v17 =	vor.u32 $0x2801, v0  }
0x9: {  	s3 =	srdreg.scid;
	s5 =	stileid.u32;
	s11 =	simm.s32 $0x3;
	v18 =	vor.u32 $0x2802, v0;
	v19 =	vor.u32 $0x2803, v0;
	v20 =	vor.u32 $0x2804, v0  }
0xa: {  	s12 =	simm.s32 $0x200;
	s15 =	simm.s32 $0x70;
	s24 =	simm.s32 $0x8740;
	v21 =	vor.u32 $0x2805, v0;
	v22 =	vor.u32 $0x2806, v0;
	v23 =	vor.u32 $0x2807, v0  }
0xb: {  	s25 =	simm.s32 $0x430;
	s28 =	simm.s32 $0x16740;
	s29 =	simm.s32 $0x19140;
	v24 =	vor.u32 $0x2808, v0;
	v25 =	vor.u32 $0x2809, v0;
	v26 =	vor.u32 $0x280A, v0  }
0xc: {  	s30 =	simm.s32 $0x0;
	[smem:$0x7FF] =	sst s2;
	s4 =	sand.u32 $0x1, s3;
	v27 =	vor.u32 $0x280B, v0;
	v28 =	vor.u32 $0x280C, v0;
	v29 =	vor.u32 $0x280D, v0  }
0xd: {  	s26 =	sshll.u32 s5, $0x1;
	s3 =	sadd.s32 $0xC00, s1;
	_ =	strace $0x80000047;
	v30 =	vor.u32 $0x280E, v0;
	v31 =	vor.u32 $0x280F, v0;
	v32 =	vor.u32 $0x2900, v0  }
0xe: {  	s7 =	sor.u32 s4, s26;
	s6 =	ssub.s32 $0x2, s4;
	s4 =	sadd.s32 $0x16E4200, s1;
	v33 =	vor.u32 $0x2901, v0;
	v34 =	vor.u32 $0x2902, v0;
	v35 =	vor.u32 $0x2903, v0  }
0xf: {  	s5 =	sadd.s32 $0xF43000, s1;
	s26 =	simm.s32 $0xA340;
	s8 =	smul.u32 $0x540, s7;
	v36 =	vor.u32 $0x2904, v0;
	v37 =	vor.u32 $0x2905, v0;
	v38 =	vor.u32 $0x2906, v0  }
0x10: {  	s9 =	sshrl.u32 s6, $0x1;
	s31 =	sshll.u32 s7, $0x6;
	s7 =	sshll.u32 s7, $0x4;
	v39 =	vor.u32 $0x2907, v0;
	v40 =	vor.u32 $0x2908, v0;
	v41 =	vor.u32 $0x2909, v0  }
0x11: {  	v42 =	vor.u32 $0x290A, v0;
	v43 =	vor.u32 $0x290B, v0;
	v44 =	vor.u32 $0x290C, v0;
	s10 =	ssub.s32 s6, s9;
	s6 =	sadd.s32 s0, s31;
	s1 =	sadd.s32 s8, s1  }
0x12: {  	v45 =	vor.u32 $0x290D, v0;
	v46 =	vor.u32 $0x290E, v0;
	v47 =	vor.u32 $0x290F, v0;
	s8 =	sadd.s32 s3, s8;
	s10 =	smax.u32 s10, $0x1;
	s9 =	sadd.s32 $0xB400, s1  }
.LBB2_1:
0x13: {  	[tilespmem:s2], [sflag:$0x3] =	stream.linear.gather [hbm4b:s6+s2], $0x200, $0x38;
	[tilespmem:$0x1BB40] =	vst v63  }
0x14: {  	_ =	swait.ge [sflag:s11], $0x200  }
0x15: {  	[sflag:s11] =	ssyncset.done $0x0  }
0x16: {  	[sflag:s11] =	ssyncadd.s32 $0xFFFFFE00  }
0x17: {  	[tilespmem:s12], [sflag:$0x3] =	stream.linear.gather [hbm4b:s8+s2], $0x2A0, $0x38;
	[tilespmem:$0x1BB40] =	vst v63  }
0x18: {  	_ =	swait.ge [sflag:s11], $0x2A0  }
0x19: {  	[sflag:s11] =	ssyncset.done $0x0  }
0x1a: {  	s0 =	simm.s32 $0x20;
	s1 =	simm.s32 $0x740;
	[sflag:s11] =	ssyncadd.s32 $0xFFFFFD60  }
0x1b: {  	[tilespmem:s1], [sflag:$0x1] =	stream.indirect.gather [hbm4b:s4+s0], $0x40, s2, s0, $0xb8;
	[tilespmem:$0x1BB40] =	vst v63  }
0x1c: {  	s16 =	simm.s32 $0x1740  }
0x1d: {  	[tilespmem:s16], [sflag:$0x1] =	stream.indirect.gather [hbm4b:s5+s15], $0x40, s12, s15, $0xb8;
	[tilespmem:$0x1BB40] =	vst v63  }
0x1e: {  	s17 =	simm.s32 $0x270;
	s18 =	simm.s32 $0x3340  }
0x1f: {  	[tilespmem:s18], [sflag:$0x1] =	stream.indirect.gather [hbm4b:s5+s15], $0x40, s17, s15, $0xb8;
	[tilespmem:$0x1BB40] =	vst v63  }
0x20: {  	s19 =	simm.s32 $0x2E0;
	s20 =	simm.s32 $0x4F40  }
0x21: {  	[tilespmem:s20], [sflag:$0x1] =	stream.indirect.gather [hbm4b:s5+s15], $0x40, s19, s15, $0xb8;
	[tilespmem:$0x1BB40] =	vst v63  }
0x22: {  	s21 =	simm.s32 $0x350;
	s22 =	simm.s32 $0x6B40  }
0x23: {  	[tilespmem:s22], [sflag:$0x1] =	stream.indirect.gather [hbm4b:s5+s15], $0x40, s21, s15, $0xb8;
	[tilespmem:$0x1BB40] =	vst v63  }
0x24: {  	s23 =	simm.s32 $0x3C0  }
0x25: {  	[tilespmem:s24], [sflag:$0x1] =	stream.indirect.gather [hbm4b:s5+s15], $0x40, s23, s15, $0xb8;
	[tilespmem:$0x1BB40] =	vst v63  }
0x26: {  	p0 =	por $0x0, $0x0;
	s31 =	simm.s32 $0x19160;
	s0 =	simm.s32 $0x0  }
0x27: {  	[tilespmem:s26], [sflag:$0x1] =	stream.indirect.gather [hbm4b:s5+s15], $0x40, s25, s15, $0xb8;
	[tilespmem:$0x1BB40] =	vst v63  }
.LBB2_2:
0x28: {  	s13 =	sand.u32 $0x1, s0;
	p1 =	seq.s32 s0, $0xF  }
0x29: {  	s1 =	sadd.s32 $0x1, s0;
	s14 =	sxor.u32 @!p1 $0x1, s13  }
0x2a: {  	s16 =	sadd.s32 @!p1 s7, s1;
	s17 =	smul.u32 @!p1 $0xA80, s14  }
0x2b: {  	s16 =	smul.u32 @!p1 $0x54, s16  }
0x2c: {  	s17 =	sshrl.u32 @!p1 s17, $0x2  }
0x2d: {  	s19 =	simm.s32 @!p1 $0x0;
	s16 =	sadd.s32 @!p1 s3, s16;
	s18 =	sadd.s32 @!p1 $0x200, s17  }
0x2e: {  	[tilespmem:s18], [sflag:$0x3] =	stream.linear.gather @!p1 [hbm4b:s16+s19], $0x2A0, $0x38;
	[tilespmem:$0x1BB40] =	vst v63  }
0x2f: {  	s16 =	simm.s32 @!p1 $0x3  }
0x30: {  	_ =	swait.ge @!p1 [sflag:s16], $0x2A0  }
0x31: {  	s20 =	sshll.u32 @!p1 s1, $0x5;
	s19 =	sshll.u32 @!p1 s14, $0xB;
	[sflag:s16] =	ssyncset.done @!p1 $0x0  }
0x32: {  	s21 =	simm.s32 @!p1 $0x20;
	[sflag:s16] =	ssyncadd.s32 @!p1 $0xFFFFFD60;
	s16 =	sor.u32 @!p1 $0x740, s19  }
0x33: {  	s19 =	sand.u32 @!p1 $0x3FFFFFE0, s20;
	s20 =	sadd.s32 @!p1 $0x1, s14;
	s14 =	smul.u32 @!p1 $0x2A000, s14  }
0x34: {  	[tilespmem:s16], [sflag:s20] =	stream.indirect.gather @!p1 [hbm4b:s4+s21], $0x40, s19, s21, $0xb8;
	[tilespmem:$0x1BB40] =	vst v63  }
0x35: {  	s14 =	sshrl.u32 @!p1 s14, $0x2  }
0x36: {  	s19 =	simm.s32 @!p1 $0x70;
	s16 =	sadd.s32 @!p1 $0x1740, s14  }
0x37: {  	[tilespmem:s16], [sflag:s20] =	stream.indirect.gather @!p1 [hbm4b:s5+s19], $0x40, s18, s19, $0xb8;
	[tilespmem:$0x1BB40] =	vst v63  }
0x38: {  	s16 =	sadd.s32 @!p1 $0x3340, s14;
	s18 =	sadd.s32 @!p1 $0x270, s17  }
0x39: {  	[tilespmem:s16], [sflag:s20] =	stream.indirect.gather @!p1 [hbm4b:s5+s19], $0x40, s18, s19, $0xb8;
	[tilespmem:$0x1BB40] =	vst v63  }
0x3a: {  	s16 =	sadd.s32 @!p1 $0x4F40, s14;
	s18 =	sadd.s32 @!p1 $0x2E0, s17  }
0x3b: {  	[tilespmem:s16], [sflag:s20] =	stream.indirect.gather @!p1 [hbm4b:s5+s19], $0x40, s18, s19, $0xb8;
	[tilespmem:$0x1BB40] =	vst v63  }
0x3c: {  	s16 =	sadd.s32 @!p1 $0x6B40, s14;
	s18 =	sadd.s32 @!p1 $0x350, s17  }
0x3d: {  	[tilespmem:s16], [sflag:s20] =	stream.indirect.gather @!p1 [hbm4b:s5+s19], $0x40, s18, s19, $0xb8;
	[tilespmem:$0x1BB40] =	vst v63  }
0x3e: {  	s16 =	sadd.s32 @!p1 $0x8740, s14;
	s18 =	sadd.s32 @!p1 $0x3C0, s17  }
0x3f: {  	[tilespmem:s16], [sflag:s20] =	stream.indirect.gather @!p1 [hbm4b:s5+s19], $0x40, s18, s19, $0xb8;
	[tilespmem:$0x1BB40] =	vst v63  }
0x40: {  	s14 =	sadd.s32 @!p1 $0xA340, s14;
	s16 =	sadd.s32 @!p1 $0x430, s17  }
0x41: {  	[tilespmem:s14], [sflag:s20] =	stream.indirect.gather @!p1 [hbm4b:s5+s19], $0x40, s16, s19, $0xb8;
	[tilespmem:$0x1BB40] =	vst v63  }
0x42: {  	s19 =	sadd.s32 $0x1, s13  }
0x43: {  	_ =	swait.ge [sflag:s19], $0x800  }
0x44: {  	[sflag:s19] =	ssyncset.done $0x0  }
0x45: {  	[sflag:s19] =	ssyncadd.s32 $0xFFFFF800  }
0x46: {  	_ =	swait.ge [sflag:s19], $0x1C00  }
0x47: {  	[sflag:s19] =	ssyncset.done $0x0  }
0x48: {  	[sflag:s19] =	ssyncadd.s32 $0xFFFFE400  }
0x49: {  	_ =	swait.ge [sflag:s19], $0x1C00  }
0x4a: {  	[sflag:s19] =	ssyncset.done $0x0  }
0x4b: {  	[sflag:s19] =	ssyncadd.s32 $0xFFFFE400  }
0x4c: {  	_ =	swait.ge [sflag:s19], $0x1C00  }
0x4d: {  	[sflag:s19] =	ssyncset.done $0x0  }
0x4e: {  	[sflag:s19] =	ssyncadd.s32 $0xFFFFE400  }
0x4f: {  	_ =	swait.ge [sflag:s19], $0x1C00  }
0x50: {  	[sflag:s19] =	ssyncset.done $0x0  }
0x51: {  	[sflag:s19] =	ssyncadd.s32 $0xFFFFE400  }
0x52: {  	_ =	swait.ge [sflag:s19], $0x1C00  }
0x53: {  	[sflag:s19] =	ssyncset.done $0x0  }
0x54: {  	s16 =	simm.s32 $0x1;
	[sflag:s19] =	ssyncadd.s32 $0xFFFFE400  }
0x55: {  	s16 =	simm.s32 @!p0 $0x0;
	_ =	swait.ge [sflag:s19], $0x1C00  }
0x56: {  	s21 =	smul.u32 $0x2A000, s16;
	s16 =	sshll.u32 s16, $0xB;
	[sflag:s19] =	ssyncset.done $0x0  }
0x57: {  	s20 =	sor.u32 $0x7C0, s16;
	[sflag:s19] =	ssyncadd.s32 $0xFFFFE400  }
0x58: {  	s22 =	sshrl.u32 s21, $0x2;
	v48 =	vld [tilespmem:s20+$0xFFFFFF80]  }
0x59: {  	s21 =	sadd.s32 $0x17C0, s22;
	v49 =	vld [tilespmem:s20+$0xFFFFFF90]  }
0x5a: {  	v51 =	vld [tilespmem:s21+$0xFFFFFF90]  }
0x5b: {  	s23 =	smul.u32 $0x2A000, s13;
	v50 =	vld [tilespmem:s21+$0xFFFFFFA0]  }
0x5c: {  	v54 =	vld [tilespmem:s21+$0xFFFFFF80]  }
0x5d: {  	s17 =	simm.s32 $0x16760;
	s13 =	sshll.u32 s13, $0xB;
	s14 =	sshrl.u32 s23, $0x2;
	v52 =	vld [tilespmem:s20+$0xFFFFFFA0]  }
0x5e: {  	s23 =	simm.s32 $0x167A0;
	s13 =	sor.u32 $0x740, s13;
	s14 =	sadd.s32 $0x1740, s14;
	v53 =	vld [tilespmem:s21+$0xFFFFFFB0]  }
0x5f: {  	s22 =	simm.s32 $0x0;
	s18 =	smov.u32 s21;
	s19 =	smov.u32 s20;
	v55 =	vld [tilespmem:s20+$0xFFFFFFB0]  }
.LBB2_3:
0x60: {  	s22 =	sadd.s32 $0x4, s22;
	s21 =	sadd.s32 $0x100, s21;
	s20 =	sadd.s32 $0x100, s20  }
0x61: {  	v49 =	vmul.f32 v51, v49;
	p1 =	slt.u32 s22, $0x1C;
	v48 =	vmul.f32 v54, v48;
	_ =	sdelay $0x1  }
0x62: {  	v48 =	vadd.f32 v49, v48;
	v49 =	vmul.f32 v50, v52  }
0x63: {  	v50 =	vmul.f32 v53, v55  }
0x64: {  	v48 =	vadd.f32 v49, v48;
	_ =	sdelay $0x1  }
0x65: {  	v48 =	vadd.f32 v50, v48;
	_ =	sdelay $0x1  }
0x66: {  	[tilespmem:s17+$0xFFFFFFE0] =	vst v48  }
0x67: {  	v48 =	vld [tilespmem:s18+$0xFFFFFFD0]  }
0x68: {  	v49 =	vld [tilespmem:s18+$0xFFFFFFC0]  }
0x69: {  	v50 =	vld [tilespmem:s19+$0xFFFFFFD0];
	_ =	sdelay $0x2  }
0x6a: {  	v51 =	vld [tilespmem:s19+$0xFFFFFFC0]  }
0x6b: {  	v52 =	vld [tilespmem:s18+$0xFFFFFFE0]  }
0x6c: {  	v48 =	vmul.f32 v48, v50;
	v50 =	vld [tilespmem:s19+$0xFFFFFFE0]  }
0x6d: {  	v53 =	vld [tilespmem:s18+$0xFFFFFFF0]  }
0x6e: {  	v54 =	vld [tilespmem:s19+$0xFFFFFFF0]  }
0x6f: {  	v49 =	vmul.f32 v49, v51;
	_ =	sdelay $0x1  }
0x70: {  	v48 =	vadd.f32 v48, v49;
	v49 =	vmul.f32 v52, v50;
	_ =	sdelay $0x1  }
0x71: {  	v48 =	vadd.f32 v49, v48;
	v49 =	vmul.f32 v53, v54;
	_ =	sdelay $0x1  }
0x72: {  	v48 =	vadd.f32 v49, v48;
	_ =	sdelay $0x1  }
0x73: {  	[tilespmem:s17+$0xFFFFFFF0] =	vst v48  }
0x74: {  	v48 =	vld [tilespmem:s19+$0x0]  }
0x75: {  	v49 =	vld [tilespmem:s18+$0x0]  }
0x76: {  	v50 =	vld [tilespmem:s18+$0x10]  }
0x77: {  	v51 =	vld [tilespmem:s19+$0x10]  }
0x78: {  	v52 =	vld [tilespmem:s19+$0x20]  }
0x79: {  	v53 =	vld [tilespmem:s18+$0x20]  }
0x7a: {  	v48 =	vmul.f32 v49, v48;
	v49 =	vld [tilespmem:s18+$0x30]  }
0x7b: {  	v54 =	vld [tilespmem:s19+$0x30]  }
0x7c: {  	v50 =	vmul.f32 v50, v51;
	_ =	sdelay $0x1  }
0x7d: {  	v48 =	vadd.f32 v50, v48;
	v50 =	vmul.f32 v53, v52;
	_ =	sdelay $0x1  }
0x7e: {  	v48 =	vadd.f32 v50, v48;
	v49 =	vmul.f32 v49, v54;
	_ =	sdelay $0x1  }
0x7f: {  	v48 =	vadd.f32 v49, v48;
	_ =	sdelay $0x1  }
0x80: {  	[tilespmem:s17+$0x0] =	vst v48  }
0x81: {  	v48 =	vld [tilespmem:s19+$0x40]  }
0x82: {  	v49 =	vld [tilespmem:s18+$0x40]  }
0x83: {  	v50 =	vld [tilespmem:s19+$0x50]  }
0x84: {  	v51 =	vld [tilespmem:s18+$0x50]  }
0x85: {  	v52 =	vld [tilespmem:s19+$0x60]  }
0x86: {  	v53 =	vld [tilespmem:s18+$0x60]  }
0x87: {  	v48 =	vmul.f32 v49, v48;
	v49 =	vld [tilespmem:s19+$0x70];
	s19 =	smov.u32 s20  }
0x88: {  	v54 =	vld [tilespmem:s18+$0x70];
	s18 =	smov.u32 s21  }
0x89: {  	v50 =	vmul.f32 v51, v50;
	_ =	sdelay $0x1  }
0x8a: {  	v48 =	vadd.f32 v50, v48;
	v50 =	vmul.f32 v53, v52;
	_ =	sdelay $0x1  }
0x8b: {  	v48 =	vadd.f32 v50, v48;
	v49 =	vmul.f32 v54, v49;
	_ =	sdelay $0x1  }
0x8c: {  	v48 =	vadd.f32 v49, v48;
	_ =	sdelay $0x1  }
0x8d: {  	[tilespmem:s17+$0x10] =	vst v48;
	s17 =	smov.u32 s23  }
0x8e: {  	v48 =	vld [tilespmem:s20+$0xFFFFFF80]  }
0x8f: {  	v49 =	vld [tilespmem:s20+$0xFFFFFF90]  }
0x90: {  	v51 =	vld [tilespmem:s21+$0xFFFFFF90]  }
.Ltmp0:
0x91: {  	v50 =	vld [tilespmem:s21+$0xFFFFFFA0];
	(pc) =	sbr.rel @p1 .LBB2_3-.Ltmp0, $4  }
0x92: {  	v54 =	vld [tilespmem:s21+$0xFFFFFF80]  }
0x93: {  	v52 =	vld [tilespmem:s20+$0xFFFFFFA0]  }
0x94: {  	v53 =	vld [tilespmem:s21+$0xFFFFFFB0]  }
0x95: {  	s16 =	simm.s32 $0x0;
	s23 =	sadd.s32 $0x40, s23;
	v55 =	vld [tilespmem:s20+$0xFFFFFFB0]  }
0x96: {  	_ = 	snop  }
0x97: {  	v49 =	vmul.f32 v51, v49;
	v48 =	vmul.f32 v54, v48;
	_ =	sdelay $0x1  }
0x98: {  	v54 =	vmul.f32 v50, v52;
	v48 =	vadd.f32 v49, v48;
	_ =	sdelay $0x1  }
0x99: {  	v56 =	vmul.f32 v53, v55;
	v48 =	vadd.f32 v54, v48;
	_ =	sdelay $0x1  }
0x9a: {  	v48 =	vadd.f32 v56, v48;
	_ =	sdelay $0x1  }
0x9b: {  	[tilespmem:s17+$0xFFFFFFE0] =	vst v48  }
0x9c: {  	v48 =	vld [tilespmem:s18+$0xFFFFFFD0]  }
0x9d: {  	v57 =	vld [tilespmem:s18+$0xFFFFFFC0]  }
0x9e: {  	v58 =	vld [tilespmem:s19+$0xFFFFFFD0]  }
0x9f: {  	v59 =	vld [tilespmem:s19+$0xFFFFFFC0]  }
0xa0: {  	v60 =	vld [tilespmem:s18+$0xFFFFFFE0]  }
0xa1: {  	v61 =	vld [tilespmem:s19+$0xFFFFFFE0]  }
0xa2: {  	v62 =	vld [tilespmem:s18+$0xFFFFFFF0]  }
0xa3: {  	v63 =	vld [tilespmem:s19+$0xFFFFFFF0]  }
0xa4: {  	v48 =	vmul.f32 v48, v58;
	v49 =	vmul.f32 v57, v59;
	_ =	sdelay $0x1  }
0xa5: {  	v56 =	vmul.f32 v60, v61;
	v48 =	vadd.f32 v48, v49;
	_ =	sdelay $0x1  }
0xa6: {  	v57 =	vmul.f32 v62, v63;
	v48 =	vadd.f32 v56, v48;
	_ =	sdelay $0x1  }
0xa7: {  	v48 =	vadd.f32 v57, v48;
	_ =	sdelay $0x1  }
0xa8: {  	[tilespmem:s17+$0xFFFFFFF0] =	vst v48  }
0xa9: {  	v48 =	vld [tilespmem:s19+$0x0]  }
0xaa: {  	v58 =	vld [tilespmem:s18+$0x0]  }
0xab: {  	v59 =	vld [tilespmem:s18+$0x10]  }
0xac: {  	v60 =	vld [tilespmem:s19+$0x10]  }
0xad: {  	v61 =	vld [tilespmem:s19+$0x20]  }
0xae: {  	v62 =	vld [tilespmem:s18+$0x20]  }
0xaf: {  	v63 =	vld [tilespmem:s18+$0x30]  }
0xb0: {  	v57 =	vld [tilespmem:s19+$0x30]  }
0xb1: {  	v48 =	vmul.f32 v58, v48;
	v58 =	vmul.f32 v59, v60;
	_ =	sdelay $0x1  }
0xb2: {  	v59 =	vmul.f32 v62, v61;
	v48 =	vadd.f32 v58, v48;
	_ =	sdelay $0x1  }
0xb3: {  	v60 =	vmul.f32 v63, v57;
	v48 =	vadd.f32 v59, v48;
	_ =	sdelay $0x1  }
0xb4: {  	v48 =	vadd.f32 v60, v48;
	_ =	sdelay $0x1  }
0xb5: {  	[tilespmem:s17+$0x0] =	vst v48  }
0xb6: {  	v48 =	vld [tilespmem:s19+$0x40]  }
0xb7: {  	v61 =	vld [tilespmem:s18+$0x40]  }
0xb8: {  	v62 =	vld [tilespmem:s19+$0x50]  }
0xb9: {  	v63 =	vld [tilespmem:s18+$0x50]  }
0xba: {  	v57 =	vld [tilespmem:s19+$0x60]  }
0xbb: {  	v58 =	vld [tilespmem:s18+$0x60]  }
0xbc: {  	v59 =	vld [tilespmem:s19+$0x70]  }
0xbd: {  	v60 =	vld [tilespmem:s18+$0x70]  }
0xbe: {  	v48 =	vmul.f32 v61, v48;
	v61 =	vmul.f32 v63, v62;
	_ =	sdelay $0x1  }
0xbf: {  	v62 =	vmul.f32 v58, v57;
	v48 =	vadd.f32 v61, v48;
	_ =	sdelay $0x1  }
0xc0: {  	v63 =	vmul.f32 v60, v59;
	v48 =	vadd.f32 v62, v48;
	_ =	sdelay $0x1  }
0xc1: {  	v48 =	vadd.f32 v63, v48;
	_ =	sdelay $0x1  }
0xc2: {  	[tilespmem:s17+$0x10] =	vst v48  }
.LBB2_5:
0xc3: {  	s17 =	sshll.u32 s16, $0x6  }
0xc4: {  	s18 =	sand.u32 $0x3FFFFFC0, s17;
	s17 =	smul.u32 $0x500, s16  }
0xc5: {  	s18 =	sadd.s32 s18, s13  }
0xc6: {  	v48 =	vld [tilespmem:s18+$0x0];
	s19 =	sadd.s32 $0x800, s17  }
0xc7: {  	v49 =	vld [tilespmem:s18+$0x10];
	s20 =	sadd.s32 s19, s14  }
0xc8: {  	v52 =	vld [tilespmem:s20+$0x0]  }
0xc9: {  	v53 =	vld [tilespmem:s20+$0x10]  }
0xca: {  	v50 =	vld [tilespmem:s18+$0x20]  }
0xcb: {  	v54 =	vld [tilespmem:s20+$0x20]  }
0xcc: {  	v51 =	vld [tilespmem:s18+$0x30]  }
0xcd: {  	v55 =	vld [tilespmem:s20+$0x30]  }
0xce: {  	v52 =	vmul.f32 v52, v48;
	v53 =	vmul.f32 v53, v49;
	_ =	sdelay $0x1  }
0xcf: {  	v60 =	vmul.f32 v54, v50;
	v52 =	vadd.f32 v53, v52;
	_ =	sdelay $0x1  }
0xd0: {  	v61 =	vmul.f32 v55, v51;
	v52 =	vadd.f32 v60, v52;
	_ =	sdelay $0x1  }
0xd1: {  	v52 =	vadd.f32 v61, v52  }
0xd2: {  	s19 =	sshra.s32 s19, $0x2;
	s20 =	sadd.s32 $0x840, s17  }
0xd3: {  	s21 =	sadd.s32 s20, s14;
	[tilespmem:s19+$0x16740] =	vst v52  }
0xd4: {  	v52 =	vld [tilespmem:s21+$0x0]  }
0xd5: {  	v62 =	vld [tilespmem:s21+$0x10];
	_ =	sdelay $0x1  }
0xd6: {  	v63 =	vld [tilespmem:s21+$0x20];
	_ =	sdelay $0x1  }
0xd7: {  	v57 =	vld [tilespmem:s21+$0x30]  }
0xd8: {  	v52 =	vmul.f32 v52, v48;
	v53 =	vmul.f32 v62, v49;
	_ =	sdelay $0x1  }
0xd9: {  	v58 =	vmul.f32 v63, v50;
	v52 =	vadd.f32 v53, v52;
	_ =	sdelay $0x1  }
0xda: {  	v59 =	vmul.f32 v57, v51;
	v52 =	vadd.f32 v58, v52;
	_ =	sdelay $0x1  }
0xdb: {  	v52 =	vadd.f32 v59, v52  }
0xdc: {  	s23 =	sadd.s32 $0x880, s17;
	s22 =	sshra.s32 s20, $0x2  }
0xdd: {  	s20 =	sadd.s32 s23, s14;
	[tilespmem:s22+$0x16740] =	vst v52  }
0xde: {  	v52 =	vld [tilespmem:s20+$0x0]  }
0xdf: {  	v60 =	vld [tilespmem:s20+$0x10];
	_ =	sdelay $0x1  }
0xe0: {  	v61 =	vld [tilespmem:s20+$0x20];
	_ =	sdelay $0x1  }
0xe1: {  	v62 =	vld [tilespmem:s20+$0x30]  }
0xe2: {  	v52 =	vmul.f32 v52, v48;
	v53 =	vmul.f32 v60, v49;
	_ =	sdelay $0x1  }
0xe3: {  	v63 =	vmul.f32 v61, v50;
	v52 =	vadd.f32 v53, v52;
	_ =	sdelay $0x1  }
0xe4: {  	v56 =	vmul.f32 v62, v51;
	v52 =	vadd.f32 v63, v52;
	_ =	sdelay $0x1  }
0xe5: {  	v52 =	vadd.f32 v56, v52  }
0xe6: {  	s21 =	sshra.s32 s23, $0x2;
	s22 =	sadd.s32 $0x8C0, s17  }
0xe7: {  	s23 =	sadd.s32 s22, s14;
	[tilespmem:s21+$0x16740] =	vst v52  }
0xe8: {  	v52 =	vld [tilespmem:s23+$0x0]  }
0xe9: {  	v57 =	vld [tilespmem:s23+$0x10];
	_ =	sdelay $0x1  }
0xea: {  	v58 =	vld [tilespmem:s23+$0x20];
	_ =	sdelay $0x1  }
0xeb: {  	v59 =	vld [tilespmem:s23+$0x30]  }
0xec: {  	v52 =	vmul.f32 v52, v48;
	v53 =	vmul.f32 v57, v49;
	_ =	sdelay $0x1  }
0xed: {  	v60 =	vmul.f32 v58, v50;
	v52 =	vadd.f32 v53, v52;
	_ =	sdelay $0x1  }
0xee: {  	v61 =	vmul.f32 v59, v51;
	v52 =	vadd.f32 v60, v52;
	_ =	sdelay $0x1  }
0xef: {  	v52 =	vadd.f32 v61, v52  }
0xf0: {  	s19 =	sshra.s32 s22, $0x2;
	s20 =	sadd.s32 $0x900, s17  }
0xf1: {  	s21 =	sadd.s32 s20, s14;
	[tilespmem:s19+$0x16740] =	vst v52  }
0xf2: {  	v52 =	vld [tilespmem:s21+$0x0]  }
0xf3: {  	v62 =	vld [tilespmem:s21+$0x10];
	_ =	sdelay $0x1  }
0xf4: {  	v63 =	vld [tilespmem:s21+$0x20];
	_ =	sdelay $0x1  }
0xf5: {  	v57 =	vld [tilespmem:s21+$0x30]  }
0xf6: {  	v52 =	vmul.f32 v52, v48;
	v53 =	vmul.f32 v62, v49;
	_ =	sdelay $0x1  }
0xf7: {  	v58 =	vmul.f32 v63, v50;
	v52 =	vadd.f32 v53, v52;
	_ =	sdelay $0x1  }
0xf8: {  	v59 =	vmul.f32 v57, v51;
	v52 =	vadd.f32 v58, v52;
	_ =	sdelay $0x1  }
0xf9: {  	v52 =	vadd.f32 v59, v52  }
0xfa: {  	s22 =	sshra.s32 s20, $0x2;
	s23 =	sadd.s32 $0x940, s17  }
0xfb: {  	s20 =	sadd.s32 s23, s14;
	[tilespmem:s22+$0x16740] =	vst v52  }
0xfc: {  	v52 =	vld [tilespmem:s20+$0x0]  }
0xfd: {  	v60 =	vld [tilespmem:s20+$0x10];
	_ =	sdelay $0x1  }
0xfe: {  	v61 =	vld [tilespmem:s20+$0x20];
	_ =	sdelay $0x1  }
0xff: {  	v62 =	vld [tilespmem:s20+$0x30]  }
0x100: {  	v52 =	vmul.f32 v52, v48;
	v53 =	vmul.f32 v60, v49;
	_ =	sdelay $0x1  }
0x101: {  	v63 =	vmul.f32 v61, v50;
	v52 =	vadd.f32 v53, v52;
	_ =	sdelay $0x1  }
0x102: {  	v56 =	vmul.f32 v62, v51;
	v52 =	vadd.f32 v63, v52;
	_ =	sdelay $0x1  }
0x103: {  	v52 =	vadd.f32 v56, v52  }
0x104: {  	s21 =	sshra.s32 s23, $0x2;
	s22 =	sadd.s32 $0x980, s17  }
0x105: {  	s23 =	sadd.s32 s22, s14;
	[tilespmem:s21+$0x16740] =	vst v52  }
0x106: {  	v52 =	vld [tilespmem:s23+$0x0]  }
0x107: {  	v57 =	vld [tilespmem:s23+$0x10];
	_ =	sdelay $0x1  }
0x108: {  	v58 =	vld [tilespmem:s23+$0x20];
	_ =	sdelay $0x1  }
0x109: {  	v59 =	vld [tilespmem:s23+$0x30]  }
0x10a: {  	v52 =	vmul.f32 v52, v48;
	v53 =	vmul.f32 v57, v49;
	_ =	sdelay $0x1  }
0x10b: {  	v60 =	vmul.f32 v58, v50;
	v52 =	vadd.f32 v53, v52;
	_ =	sdelay $0x1  }
0x10c: {  	v61 =	vmul.f32 v59, v51;
	v52 =	vadd.f32 v60, v52;
	_ =	sdelay $0x1  }
0x10d: {  	v52 =	vadd.f32 v61, v52  }
0x10e: {  	s19 =	sshra.s32 s22, $0x2;
	s20 =	sadd.s32 $0x9C0, s17  }
0x10f: {  	s21 =	sadd.s32 s20, s14;
	[tilespmem:s19+$0x16740] =	vst v52  }
0x110: {  	v52 =	vld [tilespmem:s21+$0x0]  }
0x111: {  	v62 =	vld [tilespmem:s21+$0x10];
	_ =	sdelay $0x1  }
0x112: {  	v63 =	vld [tilespmem:s21+$0x20];
	_ =	sdelay $0x1  }
0x113: {  	v57 =	vld [tilespmem:s21+$0x30]  }
0x114: {  	v52 =	vmul.f32 v52, v48;
	v53 =	vmul.f32 v62, v49;
	_ =	sdelay $0x1  }
0x115: {  	v58 =	vmul.f32 v63, v50;
	v52 =	vadd.f32 v53, v52;
	_ =	sdelay $0x1  }
0x116: {  	v59 =	vmul.f32 v57, v51;
	v52 =	vadd.f32 v58, v52;
	_ =	sdelay $0x1  }
0x117: {  	v52 =	vadd.f32 v59, v52  }
0x118: {  	s22 =	sshra.s32 s20, $0x2;
	s23 =	sadd.s32 $0xA00, s17  }
0x119: {  	s20 =	sadd.s32 s23, s14;
	[tilespmem:s22+$0x16740] =	vst v52  }
0x11a: {  	v52 =	vld [tilespmem:s20+$0x0]  }
0x11b: {  	v60 =	vld [tilespmem:s20+$0x10];
	_ =	sdelay $0x1  }
0x11c: {  	v61 =	vld [tilespmem:s20+$0x20];
	_ =	sdelay $0x1  }
0x11d: {  	v62 =	vld [tilespmem:s20+$0x30]  }
0x11e: {  	v52 =	vmul.f32 v52, v48;
	v53 =	vmul.f32 v60, v49;
	_ =	sdelay $0x1  }
0x11f: {  	v63 =	vmul.f32 v61, v50;
	v52 =	vadd.f32 v53, v52;
	_ =	sdelay $0x1  }
0x120: {  	v56 =	vmul.f32 v62, v51;
	v52 =	vadd.f32 v63, v52;
	_ =	sdelay $0x1  }
0x121: {  	v52 =	vadd.f32 v56, v52  }
0x122: {  	s21 =	sshra.s32 s23, $0x2;
	s22 =	sadd.s32 $0xA40, s17  }
0x123: {  	s23 =	sadd.s32 s22, s14;
	[tilespmem:s21+$0x16740] =	vst v52  }
0x124: {  	v52 =	vld [tilespmem:s23+$0x0]  }
0x125: {  	v57 =	vld [tilespmem:s23+$0x10];
	_ =	sdelay $0x1  }
0x126: {  	v58 =	vld [tilespmem:s23+$0x20];
	_ =	sdelay $0x1  }
0x127: {  	v59 =	vld [tilespmem:s23+$0x30]  }
0x128: {  	v52 =	vmul.f32 v52, v48;
	v53 =	vmul.f32 v57, v49;
	_ =	sdelay $0x1  }
0x129: {  	v60 =	vmul.f32 v58, v50;
	v52 =	vadd.f32 v53, v52;
	_ =	sdelay $0x1  }
0x12a: {  	v61 =	vmul.f32 v59, v51;
	v52 =	vadd.f32 v60, v52;
	_ =	sdelay $0x1  }
0x12b: {  	v52 =	vadd.f32 v61, v52  }
0x12c: {  	s19 =	sshra.s32 s22, $0x2;
	s20 =	sadd.s32 $0xA80, s17  }
0x12d: {  	s21 =	sadd.s32 s20, s14;
	[tilespmem:s19+$0x16740] =	vst v52  }
0x12e: {  	v52 =	vld [tilespmem:s21+$0x0]  }
0x12f: {  	v62 =	vld [tilespmem:s21+$0x10];
	_ =	sdelay $0x1  }
0x130: {  	v63 =	vld [tilespmem:s21+$0x20];
	_ =	sdelay $0x1  }
0x131: {  	v57 =	vld [tilespmem:s21+$0x30]  }
0x132: {  	v52 =	vmul.f32 v52, v48;
	v53 =	vmul.f32 v62, v49;
	_ =	sdelay $0x1  }
0x133: {  	v58 =	vmul.f32 v63, v50;
	v52 =	vadd.f32 v53, v52;
	_ =	sdelay $0x1  }
0x134: {  	v59 =	vmul.f32 v57, v51;
	v52 =	vadd.f32 v58, v52;
	_ =	sdelay $0x1  }
0x135: {  	v52 =	vadd.f32 v59, v52  }
0x136: {  	s22 =	sshra.s32 s20, $0x2;
	s23 =	sadd.s32 $0xAC0, s17  }
0x137: {  	s20 =	sadd.s32 s23, s14;
	[tilespmem:s22+$0x16740] =	vst v52  }
0x138: {  	v52 =	vld [tilespmem:s20+$0x0]  }
0x139: {  	v60 =	vld [tilespmem:s20+$0x10];
	_ =	sdelay $0x1  }
0x13a: {  	v61 =	vld [tilespmem:s20+$0x20];
	_ =	sdelay $0x1  }
0x13b: {  	v62 =	vld [tilespmem:s20+$0x30]  }
0x13c: {  	v52 =	vmul.f32 v52, v48;
	v53 =	vmul.f32 v60, v49;
	_ =	sdelay $0x1  }
0x13d: {  	v63 =	vmul.f32 v61, v50;
	v52 =	vadd.f32 v53, v52;
	_ =	sdelay $0x1  }
0x13e: {  	v56 =	vmul.f32 v62, v51;
	v52 =	vadd.f32 v63, v52;
	_ =	sdelay $0x1  }
0x13f: {  	v52 =	vadd.f32 v56, v52  }
0x140: {  	s21 =	sshra.s32 s23, $0x2;
	s22 =	sadd.s32 $0xB00, s17  }
0x141: {  	s23 =	sadd.s32 s22, s14;
	[tilespmem:s21+$0x16740] =	vst v52  }
0x142: {  	v52 =	vld [tilespmem:s23+$0x0]  }
0x143: {  	v57 =	vld [tilespmem:s23+$0x10];
	_ =	sdelay $0x1  }
0x144: {  	v58 =	vld [tilespmem:s23+$0x20];
	_ =	sdelay $0x1  }
0x145: {  	v59 =	vld [tilespmem:s23+$0x30]  }
0x146: {  	v52 =	vmul.f32 v52, v48;
	v53 =	vmul.f32 v57, v49;
	_ =	sdelay $0x1  }
0x147: {  	v60 =	vmul.f32 v58, v50;
	v52 =	vadd.f32 v53, v52;
	_ =	sdelay $0x1  }
0x148: {  	v61 =	vmul.f32 v59, v51;
	v52 =	vadd.f32 v60, v52;
	_ =	sdelay $0x1  }
0x149: {  	v52 =	vadd.f32 v61, v52  }
0x14a: {  	s19 =	sshra.s32 s22, $0x2;
	s20 =	sadd.s32 $0xB40, s17  }
0x14b: {  	s21 =	sadd.s32 s20, s14;
	[tilespmem:s19+$0x16740] =	vst v52  }
0x14c: {  	v52 =	vld [tilespmem:s21+$0x0]  }
0x14d: {  	v62 =	vld [tilespmem:s21+$0x10];
	_ =	sdelay $0x1  }
0x14e: {  	v63 =	vld [tilespmem:s21+$0x20];
	_ =	sdelay $0x1  }
0x14f: {  	v57 =	vld [tilespmem:s21+$0x30]  }
0x150: {  	v52 =	vmul.f32 v52, v48;
	v53 =	vmul.f32 v62, v49;
	_ =	sdelay $0x1  }
0x151: {  	v58 =	vmul.f32 v63, v50;
	v52 =	vadd.f32 v53, v52;
	_ =	sdelay $0x1  }
0x152: {  	v59 =	vmul.f32 v57, v51;
	v52 =	vadd.f32 v58, v52;
	_ =	sdelay $0x1  }
0x153: {  	v52 =	vadd.f32 v59, v52  }
0x154: {  	s22 =	sshra.s32 s20, $0x2;
	s23 =	sadd.s32 $0xB80, s17  }
0x155: {  	s20 =	sadd.s32 s23, s14;
	[tilespmem:s22+$0x16740] =	vst v52  }
0x156: {  	v52 =	vld [tilespmem:s20+$0x0]  }
0x157: {  	v60 =	vld [tilespmem:s20+$0x10];
	_ =	sdelay $0x1  }
0x158: {  	v61 =	vld [tilespmem:s20+$0x20];
	_ =	sdelay $0x1  }
0x159: {  	v62 =	vld [tilespmem:s20+$0x30]  }
0x15a: {  	v52 =	vmul.f32 v52, v48;
	v53 =	vmul.f32 v60, v49;
	_ =	sdelay $0x1  }
0x15b: {  	v63 =	vmul.f32 v61, v50;
	v52 =	vadd.f32 v53, v52;
	_ =	sdelay $0x1  }
0x15c: {  	v56 =	vmul.f32 v62, v51;
	v52 =	vadd.f32 v63, v52;
	_ =	sdelay $0x1  }
0x15d: {  	v52 =	vadd.f32 v56, v52  }
0x15e: {  	s21 =	sshra.s32 s23, $0x2;
	s22 =	sadd.s32 $0xBC0, s17  }
0x15f: {  	s23 =	sadd.s32 s22, s14;
	[tilespmem:s21+$0x16740] =	vst v52  }
0x160: {  	v52 =	vld [tilespmem:s23+$0x0]  }
0x161: {  	v57 =	vld [tilespmem:s23+$0x10];
	_ =	sdelay $0x1  }
0x162: {  	v58 =	vld [tilespmem:s23+$0x20];
	_ =	sdelay $0x1  }
0x163: {  	v59 =	vld [tilespmem:s23+$0x30]  }
0x164: {  	v52 =	vmul.f32 v52, v48;
	v53 =	vmul.f32 v57, v49;
	_ =	sdelay $0x1  }
0x165: {  	v60 =	vmul.f32 v58, v50;
	v52 =	vadd.f32 v53, v52;
	_ =	sdelay $0x1  }
0x166: {  	v61 =	vmul.f32 v59, v51;
	v52 =	vadd.f32 v60, v52;
	_ =	sdelay $0x1  }
0x167: {  	v52 =	vadd.f32 v61, v52  }
0x168: {  	s19 =	sshra.s32 s22, $0x2;
	s20 =	sadd.s32 $0xC00, s17  }
0x169: {  	s21 =	sadd.s32 s20, s14;
	[tilespmem:s19+$0x16740] =	vst v52  }
0x16a: {  	v52 =	vld [tilespmem:s21+$0x0]  }
0x16b: {  	v62 =	vld [tilespmem:s21+$0x10];
	_ =	sdelay $0x1  }
0x16c: {  	v63 =	vld [tilespmem:s21+$0x20];
	_ =	sdelay $0x1  }
0x16d: {  	v57 =	vld [tilespmem:s21+$0x30]  }
0x16e: {  	v52 =	vmul.f32 v52, v48;
	v53 =	vmul.f32 v62, v49;
	_ =	sdelay $0x1  }
0x16f: {  	v58 =	vmul.f32 v63, v50;
	v52 =	vadd.f32 v53, v52;
	_ =	sdelay $0x1  }
0x170: {  	v59 =	vmul.f32 v57, v51;
	v52 =	vadd.f32 v58, v52;
	_ =	sdelay $0x1  }
0x171: {  	v52 =	vadd.f32 v59, v52  }
0x172: {  	s22 =	sshra.s32 s20, $0x2;
	s23 =	sadd.s32 $0xC40, s17  }
0x173: {  	s20 =	sadd.s32 s23, s14;
	[tilespmem:s22+$0x16740] =	vst v52  }
0x174: {  	v52 =	vld [tilespmem:s20+$0x0]  }
0x175: {  	v60 =	vld [tilespmem:s20+$0x10];
	_ =	sdelay $0x1  }
0x176: {  	v61 =	vld [tilespmem:s20+$0x20];
	_ =	sdelay $0x1  }
0x177: {  	v62 =	vld [tilespmem:s20+$0x30]  }
0x178: {  	v52 =	vmul.f32 v52, v48;
	v53 =	vmul.f32 v60, v49;
	_ =	sdelay $0x1  }
0x179: {  	v63 =	vmul.f32 v61, v50;
	v52 =	vadd.f32 v53, v52;
	_ =	sdelay $0x1  }
0x17a: {  	v56 =	vmul.f32 v62, v51;
	v52 =	vadd.f32 v63, v52;
	_ =	sdelay $0x1  }
0x17b: {  	v52 =	vadd.f32 v56, v52  }
0x17c: {  	s21 =	sshra.s32 s23, $0x2;
	s22 =	sadd.s32 $0xC80, s17  }
0x17d: {  	s23 =	sadd.s32 s22, s14;
	[tilespmem:s21+$0x16740] =	vst v52  }
0x17e: {  	v52 =	vld [tilespmem:s23+$0x0]  }
0x17f: {  	v57 =	vld [tilespmem:s23+$0x10];
	_ =	sdelay $0x1  }
0x180: {  	v58 =	vld [tilespmem:s23+$0x20];
	_ =	sdelay $0x1  }
0x181: {  	v59 =	vld [tilespmem:s23+$0x30]  }
0x182: {  	v52 =	vmul.f32 v52, v48;
	v53 =	vmul.f32 v57, v49;
	_ =	sdelay $0x1  }
0x183: {  	v60 =	vmul.f32 v58, v50;
	v52 =	vadd.f32 v53, v52;
	_ =	sdelay $0x1  }
0x184: {  	v61 =	vmul.f32 v59, v51;
	v52 =	vadd.f32 v60, v52;
	_ =	sdelay $0x1  }
0x185: {  	v52 =	vadd.f32 v61, v52  }
0x186: {  	s17 =	sadd.s32 $0xCC0, s17;
	s19 =	sshra.s32 s22, $0x2  }
0x187: {  	s20 =	sadd.s32 s17, s14;
	[tilespmem:s19+$0x16740] =	vst v52  }
0x188: {  	v52 =	vld [tilespmem:s20+$0x0]  }
0x189: {  	v62 =	vld [tilespmem:s20+$0x10];
	_ =	sdelay $0x1  }
0x18a: {  	v63 =	vld [tilespmem:s20+$0x20];
	_ =	sdelay $0x1  }
0x18b: {  	v57 =	vld [tilespmem:s20+$0x30]  }
0x18c: {  	v48 =	vmul.f32 v52, v48;
	v49 =	vmul.f32 v62, v49;
	_ =	sdelay $0x1  }
0x18d: {  	v58 =	vmul.f32 v63, v50;
	v48 =	vadd.f32 v49, v48;
	_ =	sdelay $0x1  }
0x18e: {  	v59 =	vmul.f32 v57, v51;
	v48 =	vadd.f32 v58, v48  }
0x18f: {  	s21 =	sor.u32 $0x1, s16  }
0x190: {  	s22 =	sshll.u32 s21, $0x6;
	v48 =	vadd.f32 v59, v48  }
0x191: {  	s23 =	sshra.s32 s17, $0x2;
	s17 =	smul.u32 $0x500, s21;
	s19 =	sand.u32 $0x3FFFFFC0, s22  }
0x192: {  	s21 =	sadd.s32 s19, s13;
	[tilespmem:s23+$0x16740] =	vst v48  }
0x193: {  	s22 =	sadd.s32 $0x800, s17;
	v48 =	vld [tilespmem:s21+$0x0]  }
0x194: {  	s23 =	sadd.s32 s22, s14;
	v49 =	vld [tilespmem:s21+$0x10]  }
0x195: {  	v60 =	vld [tilespmem:s23+$0x0]  }
0x196: {  	v61 =	vld [tilespmem:s23+$0x10]  }
0x197: {  	v50 =	vld [tilespmem:s21+$0x20]  }
0x198: {  	v62 =	vld [tilespmem:s23+$0x20]  }
0x199: {  	v51 =	vld [tilespmem:s21+$0x30]  }
0x19a: {  	v63 =	vld [tilespmem:s23+$0x30]  }
0x19b: {  	v52 =	vmul.f32 v60, v48;
	v53 =	vmul.f32 v61, v49;
	_ =	sdelay $0x1  }
0x19c: {  	v56 =	vmul.f32 v62, v50;
	v52 =	vadd.f32 v53, v52;
	_ =	sdelay $0x1  }
0x19d: {  	v57 =	vmul.f32 v63, v51;
	v52 =	vadd.f32 v56, v52;
	_ =	sdelay $0x1  }
0x19e: {  	v52 =	vadd.f32 v57, v52  }
0x19f: {  	s21 =	sshra.s32 s22, $0x2;
	s22 =	sadd.s32 $0x840, s17  }
0x1a0: {  	s23 =	sadd.s32 s22, s14;
	[tilespmem:s21+$0x16740] =	vst v52  }
0x1a1: {  	v52 =	vld [tilespmem:s23+$0x0]  }
0x1a2: {  	v58 =	vld [tilespmem:s23+$0x10];
	_ =	sdelay $0x1  }
0x1a3: {  	v59 =	vld [tilespmem:s23+$0x20];
	_ =	sdelay $0x1  }
0x1a4: {  	v60 =	vld [tilespmem:s23+$0x30]  }
0x1a5: {  	v52 =	vmul.f32 v52, v48;
	v53 =	vmul.f32 v58, v49;
	_ =	sdelay $0x1  }
0x1a6: {  	v61 =	vmul.f32 v59, v50;
	v52 =	vadd.f32 v53, v52;
	_ =	sdelay $0x1  }
0x1a7: {  	v62 =	vmul.f32 v60, v51;
	v52 =	vadd.f32 v61, v52;
	_ =	sdelay $0x1  }
0x1a8: {  	v52 =	vadd.f32 v62, v52  }
0x1a9: {  	s20 =	sadd.s32 $0x880, s17;
	s19 =	sshra.s32 s22, $0x2  }
0x1aa: {  	s21 =	sadd.s32 s20, s14;
	[tilespmem:s19+$0x16740] =	vst v52  }
0x1ab: {  	v52 =	vld [tilespmem:s21+$0x0]  }
0x1ac: {  	v63 =	vld [tilespmem:s21+$0x10];
	_ =	sdelay $0x1  }
0x1ad: {  	v57 =	vld [tilespmem:s21+$0x20];
	_ =	sdelay $0x1  }
0x1ae: {  	v58 =	vld [tilespmem:s21+$0x30]  }
0x1af: {  	v52 =	vmul.f32 v52, v48;
	v53 =	vmul.f32 v63, v49;
	_ =	sdelay $0x1  }
0x1b0: {  	v59 =	vmul.f32 v57, v50;
	v52 =	vadd.f32 v53, v52;
	_ =	sdelay $0x1  }
0x1b1: {  	v60 =	vmul.f32 v58, v51;
	v52 =	vadd.f32 v59, v52;
	_ =	sdelay $0x1  }
0x1b2: {  	v52 =	vadd.f32 v60, v52  }
0x1b3: {  	s22 =	sshra.s32 s20, $0x2;
	s23 =	sadd.s32 $0x8C0, s17  }
0x1b4: {  	s20 =	sadd.s32 s23, s14;
	[tilespmem:s22+$0x16740] =	vst v52  }
0x1b5: {  	v52 =	vld [tilespmem:s20+$0x0]  }
0x1b6: {  	v61 =	vld [tilespmem:s20+$0x10];
	_ =	sdelay $0x1  }
0x1b7: {  	v62 =	vld [tilespmem:s20+$0x20];
	_ =	sdelay $0x1  }
0x1b8: {  	v63 =	vld [tilespmem:s20+$0x30]  }
0x1b9: {  	v52 =	vmul.f32 v52, v48;
	v53 =	vmul.f32 v61, v49;
	_ =	sdelay $0x1  }
0x1ba: {  	v56 =	vmul.f32 v62, v50;
	v52 =	vadd.f32 v53, v52;
	_ =	sdelay $0x1  }
0x1bb: {  	v57 =	vmul.f32 v63, v51;
	v52 =	vadd.f32 v56, v52;
	_ =	sdelay $0x1  }
0x1bc: {  	v52 =	vadd.f32 v57, v52  }
0x1bd: {  	s21 =	sshra.s32 s23, $0x2;
	s22 =	sadd.s32 $0x900, s17  }
0x1be: {  	s23 =	sadd.s32 s22, s14;
	[tilespmem:s21+$0x16740] =	vst v52  }
0x1bf: {  	v52 =	vld [tilespmem:s23+$0x0]  }
0x1c0: {  	v58 =	vld [tilespmem:s23+$0x10];
	_ =	sdelay $0x1  }
0x1c1: {  	v59 =	vld [tilespmem:s23+$0x20];
	_ =	sdelay $0x1  }
0x1c2: {  	v60 =	vld [tilespmem:s23+$0x30]  }
0x1c3: {  	v52 =	vmul.f32 v52, v48;
	v53 =	vmul.f32 v58, v49;
	_ =	sdelay $0x1  }
0x1c4: {  	v61 =	vmul.f32 v59, v50;
	v52 =	vadd.f32 v53, v52;
	_ =	sdelay $0x1  }
0x1c5: {  	v62 =	vmul.f32 v60, v51;
	v52 =	vadd.f32 v61, v52;
	_ =	sdelay $0x1  }
0x1c6: {  	v52 =	vadd.f32 v62, v52  }
0x1c7: {  	s19 =	sshra.s32 s22, $0x2;
	s20 =	sadd.s32 $0x940, s17  }
0x1c8: {  	s21 =	sadd.s32 s20, s14;
	[tilespmem:s19+$0x16740] =	vst v52  }
0x1c9: {  	v52 =	vld [tilespmem:s21+$0x0]  }
0x1ca: {  	v63 =	vld [tilespmem:s21+$0x10];
	_ =	sdelay $0x1  }
0x1cb: {  	v57 =	vld [tilespmem:s21+$0x20];
	_ =	sdelay $0x1  }
0x1cc: {  	v58 =	vld [tilespmem:s21+$0x30]  }
0x1cd: {  	v52 =	vmul.f32 v52, v48;
	v53 =	vmul.f32 v63, v49;
	_ =	sdelay $0x1  }
0x1ce: {  	v59 =	vmul.f32 v57, v50;
	v52 =	vadd.f32 v53, v52;
	_ =	sdelay $0x1  }
0x1cf: {  	v60 =	vmul.f32 v58, v51;
	v52 =	vadd.f32 v59, v52;
	_ =	sdelay $0x1  }
0x1d0: {  	v52 =	vadd.f32 v60, v52  }
0x1d1: {  	s22 =	sshra.s32 s20, $0x2;
	s23 =	sadd.s32 $0x980, s17  }
0x1d2: {  	s20 =	sadd.s32 s23, s14;
	[tilespmem:s22+$0x16740] =	vst v52  }
0x1d3: {  	v52 =	vld [tilespmem:s20+$0x0]  }
0x1d4: {  	v61 =	vld [tilespmem:s20+$0x10];
	_ =	sdelay $0x1  }
0x1d5: {  	v62 =	vld [tilespmem:s20+$0x20];
	_ =	sdelay $0x1  }
0x1d6: {  	v63 =	vld [tilespmem:s20+$0x30]  }
0x1d7: {  	v52 =	vmul.f32 v52, v48;
	v53 =	vmul.f32 v61, v49;
	_ =	sdelay $0x1  }
0x1d8: {  	v56 =	vmul.f32 v62, v50;
	v52 =	vadd.f32 v53, v52;
	_ =	sdelay $0x1  }
0x1d9: {  	v57 =	vmul.f32 v63, v51;
	v52 =	vadd.f32 v56, v52;
	_ =	sdelay $0x1  }
0x1da: {  	v52 =	vadd.f32 v57, v52  }
0x1db: {  	s21 =	sshra.s32 s23, $0x2;
	s22 =	sadd.s32 $0x9C0, s17  }
0x1dc: {  	s23 =	sadd.s32 s22, s14;
	[tilespmem:s21+$0x16740] =	vst v52  }
0x1dd: {  	v52 =	vld [tilespmem:s23+$0x0]  }
0x1de: {  	v58 =	vld [tilespmem:s23+$0x10];
	_ =	sdelay $0x1  }
0x1df: {  	v59 =	vld [tilespmem:s23+$0x20];
	_ =	sdelay $0x1  }
0x1e0: {  	v60 =	vld [tilespmem:s23+$0x30]  }
0x1e1: {  	v52 =	vmul.f32 v52, v48;
	v53 =	vmul.f32 v58, v49;
	_ =	sdelay $0x1  }
0x1e2: {  	v61 =	vmul.f32 v59, v50;
	v52 =	vadd.f32 v53, v52;
	_ =	sdelay $0x1  }
0x1e3: {  	v62 =	vmul.f32 v60, v51;
	v52 =	vadd.f32 v61, v52;
	_ =	sdelay $0x1  }
0x1e4: {  	v52 =	vadd.f32 v62, v52  }
0x1e5: {  	s19 =	sshra.s32 s22, $0x2;
	s20 =	sadd.s32 $0xA00, s17  }
0x1e6: {  	s21 =	sadd.s32 s20, s14;
	[tilespmem:s19+$0x16740] =	vst v52  }
0x1e7: {  	v52 =	vld [tilespmem:s21+$0x0]  }
0x1e8: {  	v63 =	vld [tilespmem:s21+$0x10];
	_ =	sdelay $0x1  }
0x1e9: {  	v57 =	vld [tilespmem:s21+$0x20];
	_ =	sdelay $0x1  }
0x1ea: {  	v58 =	vld [tilespmem:s21+$0x30]  }
0x1eb: {  	v52 =	vmul.f32 v52, v48;
	v53 =	vmul.f32 v63, v49;
	_ =	sdelay $0x1  }
0x1ec: {  	v59 =	vmul.f32 v57, v50;
	v52 =	vadd.f32 v53, v52;
	_ =	sdelay $0x1  }
0x1ed: {  	v60 =	vmul.f32 v58, v51;
	v52 =	vadd.f32 v59, v52;
	_ =	sdelay $0x1  }
0x1ee: {  	v52 =	vadd.f32 v60, v52  }
0x1ef: {  	s22 =	sshra.s32 s20, $0x2;
	s23 =	sadd.s32 $0xA40, s17  }
0x1f0: {  	s20 =	sadd.s32 s23, s14;
	[tilespmem:s22+$0x16740] =	vst v52  }
0x1f1: {  	v52 =	vld [tilespmem:s20+$0x0]  }
0x1f2: {  	v61 =	vld [tilespmem:s20+$0x10];
	_ =	sdelay $0x1  }
0x1f3: {  	v62 =	vld [tilespmem:s20+$0x20];
	_ =	sdelay $0x1  }
0x1f4: {  	v63 =	vld [tilespmem:s20+$0x30]  }
0x1f5: {  	v52 =	vmul.f32 v52, v48;
	v53 =	vmul.f32 v61, v49;
	_ =	sdelay $0x1  }
0x1f6: {  	v56 =	vmul.f32 v62, v50;
	v52 =	vadd.f32 v53, v52;
	_ =	sdelay $0x1  }
0x1f7: {  	v57 =	vmul.f32 v63, v51;
	v52 =	vadd.f32 v56, v52;
	_ =	sdelay $0x1  }
0x1f8: {  	v52 =	vadd.f32 v57, v52  }
0x1f9: {  	s21 =	sshra.s32 s23, $0x2;
	s22 =	sadd.s32 $0xA80, s17  }
0x1fa: {  	s23 =	sadd.s32 s22, s14;
	[tilespmem:s21+$0x16740] =	vst v52  }
0x1fb: {  	v52 =	vld [tilespmem:s23+$0x0]  }
0x1fc: {  	v58 =	vld [tilespmem:s23+$0x10];
	_ =	sdelay $0x1  }
0x1fd: {  	v59 =	vld [tilespmem:s23+$0x20];
	_ =	sdelay $0x1  }
0x1fe: {  	v60 =	vld [tilespmem:s23+$0x30]  }
0x1ff: {  	v52 =	vmul.f32 v52, v48;
	v53 =	vmul.f32 v58, v49;
	_ =	sdelay $0x1  }
0x200: {  	v61 =	vmul.f32 v59, v50;
	v52 =	vadd.f32 v53, v52;
	_ =	sdelay $0x1  }
0x201: {  	v62 =	vmul.f32 v60, v51;
	v52 =	vadd.f32 v61, v52;
	_ =	sdelay $0x1  }
0x202: {  	v52 =	vadd.f32 v62, v52  }
0x203: {  	s19 =	sshra.s32 s22, $0x2;
	s20 =	sadd.s32 $0xAC0, s17  }
0x204: {  	s21 =	sadd.s32 s20, s14;
	[tilespmem:s19+$0x16740] =	vst v52  }
0x205: {  	v52 =	vld [tilespmem:s21+$0x0]  }
0x206: {  	v63 =	vld [tilespmem:s21+$0x10];
	_ =	sdelay $0x1  }
0x207: {  	v57 =	vld [tilespmem:s21+$0x20];
	_ =	sdelay $0x1  }
0x208: {  	v58 =	vld [tilespmem:s21+$0x30]  }
0x209: {  	v52 =	vmul.f32 v52, v48;
	v53 =	vmul.f32 v63, v49;
	_ =	sdelay $0x1  }
0x20a: {  	v59 =	vmul.f32 v57, v50;
	v52 =	vadd.f32 v53, v52;
	_ =	sdelay $0x1  }
0x20b: {  	v60 =	vmul.f32 v58, v51;
	v52 =	vadd.f32 v59, v52;
	_ =	sdelay $0x1  }
0x20c: {  	v52 =	vadd.f32 v60, v52  }
0x20d: {  	s22 =	sshra.s32 s20, $0x2;
	s23 =	sadd.s32 $0xB00, s17  }
0x20e: {  	s20 =	sadd.s32 s23, s14;
	[tilespmem:s22+$0x16740] =	vst v52  }
0x20f: {  	v52 =	vld [tilespmem:s20+$0x0]  }
0x210: {  	v61 =	vld [tilespmem:s20+$0x10];
	_ =	sdelay $0x1  }
0x211: {  	v62 =	vld [tilespmem:s20+$0x20];
	_ =	sdelay $0x1  }
0x212: {  	v63 =	vld [tilespmem:s20+$0x30]  }
0x213: {  	v52 =	vmul.f32 v52, v48;
	v53 =	vmul.f32 v61, v49;
	_ =	sdelay $0x1  }
0x214: {  	v56 =	vmul.f32 v62, v50;
	v52 =	vadd.f32 v53, v52;
	_ =	sdelay $0x1  }
0x215: {  	v57 =	vmul.f32 v63, v51;
	v52 =	vadd.f32 v56, v52;
	_ =	sdelay $0x1  }
0x216: {  	v52 =	vadd.f32 v57, v52  }
0x217: {  	s21 =	sshra.s32 s23, $0x2;
	s22 =	sadd.s32 $0xB40, s17  }
0x218: {  	s23 =	sadd.s32 s22, s14;
	[tilespmem:s21+$0x16740] =	vst v52  }
0x219: {  	v52 =	vld [tilespmem:s23+$0x0]  }
0x21a: {  	v58 =	vld [tilespmem:s23+$0x10];
	_ =	sdelay $0x1  }
0x21b: {  	v59 =	vld [tilespmem:s23+$0x20];
	_ =	sdelay $0x1  }
0x21c: {  	v60 =	vld [tilespmem:s23+$0x30]  }
0x21d: {  	v52 =	vmul.f32 v52, v48;
	v53 =	vmul.f32 v58, v49;
	_ =	sdelay $0x1  }
0x21e: {  	v61 =	vmul.f32 v59, v50;
	v52 =	vadd.f32 v53, v52;
	_ =	sdelay $0x1  }
0x21f: {  	v62 =	vmul.f32 v60, v51;
	v52 =	vadd.f32 v61, v52;
	_ =	sdelay $0x1  }
0x220: {  	v52 =	vadd.f32 v62, v52  }
0x221: {  	s19 =	sshra.s32 s22, $0x2;
	s20 =	sadd.s32 $0xB80, s17  }
0x222: {  	s21 =	sadd.s32 s20, s14;
	[tilespmem:s19+$0x16740] =	vst v52  }
0x223: {  	v52 =	vld [tilespmem:s21+$0x0]  }
0x224: {  	v63 =	vld [tilespmem:s21+$0x10];
	_ =	sdelay $0x1  }
0x225: {  	v57 =	vld [tilespmem:s21+$0x20];
	_ =	sdelay $0x1  }
0x226: {  	v58 =	vld [tilespmem:s21+$0x30]  }
0x227: {  	v52 =	vmul.f32 v52, v48;
	v53 =	vmul.f32 v63, v49;
	_ =	sdelay $0x1  }
0x228: {  	v59 =	vmul.f32 v57, v50;
	v52 =	vadd.f32 v53, v52;
	_ =	sdelay $0x1  }
0x229: {  	v60 =	vmul.f32 v58, v51;
	v52 =	vadd.f32 v59, v52;
	_ =	sdelay $0x1  }
0x22a: {  	v52 =	vadd.f32 v60, v52  }
0x22b: {  	s22 =	sshra.s32 s20, $0x2;
	s23 =	sadd.s32 $0xBC0, s17  }
0x22c: {  	s20 =	sadd.s32 s23, s14;
	[tilespmem:s22+$0x16740] =	vst v52  }
0x22d: {  	v52 =	vld [tilespmem:s20+$0x0]  }
0x22e: {  	v61 =	vld [tilespmem:s20+$0x10];
	_ =	sdelay $0x1  }
0x22f: {  	v62 =	vld [tilespmem:s20+$0x20];
	_ =	sdelay $0x1  }
0x230: {  	v63 =	vld [tilespmem:s20+$0x30]  }
0x231: {  	v52 =	vmul.f32 v52, v48;
	v53 =	vmul.f32 v61, v49;
	_ =	sdelay $0x1  }
0x232: {  	v56 =	vmul.f32 v62, v50;
	v52 =	vadd.f32 v53, v52;
	_ =	sdelay $0x1  }
0x233: {  	v57 =	vmul.f32 v63, v51;
	v52 =	vadd.f32 v56, v52;
	_ =	sdelay $0x1  }
0x234: {  	v52 =	vadd.f32 v57, v52  }
0x235: {  	s21 =	sshra.s32 s23, $0x2;
	s22 =	sadd.s32 $0xC00, s17  }
0x236: {  	s23 =	sadd.s32 s22, s14;
	[tilespmem:s21+$0x16740] =	vst v52  }
0x237: {  	v52 =	vld [tilespmem:s23+$0x0]  }
0x238: {  	v58 =	vld [tilespmem:s23+$0x10];
	_ =	sdelay $0x1  }
0x239: {  	v59 =	vld [tilespmem:s23+$0x20];
	_ =	sdelay $0x1  }
0x23a: {  	v60 =	vld [tilespmem:s23+$0x30]  }
0x23b: {  	v52 =	vmul.f32 v52, v48;
	v53 =	vmul.f32 v58, v49;
	_ =	sdelay $0x1  }
0x23c: {  	v61 =	vmul.f32 v59, v50;
	v52 =	vadd.f32 v53, v52;
	_ =	sdelay $0x1  }
0x23d: {  	v62 =	vmul.f32 v60, v51;
	v52 =	vadd.f32 v61, v52;
	_ =	sdelay $0x1  }
0x23e: {  	v52 =	vadd.f32 v62, v52  }
0x23f: {  	s19 =	sshra.s32 s22, $0x2;
	s20 =	sadd.s32 $0xC40, s17  }
0x240: {  	s21 =	sadd.s32 s20, s14;
	[tilespmem:s19+$0x16740] =	vst v52  }
0x241: {  	v52 =	vld [tilespmem:s21+$0x0]  }
0x242: {  	v63 =	vld [tilespmem:s21+$0x10];
	_ =	sdelay $0x1  }
0x243: {  	v57 =	vld [tilespmem:s21+$0x20];
	_ =	sdelay $0x1  }
0x244: {  	v58 =	vld [tilespmem:s21+$0x30]  }
0x245: {  	v52 =	vmul.f32 v52, v48;
	v53 =	vmul.f32 v63, v49;
	_ =	sdelay $0x1  }
0x246: {  	v59 =	vmul.f32 v57, v50;
	v52 =	vadd.f32 v53, v52;
	_ =	sdelay $0x1  }
0x247: {  	v60 =	vmul.f32 v58, v51;
	v52 =	vadd.f32 v59, v52;
	_ =	sdelay $0x1  }
0x248: {  	v52 =	vadd.f32 v60, v52  }
0x249: {  	s22 =	sshra.s32 s20, $0x2;
	s23 =	sadd.s32 $0xC80, s17  }
0x24a: {  	s20 =	sadd.s32 s23, s14;
	[tilespmem:s22+$0x16740] =	vst v52  }
0x24b: {  	v52 =	vld [tilespmem:s20+$0x0]  }
0x24c: {  	v61 =	vld [tilespmem:s20+$0x10];
	_ =	sdelay $0x1  }
0x24d: {  	v62 =	vld [tilespmem:s20+$0x20];
	_ =	sdelay $0x1  }
0x24e: {  	v63 =	vld [tilespmem:s20+$0x30]  }
0x24f: {  	v52 =	vmul.f32 v52, v48;
	v53 =	vmul.f32 v61, v49;
	_ =	sdelay $0x1  }
0x250: {  	v57 =	vmul.f32 v62, v50;
	v52 =	vadd.f32 v53, v52;
	_ =	sdelay $0x1  }
0x251: {  	v58 =	vmul.f32 v63, v51;
	v52 =	vadd.f32 v57, v52;
	_ =	sdelay $0x1  }
0x252: {  	v52 =	vadd.f32 v58, v52  }
0x253: {  	s17 =	sadd.s32 $0xCC0, s17;
	s21 =	sshra.s32 s23, $0x2  }
0x254: {  	s22 =	sadd.s32 s17, s14;
	[tilespmem:s21+$0x16740] =	vst v52  }
0x255: {  	v52 =	vld [tilespmem:s22+$0x0]  }
0x256: {  	v59 =	vld [tilespmem:s22+$0x10];
	_ =	sdelay $0x1  }
0x257: {  	v60 =	vld [tilespmem:s22+$0x20];
	_ =	sdelay $0x1  }
0x258: {  	v61 =	vld [tilespmem:s22+$0x30]  }
0x259: {  	v48 =	vmul.f32 v52, v48;
	v49 =	vmul.f32 v59, v49;
	_ =	sdelay $0x1  }
0x25a: {  	v62 =	vmul.f32 v60, v50;
	v48 =	vadd.f32 v49, v48  }
0x25b: {  	p1 =	slt.u32 s16, $0x1E  }
.Ltmp1:
0x25c: {  	v63 =	vmul.f32 v61, v51;
	v48 =	vadd.f32 v62, v48;
	(pc) =	sbr.rel @p1 .LBB2_5-.Ltmp1, $4  }
0x25d: {  	_ = 	snop  }
0x25e: {  	v48 =	vadd.f32 v63, v48  }
0x25f: {  	s23 =	sadd.s32 $0x2, s16;
	s17 =	sshra.s32 s17, $0x2  }
0x260: {  	s16 =	smov.u32 s23;
	[tilespmem:s17+$0x16740] =	vst v48  }
0x261: {  	s0 =	smul.u32 $0xA80, s0  }
0x262: {  	s13 =	simm.s32 $0xFFFFFFFC  }
0x263: {  	s14 =	simm.s32 $0x0;
	s16 =	smov.u32 s31;
	s0 =	sshra.s32 s0, $0x2  }
.LBB2_7:
0x264: {  	v48 =	vor.u32 s14, v0  }
0x265: {  	v49 =	vor.u32 s14, v1  }
0x266: {  	v50 =	vor.u32 s14, v2  }
0x267: {  	v51 =	vor.u32 s14, v3  }
0x268: {  	v52 =	vor.u32 s14, v4  }
0x269: {  	v53 =	vor.u32 s14, v5;
	v48 =	vld.idx.msk [tilespmem:v48+s28+$0x0], $0xffff  }
0x26a: {  	v54 =	vor.u32 s14, v6;
	v49 =	vld.idx.msk [tilespmem:v49+s28+$0x0], $0xffff  }
0x26b: {  	v55 =	vor.u32 s14, v7;
	v50 =	vld.idx.msk [tilespmem:v50+s28+$0x0], $0xffff  }
0x26c: {  	v56 =	vor.u32 s14, v8;
	v51 =	vld.idx.msk [tilespmem:v51+s28+$0x0], $0xffff  }
0x26d: {  	v57 =	vor.u32 s14, v9;
	v52 =	vld.idx.msk [tilespmem:v52+s28+$0x0], $0xffff  }
0x26e: {  	v58 =	vor.u32 s14, v10;
	v53 =	vld.idx.msk [tilespmem:v53+s28+$0x0], $0xffff  }
0x26f: {  	v59 =	vor.u32 s14, v11;
	v54 =	vld.idx.msk [tilespmem:v54+s28+$0x0], $0xffff  }
0x270: {  	v60 =	vor.u32 s14, v12;
	v55 =	vld.idx.msk [tilespmem:v55+s28+$0x0], $0xffff  }
0x271: {  	v61 =	vor.u32 s14, v13;
	v56 =	vld.idx.msk [tilespmem:v56+s28+$0x0], $0xffff  }
0x272: {  	v62 =	vor.u32 s14, v14;
	v57 =	vld.idx.msk [tilespmem:v57+s28+$0x0], $0xffff  }
0x273: {  	v63 =	vor.u32 s14, v15;
	v58 =	vld.idx.msk [tilespmem:v58+s28+$0x0], $0xffff  }
0x274: {  	v59 =	vld.idx.msk [tilespmem:v59+s28+$0x0], $0xffff  }
0x275: {  	v60 =	vld.idx.msk [tilespmem:v60+s28+$0x0], $0xffff  }
0x276: {  	v61 =	vld.idx.msk [tilespmem:v61+s28+$0x0], $0xffff  }
0x277: {  	v62 =	vld.idx.msk [tilespmem:v62+s28+$0x0], $0xffff  }
0x278: {  	v63 =	vld.idx.msk [tilespmem:v63+s28+$0x0], $0xffff;
	_ =	sdelay $0x1  }
0x279: {  	v48 =	vadd.f32 v49, v48;
	v49 =	vadd.f32 v51, v50  }
0x27a: {  	v50 =	vadd.f32 v53, v52;
	v51 =	vadd.f32 v55, v54  }
0x27b: {  	v57 =	vadd.f32 v57, v56;
	v59 =	vadd.f32 v59, v58  }
0x27c: {  	v60 =	vadd.f32 v61, v60;
	v61 =	vadd.f32 v63, v62  }
0x27d: {  	v48 =	vadd.f32 v49, v48;
	v62 =	vadd.f32 v51, v50  }
0x27e: {  	v63 =	vadd.f32 v59, v57;
	v54 =	vadd.f32 v61, v60  }
0x27f: {  	s17 =	sadd.s32 $0x100, s14  }
0x280: {  	v56 =	vor.u32 s17, v0;
	v48 =	vadd.f32 v62, v48;
	v55 =	vadd.f32 v54, v63  }
0x281: {  	v57 =	vor.u32 s17, v1  }
0x282: {  	v58 =	vor.u32 s17, v2;
	v48 =	vadd.f32 v55, v48  }
0x283: {  	v59 =	vor.u32 s17, v3  }
0x284: {  	v60 =	vor.u32 s17, v4;
	[tilespmem:s16+$0xFFFFFFE0] =	vst v48  }
0x285: {  	v61 =	vor.u32 s17, v5;
	v50 =	vld.idx.msk [tilespmem:v56+s28+$0x0], $0xffff  }
0x286: {  	v62 =	vor.u32 s17, v6;
	v51 =	vld.idx.msk [tilespmem:v57+s28+$0x0], $0xffff  }
0x287: {  	v63 =	vor.u32 s17, v7;
	v49 =	vld.idx.msk [tilespmem:v58+s28+$0x0], $0xffff  }
0x288: {  	v52 =	vld.idx.msk [tilespmem:v59+s28+$0x0], $0xffff;
	v56 =	vor.u32 s17, v8  }
0x289: {  	v48 =	vld.idx.msk [tilespmem:v60+s28+$0x0], $0xffff;
	v57 =	vor.u32 s17, v9  }
0x28a: {  	v53 =	vld.idx.msk [tilespmem:v61+s28+$0x0], $0xffff;
	v58 =	vor.u32 s17, v10  }
0x28b: {  	v54 =	vld.idx.msk [tilespmem:v62+s28+$0x0], $0xffff;
	v59 =	vor.u32 s17, v11  }
0x28c: {  	v55 =	vld.idx.msk [tilespmem:v63+s28+$0x0], $0xffff;
	v60 =	vor.u32 s17, v12  }
0x28d: {  	v61 =	vor.u32 s17, v13;
	v56 =	vld.idx.msk [tilespmem:v56+s28+$0x0], $0xffff  }
0x28e: {  	v62 =	vor.u32 s17, v14;
	v57 =	vld.idx.msk [tilespmem:v57+s28+$0x0], $0xffff  }
0x28f: {  	v63 =	vor.u32 s17, v15;
	v58 =	vld.idx.msk [tilespmem:v58+s28+$0x0], $0xffff  }
0x290: {  	v59 =	vld.idx.msk [tilespmem:v59+s28+$0x0], $0xffff  }
0x291: {  	v60 =	vld.idx.msk [tilespmem:v60+s28+$0x0], $0xffff  }
0x292: {  	v61 =	vld.idx.msk [tilespmem:v61+s28+$0x0], $0xffff  }
0x293: {  	v62 =	vld.idx.msk [tilespmem:v62+s28+$0x0], $0xffff  }
0x294: {  	v63 =	vld.idx.msk [tilespmem:v63+s28+$0x0], $0xffff;
	_ =	sdelay $0x1  }
0x295: {  	v50 =	vadd.f32 v51, v50;
	v49 =	vadd.f32 v52, v49  }
0x296: {  	v48 =	vadd.f32 v53, v48;
	v51 =	vadd.f32 v55, v54  }
0x297: {  	v57 =	vadd.f32 v57, v56;
	v59 =	vadd.f32 v59, v58  }
0x298: {  	v61 =	vadd.f32 v61, v60;
	v62 =	vadd.f32 v63, v62  }
0x299: {  	v49 =	vadd.f32 v49, v50;
	v48 =	vadd.f32 v51, v48  }
0x29a: {  	v63 =	vadd.f32 v59, v57;
	v54 =	vadd.f32 v62, v61  }
0x29b: {  	s22 =	sadd.s32 $0x200, s14  }
0x29c: {  	v48 =	vadd.f32 v48, v49;
	v56 =	vor.u32 s22, v0;
	v55 =	vadd.f32 v54, v63  }
0x29d: {  	v57 =	vor.u32 s22, v1  }
0x29e: {  	v58 =	vor.u32 s22, v2;
	v48 =	vadd.f32 v55, v48  }
0x29f: {  	v59 =	vor.u32 s22, v3  }
0x2a0: {  	v60 =	vor.u32 s22, v4;
	[tilespmem:s16+$0xFFFFFFF0] =	vst v48  }
0x2a1: {  	v61 =	vor.u32 s22, v5;
	v50 =	vld.idx.msk [tilespmem:v56+s28+$0x0], $0xffff  }
0x2a2: {  	v62 =	vor.u32 s22, v6;
	v51 =	vld.idx.msk [tilespmem:v57+s28+$0x0], $0xffff  }
0x2a3: {  	v63 =	vor.u32 s22, v7;
	v49 =	vld.idx.msk [tilespmem:v58+s28+$0x0], $0xffff  }
0x2a4: {  	v52 =	vld.idx.msk [tilespmem:v59+s28+$0x0], $0xffff;
	v56 =	vor.u32 s22, v8  }
0x2a5: {  	v48 =	vld.idx.msk [tilespmem:v60+s28+$0x0], $0xffff;
	v57 =	vor.u32 s22, v9  }
0x2a6: {  	v53 =	vld.idx.msk [tilespmem:v61+s28+$0x0], $0xffff;
	v58 =	vor.u32 s22, v10  }
0x2a7: {  	v54 =	vld.idx.msk [tilespmem:v62+s28+$0x0], $0xffff;
	v59 =	vor.u32 s22, v11  }
0x2a8: {  	v55 =	vld.idx.msk [tilespmem:v63+s28+$0x0], $0xffff;
	v60 =	vor.u32 s22, v12  }
0x2a9: {  	v61 =	vor.u32 s22, v13;
	v56 =	vld.idx.msk [tilespmem:v56+s28+$0x0], $0xffff  }
0x2aa: {  	v62 =	vor.u32 s22, v14;
	v57 =	vld.idx.msk [tilespmem:v57+s28+$0x0], $0xffff  }
0x2ab: {  	v63 =	vor.u32 s22, v15;
	v58 =	vld.idx.msk [tilespmem:v58+s28+$0x0], $0xffff  }
0x2ac: {  	v59 =	vld.idx.msk [tilespmem:v59+s28+$0x0], $0xffff  }
0x2ad: {  	v60 =	vld.idx.msk [tilespmem:v60+s28+$0x0], $0xffff  }
0x2ae: {  	v61 =	vld.idx.msk [tilespmem:v61+s28+$0x0], $0xffff  }
0x2af: {  	v62 =	vld.idx.msk [tilespmem:v62+s28+$0x0], $0xffff  }
0x2b0: {  	v63 =	vld.idx.msk [tilespmem:v63+s28+$0x0], $0xffff;
	_ =	sdelay $0x1  }
0x2b1: {  	v50 =	vadd.f32 v51, v50;
	v49 =	vadd.f32 v52, v49  }
0x2b2: {  	v48 =	vadd.f32 v53, v48;
	v51 =	vadd.f32 v55, v54  }
0x2b3: {  	v57 =	vadd.f32 v57, v56;
	v59 =	vadd.f32 v59, v58  }
0x2b4: {  	v61 =	vadd.f32 v61, v60;
	v62 =	vadd.f32 v63, v62  }
0x2b5: {  	v49 =	vadd.f32 v49, v50;
	v48 =	vadd.f32 v51, v48  }
0x2b6: {  	v63 =	vadd.f32 v59, v57;
	v54 =	vadd.f32 v62, v61  }
0x2b7: {  	s23 =	sadd.s32 $0x300, s14  }
0x2b8: {  	v48 =	vadd.f32 v48, v49;
	v56 =	vor.u32 s23, v0;
	v55 =	vadd.f32 v54, v63  }
0x2b9: {  	v57 =	vor.u32 s23, v1  }
0x2ba: {  	v58 =	vor.u32 s23, v2;
	v48 =	vadd.f32 v55, v48  }
0x2bb: {  	v59 =	vor.u32 s23, v3  }
0x2bc: {  	v60 =	vor.u32 s23, v4;
	[tilespmem:s16+$0x0] =	vst v48  }
0x2bd: {  	v61 =	vor.u32 s23, v5;
	v50 =	vld.idx.msk [tilespmem:v56+s28+$0x0], $0xffff  }
0x2be: {  	v62 =	vor.u32 s23, v6;
	v51 =	vld.idx.msk [tilespmem:v57+s28+$0x0], $0xffff  }
0x2bf: {  	v63 =	vor.u32 s23, v7;
	v49 =	vld.idx.msk [tilespmem:v58+s28+$0x0], $0xffff  }
0x2c0: {  	v52 =	vld.idx.msk [tilespmem:v59+s28+$0x0], $0xffff;
	v56 =	vor.u32 s23, v8  }
0x2c1: {  	v48 =	vld.idx.msk [tilespmem:v60+s28+$0x0], $0xffff;
	v57 =	vor.u32 s23, v9  }
0x2c2: {  	v53 =	vld.idx.msk [tilespmem:v61+s28+$0x0], $0xffff;
	v58 =	vor.u32 s23, v10  }
0x2c3: {  	v54 =	vld.idx.msk [tilespmem:v62+s28+$0x0], $0xffff;
	v59 =	vor.u32 s23, v11  }
0x2c4: {  	v55 =	vld.idx.msk [tilespmem:v63+s28+$0x0], $0xffff;
	v60 =	vor.u32 s23, v12  }
0x2c5: {  	v61 =	vor.u32 s23, v13;
	v56 =	vld.idx.msk [tilespmem:v56+s28+$0x0], $0xffff  }
0x2c6: {  	v62 =	vor.u32 s23, v14;
	v57 =	vld.idx.msk [tilespmem:v57+s28+$0x0], $0xffff  }
0x2c7: {  	v63 =	vor.u32 s23, v15;
	v58 =	vld.idx.msk [tilespmem:v58+s28+$0x0], $0xffff  }
0x2c8: {  	v59 =	vld.idx.msk [tilespmem:v59+s28+$0x0], $0xffff  }
0x2c9: {  	v60 =	vld.idx.msk [tilespmem:v60+s28+$0x0], $0xffff  }
0x2ca: {  	v61 =	vld.idx.msk [tilespmem:v61+s28+$0x0], $0xffff  }
0x2cb: {  	v62 =	vld.idx.msk [tilespmem:v62+s28+$0x0], $0xffff  }
0x2cc: {  	v63 =	vld.idx.msk [tilespmem:v63+s28+$0x0], $0xffff;
	_ =	sdelay $0x1  }
0x2cd: {  	v50 =	vadd.f32 v51, v50;
	v49 =	vadd.f32 v52, v49  }
0x2ce: {  	v48 =	vadd.f32 v53, v48;
	v51 =	vadd.f32 v55, v54  }
0x2cf: {  	v57 =	vadd.f32 v57, v56;
	v58 =	vadd.f32 v59, v58  }
0x2d0: {  	v59 =	vadd.f32 v61, v60;
	v60 =	vadd.f32 v63, v62  }
0x2d1: {  	v49 =	vadd.f32 v49, v50;
	v48 =	vadd.f32 v51, v48  }
0x2d2: {  	s13 =	sadd.s32 $0x4, s13;
	v61 =	vadd.f32 v58, v57;
	v62 =	vadd.f32 v60, v59  }
0x2d3: {  	p1 =	slt.u32 s13, $0x24  }
.Ltmp2:
0x2d4: {  	v48 =	vadd.f32 v48, v49;
	v63 =	vadd.f32 v62, v61;
	(pc) =	sbr.rel @p1 .LBB2_7-.Ltmp2, $3  }
0x2d5: {  	_ = 	snop  }
0x2d6: {  	v48 =	vadd.f32 v63, v48;
	_ =	sdelay $0x1  }
0x2d7: {  	s14 =	sadd.s32 $0x400, s14;
	[tilespmem:s16+$0x10] =	vst v48;
	s16 =	sadd.s32 $0x40, s16  }
0x2d8: {  	_ =	sdelay $0x3  }
0x2d9: {  	v48 =	vld.idx.msk [tilespmem:v16+s28+$0x0], $0xffff  }
0x2da: {  	v49 =	vld.idx.msk [tilespmem:v17+s28+$0x0], $0xffff  }
0x2db: {  	v50 =	vld.idx.msk [tilespmem:v18+s28+$0x0], $0xffff  }
0x2dc: {  	v51 =	vld.idx.msk [tilespmem:v19+s28+$0x0], $0xffff  }
0x2dd: {  	v52 =	vld.idx.msk [tilespmem:v20+s28+$0x0], $0xffff  }
0x2de: {  	v53 =	vld.idx.msk [tilespmem:v21+s28+$0x0], $0xffff  }
0x2df: {  	v54 =	vld.idx.msk [tilespmem:v22+s28+$0x0], $0xffff  }
0x2e0: {  	v55 =	vld.idx.msk [tilespmem:v23+s28+$0x0], $0xffff  }
0x2e1: {  	v56 =	vld.idx.msk [tilespmem:v24+s28+$0x0], $0xffff  }
0x2e2: {  	v57 =	vld.idx.msk [tilespmem:v25+s28+$0x0], $0xffff  }
0x2e3: {  	v58 =	vld.idx.msk [tilespmem:v26+s28+$0x0], $0xffff  }
0x2e4: {  	v59 =	vld.idx.msk [tilespmem:v27+s28+$0x0], $0xffff  }
0x2e5: {  	v60 =	vld.idx.msk [tilespmem:v28+s28+$0x0], $0xffff  }
0x2e6: {  	v61 =	vld.idx.msk [tilespmem:v29+s28+$0x0], $0xffff  }
0x2e7: {  	v62 =	vld.idx.msk [tilespmem:v30+s28+$0x0], $0xffff  }
0x2e8: {  	v63 =	vld.idx.msk [tilespmem:v31+s28+$0x0], $0xffff;
	_ =	sdelay $0x1  }
0x2e9: {  	v48 =	vadd.f32 v49, v48;
	v49 =	vadd.f32 v51, v50  }
0x2ea: {  	v50 =	vadd.f32 v53, v52;
	v51 =	vadd.f32 v55, v54  }
0x2eb: {  	v57 =	vadd.f32 v57, v56;
	v59 =	vadd.f32 v59, v58  }
0x2ec: {  	v60 =	vadd.f32 v61, v60;
	v61 =	vadd.f32 v63, v62  }
0x2ed: {  	v48 =	vadd.f32 v49, v48;
	v62 =	vadd.f32 v51, v50  }
0x2ee: {  	v63 =	vadd.f32 v59, v57;
	v55 =	vadd.f32 v61, v60;
	_ =	sdelay $0x1  }
0x2ef: {  	v48 =	vadd.f32 v62, v48;
	v56 =	vadd.f32 v55, v63;
	_ =	sdelay $0x1  }
0x2f0: {  	v48 =	vadd.f32 v56, v48;
	_ =	sdelay $0x1  }
0x2f1: {  	[tilespmem:s0+$0x193C0] =	vst v48  }
0x2f2: {  	v48 =	vld.idx.msk [tilespmem:v32+s28+$0x0], $0xffff  }
0x2f3: {  	v49 =	vld.idx.msk [tilespmem:v33+s28+$0x0], $0xffff  }
0x2f4: {  	v50 =	vld.idx.msk [tilespmem:v34+s28+$0x0], $0xffff  }
0x2f5: {  	v51 =	vld.idx.msk [tilespmem:v35+s28+$0x0], $0xffff  }
0x2f6: {  	v52 =	vld.idx.msk [tilespmem:v36+s28+$0x0], $0xffff  }
0x2f7: {  	v53 =	vld.idx.msk [tilespmem:v37+s28+$0x0], $0xffff  }
0x2f8: {  	v54 =	vld.idx.msk [tilespmem:v38+s28+$0x0], $0xffff  }
0x2f9: {  	v55 =	vld.idx.msk [tilespmem:v39+s28+$0x0], $0xffff  }
0x2fa: {  	v56 =	vld.idx.msk [tilespmem:v40+s28+$0x0], $0xffff  }
0x2fb: {  	v57 =	vld.idx.msk [tilespmem:v41+s28+$0x0], $0xffff  }
0x2fc: {  	v58 =	vld.idx.msk [tilespmem:v42+s28+$0x0], $0xffff  }
0x2fd: {  	v59 =	vld.idx.msk [tilespmem:v43+s28+$0x0], $0xffff  }
0x2fe: {  	v60 =	vld.idx.msk [tilespmem:v44+s28+$0x0], $0xffff  }
0x2ff: {  	v61 =	vld.idx.msk [tilespmem:v45+s28+$0x0], $0xffff  }
0x300: {  	v62 =	vld.idx.msk [tilespmem:v46+s28+$0x0], $0xffff  }
0x301: {  	v63 =	vld.idx.msk [tilespmem:v47+s28+$0x0], $0xffff;
	_ =	sdelay $0x1  }
0x302: {  	v48 =	vadd.f32 v49, v48;
	v49 =	vadd.f32 v51, v50  }
0x303: {  	v50 =	vadd.f32 v53, v52;
	v51 =	vadd.f32 v55, v54  }
0x304: {  	v52 =	vadd.f32 v57, v56;
	v57 =	vadd.f32 v59, v58  }
0x305: {  	v58 =	vadd.f32 v61, v60;
	v59 =	vadd.f32 v63, v62  }
0x306: {  	v48 =	vadd.f32 v49, v48;
	v60 =	vadd.f32 v51, v50  }
0x307: {  	v61 =	vadd.f32 v57, v52;
	v62 =	vadd.f32 v59, v58  }
0x308: {  	p1 =	sne.s32 s1, $0x10  }
.Ltmp3:
0x309: {  	v48 =	vadd.f32 v60, v48;
	v63 =	vadd.f32 v62, v61;
	(pc) =	sbr.rel @p1 .LBB2_2-.Ltmp3, $3  }
0x30a: {  	_ = 	snop  }
0x30b: {  	v48 =	vadd.f32 v63, v48;
	_ =	sdelay $0x1  }
0x30c: {  	p0 =	por !p0, !p0;
	s31 =	sadd.s32 $0x2A0, s31;
	[tilespmem:s0+$0x193D0] =	vst v48;
	s0 =	smov.u32 s1  }
0x30d: {  	s30 =	sadd.s32 $0x1, s30  }
0x30e: {  	p0 =	sne.s32 s30, s10  }
.Ltmp4:
0x30f: {  	_ = 	snop;
	(pc) =	sbr.rel @p0 .LBB2_1-.Ltmp4, $4  }
0x310: {  	[hbm4b:s9+s2] =	stream.linear.scatter [tilespmem:s29], [sflag:$0x3], $0x2A00, $0x38;
	[tilespmem:$0x1BB40] =	vst v63  }
0x311: {  	_ =	swait.ge [sflag:s11], $0x2A00  }
0x312: {  	[sflag:s11] =	ssyncset.done $0x0  }
0x313: {  	[sflag:s11] =	ssyncadd.s32 $0xFFFFD600  }
0x314: {  	_ =	sfence.sel $0x180000  }
0x315: {  	[bflag:$0x0] =	sbarrier.arrive $0xFFFF  }
0x316: {  	_ =	strace $0x90000047  }
0x317: {  	s0 =	stileid.u32;
	[bflag:$0x2] =	sbarrier.arrive $0xFFFF  }
0x318: {  	p0 =	sne.s32 s0, $0x0;
	s0 =	rddreg [dreg:$0x2]  }
0x319: {  	s0 =	sadd.s32 @!p0 $0x100000, s0  }
0x31a: {  	[sflag:s0] =	ssyncadd.tile.s32 @!p0 $0x1;
	_ =	shalt  }
.Lfunc_end2:
_tile_overlayer_lowered:
.L_overlay_start_2:
0x31b: {  	(tag) =	ssettag $0x2  }
0x31c: {  	s0 =	rddreg [dreg:$0x0];
	s2 =	stileid.u32  }
0x31d: {  	s1 =	rddreg [dreg:$0x1];
	p0 =	sne.s32 s2, $0x0  }
0x31e: {  	s3 =	rddreg [dreg:$0x2];
	[bflag:$0x3] =	sbarrier.arrive $0xFFFF;
	s2 =	simm.s32 @!p0 $0x1C03  }
0x31f: {  	[timem:s3], [sflag:s2] =	dma.local @!p0 [hbm:s0], s1  }
0x320: {  	s0 =	simm.s32 @!p0 $0x3  }
0x321: {  	_ =	swait.ge @!p0 [sflag:s0], s1  }
0x322: {  	s1 =	ssub.s32 @!p0 $0x0, s1;
	[sflag:s0] =	ssyncset.done @!p0 $0x0  }
0x323: {  	[sflag:s0] =	ssyncadd.s32 @!p0 s1  }
0x324: {  	[bflag:$0x3] =	sbarrier.arrive $0xFFFF  }
0x325: {  	_ =	shalt  }

</sc_bundles>
